<compile_context>
chip_gen: v7x
topology: tpu7x:2x2x1
jax: 0.10.2.dev20260603
libtpu: 0.0.44.dev20260713+nightly
codegen_flags: <defaults>
</compile_context>

<pallas_src>
import functools

import jax
import jax.numpy as jnp
import numpy as np
from jax import lax
from jax.experimental import pallas as pl
from jax.experimental.pallas import tpu as pltpu
from jax.experimental.pallas import tpu_sc as plsc

MAX_HOP = 4
EMBED = 64
HIDDEN = 256
OUT = 128
N = 50000
E = 800000
B = 2

NC = 2
NS = 16
L = 16

HALF = N // 2
HWORDS = HALF * EMBED
CHUNK = 2000
EPT = E // NS
NCHUNK = EPT // CHUNK
ROWS16 = CHUNK // L

GWORDS = N * EMBED
BSH = 13
BANDW = 1 << BSH
NB = (GWORDS + BANDW - 1) >> BSH
NKEY = NB + 1
NROUND = (NB + NS - 1) // NS
LASTBW = GWORDS - (NB - 1) * BANDW
SLICE = 50048
OFFW = 400
SENT = 0x40000000
WIN = 128

_SQRT_HALF = 0.7071067811865476


_AW = 512
_ANB = (N + _AW - 1) // _AW


def _argmax_body(p_ref, o_ref):
    o_ref[0, 0] = jnp.argmax(p_ref[...], axis=0).astype(jnp.int32)


_argmax_call = pl.pallas_call(
    _argmax_body,
    grid=(_ANB,),
    in_specs=[pl.BlockSpec((NCELLS := 64, _AW), lambda i: (0, i))],
    out_specs=pl.BlockSpec((1, 1, _AW), lambda i: (i, 0, 0)),
    out_shape=jax.ShapeDtypeStruct((_ANB, 1, _AW), jnp.int32),
)


def _sc_hist_body(edges_hbm, idx_hbm, c_hbm,
                  row_v, col_v, cell_v, cnt_v, starts_v, part_v, band_v,
                  offs16_v, win16_v, idxst_v, part_sh, offs_sh, idx_sh, sem):
    cid = lax.axis_index("c")
    sid = lax.axis_index("s")
    iota = lax.iota(jnp.int32, L)
    ones_f = jnp.full((L,), 1.0, jnp.float32)
    ones_i = jnp.full((L,), 1, jnp.int32)
    zero_f = jnp.zeros((L,), jnp.float32)

    @pl.when(sid < 15)
    def _():
        pltpu.sync_copy(idx_hbm.at[pl.ds(sid * 3200, 3200)], idxst_v)
        pltpu.sync_copy(idxst_v, idx_sh.at[pl.ds(sid * 3200, 3200)])

    @pl.when(sid == 15)
    def _():
        pltpu.sync_copy(idx_hbm.at[pl.ds(48000, 2000)],
                        idxst_v.at[pl.ds(0, 2000)])
        pltpu.sync_copy(idxst_v.at[pl.ds(0, 2000)],
                        idx_sh.at[pl.ds(48000, 2000)])
    plsc.subcore_barrier()

    if True:
        g = cid

        def _key_of(j):
            sl = pl.ds(j * L, L)
            rel = row_v[sl] * EMBED + cell_v[sl]
            return rel, (rel >> BSH) * L + iota

        def _zcnt(j, _):
            cnt_v[pl.ds(j * L, L)] = jnp.zeros((L,), jnp.int32)
            return 0
        lax.fori_loop(0, OFFW, _zcnt, 0)

        def _sentinel(j, _):
            part_v[pl.ds(j * L, L)] = jnp.full((L,), SENT, jnp.int32)
            return 0
        lax.fori_loop(0, SLICE // L, _sentinel, 0)

        def _chunk1(ch, _):
            pltpu.sync_copy(edges_hbm.at[g, 0, sid, ch], row_v)
            pltpu.sync_copy(edges_hbm.at[g, 1, sid, ch], col_v)
            pltpu.sync_copy(idx_sh.at[col_v], cell_v)

            def _lanes(j, _):
                _, ci = _key_of(j)
                plsc.addupdate_scatter(cnt_v, [ci], ones_i)
                return 0
            lax.fori_loop(0, ROWS16, _lanes, 0)
            return 0
        lax.fori_loop(0, NCHUNK, _chunk1, 0)

        def _prefix(k, carry):
            v = cnt_v[pl.ds(k * L, L)]
            ex = plsc.cumsum(v) - v + carry
            cnt_v[pl.ds(k * L, L)] = ex
            return carry + jnp.sum(v)
        lax.fori_loop(0, NKEY, _prefix, jnp.int32(0))

        def _starts(kg, _):
            starts_v[pl.ds(kg * L, L)] = plsc.load_gather(
                cnt_v, [(kg * L + iota) * L])
            return 0
        lax.fori_loop(0, OFFW // L, _starts, 0)

        def _chunk2(ch, _):
            pltpu.sync_copy(edges_hbm.at[g, 0, sid, ch], row_v)
            pltpu.sync_copy(edges_hbm.at[g, 1, sid, ch], col_v)
            pltpu.sync_copy(idx_sh.at[col_v], cell_v)

            def _lanes(j, _):
                rel, ci = _key_of(j)
                pos = plsc.load_gather(cnt_v, [ci])
                plsc.store_scatter(part_v, [pos], rel)
                plsc.addupdate_scatter(cnt_v, [ci], ones_i)
                return 0
            lax.fori_loop(0, ROWS16, _lanes, 0)
            return 0
        lax.fori_loop(0, NCHUNK, _chunk2, 0)

        pltpu.sync_copy(part_v, part_sh.at[pl.ds(sid * SLICE, SLICE)])
        pltpu.sync_copy(starts_v, offs_sh.at[pl.ds(sid * OFFW, OFFW)])
        plsc.subcore_barrier()

        gbase = g * GWORDS

        def _round(r, _):
            m = r * NS + sid

            @pl.when(m < NB)
            def _apply():
                def _zb(j, _):
                    band_v[pl.ds(j * L, L)] = zero_f
                    return 0
                lax.fori_loop(0, (BANDW + L) // L, _zb, 0)
                mbase = m << BSH

                ocopies = []
                for u in range(NS):
                    fo = pl.multiple_of((u * OFFW + m) & ~7, 8)
                    ocopies.append(pltpu.async_copy(
                        offs_sh.at[pl.ds(fo, L)],
                        offs16_v.at[pl.ds(u * L, L)], sem))
                for u in range(NS):
                    ocopies[u].wait()
                a = m & 7
                s_vec = plsc.load_gather(offs16_v, [iota * L + a])
                e_vec = plsc.load_gather(offs16_v, [iota * L + a + 1])
                s8_vec = s_vec & ~7

                copies = []
                for u in range(NS):
                    off = pl.multiple_of(u * SLICE + s8_vec[u], 8)
                    copies.append(pltpu.async_copy(
                        part_sh.at[pl.ds(off, WIN)],
                        win16_v.at[pl.ds(u * WIN, WIN)], sem))

                def _consume(buf_off, mb):
                    def _wl(j, _):
                        x = win16_v[pl.ds(buf_off + j * L, L)] - mb
                        ok = (x >= 0) & (x < BANDW)
                        plsc.addupdate_scatter(
                            band_v, [jnp.where(ok, x, BANDW)], ones_f)
                        return 0
                    lax.fori_loop(0, WIN // L, _wl, 0)

                for u in range(NS):
                    copies[u].wait()
                    _consume(u * WIN, mbase)
                    s8 = pl.multiple_of(s8_vec[u], 8)
                    nw = (e_vec[u] - s8 + WIN - 1) // WIN

                    def _win(w, _):
                        off = pl.multiple_of(u * SLICE + s8 + w * WIN, 8)
                        pltpu.sync_copy(
                            part_sh.at[pl.ds(off, WIN)],
                            win16_v.at[pl.ds(u * WIN, WIN)])
                        _consume(u * WIN, mbase)
                        return 0
                    lax.fori_loop(1, nw, _win, 0)

                hoff = pl.multiple_of(gbase + mbase, 8)

                @pl.when(m < NB - 1)
                def _():
                    pltpu.sync_copy(band_v.at[pl.ds(0, BANDW)],
                                    c_hbm.at[pl.ds(hoff, BANDW)])

                @pl.when(m == NB - 1)
                def _():
                    pltpu.sync_copy(band_v.at[pl.ds(0, LASTBW)],
                                    c_hbm.at[pl.ds(hoff, LASTBW)])
            return 0
        lax.fori_loop(0, NROUND, _round, 0)
        plsc.subcore_barrier()


@functools.cache
def _sc_hist_call():
    mesh = plsc.VectorSubcoreMesh(core_axis_name="c", subcore_axis_name="s")
    return pl.kernel(
        _sc_hist_body,
        mesh=mesh,
        out_type=jax.ShapeDtypeStruct((B * N * EMBED,), jnp.float32),
        compiler_params=pltpu.CompilerParams(needs_layout_passes=False),
        scratch_types=[
            pltpu.VMEM((CHUNK,), jnp.int32),
            pltpu.VMEM((CHUNK,), jnp.int32),
            pltpu.VMEM((CHUNK,), jnp.int32),
            pltpu.VMEM((OFFW * L,), jnp.int32),
            pltpu.VMEM((OFFW,), jnp.int32),
            pltpu.VMEM((SLICE,), jnp.int32),
            pltpu.VMEM((BANDW + L,), jnp.float32),
            pltpu.VMEM((NS * L,), jnp.int32),
            pltpu.VMEM((NS * WIN,), jnp.int32),
            pltpu.VMEM((3200,), jnp.int32),
            pltpu.VMEM_SHARED((NS * SLICE,), jnp.int32),
            pltpu.VMEM_SHARED((NS * OFFW,), jnp.int32),
            pltpu.VMEM_SHARED((N,), jnp.int32),
            pltpu.SemaphoreType.DMA,
        ],
    )


def _prep_body(e_ref, s_ref, w1_ref, m_ref):
    rep = jnp.dot(e_ref[...], s_ref[...],
                  preferred_element_type=jnp.float32,
                  precision=lax.Precision.HIGHEST)
    m_ref[...] = jnp.dot(rep, w1_ref[...],
                         preferred_element_type=jnp.float32,
                         precision=lax.Precision.HIGHEST)


_prep_call = pl.pallas_call(
    _prep_body,
    out_shape=jax.ShapeDtypeStruct((EMBED, HIDDEN), jnp.float32),
)

_S_REP = np.kron(np.eye(EMBED, dtype=np.float32),
                 np.ones((1, MAX_HOP), dtype=np.float32))


_R = 1000
_RNB = N // _R


def _mlp_body(c_ref, m_ref, p_ref, w2_ref, o_ref):
    h = jnp.dot(c_ref[0], m_ref[...],
                preferred_element_type=jnp.float32,
                precision=lax.Precision.HIGHEST) + p_ref[0]
    mu = jnp.mean(h, axis=-1, keepdims=True)
    var = jnp.mean((h - mu) ** 2, axis=-1, keepdims=True)
    h = (h - mu) * lax.rsqrt(var + 1e-5) * p_ref[1] + p_ref[2]
    h = h * 0.5 * (1.0 + lax.erf(h * _SQRT_HALF))
    o_ref[0] = jnp.dot(h, w2_ref[...],
                       preferred_element_type=jnp.float32,
                       precision=lax.Precision.HIGHEST) + p_ref[3, :OUT]


_mlp_call = pl.pallas_call(
    _mlp_body,
    grid=(B, _RNB),
    in_specs=[
        pl.BlockSpec((1, _R, EMBED), lambda g, i: (g, i, 0)),
        pl.BlockSpec((EMBED, HIDDEN), lambda g, i: (0, 0)),
        pl.BlockSpec((8, HIDDEN), lambda g, i: (0, 0)),
        pl.BlockSpec((HIDDEN, OUT), lambda g, i: (0, 0)),
    ],
    out_specs=pl.BlockSpec((1, _R, OUT), lambda g, i: (g, i, 0)),
    out_shape=jax.ShapeDtypeStruct((B, N, OUT), jnp.float32),
)


def kernel(edge_index_list, num_nodes_list, perturb_one_hot, emb_table,
           W1, b1, gamma, beta, W2, b2):
    del num_nodes_list

    idx = _argmax_call(perturb_one_hot).reshape(-1)[:N]

    edges5 = edge_index_list.reshape(B, 2, NS, NCHUNK, CHUNK)
    c = _sc_hist_call()(edges5, idx).reshape(B, N, EMBED)

    m = _prep_call(emb_table, _S_REP, W1)
    params = jnp.zeros((8, HIDDEN), jnp.float32)
    params = params.at[0].set(b1).at[1].set(gamma).at[2].set(beta)
    params = params.at[3, :OUT].set(b2)

    return _mlp_call(c, m, params, W2)

# --- scband reference (transcript-rebuilt; emitter-appended) ---
"""Pipeline reference for scband-perturb-embedding-25821343383947 (READ-ONLY COPY).

The authoritative reference and input builder live on the scoring server;
editing this copy changes nothing except your own understanding.
"""

import jax, jax.numpy as jnp
import numpy as np

MAX_HOP = 4
EMBED = 64
HIDDEN = 256
OUT = 128
N = 50000
E = 800000
B = 2
NCELLS = 64


def setup_inputs(seed: int = 0) -> dict:
    key = jax.random.key(seed)
    ks = jax.random.split(key, 8)
    edge_index_list = jax.random.randint(ks[0], (B, 2, E), 0, N, dtype=jnp.int32)
    num_nodes_list = np.array([N, N], dtype=np.int64)
    perturb_one_hot = jax.random.normal(ks[1], (NCELLS, N), dtype=jnp.float32)
    emb_table = jax.random.normal(ks[2], (NCELLS, EMBED), dtype=jnp.float32) * 0.02
    W1 = jax.random.normal(ks[3], (MAX_HOP * EMBED, HIDDEN), dtype=jnp.float32) * (1.0 / np.sqrt(MAX_HOP * EMBED))
    b1 = jnp.zeros((HIDDEN,), dtype=jnp.float32)
    gamma = jnp.ones((HIDDEN,), dtype=jnp.float32)
    beta = jnp.zeros((HIDDEN,), dtype=jnp.float32)
    W2 = jax.random.normal(ks[4], (HIDDEN, OUT), dtype=jnp.float32) * (1.0 / np.sqrt(HIDDEN))
    b2 = jnp.zeros((OUT,), dtype=jnp.float32)
    return {
        'edge_index_list': edge_index_list,
        'num_nodes_list': num_nodes_list,
        'perturb_one_hot': perturb_one_hot,
        'emb_table': emb_table,
        'W1': W1, 'b1': b1, 'gamma': gamma, 'beta': beta, 'W2': W2, 'b2': b2,
    }


def reference(edge_index_list, num_nodes_list, perturb_one_hot, emb_table, W1, b1, gamma, beta, W2, b2):
    # init_emb = emb_p(perturb_one_hot.T.argmax(dim=1))  -> [N_genes, EMBED]
    idx = jnp.argmax(perturb_one_hot.T, axis=1)
    init_emb = jnp.take(emb_table, idx, axis=0)
    outs = []
    for i in range(edge_index_list.shape[0]):
        n = init_emb.shape[0]
        ei = edge_index_list[i]
        row = ei[0] + (num_nodes_list[i] - n).astype(jnp.int32)
        # A = sparse_coo(edge_index, ones); A @ H == segment_sum(H[col], row)
        AH = jax.ops.segment_sum(jnp.take(init_emb, ei[1], axis=0), row, num_segments=n)
        # original loop resets H = init_emb each hop, so every hop equals A @ init_emb
        omega = jnp.stack([AH] * MAX_HOP, axis=-1).reshape(n, -1)
        h = omega @ W1 + b1
        mu = jnp.mean(h, axis=-1, keepdims=True)
        var = jnp.var(h, axis=-1, keepdims=True)
        h = (h - mu) / jnp.sqrt(var + 1e-5) * gamma + beta
        h = jax.nn.gelu(h, approximate=False)
        outs.append(h @ W2 + b2)
    return jnp.stack(outs, axis=0)

if __name__ == "__main__":
    import jax
    _d = setup_inputs()
    print(jax.jit(kernel)(*tuple(_d.values())))

</pallas_src>

<mosaic_0001>
#map = affine_map<(d0, d1) -> (0, 0, 0, 0, 0)>
#map1 = affine_map<(d0, d1) -> (0)>
module attributes {stable_mosaic.version = 14 : i64} {
  func.func @_sc_hist_body(%arg0: i32, %arg1: i32, %arg2: memref<2x2x16x25x2000xi32, #tpu.memory_space<hbm>>, %arg3: memref<50000xi32, #tpu.memory_space<hbm>>, %arg4: memref<6400000xf32, #tpu.memory_space<hbm>>, %arg5: memref<2000xi32, #tpu.memory_space<vmem>>, %arg6: memref<2000xi32, #tpu.memory_space<vmem>>, %arg7: memref<2000xi32, #tpu.memory_space<vmem>>, %arg8: memref<6400xi32, #tpu.memory_space<vmem>>, %arg9: memref<400xi32, #tpu.memory_space<vmem>>, %arg10: memref<50048xi32, #tpu.memory_space<vmem>>, %arg11: memref<8208xf32, #tpu.memory_space<vmem>>, %arg12: memref<256xi32, #tpu.memory_space<vmem>>, %arg13: memref<2048xi32, #tpu.memory_space<vmem>>, %arg14: memref<3200xi32, #tpu.memory_space<vmem>>, %arg15: memref<800768xi32, #tpu.memory_space<vmem_shared>>, %arg16: memref<6400xi32, #tpu.memory_space<vmem_shared>>, %arg17: memref<50000xi32, #tpu.memory_space<vmem_shared>>, %arg18: memref<!tpu.dma_semaphore, #tpu.memory_space<semaphore_mem>>) attributes {dimension_semantics = [#tpu.dimension_semantics<core_parallel>, #tpu.dimension_semantics<subcore_parallel>], iteration_bounds = array<i64: 2, 16>, scalar_prefetch = 0 : i64, scratch_operands = 14 : i64, tpu.core_type = #tpu.core_type<sc_vector_subcore>, window_params = [{transform_indices = #map}, {transform_indices = #map1}, {transform_indices = #map1}]} {
    %iota3A = tpu.iota {dimensions = array<i32: 0>} : vector<16xi32>
    %broadcast_in_dim3A = arith.constant 1.000000e+00 : f32
    %broadcast_in_dim3A_0 = vector.broadcast %broadcast_in_dim3A : f32 to vector<16xf32>
    %broadcast_in_dim3A_1 = arith.constant 1 : i32
    %broadcast_in_dim3A_2 = vector.broadcast %broadcast_in_dim3A_1 : i32 to vector<16xi32>
    %broadcast_in_dim3A_3 = arith.constant 0.000000e+00 : f32
    %broadcast_in_dim3A_4 = vector.broadcast %broadcast_in_dim3A_3 : f32 to vector<16xf32>
    %lt3A = arith.constant 15 : i32
    %lt3A_5 = arith.cmpi slt, %arg1, %lt3A : i32
    %convert_element_type3A = arith.extui %lt3A_5 : i1 to i32
    %cond3A = arith.constant 0 : i32
    %cond3A_6 = arith.cmpi ne, %convert_element_type3A, %cond3A : i32
    scf.if %cond3A_6 {
      %mul3A_66 = arith.constant 3200 : i32
      %mul3A_67 = arith.muli %arg1, %mul3A_66 : i32
      "tpu.region"() ({
        %run_scoped3A = tpu.sem_alloc : memref<!tpu.dma_semaphore, #tpu.memory_space<semaphore_mem>>
        %dma_start3A = tpu.memref_slice %arg3[%mul3A_67] : memref<50000xi32, #tpu.memory_space<hbm>> -> memref<3200xi32, #tpu.memory_space<hbm>>
        %dma_start3A_70 = tpu.memref_slice %arg3[%mul3A_67] : memref<50000xi32, #tpu.memory_space<hbm>> -> memref<3200xi32, #tpu.memory_space<hbm>>
        tpu.enqueue_dma source(%dma_start3A_70 : memref<3200xi32, #tpu.memory_space<hbm>>) target(%arg14 : memref<3200xi32, #tpu.memory_space<vmem>>) target_semaphore(%run_scoped3A : memref<!tpu.dma_semaphore, #tpu.memory_space<semaphore_mem>>)
        %dma_wait3A = tpu.memref_slice %arg3[%mul3A_67] : memref<50000xi32, #tpu.memory_space<hbm>> -> memref<3200xi32, #tpu.memory_space<hbm>>
        %dma_wait3A_71 = tpu.memref_slice %arg3[%mul3A_67] : memref<50000xi32, #tpu.memory_space<hbm>> -> memref<3200xi32, #tpu.memory_space<hbm>>
        tpu.wait_dma2 semaphore(%run_scoped3A : memref<!tpu.dma_semaphore, #tpu.memory_space<semaphore_mem>>) src(%dma_wait3A_71 : memref<3200xi32, #tpu.memory_space<hbm>>) dst(%arg14 : memref<3200xi32, #tpu.memory_space<vmem>>)
        tpu.yield
      }) : () -> ()
      %mul3A_68 = arith.constant 3200 : i32
      %mul3A_69 = arith.muli %arg1, %mul3A_68 : i32
      "tpu.region"() ({
        %run_scoped3A = tpu.sem_alloc : memref<!tpu.dma_semaphore, #tpu.memory_space<semaphore_mem>>
        %dma_start3A = tpu.memref_slice %arg17[%mul3A_69] : memref<50000xi32, #tpu.memory_space<vmem_shared>> -> memref<3200xi32, #tpu.memory_space<vmem_shared>>
        %dma_start3A_70 = tpu.memref_slice %arg17[%mul3A_69] : memref<50000xi32, #tpu.memory_space<vmem_shared>> -> memref<3200xi32, #tpu.memory_space<vmem_shared>>
        tpu.enqueue_dma source(%arg14 : memref<3200xi32, #tpu.memory_space<vmem>>) target(%dma_start3A_70 : memref<3200xi32, #tpu.memory_space<vmem_shared>>) target_semaphore(%run_scoped3A : memref<!tpu.dma_semaphore, #tpu.memory_space<semaphore_mem>>)
        %dma_wait3A = tpu.memref_slice %arg17[%mul3A_69] : memref<50000xi32, #tpu.memory_space<vmem_shared>> -> memref<3200xi32, #tpu.memory_space<vmem_shared>>
        %dma_wait3A_71 = tpu.memref_slice %arg17[%mul3A_69] : memref<50000xi32, #tpu.memory_space<vmem_shared>> -> memref<3200xi32, #tpu.memory_space<vmem_shared>>
        tpu.wait_dma2 semaphore(%run_scoped3A : memref<!tpu.dma_semaphore, #tpu.memory_space<semaphore_mem>>) src(%arg14 : memref<3200xi32, #tpu.memory_space<vmem>>) dst(%dma_wait3A_71 : memref<3200xi32, #tpu.memory_space<vmem_shared>>)
        tpu.yield
      }) : () -> ()
    } else {
    }
    %eq3A = arith.constant 15 : i32
    %eq3A_7 = arith.cmpi eq, %arg1, %eq3A : i32
    %convert_element_type3A_8 = arith.extui %eq3A_7 : i1 to i32
    %cond3A_9 = arith.constant 0 : i32
    %cond3A_10 = arith.cmpi ne, %convert_element_type3A_8, %cond3A_9 : i32
    scf.if %cond3A_10 {
      "tpu.region"() ({
        %run_scoped3A = tpu.sem_alloc : memref<!tpu.dma_semaphore, #tpu.memory_space<semaphore_mem>>
        %dma_start3A = arith.constant 0 : i32
        %dma_start3A_66 = tpu.memref_slice %arg14[%dma_start3A] : memref<3200xi32, #tpu.memory_space<vmem>> -> memref<2000xi32, #tpu.memory_space<vmem>>
        %dma_start3A_67 = arith.constant 48000 : i32
        %dma_start3A_68 = tpu.memref_slice %arg3[%dma_start3A_67] : memref<50000xi32, #tpu.memory_space<hbm>> -> memref<2000xi32, #tpu.memory_space<hbm>>
        %dma_start3A_69 = arith.constant 0 : i32
        %dma_start3A_70 = tpu.memref_slice %arg14[%dma_start3A_69] : memref<3200xi32, #tpu.memory_space<vmem>> -> memref<2000xi32, #tpu.memory_space<vmem>>
        %dma_start3A_71 = arith.constant 48000 : i32
        %dma_start3A_72 = tpu.memref_slice %arg3[%dma_start3A_71] : memref<50000xi32, #tpu.memory_space<hbm>> -> memref<2000xi32, #tpu.memory_space<hbm>>
        tpu.enqueue_dma source(%dma_start3A_72 : memref<2000xi32, #tpu.memory_space<hbm>>) target(%dma_start3A_70 : memref<2000xi32, #tpu.memory_space<vmem>>) target_semaphore(%run_scoped3A : memref<!tpu.dma_semaphore, #tpu.memory_space<semaphore_mem>>)
        %dma_wait3A = arith.constant 0 : i32
        %dma_wait3A_73 = tpu.memref_slice %arg14[%dma_wait3A] : memref<3200xi32, #tpu.memory_space<vmem>> -> memref<2000xi32, #tpu.memory_space<vmem>>
        %dma_wait3A_74 = arith.constant 48000 : i32
        %dma_wait3A_75 = tpu.memref_slice %arg3[%dma_wait3A_74] : memref<50000xi32, #tpu.memory_space<hbm>> -> memref<2000xi32, #tpu.memory_space<hbm>>
        %dma_wait3A_76 = arith.constant 0 : i32
        %dma_wait3A_77 = tpu.memref_slice %arg14[%dma_wait3A_76] : memref<3200xi32, #tpu.memory_space<vmem>> -> memref<2000xi32, #tpu.memory_space<vmem>>
        %dma_wait3A_78 = arith.constant 48000 : i32
        %dma_wait3A_79 = tpu.memref_slice %arg3[%dma_wait3A_78] : memref<50000xi32, #tpu.memory_space<hbm>> -> memref<2000xi32, #tpu.memory_space<hbm>>
        tpu.wait_dma2 semaphore(%run_scoped3A : memref<!tpu.dma_semaphore, #tpu.memory_space<semaphore_mem>>) src(%dma_wait3A_79 : memref<2000xi32, #tpu.memory_space<hbm>>) dst(%dma_wait3A_77 : memref<2000xi32, #tpu.memory_space<vmem>>)
        tpu.yield
      }) : () -> ()
      "tpu.region"() ({
        %run_scoped3A = tpu.sem_alloc : memref<!tpu.dma_semaphore, #tpu.memory_space<semaphore_mem>>
        %dma_start3A = arith.constant 0 : i32
        %dma_start3A_66 = tpu.memref_slice %arg14[%dma_start3A] : memref<3200xi32, #tpu.memory_space<vmem>> -> memref<2000xi32, #tpu.memory_space<vmem>>
        %dma_start3A_67 = arith.constant 48000 : i32
        %dma_start3A_68 = tpu.memref_slice %arg17[%dma_start3A_67] : memref<50000xi32, #tpu.memory_space<vmem_shared>> -> memref<2000xi32, #tpu.memory_space<vmem_shared>>
        %dma_start3A_69 = arith.constant 48000 : i32
        %dma_start3A_70 = tpu.memref_slice %arg17[%dma_start3A_69] : memref<50000xi32, #tpu.memory_space<vmem_shared>> -> memref<2000xi32, #tpu.memory_space<vmem_shared>>
        %dma_start3A_71 = arith.constant 0 : i32
        %dma_start3A_72 = tpu.memref_slice %arg14[%dma_start3A_71] : memref<3200xi32, #tpu.memory_space<vmem>> -> memref<2000xi32, #tpu.memory_space<vmem>>
        tpu.enqueue_dma source(%dma_start3A_72 : memref<2000xi32, #tpu.memory_space<vmem>>) target(%dma_start3A_70 : memref<2000xi32, #tpu.memory_space<vmem_shared>>) target_semaphore(%run_scoped3A : memref<!tpu.dma_semaphore, #tpu.memory_space<semaphore_mem>>)
        %dma_wait3A = arith.constant 0 : i32
        %dma_wait3A_73 = tpu.memref_slice %arg14[%dma_wait3A] : memref<3200xi32, #tpu.memory_space<vmem>> -> memref<2000xi32, #tpu.memory_space<vmem>>
        %dma_wait3A_74 = arith.constant 48000 : i32
        %dma_wait3A_75 = tpu.memref_slice %arg17[%dma_wait3A_74] : memref<50000xi32, #tpu.memory_space<vmem_shared>> -> memref<2000xi32, #tpu.memory_space<vmem_shared>>
        %dma_wait3A_76 = arith.constant 48000 : i32
        %dma_wait3A_77 = tpu.memref_slice %arg17[%dma_wait3A_76] : memref<50000xi32, #tpu.memory_space<vmem_shared>> -> memref<2000xi32, #tpu.memory_space<vmem_shared>>
        %dma_wait3A_78 = arith.constant 0 : i32
        %dma_wait3A_79 = tpu.memref_slice %arg14[%dma_wait3A_78] : memref<3200xi32, #tpu.memory_space<vmem>> -> memref<2000xi32, #tpu.memory_space<vmem>>
        tpu.wait_dma2 semaphore(%run_scoped3A : memref<!tpu.dma_semaphore, #tpu.memory_space<semaphore_mem>>) src(%dma_wait3A_79 : memref<2000xi32, #tpu.memory_space<vmem>>) dst(%dma_wait3A_77 : memref<2000xi32, #tpu.memory_space<vmem_shared>>)
        tpu.yield
      }) : () -> ()
    } else {
    }
    %barrier3A = arith.constant 0 : index
    tpu.barrier barrier_id(%barrier3A)
    %scan3A = arith.constant 0 : i32
    %scan3A_11 = arith.constant 0 : i32
    %scan3A_12 = arith.constant 400 : i32
    %scan3A_13 = arith.addi %scan3A_11, %scan3A_12 : i32
    %scan3A_14 = arith.constant 1 : i32
    %scan3A_15 = scf.for %scan3A_66 = %scan3A_11 to %scan3A_13 step %scan3A_14 iter_args(%scan3A_67 = %scan3A) -> (i32)  : i32 {
      %broadcast_in_dim3A_68 = arith.constant 0 : i32
      %broadcast_in_dim3A_69 = vector.broadcast %broadcast_in_dim3A_68 : i32 to vector<16xi32>
      %mul3A_70 = arith.constant 16 : i32
      %mul3A_71 = arith.muli %scan3A_66, %mul3A_70 : i32
      %swap3A = arith.index_cast %mul3A_71 : i32 to index
      %swap3A_72 = tpu.vector_load %arg8[%swap3A] {strides = array<i32>} : memref<6400xi32, #tpu.memory_space<vmem>>, vector<16xi32>,
      tpu.vector_store %arg8[%swap3A], %broadcast_in_dim3A_69 {strides = array<i32>} : memref<6400xi32, #tpu.memory_space<vmem>>, vector<16xi32>,
      %scan3A_73 = arith.constant 0 : i32
      scf.yield %scan3A_73 : i32
    }
    %scan3A_16 = arith.constant 400 : i32
    %scan3A_17 = arith.constant 0 : i32
    %scan3A_18 = arith.constant 0 : i32
    %scan3A_19 = arith.constant 3128 : i32
    %scan3A_20 = arith.addi %scan3A_18, %scan3A_19 : i32
    %scan3A_21 = arith.constant 1 : i32
    %scan3A_22 = scf.for %scan3A_66 = %scan3A_18 to %scan3A_20 step %scan3A_21 iter_args(%scan3A_67 = %scan3A_17) -> (i32)  : i32 {
      %broadcast_in_dim3A_68 = arith.constant 1073741824 : i32
      %broadcast_in_dim3A_69 = vector.broadcast %broadcast_in_dim3A_68 : i32 to vector<16xi32>
      %mul3A_70 = arith.constant 16 : i32
      %mul3A_71 = arith.muli %scan3A_66, %mul3A_70 : i32
      %swap3A = arith.index_cast %mul3A_71 : i32 to index
      %swap3A_72 = tpu.vector_load %arg10[%swap3A] {strides = array<i32>} : memref<50048xi32, #tpu.memory_space<vmem>>, vector<16xi32>,
      tpu.vector_store %arg10[%swap3A], %broadcast_in_dim3A_69 {strides = array<i32>} : memref<50048xi32, #tpu.memory_space<vmem>>, vector<16xi32>,
      %scan3A_73 = arith.constant 0 : i32
      scf.yield %scan3A_73 : i32
    }
    %scan3A_23 = arith.constant 3128 : i32
    %scan3A_24 = arith.constant 0 : i32
    %scan3A_25 = arith.constant 0 : i32
    %scan3A_26 = arith.constant 25 : i32
    %scan3A_27 = arith.addi %scan3A_25, %scan3A_26 : i32
    %scan3A_28 = arith.constant 1 : i32
    %scan3A_29 = scf.for %scan3A_66 = %scan3A_25 to %scan3A_27 step %scan3A_28 iter_args(%scan3A_67 = %scan3A_24) -> (i32)  : i32 {
      %run_scoped3A = arith.constant 0 : i32
      "tpu.region"() ({
        %run_scoped3A_77 = tpu.sem_alloc : memref<!tpu.dma_semaphore, #tpu.memory_space<semaphore_mem>>
        %dma_start3A = arith.constant 0 : i32
        %dma_start3A_78 = tpu.memref_slice %arg2[%arg0, %run_scoped3A, %arg1, %scan3A_66, %dma_start3A] : memref<2x2x16x25x2000xi32, #tpu.memory_space<hbm>> -> memref<1x1x1x1x2000xi32, #tpu.memory_space<hbm>>
        %dma_start3A_79 = tpu.memref_squeeze %dma_start3A_78 : memref<1x1x1x1x2000xi32, #tpu.memory_space<hbm>> -> memref<2000xi32, #tpu.memory_space<hbm>>
        %dma_start3A_80 = arith.constant 0 : i32
        %dma_start3A_81 = tpu.memref_slice %arg2[%arg0, %run_scoped3A, %arg1, %scan3A_66, %dma_start3A_80] : memref<2x2x16x25x2000xi32, #tpu.memory_space<hbm>> -> memref<1x1x1x1x2000xi32, #tpu.memory_space<hbm>>
        %dma_start3A_82 = tpu.memref_squeeze %dma_start3A_81 : memref<1x1x1x1x2000xi32, #tpu.memory_space<hbm>> -> memref<2000xi32, #tpu.memory_space<hbm>>
        tpu.enqueue_dma source(%dma_start3A_82 : memref<2000xi32, #tpu.memory_space<hbm>>) target(%arg5 : memref<2000xi32, #tpu.memory_space<vmem>>) target_semaphore(%run_scoped3A_77 : memref<!tpu.dma_semaphore, #tpu.memory_space<semaphore_mem>>)
        %dma_wait3A = arith.constant 0 : i32
        %dma_wait3A_83 = tpu.memref_slice %arg2[%arg0, %run_scoped3A, %arg1, %scan3A_66, %dma_wait3A] : memref<2x2x16x25x2000xi32, #tpu.memory_space<hbm>> -> memref<1x1x1x1x2000xi32, #tpu.memory_space<hbm>>
        %dma_wait3A_84 = tpu.memref_squeeze %dma_wait3A_83 : memref<1x1x1x1x2000xi32, #tpu.memory_space<hbm>> -> memref<2000xi32, #tpu.memory_space<hbm>>
        %dma_wait3A_85 = arith.constant 0 : i32
        %dma_wait3A_86 = tpu.memref_slice %arg2[%arg0, %run_scoped3A, %arg1, %scan3A_66, %dma_wait3A_85] : memref<2x2x16x25x2000xi32, #tpu.memory_space<hbm>> -> memref<1x1x1x1x2000xi32, #tpu.memory_space<hbm>>
        %dma_wait3A_87 = tpu.memref_squeeze %dma_wait3A_86 : memref<1x1x1x1x2000xi32, #tpu.memory_space<hbm>> -> memref<2000xi32, #tpu.memory_space<hbm>>
        tpu.wait_dma2 semaphore(%run_scoped3A_77 : memref<!tpu.dma_semaphore, #tpu.memory_space<semaphore_mem>>) src(%dma_wait3A_87 : memref<2000xi32, #tpu.memory_space<hbm>>) dst(%arg5 : memref<2000xi32, #tpu.memory_space<vmem>>)
        tpu.yield
      }) : () -> ()
      %run_scoped3A_68 = arith.constant 1 : i32
      "tpu.region"() ({
        %run_scoped3A_77 = tpu.sem_alloc : memref<!tpu.dma_semaphore, #tpu.memory_space<semaphore_mem>>
        %dma_start3A = arith.constant 0 : i32
        %dma_start3A_78 = tpu.memref_slice %arg2[%arg0, %run_scoped3A_68, %arg1, %scan3A_66, %dma_start3A] : memref<2x2x16x25x2000xi32, #tpu.memory_space<hbm>> -> memref<1x1x1x1x2000xi32, #tpu.memory_space<hbm>>
        %dma_start3A_79 = tpu.memref_squeeze %dma_start3A_78 : memref<1x1x1x1x2000xi32, #tpu.memory_space<hbm>> -> memref<2000xi32, #tpu.memory_space<hbm>>
        %dma_start3A_80 = arith.constant 0 : i32
        %dma_start3A_81 = tpu.memref_slice %arg2[%arg0, %run_scoped3A_68, %arg1, %scan3A_66, %dma_start3A_80] : memref<2x2x16x25x2000xi32, #tpu.memory_space<hbm>> -> memref<1x1x1x1x2000xi32, #tpu.memory_space<hbm>>
        %dma_start3A_82 = tpu.memref_squeeze %dma_start3A_81 : memref<1x1x1x1x2000xi32, #tpu.memory_space<hbm>> -> memref<2000xi32, #tpu.memory_space<hbm>>
        tpu.enqueue_dma source(%dma_start3A_82 : memref<2000xi32, #tpu.memory_space<hbm>>) target(%arg6 : memref<2000xi32, #tpu.memory_space<vmem>>) target_semaphore(%run_scoped3A_77 : memref<!tpu.dma_semaphore, #tpu.memory_space<semaphore_mem>>)
        %dma_wait3A = arith.constant 0 : i32
        %dma_wait3A_83 = tpu.memref_slice %arg2[%arg0, %run_scoped3A_68, %arg1, %scan3A_66, %dma_wait3A] : memref<2x2x16x25x2000xi32, #tpu.memory_space<hbm>> -> memref<1x1x1x1x2000xi32, #tpu.memory_space<hbm>>
        %dma_wait3A_84 = tpu.memref_squeeze %dma_wait3A_83 : memref<1x1x1x1x2000xi32, #tpu.memory_space<hbm>> -> memref<2000xi32, #tpu.memory_space<hbm>>
        %dma_wait3A_85 = arith.constant 0 : i32
        %dma_wait3A_86 = tpu.memref_slice %arg2[%arg0, %run_scoped3A_68, %arg1, %scan3A_66, %dma_wait3A_85] : memref<2x2x16x25x2000xi32, #tpu.memory_space<hbm>> -> memref<1x1x1x1x2000xi32, #tpu.memory_space<hbm>>
        %dma_wait3A_87 = tpu.memref_squeeze %dma_wait3A_86 : memref<1x1x1x1x2000xi32, #tpu.memory_space<hbm>> -> memref<2000xi32, #tpu.memory_space<hbm>>
        tpu.wait_dma2 semaphore(%run_scoped3A_77 : memref<!tpu.dma_semaphore, #tpu.memory_space<semaphore_mem>>) src(%dma_wait3A_87 : memref<2000xi32, #tpu.memory_space<hbm>>) dst(%arg6 : memref<2000xi32, #tpu.memory_space<vmem>>)
        tpu.yield
      }) : () -> ()
      "tpu.region"() ({
        %run_scoped3A_77 = tpu.sem_alloc : memref<!tpu.dma_semaphore, #tpu.memory_space<semaphore_mem>>
        %dma_start3A = arith.constant 0 : i32
        %dma_start3A_78 = tpu.memref_slice %arg17[%dma_start3A] : memref<50000xi32, #tpu.memory_space<vmem_shared>> -> memref<50000xi32, #tpu.memory_space<vmem_shared>>
        tpu.enqueue_indirect_dma source(%dma_start3A_78 : memref<50000xi32, #tpu.memory_space<vmem_shared>>) target(%arg7 : memref<2000xi32, #tpu.memory_space<vmem>>) offsets(%arg6 : memref<2000xi32, #tpu.memory_space<vmem>>) semaphore(%run_scoped3A_77 : memref<!tpu.dma_semaphore, #tpu.memory_space<semaphore_mem>>)
        %dma_wait3A = arith.constant 0 : i32
        %dma_wait3A_79 = tpu.memref_slice %arg17[%dma_wait3A] : memref<50000xi32, #tpu.memory_space<vmem_shared>> -> memref<50000xi32, #tpu.memory_space<vmem_shared>>
        tpu.wait_indirect_dma semaphore(%run_scoped3A_77 : memref<!tpu.dma_semaphore, #tpu.memory_space<semaphore_mem>>) src(%dma_wait3A_79 : memref<50000xi32, #tpu.memory_space<vmem_shared>>) dst(%arg7 : memref<2000xi32, #tpu.memory_space<vmem>>)
        tpu.yield
      }) : () -> ()
      %scan3A_69 = arith.constant 0 : i32
      %scan3A_70 = arith.constant 0 : i32
      %scan3A_71 = arith.constant 125 : i32
      %scan3A_72 = arith.addi %scan3A_70, %scan3A_71 : i32
      %scan3A_73 = arith.constant 1 : i32
      %scan3A_74 = scf.for %scan3A_77 = %scan3A_70 to %scan3A_72 step %scan3A_73 iter_args(%scan3A_78 = %scan3A_69) -> (i32)  : i32 {
        %mul3A_79 = arith.constant 16 : i32
        %mul3A_80 = arith.muli %scan3A_77, %mul3A_79 : i32
        %get3A = arith.index_cast %mul3A_80 : i32 to index
        %get3A_81 = tpu.vector_load %arg5[%get3A] {strides = array<i32>} : memref<2000xi32, #tpu.memory_space<vmem>>, vector<16xi32>,
        %mul3A_82 = arith.constant 64 : i32
        %mul3A_83 = vector.broadcast %mul3A_82 : i32 to vector<16xi32>
        %mul3A_84 = arith.muli %get3A_81, %mul3A_83 : vector<16xi32>
        %get3A_85 = arith.index_cast %mul3A_80 : i32 to index
        %get3A_86 = tpu.vector_load %arg7[%get3A_85] {strides = array<i32>} : memref<2000xi32, #tpu.memory_space<vmem>>, vector<16xi32>,
        %add3A = arith.addi %mul3A_84, %get3A_86 : vector<16xi32>
        %shift_right_arithmetic3A = arith.constant 13 : i32
        %shift_right_arithmetic3A_87 = vector.broadcast %shift_right_arithmetic3A : i32 to vector<16xi32>
        %shift_right_arithmetic3A_88 = arith.shrsi %add3A, %shift_right_arithmetic3A_87 : vector<16xi32>
        %mul3A_89 = arith.constant 16 : i32
        %mul3A_90 = vector.broadcast %mul3A_89 : i32 to vector<16xi32>
        %mul3A_91 = arith.muli %shift_right_arithmetic3A_88, %mul3A_90 : vector<16xi32>
        %add3A_92 = arith.addi %mul3A_91, %iota3A : vector<16xi32>
        tpu.vector_store_idx %arg8[%add3A_92], %broadcast_in_dim3A_2 {add = true} : memref<6400xi32, #tpu.memory_space<vmem>>[vector<16xi32>], vector<16xi32>,
        %scan3A_93 = arith.constant 0 : i32
        scf.yield %scan3A_93 : i32
      }
      %scan3A_75 = arith.constant 125 : i32
      %scan3A_76 = arith.constant 0 : i32
      scf.yield %scan3A_76 : i32
    }
    %scan3A_30 = arith.constant 25 : i32
    %scan3A_31 = arith.constant 0 : i32
    %scan3A_32 = arith.constant 0 : i32
    %scan3A_33 = arith.constant 392 : i32
    %scan3A_34 = arith.addi %scan3A_32, %scan3A_33 : i32
    %scan3A_35 = arith.constant 1 : i32
    %scan3A_36 = scf.for %scan3A_66 = %scan3A_32 to %scan3A_34 step %scan3A_35 iter_args(%scan3A_67 = %scan3A_31) -> (i32)  : i32 {
      %mul3A_68 = arith.constant 16 : i32
      %mul3A_69 = arith.muli %scan3A_66, %mul3A_68 : i32
      %get3A = arith.index_cast %mul3A_69 : i32 to index
      %get3A_70 = tpu.vector_load %arg8[%get3A] {strides = array<i32>} : memref<6400xi32, #tpu.memory_space<vmem>>, vector<16xi32>,
      %broadcast_in_dim3A_71 = arith.constant true
      %broadcast_in_dim3A_72 = vector.broadcast %broadcast_in_dim3A_71 : i1 to vector<16xi1>
      %masked_cumsum3A = tpu.scan <sum>, %get3A_70 masked %broadcast_in_dim3A_72 : vector<16xi32>, vector<16xi1> -> vector<16xi32>
      %sub3A = arith.subi %masked_cumsum3A, %get3A_70 : vector<16xi32>
      %add3A = vector.broadcast %scan3A_67 : i32 to vector<16xi32>
      %add3A_73 = arith.addi %sub3A, %add3A : vector<16xi32>
      %mul3A_74 = arith.constant 16 : i32
      %mul3A_75 = arith.muli %scan3A_66, %mul3A_74 : i32
      %swap3A = arith.index_cast %mul3A_75 : i32 to index
      %swap3A_76 = tpu.vector_load %arg8[%swap3A] {strides = array<i32>} : memref<6400xi32, #tpu.memory_space<vmem>>, vector<16xi32>,
      tpu.vector_store %arg8[%swap3A], %add3A_73 {strides = array<i32>} : memref<6400xi32, #tpu.memory_space<vmem>>, vector<16xi32>,
      %reduce_sum3A = arith.constant true
      %reduce_sum3A_77 = vector.broadcast %reduce_sum3A : i1 to vector<16xi1>
      %reduce_sum3A_78 = tpu.scan <sum>, %get3A_70 masked %reduce_sum3A_77 : vector<16xi32>, vector<16xi1> -> vector<16xi32>
      %reduce_sum3A_79 = vector.extract %reduce_sum3A_78[15] : i32 from vector<16xi32>
      %add3A_80 = arith.addi %scan3A_67, %reduce_sum3A_79 : i32
      scf.yield %add3A_80 : i32
    }
    %scan3A_37 = arith.constant 392 : i32
    %scan3A_38 = arith.constant 0 : i32
    %scan3A_39 = arith.constant 0 : i32
    %scan3A_40 = arith.constant 25 : i32
    %scan3A_41 = arith.addi %scan3A_39, %scan3A_40 : i32
    %scan3A_42 = arith.constant 1 : i32
    %scan3A_43 = scf.for %scan3A_66 = %scan3A_39 to %scan3A_41 step %scan3A_42 iter_args(%scan3A_67 = %scan3A_38) -> (i32)  : i32 {
      %mul3A_68 = arith.constant 16 : i32
      %mul3A_69 = arith.muli %scan3A_66, %mul3A_68 : i32
      %add3A = vector.broadcast %mul3A_69 : i32 to vector<16xi32>
      %add3A_70 = arith.addi %add3A, %iota3A : vector<16xi32>
      %mul3A_71 = arith.constant 16 : i32
      %mul3A_72 = vector.broadcast %mul3A_71 : i32 to vector<16xi32>
      %mul3A_73 = arith.muli %add3A_70, %mul3A_72 : vector<16xi32>
      %gather3A = tpu.vector_load_idx %arg8[%mul3A_73] : memref<6400xi32, #tpu.memory_space<vmem>>[vector<16xi32>], vector<16xi32>,
      %mul3A_74 = arith.constant 16 : i32
      %mul3A_75 = arith.muli %scan3A_66, %mul3A_74 : i32
      %swap3A = arith.index_cast %mul3A_75 : i32 to index
      %swap3A_76 = tpu.vector_load %arg9[%swap3A] {strides = array<i32>} : memref<400xi32, #tpu.memory_space<vmem>>, vector<16xi32>,
      tpu.vector_store %arg9[%swap3A], %gather3A {strides = array<i32>} : memref<400xi32, #tpu.memory_space<vmem>>, vector<16xi32>,
      %scan3A_77 = arith.constant 0 : i32
      scf.yield %scan3A_77 : i32
    }
    %scan3A_44 = arith.constant 25 : i32
    %scan3A_45 = arith.constant 0 : i32
    %scan3A_46 = arith.constant 0 : i32
    %scan3A_47 = arith.constant 25 : i32
    %scan3A_48 = arith.addi %scan3A_46, %scan3A_47 : i32
    %scan3A_49 = arith.constant 1 : i32
    %scan3A_50 = scf.for %scan3A_66 = %scan3A_46 to %scan3A_48 step %scan3A_49 iter_args(%scan3A_67 = %scan3A_45) -> (i32)  : i32 {
      %run_scoped3A = arith.constant 0 : i32
      "tpu.region"() ({
        %run_scoped3A_77 = tpu.sem_alloc : memref<!tpu.dma_semaphore, #tpu.memory_space<semaphore_mem>>
        %dma_start3A = arith.constant 0 : i32
        %dma_start3A_78 = tpu.memref_slice %arg2[%arg0, %run_scoped3A, %arg1, %scan3A_66, %dma_start3A] : memref<2x2x16x25x2000xi32, #tpu.memory_space<hbm>> -> memref<1x1x1x1x2000xi32, #tpu.memory_space<hbm>>
        %dma_start3A_79 = tpu.memref_squeeze %dma_start3A_78 : memref<1x1x1x1x2000xi32, #tpu.memory_space<hbm>> -> memref<2000xi32, #tpu.memory_space<hbm>>
        %dma_start3A_80 = arith.constant 0 : i32
        %dma_start3A_81 = tpu.memref_slice %arg2[%arg0, %run_scoped3A, %arg1, %scan3A_66, %dma_start3A_80] : memref<2x2x16x25x2000xi32, #tpu.memory_space<hbm>> -> memref<1x1x1x1x2000xi32, #tpu.memory_space<hbm>>
        %dma_start3A_82 = tpu.memref_squeeze %dma_start3A_81 : memref<1x1x1x1x2000xi32, #tpu.memory_space<hbm>> -> memref<2000xi32, #tpu.memory_space<hbm>>
        tpu.enqueue_dma source(%dma_start3A_82 : memref<2000xi32, #tpu.memory_space<hbm>>) target(%arg5 : memref<2000xi32, #tpu.memory_space<vmem>>) target_semaphore(%run_scoped3A_77 : memref<!tpu.dma_semaphore, #tpu.memory_space<semaphore_mem>>)
        %dma_wait3A = arith.constant 0 : i32
        %dma_wait3A_83 = tpu.memref_slice %arg2[%arg0, %run_scoped3A, %arg1, %scan3A_66, %dma_wait3A] : memref<2x2x16x25x2000xi32, #tpu.memory_space<hbm>> -> memref<1x1x1x1x2000xi32, #tpu.memory_space<hbm>>
        %dma_wait3A_84 = tpu.memref_squeeze %dma_wait3A_83 : memref<1x1x1x1x2000xi32, #tpu.memory_space<hbm>> -> memref<2000xi32, #tpu.memory_space<hbm>>
        %dma_wait3A_85 = arith.constant 0 : i32
        %dma_wait3A_86 = tpu.memref_slice %arg2[%arg0, %run_scoped3A, %arg1, %scan3A_66, %dma_wait3A_85] : memref<2x2x16x25x2000xi32, #tpu.memory_space<hbm>> -> memref<1x1x1x1x2000xi32, #tpu.memory_space<hbm>>
        %dma_wait3A_87 = tpu.memref_squeeze %dma_wait3A_86 : memref<1x1x1x1x2000xi32, #tpu.memory_space<hbm>> -> memref<2000xi32, #tpu.memory_space<hbm>>
        tpu.wait_dma2 semaphore(%run_scoped3A_77 : memref<!tpu.dma_semaphore, #tpu.memory_space<semaphore_mem>>) src(%dma_wait3A_87 : memref<2000xi32, #tpu.memory_space<hbm>>) dst(%arg5 : memref<2000xi32, #tpu.memory_space<vmem>>)
        tpu.yield
      }) : () -> ()
      %run_scoped3A_68 = arith.constant 1 : i32
      "tpu.region"() ({
        %run_scoped3A_77 = tpu.sem_alloc : memref<!tpu.dma_semaphore, #tpu.memory_space<semaphore_mem>>
        %dma_start3A = arith.constant 0 : i32
        %dma_start3A_78 = tpu.memref_slice %arg2[%arg0, %run_scoped3A_68, %arg1, %scan3A_66, %dma_start3A] : memref<2x2x16x25x2000xi32, #tpu.memory_space<hbm>> -> memref<1x1x1x1x2000xi32, #tpu.memory_space<hbm>>
        %dma_start3A_79 = tpu.memref_squeeze %dma_start3A_78 : memref<1x1x1x1x2000xi32, #tpu.memory_space<hbm>> -> memref<2000xi32, #tpu.memory_space<hbm>>
        %dma_start3A_80 = arith.constant 0 : i32
        %dma_start3A_81 = tpu.memref_slice %arg2[%arg0, %run_scoped3A_68, %arg1, %scan3A_66, %dma_start3A_80] : memref<2x2x16x25x2000xi32, #tpu.memory_space<hbm>> -> memref<1x1x1x1x2000xi32, #tpu.memory_space<hbm>>
        %dma_start3A_82 = tpu.memref_squeeze %dma_start3A_81 : memref<1x1x1x1x2000xi32, #tpu.memory_space<hbm>> -> memref<2000xi32, #tpu.memory_space<hbm>>
        tpu.enqueue_dma source(%dma_start3A_82 : memref<2000xi32, #tpu.memory_space<hbm>>) target(%arg6 : memref<2000xi32, #tpu.memory_space<vmem>>) target_semaphore(%run_scoped3A_77 : memref<!tpu.dma_semaphore, #tpu.memory_space<semaphore_mem>>)
        %dma_wait3A = arith.constant 0 : i32
        %dma_wait3A_83 = tpu.memref_slice %arg2[%arg0, %run_scoped3A_68, %arg1, %scan3A_66, %dma_wait3A] : memref<2x2x16x25x2000xi32, #tpu.memory_space<hbm>> -> memref<1x1x1x1x2000xi32, #tpu.memory_space<hbm>>
        %dma_wait3A_84 = tpu.memref_squeeze %dma_wait3A_83 : memref<1x1x1x1x2000xi32, #tpu.memory_space<hbm>> -> memref<2000xi32, #tpu.memory_space<hbm>>
        %dma_wait3A_85 = arith.constant 0 : i32
        %dma_wait3A_86 = tpu.memref_slice %arg2[%arg0, %run_scoped3A_68, %arg1, %scan3A_66, %dma_wait3A_85] : memref<2x2x16x25x2000xi32, #tpu.memory_space<hbm>> -> memref<1x1x1x1x2000xi32, #tpu.memory_space<hbm>>
        %dma_wait3A_87 = tpu.memref_squeeze %dma_wait3A_86 : memref<1x1x1x1x2000xi32, #tpu.memory_space<hbm>> -> memref<2000xi32, #tpu.memory_space<hbm>>
        tpu.wait_dma2 semaphore(%run_scoped3A_77 : memref<!tpu.dma_semaphore, #tpu.memory_space<semaphore_mem>>) src(%dma_wait3A_87 : memref<2000xi32, #tpu.memory_space<hbm>>) dst(%arg6 : memref<2000xi32, #tpu.memory_space<vmem>>)
        tpu.yield
      }) : () -> ()
      "tpu.region"() ({
        %run_scoped3A_77 = tpu.sem_alloc : memref<!tpu.dma_semaphore, #tpu.memory_space<semaphore_mem>>
        %dma_start3A = arith.constant 0 : i32
        %dma_start3A_78 = tpu.memref_slice %arg17[%dma_start3A] : memref<50000xi32, #tpu.memory_space<vmem_shared>> -> memref<50000xi32, #tpu.memory_space<vmem_shared>>
        tpu.enqueue_indirect_dma source(%dma_start3A_78 : memref<50000xi32, #tpu.memory_space<vmem_shared>>) target(%arg7 : memref<2000xi32, #tpu.memory_space<vmem>>) offsets(%arg6 : memref<2000xi32, #tpu.memory_space<vmem>>) semaphore(%run_scoped3A_77 : memref<!tpu.dma_semaphore, #tpu.memory_space<semaphore_mem>>)
        %dma_wait3A = arith.constant 0 : i32
        %dma_wait3A_79 = tpu.memref_slice %arg17[%dma_wait3A] : memref<50000xi32, #tpu.memory_space<vmem_shared>> -> memref<50000xi32, #tpu.memory_space<vmem_shared>>
        tpu.wait_indirect_dma semaphore(%run_scoped3A_77 : memref<!tpu.dma_semaphore, #tpu.memory_space<semaphore_mem>>) src(%dma_wait3A_79 : memref<50000xi32, #tpu.memory_space<vmem_shared>>) dst(%arg7 : memref<2000xi32, #tpu.memory_space<vmem>>)
        tpu.yield
      }) : () -> ()
      %scan3A_69 = arith.constant 0 : i32
      %scan3A_70 = arith.constant 0 : i32
      %scan3A_71 = arith.constant 125 : i32
      %scan3A_72 = arith.addi %scan3A_70, %scan3A_71 : i32
      %scan3A_73 = arith.constant 1 : i32
      %scan3A_74 = scf.for %scan3A_77 = %scan3A_70 to %scan3A_72 step %scan3A_73 iter_args(%scan3A_78 = %scan3A_69) -> (i32)  : i32 {
        %mul3A_79 = arith.constant 16 : i32
        %mul3A_80 = arith.muli %scan3A_77, %mul3A_79 : i32
        %get3A = arith.index_cast %mul3A_80 : i32 to index
        %get3A_81 = tpu.vector_load %arg5[%get3A] {strides = array<i32>} : memref<2000xi32, #tpu.memory_space<vmem>>, vector<16xi32>,
        %mul3A_82 = arith.constant 64 : i32
        %mul3A_83 = vector.broadcast %mul3A_82 : i32 to vector<16xi32>
        %mul3A_84 = arith.muli %get3A_81, %mul3A_83 : vector<16xi32>
        %get3A_85 = arith.index_cast %mul3A_80 : i32 to index
        %get3A_86 = tpu.vector_load %arg7[%get3A_85] {strides = array<i32>} : memref<2000xi32, #tpu.memory_space<vmem>>, vector<16xi32>,
        %add3A = arith.addi %mul3A_84, %get3A_86 : vector<16xi32>
        %shift_right_arithmetic3A = arith.constant 13 : i32
        %shift_right_arithmetic3A_87 = vector.broadcast %shift_right_arithmetic3A : i32 to vector<16xi32>
        %shift_right_arithmetic3A_88 = arith.shrsi %add3A, %shift_right_arithmetic3A_87 : vector<16xi32>
        %mul3A_89 = arith.constant 16 : i32
        %mul3A_90 = vector.broadcast %mul3A_89 : i32 to vector<16xi32>
        %mul3A_91 = arith.muli %shift_right_arithmetic3A_88, %mul3A_90 : vector<16xi32>
        %add3A_92 = arith.addi %mul3A_91, %iota3A : vector<16xi32>
        %gather3A = tpu.vector_load_idx %arg8[%add3A_92] : memref<6400xi32, #tpu.memory_space<vmem>>[vector<16xi32>], vector<16xi32>,
        tpu.vector_store_idx %arg10[%gather3A], %add3A : memref<50048xi32, #tpu.memory_space<vmem>>[vector<16xi32>], vector<16xi32>,
        tpu.vector_store_idx %arg8[%add3A_92], %broadcast_in_dim3A_2 {add = true} : memref<6400xi32, #tpu.memory_space<vmem>>[vector<16xi32>], vector<16xi32>,
        %scan3A_93 = arith.constant 0 : i32
        scf.yield %scan3A_93 : i32
      }
      %scan3A_75 = arith.constant 125 : i32
      %scan3A_76 = arith.constant 0 : i32
      scf.yield %scan3A_76 : i32
    }
    %scan3A_51 = arith.constant 25 : i32
    %mul3A = arith.constant 50048 : i32
    %mul3A_52 = arith.muli %arg1, %mul3A : i32
    "tpu.region"() ({
      %run_scoped3A = tpu.sem_alloc : memref<!tpu.dma_semaphore, #tpu.memory_space<semaphore_mem>>
      %dma_start3A = tpu.memref_slice %arg15[%mul3A_52] : memref<800768xi32, #tpu.memory_space<vmem_shared>> -> memref<50048xi32, #tpu.memory_space<vmem_shared>>
      %dma_start3A_66 = tpu.memref_slice %arg15[%mul3A_52] : memref<800768xi32, #tpu.memory_space<vmem_shared>> -> memref<50048xi32, #tpu.memory_space<vmem_shared>>
      tpu.enqueue_dma source(%arg10 : memref<50048xi32, #tpu.memory_space<vmem>>) target(%dma_start3A_66 : memref<50048xi32, #tpu.memory_space<vmem_shared>>) target_semaphore(%run_scoped3A : memref<!tpu.dma_semaphore, #tpu.memory_space<semaphore_mem>>)
      %dma_wait3A = tpu.memref_slice %arg15[%mul3A_52] : memref<800768xi32, #tpu.memory_space<vmem_shared>> -> memref<50048xi32, #tpu.memory_space<vmem_shared>>
      %dma_wait3A_67 = tpu.memref_slice %arg15[%mul3A_52] : memref<800768xi32, #tpu.memory_space<vmem_shared>> -> memref<50048xi32, #tpu.memory_space<vmem_shared>>
      tpu.wait_dma2 semaphore(%run_scoped3A : memref<!tpu.dma_semaphore, #tpu.memory_space<semaphore_mem>>) src(%arg10 : memref<50048xi32, #tpu.memory_space<vmem>>) dst(%dma_wait3A_67 : memref<50048xi32, #tpu.memory_space<vmem_shared>>)
      tpu.yield
    }) : () -> ()
    %mul3A_53 = arith.constant 400 : i32
    %mul3A_54 = arith.muli %arg1, %mul3A_53 : i32
    "tpu.region"() ({
      %run_scoped3A = tpu.sem_alloc : memref<!tpu.dma_semaphore, #tpu.memory_space<semaphore_mem>>
      %dma_start3A = tpu.memref_slice %arg16[%mul3A_54] : memref<6400xi32, #tpu.memory_space<vmem_shared>> -> memref<400xi32, #tpu.memory_space<vmem_shared>>
      %dma_start3A_66 = tpu.memref_slice %arg16[%mul3A_54] : memref<6400xi32, #tpu.memory_space<vmem_shared>> -> memref<400xi32, #tpu.memory_space<vmem_shared>>
      tpu.enqueue_dma source(%arg9 : memref<400xi32, #tpu.memory_space<vmem>>) target(%dma_start3A_66 : memref<400xi32, #tpu.memory_space<vmem_shared>>) target_semaphore(%run_scoped3A : memref<!tpu.dma_semaphore, #tpu.memory_space<semaphore_mem>>)
      %dma_wait3A = tpu.memref_slice %arg16[%mul3A_54] : memref<6400xi32, #tpu.memory_space<vmem_shared>> -> memref<400xi32, #tpu.memory_space<vmem_shared>>
      %dma_wait3A_67 = tpu.memref_slice %arg16[%mul3A_54] : memref<6400xi32, #tpu.memory_space<vmem_shared>> -> memref<400xi32, #tpu.memory_space<vmem_shared>>
      tpu.wait_dma2 semaphore(%run_scoped3A : memref<!tpu.dma_semaphore, #tpu.memory_space<semaphore_mem>>) src(%arg9 : memref<400xi32, #tpu.memory_space<vmem>>) dst(%dma_wait3A_67 : memref<400xi32, #tpu.memory_space<vmem_shared>>)
      tpu.yield
    }) : () -> ()
    %barrier3A_55 = arith.constant 0 : index
    tpu.barrier barrier_id(%barrier3A_55)
    %mul3A_56 = arith.constant 3200000 : i32
    %mul3A_57 = arith.muli %arg0, %mul3A_56 : i32
    %scan3A_58 = arith.constant 0 : i32
    %scan3A_59 = arith.constant 0 : i32
    %scan3A_60 = arith.constant 25 : i32
    %scan3A_61 = arith.addi %scan3A_59, %scan3A_60 : i32
    %scan3A_62 = arith.constant 1 : i32
    %scan3A_63 = scf.for %scan3A_66 = %scan3A_59 to %scan3A_61 step %scan3A_62 iter_args(%scan3A_67 = %scan3A_58) -> (i32)  : i32 {
      %mul3A_68 = arith.constant 16 : i32
      %mul3A_69 = arith.muli %scan3A_66, %mul3A_68 : i32
      %add3A = arith.addi %mul3A_69, %arg1 : i32
      %lt3A_70 = arith.constant 391 : i32
      %lt3A_71 = arith.cmpi slt, %add3A, %lt3A_70 : i32
      %convert_element_type3A_72 = arith.extui %lt3A_71 : i1 to i32
      %cond3A_73 = arith.constant 0 : i32
      %cond3A_74 = arith.cmpi ne, %convert_element_type3A_72, %cond3A_73 : i32
      scf.if %cond3A_74 {
        %scan3A_76 = arith.constant 0 : i32
        %scan3A_77 = arith.constant 0 : i32
        %scan3A_78 = arith.constant 513 : i32
        %scan3A_79 = arith.addi %scan3A_77, %scan3A_78 : i32
        %scan3A_80 = arith.constant 1 : i32
        %scan3A_81 = scf.for %scan3A_1493 = %scan3A_77 to %scan3A_79 step %scan3A_80 iter_args(%scan3A_1494 = %scan3A_76) -> (i32)  : i32 {
          %mul3A_1495 = arith.constant 16 : i32
          %mul3A_1496 = arith.muli %scan3A_1493, %mul3A_1495 : i32
          %swap3A = arith.index_cast %mul3A_1496 : i32 to index
          %swap3A_1497 = tpu.vector_load %arg11[%swap3A] {strides = array<i32>} : memref<8208xf32, #tpu.memory_space<vmem>>, vector<16xf32>,
          tpu.vector_store %arg11[%swap3A], %broadcast_in_dim3A_4 {strides = array<i32>} : memref<8208xf32, #tpu.memory_space<vmem>>, vector<16xf32>,
          %scan3A_1498 = arith.constant 0 : i32
          scf.yield %scan3A_1498 : i32
        }
        %scan3A_82 = arith.constant 513 : i32
        %shift_left3A = arith.constant 13 : i32
        %shift_left3A_83 = arith.shli %add3A, %shift_left3A : i32
        %add3A_84 = arith.constant 0 : i32
        %add3A_85 = arith.addi %add3A_84, %add3A : i32
        %and3A = arith.constant -8 : i32
        %and3A_86 = arith.andi %add3A_85, %and3A : i32
        %multiple_of3A = tpu.assume_multiple %and3A_86, 8 : i32
        %dma_start3A = arith.constant 0 : i32
        %dma_start3A_87 = tpu.memref_slice %arg12[%dma_start3A] : memref<256xi32, #tpu.memory_space<vmem>> -> memref<16xi32, #tpu.memory_space<vmem>>
        %dma_start3A_88 = tpu.memref_slice %arg16[%multiple_of3A] : memref<6400xi32, #tpu.memory_space<vmem_shared>> -> memref<16xi32, #tpu.memory_space<vmem_shared>>
        %dma_start3A_89 = arith.constant 0 : i32
        %dma_start3A_90 = tpu.memref_slice %arg12[%dma_start3A_89] : memref<256xi32, #tpu.memory_space<vmem>> -> memref<16xi32, #tpu.memory_space<vmem>>
        %dma_start3A_91 = tpu.memref_slice %arg16[%multiple_of3A] : memref<6400xi32, #tpu.memory_space<vmem_shared>> -> memref<16xi32, #tpu.memory_space<vmem_shared>>
        tpu.enqueue_dma source(%dma_start3A_91 : memref<16xi32, #tpu.memory_space<vmem_shared>>) target(%dma_start3A_90 : memref<16xi32, #tpu.memory_space<vmem>>) target_semaphore(%arg18 : memref<!tpu.dma_semaphore, #tpu.memory_space<semaphore_mem>>)
        %add3A_92 = arith.constant 400 : i32
        %add3A_93 = arith.addi %add3A_92, %add3A : i32
        %and3A_94 = arith.constant -8 : i32
        %and3A_95 = arith.andi %add3A_93, %and3A_94 : i32
        %multiple_of3A_96 = tpu.assume_multiple %and3A_95, 8 : i32
        %dma_start3A_97 = arith.constant 16 : i32
        %dma_start3A_98 = tpu.memref_slice %arg12[%dma_start3A_97] : memref<256xi32, #tpu.memory_space<vmem>> -> memref<16xi32, #tpu.memory_space<vmem>>
        %dma_start3A_99 = tpu.memref_slice %arg16[%multiple_of3A_96] : memref<6400xi32, #tpu.memory_space<vmem_shared>> -> memref<16xi32, #tpu.memory_space<vmem_shared>>
        %dma_start3A_100 = arith.constant 16 : i32
        %dma_start3A_101 = tpu.memref_slice %arg12[%dma_start3A_100] : memref<256xi32, #tpu.memory_space<vmem>> -> memref<16xi32, #tpu.memory_space<vmem>>
        %dma_start3A_102 = tpu.memref_slice %arg16[%multiple_of3A_96] : memref<6400xi32, #tpu.memory_space<vmem_shared>> -> memref<16xi32, #tpu.memory_space<vmem_shared>>
        tpu.enqueue_dma source(%dma_start3A_102 : memref<16xi32, #tpu.memory_space<vmem_shared>>) target(%dma_start3A_101 : memref<16xi32, #tpu.memory_space<vmem>>) target_semaphore(%arg18 : memref<!tpu.dma_semaphore, #tpu.memory_space<semaphore_mem>>)
        %add3A_103 = arith.constant 800 : i32
        %add3A_104 = arith.addi %add3A_103, %add3A : i32
        %and3A_105 = arith.constant -8 : i32
        %and3A_106 = arith.andi %add3A_104, %and3A_105 : i32
        %multiple_of3A_107 = tpu.assume_multiple %and3A_106, 8 : i32
        %dma_start3A_108 = arith.constant 32 : i32
        %dma_start3A_109 = tpu.memref_slice %arg12[%dma_start3A_108] : memref<256xi32, #tpu.memory_space<vmem>> -> memref<16xi32, #tpu.memory_space<vmem>>
        %dma_start3A_110 = tpu.memref_slice %arg16[%multiple_of3A_107] : memref<6400xi32, #tpu.memory_space<vmem_shared>> -> memref<16xi32, #tpu.memory_space<vmem_shared>>
        %dma_start3A_111 = arith.constant 32 : i32
        %dma_start3A_112 = tpu.memref_slice %arg12[%dma_start3A_111] : memref<256xi32, #tpu.memory_space<vmem>> -> memref<16xi32, #tpu.memory_space<vmem>>
        %dma_start3A_113 = tpu.memref_slice %arg16[%multiple_of3A_107] : memref<6400xi32, #tpu.memory_space<vmem_shared>> -> memref<16xi32, #tpu.memory_space<vmem_shared>>
        tpu.enqueue_dma source(%dma_start3A_113 : memref<16xi32, #tpu.memory_space<vmem_shared>>) target(%dma_start3A_112 : memref<16xi32, #tpu.memory_space<vmem>>) target_semaphore(%arg18 : memref<!tpu.dma_semaphore, #tpu.memory_space<semaphore_mem>>)
        %add3A_114 = arith.constant 1200 : i32
        %add3A_115 = arith.addi %add3A_114, %add3A : i32
        %and3A_116 = arith.constant -8 : i32
        %and3A_117 = arith.andi %add3A_115, %and3A_116 : i32
        %multiple_of3A_118 = tpu.assume_multiple %and3A_117, 8 : i32
        %dma_start3A_119 = arith.constant 48 : i32
        %dma_start3A_120 = tpu.memref_slice %arg12[%dma_start3A_119] : memref<256xi32, #tpu.memory_space<vmem>> -> memref<16xi32, #tpu.memory_space<vmem>>
        %dma_start3A_121 = tpu.memref_slice %arg16[%multiple_of3A_118] : memref<6400xi32, #tpu.memory_space<vmem_shared>> -> memref<16xi32, #tpu.memory_space<vmem_shared>>
        %dma_start3A_122 = arith.constant 48 : i32
        %dma_start3A_123 = tpu.memref_slice %arg12[%dma_start3A_122] : memref<256xi32, #tpu.memory_space<vmem>> -> memref<16xi32, #tpu.memory_space<vmem>>
        %dma_start3A_124 = tpu.memref_slice %arg16[%multiple_of3A_118] : memref<6400xi32, #tpu.memory_space<vmem_shared>> -> memref<16xi32, #tpu.memory_space<vmem_shared>>
        tpu.enqueue_dma source(%dma_start3A_124 : memref<16xi32, #tpu.memory_space<vmem_shared>>) target(%dma_start3A_123 : memref<16xi32, #tpu.memory_space<vmem>>) target_semaphore(%arg18 : memref<!tpu.dma_semaphore, #tpu.memory_space<semaphore_mem>>)
        %add3A_125 = arith.constant 1600 : i32
        %add3A_126 = arith.addi %add3A_125, %add3A : i32
        %and3A_127 = arith.constant -8 : i32
        %and3A_128 = arith.andi %add3A_126, %and3A_127 : i32
        %multiple_of3A_129 = tpu.assume_multiple %and3A_128, 8 : i32
        %dma_start3A_130 = arith.constant 64 : i32
        %dma_start3A_131 = tpu.memref_slice %arg12[%dma_start3A_130] : memref<256xi32, #tpu.memory_space<vmem>> -> memref<16xi32, #tpu.memory_space<vmem>>
        %dma_start3A_132 = tpu.memref_slice %arg16[%multiple_of3A_129] : memref<6400xi32, #tpu.memory_space<vmem_shared>> -> memref<16xi32, #tpu.memory_space<vmem_shared>>
        %dma_start3A_133 = arith.constant 64 : i32
        %dma_start3A_134 = tpu.memref_slice %arg12[%dma_start3A_133] : memref<256xi32, #tpu.memory_space<vmem>> -> memref<16xi32, #tpu.memory_space<vmem>>
        %dma_start3A_135 = tpu.memref_slice %arg16[%multiple_of3A_129] : memref<6400xi32, #tpu.memory_space<vmem_shared>> -> memref<16xi32, #tpu.memory_space<vmem_shared>>
        tpu.enqueue_dma source(%dma_start3A_135 : memref<16xi32, #tpu.memory_space<vmem_shared>>) target(%dma_start3A_134 : memref<16xi32, #tpu.memory_space<vmem>>) target_semaphore(%arg18 : memref<!tpu.dma_semaphore, #tpu.memory_space<semaphore_mem>>)
        %add3A_136 = arith.constant 2000 : i32
        %add3A_137 = arith.addi %add3A_136, %add3A : i32
        %and3A_138 = arith.constant -8 : i32
        %and3A_139 = arith.andi %add3A_137, %and3A_138 : i32
        %multiple_of3A_140 = tpu.assume_multiple %and3A_139, 8 : i32
        %dma_start3A_141 = arith.constant 80 : i32
        %dma_start3A_142 = tpu.memref_slice %arg12[%dma_start3A_141] : memref<256xi32, #tpu.memory_space<vmem>> -> memref<16xi32, #tpu.memory_space<vmem>>
        %dma_start3A_143 = tpu.memref_slice %arg16[%multiple_of3A_140] : memref<6400xi32, #tpu.memory_space<vmem_shared>> -> memref<16xi32, #tpu.memory_space<vmem_shared>>
        %dma_start3A_144 = arith.constant 80 : i32
        %dma_start3A_145 = tpu.memref_slice %arg12[%dma_start3A_144] : memref<256xi32, #tpu.memory_space<vmem>> -> memref<16xi32, #tpu.memory_space<vmem>>
        %dma_start3A_146 = tpu.memref_slice %arg16[%multiple_of3A_140] : memref<6400xi32, #tpu.memory_space<vmem_shared>> -> memref<16xi32, #tpu.memory_space<vmem_shared>>
        tpu.enqueue_dma source(%dma_start3A_146 : memref<16xi32, #tpu.memory_space<vmem_shared>>) target(%dma_start3A_145 : memref<16xi32, #tpu.memory_space<vmem>>) target_semaphore(%arg18 : memref<!tpu.dma_semaphore, #tpu.memory_space<semaphore_mem>>)
        %add3A_147 = arith.constant 2400 : i32
        %add3A_148 = arith.addi %add3A_147, %add3A : i32
        %and3A_149 = arith.constant -8 : i32
        %and3A_150 = arith.andi %add3A_148, %and3A_149 : i32
        %multiple_of3A_151 = tpu.assume_multiple %and3A_150, 8 : i32
        %dma_start3A_152 = arith.constant 96 : i32
        %dma_start3A_153 = tpu.memref_slice %arg12[%dma_start3A_152] : memref<256xi32, #tpu.memory_space<vmem>> -> memref<16xi32, #tpu.memory_space<vmem>>
        %dma_start3A_154 = tpu.memref_slice %arg16[%multiple_of3A_151] : memref<6400xi32, #tpu.memory_space<vmem_shared>> -> memref<16xi32, #tpu.memory_space<vmem_shared>>
        %dma_start3A_155 = arith.constant 96 : i32
        %dma_start3A_156 = tpu.memref_slice %arg12[%dma_start3A_155] : memref<256xi32, #tpu.memory_space<vmem>> -> memref<16xi32, #tpu.memory_space<vmem>>
        %dma_start3A_157 = tpu.memref_slice %arg16[%multiple_of3A_151] : memref<6400xi32, #tpu.memory_space<vmem_shared>> -> memref<16xi32, #tpu.memory_space<vmem_shared>>
        tpu.enqueue_dma source(%dma_start3A_157 : memref<16xi32, #tpu.memory_space<vmem_shared>>) target(%dma_start3A_156 : memref<16xi32, #tpu.memory_space<vmem>>) target_semaphore(%arg18 : memref<!tpu.dma_semaphore, #tpu.memory_space<semaphore_mem>>)
        %add3A_158 = arith.constant 2800 : i32
        %add3A_159 = arith.addi %add3A_158, %add3A : i32
        %and3A_160 = arith.constant -8 : i32
        %and3A_161 = arith.andi %add3A_159, %and3A_160 : i32
        %multiple_of3A_162 = tpu.assume_multiple %and3A_161, 8 : i32
        %dma_start3A_163 = arith.constant 112 : i32
        %dma_start3A_164 = tpu.memref_slice %arg12[%dma_start3A_163] : memref<256xi32, #tpu.memory_space<vmem>> -> memref<16xi32, #tpu.memory_space<vmem>>
        %dma_start3A_165 = tpu.memref_slice %arg16[%multiple_of3A_162] : memref<6400xi32, #tpu.memory_space<vmem_shared>> -> memref<16xi32, #tpu.memory_space<vmem_shared>>
        %dma_start3A_166 = arith.constant 112 : i32
        %dma_start3A_167 = tpu.memref_slice %arg12[%dma_start3A_166] : memref<256xi32, #tpu.memory_space<vmem>> -> memref<16xi32, #tpu.memory_space<vmem>>
        %dma_start3A_168 = tpu.memref_slice %arg16[%multiple_of3A_162] : memref<6400xi32, #tpu.memory_space<vmem_shared>> -> memref<16xi32, #tpu.memory_space<vmem_shared>>
        tpu.enqueue_dma source(%dma_start3A_168 : memref<16xi32, #tpu.memory_space<vmem_shared>>) target(%dma_start3A_167 : memref<16xi32, #tpu.memory_space<vmem>>) target_semaphore(%arg18 : memref<!tpu.dma_semaphore, #tpu.memory_space<semaphore_mem>>)
        %add3A_169 = arith.constant 3200 : i32
        %add3A_170 = arith.addi %add3A_169, %add3A : i32
        %and3A_171 = arith.constant -8 : i32
        %and3A_172 = arith.andi %add3A_170, %and3A_171 : i32
        %multiple_of3A_173 = tpu.assume_multiple %and3A_172, 8 : i32
        %dma_start3A_174 = arith.constant 128 : i32
        %dma_start3A_175 = tpu.memref_slice %arg12[%dma_start3A_174] : memref<256xi32, #tpu.memory_space<vmem>> -> memref<16xi32, #tpu.memory_space<vmem>>
        %dma_start3A_176 = tpu.memref_slice %arg16[%multiple_of3A_173] : memref<6400xi32, #tpu.memory_space<vmem_shared>> -> memref<16xi32, #tpu.memory_space<vmem_shared>>
        %dma_start3A_177 = arith.constant 128 : i32
        %dma_start3A_178 = tpu.memref_slice %arg12[%dma_start3A_177] : memref<256xi32, #tpu.memory_space<vmem>> -> memref<16xi32, #tpu.memory_space<vmem>>
        %dma_start3A_179 = tpu.memref_slice %arg16[%multiple_of3A_173] : memref<6400xi32, #tpu.memory_space<vmem_shared>> -> memref<16xi32, #tpu.memory_space<vmem_shared>>
        tpu.enqueue_dma source(%dma_start3A_179 : memref<16xi32, #tpu.memory_space<vmem_shared>>) target(%dma_start3A_178 : memref<16xi32, #tpu.memory_space<vmem>>) target_semaphore(%arg18 : memref<!tpu.dma_semaphore, #tpu.memory_space<semaphore_mem>>)
        %add3A_180 = arith.constant 3600 : i32
        %add3A_181 = arith.addi %add3A_180, %add3A : i32
        %and3A_182 = arith.constant -8 : i32
        %and3A_183 = arith.andi %add3A_181, %and3A_182 : i32
        %multiple_of3A_184 = tpu.assume_multiple %and3A_183, 8 : i32
        %dma_start3A_185 = arith.constant 144 : i32
        %dma_start3A_186 = tpu.memref_slice %arg12[%dma_start3A_185] : memref<256xi32, #tpu.memory_space<vmem>> -> memref<16xi32, #tpu.memory_space<vmem>>
        %dma_start3A_187 = tpu.memref_slice %arg16[%multiple_of3A_184] : memref<6400xi32, #tpu.memory_space<vmem_shared>> -> memref<16xi32, #tpu.memory_space<vmem_shared>>
        %dma_start3A_188 = arith.constant 144 : i32
        %dma_start3A_189 = tpu.memref_slice %arg12[%dma_start3A_188] : memref<256xi32, #tpu.memory_space<vmem>> -> memref<16xi32, #tpu.memory_space<vmem>>
        %dma_start3A_190 = tpu.memref_slice %arg16[%multiple_of3A_184] : memref<6400xi32, #tpu.memory_space<vmem_shared>> -> memref<16xi32, #tpu.memory_space<vmem_shared>>
        tpu.enqueue_dma source(%dma_start3A_190 : memref<16xi32, #tpu.memory_space<vmem_shared>>) target(%dma_start3A_189 : memref<16xi32, #tpu.memory_space<vmem>>) target_semaphore(%arg18 : memref<!tpu.dma_semaphore, #tpu.memory_space<semaphore_mem>>)
        %add3A_191 = arith.constant 4000 : i32
        %add3A_192 = arith.addi %add3A_191, %add3A : i32
        %and3A_193 = arith.constant -8 : i32
        %and3A_194 = arith.andi %add3A_192, %and3A_193 : i32
        %multiple_of3A_195 = tpu.assume_multiple %and3A_194, 8 : i32
        %dma_start3A_196 = arith.constant 160 : i32
        %dma_start3A_197 = tpu.memref_slice %arg12[%dma_start3A_196] : memref<256xi32, #tpu.memory_space<vmem>> -> memref<16xi32, #tpu.memory_space<vmem>>
        %dma_start3A_198 = tpu.memref_slice %arg16[%multiple_of3A_195] : memref<6400xi32, #tpu.memory_space<vmem_shared>> -> memref<16xi32, #tpu.memory_space<vmem_shared>>
        %dma_start3A_199 = arith.constant 160 : i32
        %dma_start3A_200 = tpu.memref_slice %arg12[%dma_start3A_199] : memref<256xi32, #tpu.memory_space<vmem>> -> memref<16xi32, #tpu.memory_space<vmem>>
        %dma_start3A_201 = tpu.memref_slice %arg16[%multiple_of3A_195] : memref<6400xi32, #tpu.memory_space<vmem_shared>> -> memref<16xi32, #tpu.memory_space<vmem_shared>>
        tpu.enqueue_dma source(%dma_start3A_201 : memref<16xi32, #tpu.memory_space<vmem_shared>>) target(%dma_start3A_200 : memref<16xi32, #tpu.memory_space<vmem>>) target_semaphore(%arg18 : memref<!tpu.dma_semaphore, #tpu.memory_space<semaphore_mem>>)
        %add3A_202 = arith.constant 4400 : i32
        %add3A_203 = arith.addi %add3A_202, %add3A : i32
        %and3A_204 = arith.constant -8 : i32
        %and3A_205 = arith.andi %add3A_203, %and3A_204 : i32
        %multiple_of3A_206 = tpu.assume_multiple %and3A_205, 8 : i32
        %dma_start3A_207 = arith.constant 176 : i32
        %dma_start3A_208 = tpu.memref_slice %arg12[%dma_start3A_207] : memref<256xi32, #tpu.memory_space<vmem>> -> memref<16xi32, #tpu.memory_space<vmem>>
        %dma_start3A_209 = tpu.memref_slice %arg16[%multiple_of3A_206] : memref<6400xi32, #tpu.memory_space<vmem_shared>> -> memref<16xi32, #tpu.memory_space<vmem_shared>>
        %dma_start3A_210 = arith.constant 176 : i32
        %dma_start3A_211 = tpu.memref_slice %arg12[%dma_start3A_210] : memref<256xi32, #tpu.memory_space<vmem>> -> memref<16xi32, #tpu.memory_space<vmem>>
        %dma_start3A_212 = tpu.memref_slice %arg16[%multiple_of3A_206] : memref<6400xi32, #tpu.memory_space<vmem_shared>> -> memref<16xi32, #tpu.memory_space<vmem_shared>>
        tpu.enqueue_dma source(%dma_start3A_212 : memref<16xi32, #tpu.memory_space<vmem_shared>>) target(%dma_start3A_211 : memref<16xi32, #tpu.memory_space<vmem>>) target_semaphore(%arg18 : memref<!tpu.dma_semaphore, #tpu.memory_space<semaphore_mem>>)
        %add3A_213 = arith.constant 4800 : i32
        %add3A_214 = arith.addi %add3A_213, %add3A : i32
        %and3A_215 = arith.constant -8 : i32
        %and3A_216 = arith.andi %add3A_214, %and3A_215 : i32
        %multiple_of3A_217 = tpu.assume_multiple %and3A_216, 8 : i32
        %dma_start3A_218 = arith.constant 192 : i32
        %dma_start3A_219 = tpu.memref_slice %arg12[%dma_start3A_218] : memref<256xi32, #tpu.memory_space<vmem>> -> memref<16xi32, #tpu.memory_space<vmem>>
        %dma_start3A_220 = tpu.memref_slice %arg16[%multiple_of3A_217] : memref<6400xi32, #tpu.memory_space<vmem_shared>> -> memref<16xi32, #tpu.memory_space<vmem_shared>>
        %dma_start3A_221 = arith.constant 192 : i32
        %dma_start3A_222 = tpu.memref_slice %arg12[%dma_start3A_221] : memref<256xi32, #tpu.memory_space<vmem>> -> memref<16xi32, #tpu.memory_space<vmem>>
        %dma_start3A_223 = tpu.memref_slice %arg16[%multiple_of3A_217] : memref<6400xi32, #tpu.memory_space<vmem_shared>> -> memref<16xi32, #tpu.memory_space<vmem_shared>>
        tpu.enqueue_dma source(%dma_start3A_223 : memref<16xi32, #tpu.memory_space<vmem_shared>>) target(%dma_start3A_222 : memref<16xi32, #tpu.memory_space<vmem>>) target_semaphore(%arg18 : memref<!tpu.dma_semaphore, #tpu.memory_space<semaphore_mem>>)
        %add3A_224 = arith.constant 5200 : i32
        %add3A_225 = arith.addi %add3A_224, %add3A : i32
        %and3A_226 = arith.constant -8 : i32
        %and3A_227 = arith.andi %add3A_225, %and3A_226 : i32
        %multiple_of3A_228 = tpu.assume_multiple %and3A_227, 8 : i32
        %dma_start3A_229 = arith.constant 208 : i32
        %dma_start3A_230 = tpu.memref_slice %arg12[%dma_start3A_229] : memref<256xi32, #tpu.memory_space<vmem>> -> memref<16xi32, #tpu.memory_space<vmem>>
        %dma_start3A_231 = tpu.memref_slice %arg16[%multiple_of3A_228] : memref<6400xi32, #tpu.memory_space<vmem_shared>> -> memref<16xi32, #tpu.memory_space<vmem_shared>>
        %dma_start3A_232 = arith.constant 208 : i32
        %dma_start3A_233 = tpu.memref_slice %arg12[%dma_start3A_232] : memref<256xi32, #tpu.memory_space<vmem>> -> memref<16xi32, #tpu.memory_space<vmem>>
        %dma_start3A_234 = tpu.memref_slice %arg16[%multiple_of3A_228] : memref<6400xi32, #tpu.memory_space<vmem_shared>> -> memref<16xi32, #tpu.memory_space<vmem_shared>>
        tpu.enqueue_dma source(%dma_start3A_234 : memref<16xi32, #tpu.memory_space<vmem_shared>>) target(%dma_start3A_233 : memref<16xi32, #tpu.memory_space<vmem>>) target_semaphore(%arg18 : memref<!tpu.dma_semaphore, #tpu.memory_space<semaphore_mem>>)
        %add3A_235 = arith.constant 5600 : i32
        %add3A_236 = arith.addi %add3A_235, %add3A : i32
        %and3A_237 = arith.constant -8 : i32
        %and3A_238 = arith.andi %add3A_236, %and3A_237 : i32
        %multiple_of3A_239 = tpu.assume_multiple %and3A_238, 8 : i32
        %dma_start3A_240 = arith.constant 224 : i32
        %dma_start3A_241 = tpu.memref_slice %arg12[%dma_start3A_240] : memref<256xi32, #tpu.memory_space<vmem>> -> memref<16xi32, #tpu.memory_space<vmem>>
        %dma_start3A_242 = tpu.memref_slice %arg16[%multiple_of3A_239] : memref<6400xi32, #tpu.memory_space<vmem_shared>> -> memref<16xi32, #tpu.memory_space<vmem_shared>>
        %dma_start3A_243 = arith.constant 224 : i32
        %dma_start3A_244 = tpu.memref_slice %arg12[%dma_start3A_243] : memref<256xi32, #tpu.memory_space<vmem>> -> memref<16xi32, #tpu.memory_space<vmem>>
        %dma_start3A_245 = tpu.memref_slice %arg16[%multiple_of3A_239] : memref<6400xi32, #tpu.memory_space<vmem_shared>> -> memref<16xi32, #tpu.memory_space<vmem_shared>>
        tpu.enqueue_dma source(%dma_start3A_245 : memref<16xi32, #tpu.memory_space<vmem_shared>>) target(%dma_start3A_244 : memref<16xi32, #tpu.memory_space<vmem>>) target_semaphore(%arg18 : memref<!tpu.dma_semaphore, #tpu.memory_space<semaphore_mem>>)
        %add3A_246 = arith.constant 6000 : i32
        %add3A_247 = arith.addi %add3A_246, %add3A : i32
        %and3A_248 = arith.constant -8 : i32
        %and3A_249 = arith.andi %add3A_247, %and3A_248 : i32
        %multiple_of3A_250 = tpu.assume_multiple %and3A_249, 8 : i32
        %dma_start3A_251 = arith.constant 240 : i32
        %dma_start3A_252 = tpu.memref_slice %arg12[%dma_start3A_251] : memref<256xi32, #tpu.memory_space<vmem>> -> memref<16xi32, #tpu.memory_space<vmem>>
        %dma_start3A_253 = tpu.memref_slice %arg16[%multiple_of3A_250] : memref<6400xi32, #tpu.memory_space<vmem_shared>> -> memref<16xi32, #tpu.memory_space<vmem_shared>>
        %dma_start3A_254 = arith.constant 240 : i32
        %dma_start3A_255 = tpu.memref_slice %arg12[%dma_start3A_254] : memref<256xi32, #tpu.memory_space<vmem>> -> memref<16xi32, #tpu.memory_space<vmem>>
        %dma_start3A_256 = tpu.memref_slice %arg16[%multiple_of3A_250] : memref<6400xi32, #tpu.memory_space<vmem_shared>> -> memref<16xi32, #tpu.memory_space<vmem_shared>>
        tpu.enqueue_dma source(%dma_start3A_256 : memref<16xi32, #tpu.memory_space<vmem_shared>>) target(%dma_start3A_255 : memref<16xi32, #tpu.memory_space<vmem>>) target_semaphore(%arg18 : memref<!tpu.dma_semaphore, #tpu.memory_space<semaphore_mem>>)
        %dma_wait3A = arith.constant 0 : i32
        %dma_wait3A_257 = tpu.memref_slice %arg12[%dma_wait3A] : memref<256xi32, #tpu.memory_space<vmem>> -> memref<16xi32, #tpu.memory_space<vmem>>
        %dma_wait3A_258 = tpu.memref_slice %arg16[%multiple_of3A] : memref<6400xi32, #tpu.memory_space<vmem_shared>> -> memref<16xi32, #tpu.memory_space<vmem_shared>>
        %dma_wait3A_259 = arith.constant 0 : i32
        %dma_wait3A_260 = tpu.memref_slice %arg12[%dma_wait3A_259] : memref<256xi32, #tpu.memory_space<vmem>> -> memref<16xi32, #tpu.memory_space<vmem>>
        %dma_wait3A_261 = tpu.memref_slice %arg16[%multiple_of3A] : memref<6400xi32, #tpu.memory_space<vmem_shared>> -> memref<16xi32, #tpu.memory_space<vmem_shared>>
        tpu.wait_dma2 semaphore(%arg18 : memref<!tpu.dma_semaphore, #tpu.memory_space<semaphore_mem>>) src(%dma_wait3A_261 : memref<16xi32, #tpu.memory_space<vmem_shared>>) dst(%dma_wait3A_260 : memref<16xi32, #tpu.memory_space<vmem>>)
        %dma_wait3A_262 = arith.constant 16 : i32
        %dma_wait3A_263 = tpu.memref_slice %arg12[%dma_wait3A_262] : memref<256xi32, #tpu.memory_space<vmem>> -> memref<16xi32, #tpu.memory_space<vmem>>
        %dma_wait3A_264 = tpu.memref_slice %arg16[%multiple_of3A_96] : memref<6400xi32, #tpu.memory_space<vmem_shared>> -> memref<16xi32, #tpu.memory_space<vmem_shared>>
        %dma_wait3A_265 = arith.constant 16 : i32
        %dma_wait3A_266 = tpu.memref_slice %arg12[%dma_wait3A_265] : memref<256xi32, #tpu.memory_space<vmem>> -> memref<16xi32, #tpu.memory_space<vmem>>
        %dma_wait3A_267 = tpu.memref_slice %arg16[%multiple_of3A_96] : memref<6400xi32, #tpu.memory_space<vmem_shared>> -> memref<16xi32, #tpu.memory_space<vmem_shared>>
        tpu.wait_dma2 semaphore(%arg18 : memref<!tpu.dma_semaphore, #tpu.memory_space<semaphore_mem>>) src(%dma_wait3A_267 : memref<16xi32, #tpu.memory_space<vmem_shared>>) dst(%dma_wait3A_266 : memref<16xi32, #tpu.memory_space<vmem>>)
        %dma_wait3A_268 = arith.constant 32 : i32
        %dma_wait3A_269 = tpu.memref_slice %arg12[%dma_wait3A_268] : memref<256xi32, #tpu.memory_space<vmem>> -> memref<16xi32, #tpu.memory_space<vmem>>
        %dma_wait3A_270 = tpu.memref_slice %arg16[%multiple_of3A_107] : memref<6400xi32, #tpu.memory_space<vmem_shared>> -> memref<16xi32, #tpu.memory_space<vmem_shared>>
        %dma_wait3A_271 = arith.constant 32 : i32
        %dma_wait3A_272 = tpu.memref_slice %arg12[%dma_wait3A_271] : memref<256xi32, #tpu.memory_space<vmem>> -> memref<16xi32, #tpu.memory_space<vmem>>
        %dma_wait3A_273 = tpu.memref_slice %arg16[%multiple_of3A_107] : memref<6400xi32, #tpu.memory_space<vmem_shared>> -> memref<16xi32, #tpu.memory_space<vmem_shared>>
        tpu.wait_dma2 semaphore(%arg18 : memref<!tpu.dma_semaphore, #tpu.memory_space<semaphore_mem>>) src(%dma_wait3A_273 : memref<16xi32, #tpu.memory_space<vmem_shared>>) dst(%dma_wait3A_272 : memref<16xi32, #tpu.memory_space<vmem>>)
        %dma_wait3A_274 = arith.constant 48 : i32
        %dma_wait3A_275 = tpu.memref_slice %arg12[%dma_wait3A_274] : memref<256xi32, #tpu.memory_space<vmem>> -> memref<16xi32, #tpu.memory_space<vmem>>
        %dma_wait3A_276 = tpu.memref_slice %arg16[%multiple_of3A_118] : memref<6400xi32, #tpu.memory_space<vmem_shared>> -> memref<16xi32, #tpu.memory_space<vmem_shared>>
        %dma_wait3A_277 = arith.constant 48 : i32
        %dma_wait3A_278 = tpu.memref_slice %arg12[%dma_wait3A_277] : memref<256xi32, #tpu.memory_space<vmem>> -> memref<16xi32, #tpu.memory_space<vmem>>
        %dma_wait3A_279 = tpu.memref_slice %arg16[%multiple_of3A_118] : memref<6400xi32, #tpu.memory_space<vmem_shared>> -> memref<16xi32, #tpu.memory_space<vmem_shared>>
        tpu.wait_dma2 semaphore(%arg18 : memref<!tpu.dma_semaphore, #tpu.memory_space<semaphore_mem>>) src(%dma_wait3A_279 : memref<16xi32, #tpu.memory_space<vmem_shared>>) dst(%dma_wait3A_278 : memref<16xi32, #tpu.memory_space<vmem>>)
        %dma_wait3A_280 = arith.constant 64 : i32
        %dma_wait3A_281 = tpu.memref_slice %arg12[%dma_wait3A_280] : memref<256xi32, #tpu.memory_space<vmem>> -> memref<16xi32, #tpu.memory_space<vmem>>
        %dma_wait3A_282 = tpu.memref_slice %arg16[%multiple_of3A_129] : memref<6400xi32, #tpu.memory_space<vmem_shared>> -> memref<16xi32, #tpu.memory_space<vmem_shared>>
        %dma_wait3A_283 = arith.constant 64 : i32
        %dma_wait3A_284 = tpu.memref_slice %arg12[%dma_wait3A_283] : memref<256xi32, #tpu.memory_space<vmem>> -> memref<16xi32, #tpu.memory_space<vmem>>
        %dma_wait3A_285 = tpu.memref_slice %arg16[%multiple_of3A_129] : memref<6400xi32, #tpu.memory_space<vmem_shared>> -> memref<16xi32, #tpu.memory_space<vmem_shared>>
        tpu.wait_dma2 semaphore(%arg18 : memref<!tpu.dma_semaphore, #tpu.memory_space<semaphore_mem>>) src(%dma_wait3A_285 : memref<16xi32, #tpu.memory_space<vmem_shared>>) dst(%dma_wait3A_284 : memref<16xi32, #tpu.memory_space<vmem>>)
        %dma_wait3A_286 = arith.constant 80 : i32
        %dma_wait3A_287 = tpu.memref_slice %arg12[%dma_wait3A_286] : memref<256xi32, #tpu.memory_space<vmem>> -> memref<16xi32, #tpu.memory_space<vmem>>
        %dma_wait3A_288 = tpu.memref_slice %arg16[%multiple_of3A_140] : memref<6400xi32, #tpu.memory_space<vmem_shared>> -> memref<16xi32, #tpu.memory_space<vmem_shared>>
        %dma_wait3A_289 = arith.constant 80 : i32
        %dma_wait3A_290 = tpu.memref_slice %arg12[%dma_wait3A_289] : memref<256xi32, #tpu.memory_space<vmem>> -> memref<16xi32, #tpu.memory_space<vmem>>
        %dma_wait3A_291 = tpu.memref_slice %arg16[%multiple_of3A_140] : memref<6400xi32, #tpu.memory_space<vmem_shared>> -> memref<16xi32, #tpu.memory_space<vmem_shared>>
        tpu.wait_dma2 semaphore(%arg18 : memref<!tpu.dma_semaphore, #tpu.memory_space<semaphore_mem>>) src(%dma_wait3A_291 : memref<16xi32, #tpu.memory_space<vmem_shared>>) dst(%dma_wait3A_290 : memref<16xi32, #tpu.memory_space<vmem>>)
        %dma_wait3A_292 = arith.constant 96 : i32
        %dma_wait3A_293 = tpu.memref_slice %arg12[%dma_wait3A_292] : memref<256xi32, #tpu.memory_space<vmem>> -> memref<16xi32, #tpu.memory_space<vmem>>
        %dma_wait3A_294 = tpu.memref_slice %arg16[%multiple_of3A_151] : memref<6400xi32, #tpu.memory_space<vmem_shared>> -> memref<16xi32, #tpu.memory_space<vmem_shared>>
        %dma_wait3A_295 = arith.constant 96 : i32
        %dma_wait3A_296 = tpu.memref_slice %arg12[%dma_wait3A_295] : memref<256xi32, #tpu.memory_space<vmem>> -> memref<16xi32, #tpu.memory_space<vmem>>
        %dma_wait3A_297 = tpu.memref_slice %arg16[%multiple_of3A_151] : memref<6400xi32, #tpu.memory_space<vmem_shared>> -> memref<16xi32, #tpu.memory_space<vmem_shared>>
        tpu.wait_dma2 semaphore(%arg18 : memref<!tpu.dma_semaphore, #tpu.memory_space<semaphore_mem>>) src(%dma_wait3A_297 : memref<16xi32, #tpu.memory_space<vmem_shared>>) dst(%dma_wait3A_296 : memref<16xi32, #tpu.memory_space<vmem>>)
        %dma_wait3A_298 = arith.constant 112 : i32
        %dma_wait3A_299 = tpu.memref_slice %arg12[%dma_wait3A_298] : memref<256xi32, #tpu.memory_space<vmem>> -> memref<16xi32, #tpu.memory_space<vmem>>
        %dma_wait3A_300 = tpu.memref_slice %arg16[%multiple_of3A_162] : memref<6400xi32, #tpu.memory_space<vmem_shared>> -> memref<16xi32, #tpu.memory_space<vmem_shared>>
        %dma_wait3A_301 = arith.constant 112 : i32
        %dma_wait3A_302 = tpu.memref_slice %arg12[%dma_wait3A_301] : memref<256xi32, #tpu.memory_space<vmem>> -> memref<16xi32, #tpu.memory_space<vmem>>
        %dma_wait3A_303 = tpu.memref_slice %arg16[%multiple_of3A_162] : memref<6400xi32, #tpu.memory_space<vmem_shared>> -> memref<16xi32, #tpu.memory_space<vmem_shared>>
        tpu.wait_dma2 semaphore(%arg18 : memref<!tpu.dma_semaphore, #tpu.memory_space<semaphore_mem>>) src(%dma_wait3A_303 : memref<16xi32, #tpu.memory_space<vmem_shared>>) dst(%dma_wait3A_302 : memref<16xi32, #tpu.memory_space<vmem>>)
        %dma_wait3A_304 = arith.constant 128 : i32
        %dma_wait3A_305 = tpu.memref_slice %arg12[%dma_wait3A_304] : memref<256xi32, #tpu.memory_space<vmem>> -> memref<16xi32, #tpu.memory_space<vmem>>
        %dma_wait3A_306 = tpu.memref_slice %arg16[%multiple_of3A_173] : memref<6400xi32, #tpu.memory_space<vmem_shared>> -> memref<16xi32, #tpu.memory_space<vmem_shared>>
        %dma_wait3A_307 = arith.constant 128 : i32
        %dma_wait3A_308 = tpu.memref_slice %arg12[%dma_wait3A_307] : memref<256xi32, #tpu.memory_space<vmem>> -> memref<16xi32, #tpu.memory_space<vmem>>
        %dma_wait3A_309 = tpu.memref_slice %arg16[%multiple_of3A_173] : memref<6400xi32, #tpu.memory_space<vmem_shared>> -> memref<16xi32, #tpu.memory_space<vmem_shared>>
        tpu.wait_dma2 semaphore(%arg18 : memref<!tpu.dma_semaphore, #tpu.memory_space<semaphore_mem>>) src(%dma_wait3A_309 : memref<16xi32, #tpu.memory_space<vmem_shared>>) dst(%dma_wait3A_308 : memref<16xi32, #tpu.memory_space<vmem>>)
        %dma_wait3A_310 = arith.constant 144 : i32
        %dma_wait3A_311 = tpu.memref_slice %arg12[%dma_wait3A_310] : memref<256xi32, #tpu.memory_space<vmem>> -> memref<16xi32, #tpu.memory_space<vmem>>
        %dma_wait3A_312 = tpu.memref_slice %arg16[%multiple_of3A_184] : memref<6400xi32, #tpu.memory_space<vmem_shared>> -> memref<16xi32, #tpu.memory_space<vmem_shared>>
        %dma_wait3A_313 = arith.constant 144 : i32
        %dma_wait3A_314 = tpu.memref_slice %arg12[%dma_wait3A_313] : memref<256xi32, #tpu.memory_space<vmem>> -> memref<16xi32, #tpu.memory_space<vmem>>
        %dma_wait3A_315 = tpu.memref_slice %arg16[%multiple_of3A_184] : memref<6400xi32, #tpu.memory_space<vmem_shared>> -> memref<16xi32, #tpu.memory_space<vmem_shared>>
        tpu.wait_dma2 semaphore(%arg18 : memref<!tpu.dma_semaphore, #tpu.memory_space<semaphore_mem>>) src(%dma_wait3A_315 : memref<16xi32, #tpu.memory_space<vmem_shared>>) dst(%dma_wait3A_314 : memref<16xi32, #tpu.memory_space<vmem>>)
        %dma_wait3A_316 = arith.constant 160 : i32
        %dma_wait3A_317 = tpu.memref_slice %arg12[%dma_wait3A_316] : memref<256xi32, #tpu.memory_space<vmem>> -> memref<16xi32, #tpu.memory_space<vmem>>
        %dma_wait3A_318 = tpu.memref_slice %arg16[%multiple_of3A_195] : memref<6400xi32, #tpu.memory_space<vmem_shared>> -> memref<16xi32, #tpu.memory_space<vmem_shared>>
        %dma_wait3A_319 = arith.constant 160 : i32
        %dma_wait3A_320 = tpu.memref_slice %arg12[%dma_wait3A_319] : memref<256xi32, #tpu.memory_space<vmem>> -> memref<16xi32, #tpu.memory_space<vmem>>
        %dma_wait3A_321 = tpu.memref_slice %arg16[%multiple_of3A_195] : memref<6400xi32, #tpu.memory_space<vmem_shared>> -> memref<16xi32, #tpu.memory_space<vmem_shared>>
        tpu.wait_dma2 semaphore(%arg18 : memref<!tpu.dma_semaphore, #tpu.memory_space<semaphore_mem>>) src(%dma_wait3A_321 : memref<16xi32, #tpu.memory_space<vmem_shared>>) dst(%dma_wait3A_320 : memref<16xi32, #tpu.memory_space<vmem>>)
        %dma_wait3A_322 = arith.constant 176 : i32
        %dma_wait3A_323 = tpu.memref_slice %arg12[%dma_wait3A_322] : memref<256xi32, #tpu.memory_space<vmem>> -> memref<16xi32, #tpu.memory_space<vmem>>
        %dma_wait3A_324 = tpu.memref_slice %arg16[%multiple_of3A_206] : memref<6400xi32, #tpu.memory_space<vmem_shared>> -> memref<16xi32, #tpu.memory_space<vmem_shared>>
        %dma_wait3A_325 = arith.constant 176 : i32
        %dma_wait3A_326 = tpu.memref_slice %arg12[%dma_wait3A_325] : memref<256xi32, #tpu.memory_space<vmem>> -> memref<16xi32, #tpu.memory_space<vmem>>
        %dma_wait3A_327 = tpu.memref_slice %arg16[%multiple_of3A_206] : memref<6400xi32, #tpu.memory_space<vmem_shared>> -> memref<16xi32, #tpu.memory_space<vmem_shared>>
        tpu.wait_dma2 semaphore(%arg18 : memref<!tpu.dma_semaphore, #tpu.memory_space<semaphore_mem>>) src(%dma_wait3A_327 : memref<16xi32, #tpu.memory_space<vmem_shared>>) dst(%dma_wait3A_326 : memref<16xi32, #tpu.memory_space<vmem>>)
        %dma_wait3A_328 = arith.constant 192 : i32
        %dma_wait3A_329 = tpu.memref_slice %arg12[%dma_wait3A_328] : memref<256xi32, #tpu.memory_space<vmem>> -> memref<16xi32, #tpu.memory_space<vmem>>
        %dma_wait3A_330 = tpu.memref_slice %arg16[%multiple_of3A_217] : memref<6400xi32, #tpu.memory_space<vmem_shared>> -> memref<16xi32, #tpu.memory_space<vmem_shared>>
        %dma_wait3A_331 = arith.constant 192 : i32
        %dma_wait3A_332 = tpu.memref_slice %arg12[%dma_wait3A_331] : memref<256xi32, #tpu.memory_space<vmem>> -> memref<16xi32, #tpu.memory_space<vmem>>
        %dma_wait3A_333 = tpu.memref_slice %arg16[%multiple_of3A_217] : memref<6400xi32, #tpu.memory_space<vmem_shared>> -> memref<16xi32, #tpu.memory_space<vmem_shared>>
        tpu.wait_dma2 semaphore(%arg18 : memref<!tpu.dma_semaphore, #tpu.memory_space<semaphore_mem>>) src(%dma_wait3A_333 : memref<16xi32, #tpu.memory_space<vmem_shared>>) dst(%dma_wait3A_332 : memref<16xi32, #tpu.memory_space<vmem>>)
        %dma_wait3A_334 = arith.constant 208 : i32
        %dma_wait3A_335 = tpu.memref_slice %arg12[%dma_wait3A_334] : memref<256xi32, #tpu.memory_space<vmem>> -> memref<16xi32, #tpu.memory_space<vmem>>
        %dma_wait3A_336 = tpu.memref_slice %arg16[%multiple_of3A_228] : memref<6400xi32, #tpu.memory_space<vmem_shared>> -> memref<16xi32, #tpu.memory_space<vmem_shared>>
        %dma_wait3A_337 = arith.constant 208 : i32
        %dma_wait3A_338 = tpu.memref_slice %arg12[%dma_wait3A_337] : memref<256xi32, #tpu.memory_space<vmem>> -> memref<16xi32, #tpu.memory_space<vmem>>
        %dma_wait3A_339 = tpu.memref_slice %arg16[%multiple_of3A_228] : memref<6400xi32, #tpu.memory_space<vmem_shared>> -> memref<16xi32, #tpu.memory_space<vmem_shared>>
        tpu.wait_dma2 semaphore(%arg18 : memref<!tpu.dma_semaphore, #tpu.memory_space<semaphore_mem>>) src(%dma_wait3A_339 : memref<16xi32, #tpu.memory_space<vmem_shared>>) dst(%dma_wait3A_338 : memref<16xi32, #tpu.memory_space<vmem>>)
        %dma_wait3A_340 = arith.constant 224 : i32
        %dma_wait3A_341 = tpu.memref_slice %arg12[%dma_wait3A_340] : memref<256xi32, #tpu.memory_space<vmem>> -> memref<16xi32, #tpu.memory_space<vmem>>
        %dma_wait3A_342 = tpu.memref_slice %arg16[%multiple_of3A_239] : memref<6400xi32, #tpu.memory_space<vmem_shared>> -> memref<16xi32, #tpu.memory_space<vmem_shared>>
        %dma_wait3A_343 = arith.constant 224 : i32
        %dma_wait3A_344 = tpu.memref_slice %arg12[%dma_wait3A_343] : memref<256xi32, #tpu.memory_space<vmem>> -> memref<16xi32, #tpu.memory_space<vmem>>
        %dma_wait3A_345 = tpu.memref_slice %arg16[%multiple_of3A_239] : memref<6400xi32, #tpu.memory_space<vmem_shared>> -> memref<16xi32, #tpu.memory_space<vmem_shared>>
        tpu.wait_dma2 semaphore(%arg18 : memref<!tpu.dma_semaphore, #tpu.memory_space<semaphore_mem>>) src(%dma_wait3A_345 : memref<16xi32, #tpu.memory_space<vmem_shared>>) dst(%dma_wait3A_344 : memref<16xi32, #tpu.memory_space<vmem>>)
        %dma_wait3A_346 = arith.constant 240 : i32
        %dma_wait3A_347 = tpu.memref_slice %arg12[%dma_wait3A_346] : memref<256xi32, #tpu.memory_space<vmem>> -> memref<16xi32, #tpu.memory_space<vmem>>
        %dma_wait3A_348 = tpu.memref_slice %arg16[%multiple_of3A_250] : memref<6400xi32, #tpu.memory_space<vmem_shared>> -> memref<16xi32, #tpu.memory_space<vmem_shared>>
        %dma_wait3A_349 = arith.constant 240 : i32
        %dma_wait3A_350 = tpu.memref_slice %arg12[%dma_wait3A_349] : memref<256xi32, #tpu.memory_space<vmem>> -> memref<16xi32, #tpu.memory_space<vmem>>
        %dma_wait3A_351 = tpu.memref_slice %arg16[%multiple_of3A_250] : memref<6400xi32, #tpu.memory_space<vmem_shared>> -> memref<16xi32, #tpu.memory_space<vmem_shared>>
        tpu.wait_dma2 semaphore(%arg18 : memref<!tpu.dma_semaphore, #tpu.memory_space<semaphore_mem>>) src(%dma_wait3A_351 : memref<16xi32, #tpu.memory_space<vmem_shared>>) dst(%dma_wait3A_350 : memref<16xi32, #tpu.memory_space<vmem>>)
        %and3A_352 = arith.constant 7 : i32
        %and3A_353 = arith.andi %add3A, %and3A_352 : i32
        %mul3A_354 = arith.constant 16 : i32
        %mul3A_355 = vector.broadcast %mul3A_354 : i32 to vector<16xi32>
        %mul3A_356 = arith.muli %iota3A, %mul3A_355 : vector<16xi32>
        %add3A_357 = vector.broadcast %and3A_353 : i32 to vector<16xi32>
        %add3A_358 = arith.addi %mul3A_356, %add3A_357 : vector<16xi32>
        %gather3A = tpu.vector_load_idx %arg12[%add3A_358] : memref<256xi32, #tpu.memory_space<vmem>>[vector<16xi32>], vector<16xi32>,
        %mul3A_359 = arith.constant 16 : i32
        %mul3A_360 = vector.broadcast %mul3A_359 : i32 to vector<16xi32>
        %mul3A_361 = arith.muli %iota3A, %mul3A_360 : vector<16xi32>
        %add3A_362 = vector.broadcast %and3A_353 : i32 to vector<16xi32>
        %add3A_363 = arith.addi %mul3A_361, %add3A_362 : vector<16xi32>
        %add3A_364 = arith.constant 1 : i32
        %add3A_365 = vector.broadcast %add3A_364 : i32 to vector<16xi32>
        %add3A_366 = arith.addi %add3A_363, %add3A_365 : vector<16xi32>
        %gather3A_367 = tpu.vector_load_idx %arg12[%add3A_366] : memref<256xi32, #tpu.memory_space<vmem>>[vector<16xi32>], vector<16xi32>,
        %and3A_368 = arith.constant -8 : i32
        %and3A_369 = vector.broadcast %and3A_368 : i32 to vector<16xi32>
        %and3A_370 = arith.andi %gather3A, %and3A_369 : vector<16xi32>
        %slice3A = vector.extract_strided_slice %and3A_370 {offsets = [0], sizes = [1], strides = [1]} : vector<16xi32> to vector<1xi32>
        %squeeze3A = vector.extract %slice3A[0] : i32 from vector<1xi32>
        %add3A_371 = arith.constant 0 : i32
        %add3A_372 = arith.addi %add3A_371, %squeeze3A : i32
        %multiple_of3A_373 = tpu.assume_multiple %add3A_372, 8 : i32
        %dma_start3A_374 = arith.constant 0 : i32
        %dma_start3A_375 = tpu.memref_slice %arg13[%dma_start3A_374] : memref<2048xi32, #tpu.memory_space<vmem>> -> memref<128xi32, #tpu.memory_space<vmem>>
        %dma_start3A_376 = tpu.memref_slice %arg15[%multiple_of3A_373] : memref<800768xi32, #tpu.memory_space<vmem_shared>> -> memref<128xi32, #tpu.memory_space<vmem_shared>>
        %dma_start3A_377 = arith.constant 0 : i32
        %dma_start3A_378 = tpu.memref_slice %arg13[%dma_start3A_377] : memref<2048xi32, #tpu.memory_space<vmem>> -> memref<128xi32, #tpu.memory_space<vmem>>
        %dma_start3A_379 = tpu.memref_slice %arg15[%multiple_of3A_373] : memref<800768xi32, #tpu.memory_space<vmem_shared>> -> memref<128xi32, #tpu.memory_space<vmem_shared>>
        tpu.enqueue_dma source(%dma_start3A_379 : memref<128xi32, #tpu.memory_space<vmem_shared>>) target(%dma_start3A_378 : memref<128xi32, #tpu.memory_space<vmem>>) target_semaphore(%arg18 : memref<!tpu.dma_semaphore, #tpu.memory_space<semaphore_mem>>)
        %slice3A_380 = vector.extract_strided_slice %and3A_370 {offsets = [1], sizes = [1], strides = [1]} : vector<16xi32> to vector<1xi32>
        %squeeze3A_381 = vector.extract %slice3A_380[0] : i32 from vector<1xi32>
        %add3A_382 = arith.constant 50048 : i32
        %add3A_383 = arith.addi %add3A_382, %squeeze3A_381 : i32
        %multiple_of3A_384 = tpu.assume_multiple %add3A_383, 8 : i32
        %dma_start3A_385 = arith.constant 128 : i32
        %dma_start3A_386 = tpu.memref_slice %arg13[%dma_start3A_385] : memref<2048xi32, #tpu.memory_space<vmem>> -> memref<128xi32, #tpu.memory_space<vmem>>
        %dma_start3A_387 = tpu.memref_slice %arg15[%multiple_of3A_384] : memref<800768xi32, #tpu.memory_space<vmem_shared>> -> memref<128xi32, #tpu.memory_space<vmem_shared>>
        %dma_start3A_388 = arith.constant 128 : i32
        %dma_start3A_389 = tpu.memref_slice %arg13[%dma_start3A_388] : memref<2048xi32, #tpu.memory_space<vmem>> -> memref<128xi32, #tpu.memory_space<vmem>>
        %dma_start3A_390 = tpu.memref_slice %arg15[%multiple_of3A_384] : memref<800768xi32, #tpu.memory_space<vmem_shared>> -> memref<128xi32, #tpu.memory_space<vmem_shared>>
        tpu.enqueue_dma source(%dma_start3A_390 : memref<128xi32, #tpu.memory_space<vmem_shared>>) target(%dma_start3A_389 : memref<128xi32, #tpu.memory_space<vmem>>) target_semaphore(%arg18 : memref<!tpu.dma_semaphore, #tpu.memory_space<semaphore_mem>>)
        %slice3A_391 = vector.extract_strided_slice %and3A_370 {offsets = [2], sizes = [1], strides = [1]} : vector<16xi32> to vector<1xi32>
        %squeeze3A_392 = vector.extract %slice3A_391[0] : i32 from vector<1xi32>
        %add3A_393 = arith.constant 100096 : i32
        %add3A_394 = arith.addi %add3A_393, %squeeze3A_392 : i32
        %multiple_of3A_395 = tpu.assume_multiple %add3A_394, 8 : i32
        %dma_start3A_396 = arith.constant 256 : i32
        %dma_start3A_397 = tpu.memref_slice %arg13[%dma_start3A_396] : memref<2048xi32, #tpu.memory_space<vmem>> -> memref<128xi32, #tpu.memory_space<vmem>>
        %dma_start3A_398 = tpu.memref_slice %arg15[%multiple_of3A_395] : memref<800768xi32, #tpu.memory_space<vmem_shared>> -> memref<128xi32, #tpu.memory_space<vmem_shared>>
        %dma_start3A_399 = arith.constant 256 : i32
        %dma_start3A_400 = tpu.memref_slice %arg13[%dma_start3A_399] : memref<2048xi32, #tpu.memory_space<vmem>> -> memref<128xi32, #tpu.memory_space<vmem>>
        %dma_start3A_401 = tpu.memref_slice %arg15[%multiple_of3A_395] : memref<800768xi32, #tpu.memory_space<vmem_shared>> -> memref<128xi32, #tpu.memory_space<vmem_shared>>
        tpu.enqueue_dma source(%dma_start3A_401 : memref<128xi32, #tpu.memory_space<vmem_shared>>) target(%dma_start3A_400 : memref<128xi32, #tpu.memory_space<vmem>>) target_semaphore(%arg18 : memref<!tpu.dma_semaphore, #tpu.memory_space<semaphore_mem>>)
        %slice3A_402 = vector.extract_strided_slice %and3A_370 {offsets = [3], sizes = [1], strides = [1]} : vector<16xi32> to vector<1xi32>
        %squeeze3A_403 = vector.extract %slice3A_402[0] : i32 from vector<1xi32>
        %add3A_404 = arith.constant 150144 : i32
        %add3A_405 = arith.addi %add3A_404, %squeeze3A_403 : i32
        %multiple_of3A_406 = tpu.assume_multiple %add3A_405, 8 : i32
        %dma_start3A_407 = arith.constant 384 : i32
        %dma_start3A_408 = tpu.memref_slice %arg13[%dma_start3A_407] : memref<2048xi32, #tpu.memory_space<vmem>> -> memref<128xi32, #tpu.memory_space<vmem>>
        %dma_start3A_409 = tpu.memref_slice %arg15[%multiple_of3A_406] : memref<800768xi32, #tpu.memory_space<vmem_shared>> -> memref<128xi32, #tpu.memory_space<vmem_shared>>
        %dma_start3A_410 = arith.constant 384 : i32
        %dma_start3A_411 = tpu.memref_slice %arg13[%dma_start3A_410] : memref<2048xi32, #tpu.memory_space<vmem>> -> memref<128xi32, #tpu.memory_space<vmem>>
        %dma_start3A_412 = tpu.memref_slice %arg15[%multiple_of3A_406] : memref<800768xi32, #tpu.memory_space<vmem_shared>> -> memref<128xi32, #tpu.memory_space<vmem_shared>>
        tpu.enqueue_dma source(%dma_start3A_412 : memref<128xi32, #tpu.memory_space<vmem_shared>>) target(%dma_start3A_411 : memref<128xi32, #tpu.memory_space<vmem>>) target_semaphore(%arg18 : memref<!tpu.dma_semaphore, #tpu.memory_space<semaphore_mem>>)
        %slice3A_413 = vector.extract_strided_slice %and3A_370 {offsets = [4], sizes = [1], strides = [1]} : vector<16xi32> to vector<1xi32>
        %squeeze3A_414 = vector.extract %slice3A_413[0] : i32 from vector<1xi32>
        %add3A_415 = arith.constant 200192 : i32
        %add3A_416 = arith.addi %add3A_415, %squeeze3A_414 : i32
        %multiple_of3A_417 = tpu.assume_multiple %add3A_416, 8 : i32
        %dma_start3A_418 = arith.constant 512 : i32
        %dma_start3A_419 = tpu.memref_slice %arg13[%dma_start3A_418] : memref<2048xi32, #tpu.memory_space<vmem>> -> memref<128xi32, #tpu.memory_space<vmem>>
        %dma_start3A_420 = tpu.memref_slice %arg15[%multiple_of3A_417] : memref<800768xi32, #tpu.memory_space<vmem_shared>> -> memref<128xi32, #tpu.memory_space<vmem_shared>>
        %dma_start3A_421 = arith.constant 512 : i32
        %dma_start3A_422 = tpu.memref_slice %arg13[%dma_start3A_421] : memref<2048xi32, #tpu.memory_space<vmem>> -> memref<128xi32, #tpu.memory_space<vmem>>
        %dma_start3A_423 = tpu.memref_slice %arg15[%multiple_of3A_417] : memref<800768xi32, #tpu.memory_space<vmem_shared>> -> memref<128xi32, #tpu.memory_space<vmem_shared>>
        tpu.enqueue_dma source(%dma_start3A_423 : memref<128xi32, #tpu.memory_space<vmem_shared>>) target(%dma_start3A_422 : memref<128xi32, #tpu.memory_space<vmem>>) target_semaphore(%arg18 : memref<!tpu.dma_semaphore, #tpu.memory_space<semaphore_mem>>)
        %slice3A_424 = vector.extract_strided_slice %and3A_370 {offsets = [5], sizes = [1], strides = [1]} : vector<16xi32> to vector<1xi32>
        %squeeze3A_425 = vector.extract %slice3A_424[0] : i32 from vector<1xi32>
        %add3A_426 = arith.constant 250240 : i32
        %add3A_427 = arith.addi %add3A_426, %squeeze3A_425 : i32
        %multiple_of3A_428 = tpu.assume_multiple %add3A_427, 8 : i32
        %dma_start3A_429 = arith.constant 640 : i32
        %dma_start3A_430 = tpu.memref_slice %arg13[%dma_start3A_429] : memref<2048xi32, #tpu.memory_space<vmem>> -> memref<128xi32, #tpu.memory_space<vmem>>
        %dma_start3A_431 = tpu.memref_slice %arg15[%multiple_of3A_428] : memref<800768xi32, #tpu.memory_space<vmem_shared>> -> memref<128xi32, #tpu.memory_space<vmem_shared>>
        %dma_start3A_432 = arith.constant 640 : i32
        %dma_start3A_433 = tpu.memref_slice %arg13[%dma_start3A_432] : memref<2048xi32, #tpu.memory_space<vmem>> -> memref<128xi32, #tpu.memory_space<vmem>>
        %dma_start3A_434 = tpu.memref_slice %arg15[%multiple_of3A_428] : memref<800768xi32, #tpu.memory_space<vmem_shared>> -> memref<128xi32, #tpu.memory_space<vmem_shared>>
        tpu.enqueue_dma source(%dma_start3A_434 : memref<128xi32, #tpu.memory_space<vmem_shared>>) target(%dma_start3A_433 : memref<128xi32, #tpu.memory_space<vmem>>) target_semaphore(%arg18 : memref<!tpu.dma_semaphore, #tpu.memory_space<semaphore_mem>>)
        %slice3A_435 = vector.extract_strided_slice %and3A_370 {offsets = [6], sizes = [1], strides = [1]} : vector<16xi32> to vector<1xi32>
        %squeeze3A_436 = vector.extract %slice3A_435[0] : i32 from vector<1xi32>
        %add3A_437 = arith.constant 300288 : i32
        %add3A_438 = arith.addi %add3A_437, %squeeze3A_436 : i32
        %multiple_of3A_439 = tpu.assume_multiple %add3A_438, 8 : i32
        %dma_start3A_440 = arith.constant 768 : i32
        %dma_start3A_441 = tpu.memref_slice %arg13[%dma_start3A_440] : memref<2048xi32, #tpu.memory_space<vmem>> -> memref<128xi32, #tpu.memory_space<vmem>>
        %dma_start3A_442 = tpu.memref_slice %arg15[%multiple_of3A_439] : memref<800768xi32, #tpu.memory_space<vmem_shared>> -> memref<128xi32, #tpu.memory_space<vmem_shared>>
        %dma_start3A_443 = arith.constant 768 : i32
        %dma_start3A_444 = tpu.memref_slice %arg13[%dma_start3A_443] : memref<2048xi32, #tpu.memory_space<vmem>> -> memref<128xi32, #tpu.memory_space<vmem>>
        %dma_start3A_445 = tpu.memref_slice %arg15[%multiple_of3A_439] : memref<800768xi32, #tpu.memory_space<vmem_shared>> -> memref<128xi32, #tpu.memory_space<vmem_shared>>
        tpu.enqueue_dma source(%dma_start3A_445 : memref<128xi32, #tpu.memory_space<vmem_shared>>) target(%dma_start3A_444 : memref<128xi32, #tpu.memory_space<vmem>>) target_semaphore(%arg18 : memref<!tpu.dma_semaphore, #tpu.memory_space<semaphore_mem>>)
        %slice3A_446 = vector.extract_strided_slice %and3A_370 {offsets = [7], sizes = [1], strides = [1]} : vector<16xi32> to vector<1xi32>
        %squeeze3A_447 = vector.extract %slice3A_446[0] : i32 from vector<1xi32>
        %add3A_448 = arith.constant 350336 : i32
        %add3A_449 = arith.addi %add3A_448, %squeeze3A_447 : i32
        %multiple_of3A_450 = tpu.assume_multiple %add3A_449, 8 : i32
        %dma_start3A_451 = arith.constant 896 : i32
        %dma_start3A_452 = tpu.memref_slice %arg13[%dma_start3A_451] : memref<2048xi32, #tpu.memory_space<vmem>> -> memref<128xi32, #tpu.memory_space<vmem>>
        %dma_start3A_453 = tpu.memref_slice %arg15[%multiple_of3A_450] : memref<800768xi32, #tpu.memory_space<vmem_shared>> -> memref<128xi32, #tpu.memory_space<vmem_shared>>
        %dma_start3A_454 = arith.constant 896 : i32
        %dma_start3A_455 = tpu.memref_slice %arg13[%dma_start3A_454] : memref<2048xi32, #tpu.memory_space<vmem>> -> memref<128xi32, #tpu.memory_space<vmem>>
        %dma_start3A_456 = tpu.memref_slice %arg15[%multiple_of3A_450] : memref<800768xi32, #tpu.memory_space<vmem_shared>> -> memref<128xi32, #tpu.memory_space<vmem_shared>>
        tpu.enqueue_dma source(%dma_start3A_456 : memref<128xi32, #tpu.memory_space<vmem_shared>>) target(%dma_start3A_455 : memref<128xi32, #tpu.memory_space<vmem>>) target_semaphore(%arg18 : memref<!tpu.dma_semaphore, #tpu.memory_space<semaphore_mem>>)
        %slice3A_457 = vector.extract_strided_slice %and3A_370 {offsets = [8], sizes = [1], strides = [1]} : vector<16xi32> to vector<1xi32>
        %squeeze3A_458 = vector.extract %slice3A_457[0] : i32 from vector<1xi32>
        %add3A_459 = arith.constant 400384 : i32
        %add3A_460 = arith.addi %add3A_459, %squeeze3A_458 : i32
        %multiple_of3A_461 = tpu.assume_multiple %add3A_460, 8 : i32
        %dma_start3A_462 = arith.constant 1024 : i32
        %dma_start3A_463 = tpu.memref_slice %arg13[%dma_start3A_462] : memref<2048xi32, #tpu.memory_space<vmem>> -> memref<128xi32, #tpu.memory_space<vmem>>
        %dma_start3A_464 = tpu.memref_slice %arg15[%multiple_of3A_461] : memref<800768xi32, #tpu.memory_space<vmem_shared>> -> memref<128xi32, #tpu.memory_space<vmem_shared>>
        %dma_start3A_465 = arith.constant 1024 : i32
        %dma_start3A_466 = tpu.memref_slice %arg13[%dma_start3A_465] : memref<2048xi32, #tpu.memory_space<vmem>> -> memref<128xi32, #tpu.memory_space<vmem>>
        %dma_start3A_467 = tpu.memref_slice %arg15[%multiple_of3A_461] : memref<800768xi32, #tpu.memory_space<vmem_shared>> -> memref<128xi32, #tpu.memory_space<vmem_shared>>
        tpu.enqueue_dma source(%dma_start3A_467 : memref<128xi32, #tpu.memory_space<vmem_shared>>) target(%dma_start3A_466 : memref<128xi32, #tpu.memory_space<vmem>>) target_semaphore(%arg18 : memref<!tpu.dma_semaphore, #tpu.memory_space<semaphore_mem>>)
        %slice3A_468 = vector.extract_strided_slice %and3A_370 {offsets = [9], sizes = [1], strides = [1]} : vector<16xi32> to vector<1xi32>
        %squeeze3A_469 = vector.extract %slice3A_468[0] : i32 from vector<1xi32>
        %add3A_470 = arith.constant 450432 : i32
        %add3A_471 = arith.addi %add3A_470, %squeeze3A_469 : i32
        %multiple_of3A_472 = tpu.assume_multiple %add3A_471, 8 : i32
        %dma_start3A_473 = arith.constant 1152 : i32
        %dma_start3A_474 = tpu.memref_slice %arg13[%dma_start3A_473] : memref<2048xi32, #tpu.memory_space<vmem>> -> memref<128xi32, #tpu.memory_space<vmem>>
        %dma_start3A_475 = tpu.memref_slice %arg15[%multiple_of3A_472] : memref<800768xi32, #tpu.memory_space<vmem_shared>> -> memref<128xi32, #tpu.memory_space<vmem_shared>>
        %dma_start3A_476 = arith.constant 1152 : i32
        %dma_start3A_477 = tpu.memref_slice %arg13[%dma_start3A_476] : memref<2048xi32, #tpu.memory_space<vmem>> -> memref<128xi32, #tpu.memory_space<vmem>>
        %dma_start3A_478 = tpu.memref_slice %arg15[%multiple_of3A_472] : memref<800768xi32, #tpu.memory_space<vmem_shared>> -> memref<128xi32, #tpu.memory_space<vmem_shared>>
        tpu.enqueue_dma source(%dma_start3A_478 : memref<128xi32, #tpu.memory_space<vmem_shared>>) target(%dma_start3A_477 : memref<128xi32, #tpu.memory_space<vmem>>) target_semaphore(%arg18 : memref<!tpu.dma_semaphore, #tpu.memory_space<semaphore_mem>>)
        %slice3A_479 = vector.extract_strided_slice %and3A_370 {offsets = [10], sizes = [1], strides = [1]} : vector<16xi32> to vector<1xi32>
        %squeeze3A_480 = vector.extract %slice3A_479[0] : i32 from vector<1xi32>
        %add3A_481 = arith.constant 500480 : i32
        %add3A_482 = arith.addi %add3A_481, %squeeze3A_480 : i32
        %multiple_of3A_483 = tpu.assume_multiple %add3A_482, 8 : i32
        %dma_start3A_484 = arith.constant 1280 : i32
        %dma_start3A_485 = tpu.memref_slice %arg13[%dma_start3A_484] : memref<2048xi32, #tpu.memory_space<vmem>> -> memref<128xi32, #tpu.memory_space<vmem>>
        %dma_start3A_486 = tpu.memref_slice %arg15[%multiple_of3A_483] : memref<800768xi32, #tpu.memory_space<vmem_shared>> -> memref<128xi32, #tpu.memory_space<vmem_shared>>
        %dma_start3A_487 = arith.constant 1280 : i32
        %dma_start3A_488 = tpu.memref_slice %arg13[%dma_start3A_487] : memref<2048xi32, #tpu.memory_space<vmem>> -> memref<128xi32, #tpu.memory_space<vmem>>
        %dma_start3A_489 = tpu.memref_slice %arg15[%multiple_of3A_483] : memref<800768xi32, #tpu.memory_space<vmem_shared>> -> memref<128xi32, #tpu.memory_space<vmem_shared>>
        tpu.enqueue_dma source(%dma_start3A_489 : memref<128xi32, #tpu.memory_space<vmem_shared>>) target(%dma_start3A_488 : memref<128xi32, #tpu.memory_space<vmem>>) target_semaphore(%arg18 : memref<!tpu.dma_semaphore, #tpu.memory_space<semaphore_mem>>)
        %slice3A_490 = vector.extract_strided_slice %and3A_370 {offsets = [11], sizes = [1], strides = [1]} : vector<16xi32> to vector<1xi32>
        %squeeze3A_491 = vector.extract %slice3A_490[0] : i32 from vector<1xi32>
        %add3A_492 = arith.constant 550528 : i32
        %add3A_493 = arith.addi %add3A_492, %squeeze3A_491 : i32
        %multiple_of3A_494 = tpu.assume_multiple %add3A_493, 8 : i32
        %dma_start3A_495 = arith.constant 1408 : i32
        %dma_start3A_496 = tpu.memref_slice %arg13[%dma_start3A_495] : memref<2048xi32, #tpu.memory_space<vmem>> -> memref<128xi32, #tpu.memory_space<vmem>>
        %dma_start3A_497 = tpu.memref_slice %arg15[%multiple_of3A_494] : memref<800768xi32, #tpu.memory_space<vmem_shared>> -> memref<128xi32, #tpu.memory_space<vmem_shared>>
        %dma_start3A_498 = arith.constant 1408 : i32
        %dma_start3A_499 = tpu.memref_slice %arg13[%dma_start3A_498] : memref<2048xi32, #tpu.memory_space<vmem>> -> memref<128xi32, #tpu.memory_space<vmem>>
        %dma_start3A_500 = tpu.memref_slice %arg15[%multiple_of3A_494] : memref<800768xi32, #tpu.memory_space<vmem_shared>> -> memref<128xi32, #tpu.memory_space<vmem_shared>>
        tpu.enqueue_dma source(%dma_start3A_500 : memref<128xi32, #tpu.memory_space<vmem_shared>>) target(%dma_start3A_499 : memref<128xi32, #tpu.memory_space<vmem>>) target_semaphore(%arg18 : memref<!tpu.dma_semaphore, #tpu.memory_space<semaphore_mem>>)
        %slice3A_501 = vector.extract_strided_slice %and3A_370 {offsets = [12], sizes = [1], strides = [1]} : vector<16xi32> to vector<1xi32>
        %squeeze3A_502 = vector.extract %slice3A_501[0] : i32 from vector<1xi32>
        %add3A_503 = arith.constant 600576 : i32
        %add3A_504 = arith.addi %add3A_503, %squeeze3A_502 : i32
        %multiple_of3A_505 = tpu.assume_multiple %add3A_504, 8 : i32
        %dma_start3A_506 = arith.constant 1536 : i32
        %dma_start3A_507 = tpu.memref_slice %arg13[%dma_start3A_506] : memref<2048xi32, #tpu.memory_space<vmem>> -> memref<128xi32, #tpu.memory_space<vmem>>
        %dma_start3A_508 = tpu.memref_slice %arg15[%multiple_of3A_505] : memref<800768xi32, #tpu.memory_space<vmem_shared>> -> memref<128xi32, #tpu.memory_space<vmem_shared>>
        %dma_start3A_509 = arith.constant 1536 : i32
        %dma_start3A_510 = tpu.memref_slice %arg13[%dma_start3A_509] : memref<2048xi32, #tpu.memory_space<vmem>> -> memref<128xi32, #tpu.memory_space<vmem>>
        %dma_start3A_511 = tpu.memref_slice %arg15[%multiple_of3A_505] : memref<800768xi32, #tpu.memory_space<vmem_shared>> -> memref<128xi32, #tpu.memory_space<vmem_shared>>
        tpu.enqueue_dma source(%dma_start3A_511 : memref<128xi32, #tpu.memory_space<vmem_shared>>) target(%dma_start3A_510 : memref<128xi32, #tpu.memory_space<vmem>>) target_semaphore(%arg18 : memref<!tpu.dma_semaphore, #tpu.memory_space<semaphore_mem>>)
        %slice3A_512 = vector.extract_strided_slice %and3A_370 {offsets = [13], sizes = [1], strides = [1]} : vector<16xi32> to vector<1xi32>
        %squeeze3A_513 = vector.extract %slice3A_512[0] : i32 from vector<1xi32>
        %add3A_514 = arith.constant 650624 : i32
        %add3A_515 = arith.addi %add3A_514, %squeeze3A_513 : i32
        %multiple_of3A_516 = tpu.assume_multiple %add3A_515, 8 : i32
        %dma_start3A_517 = arith.constant 1664 : i32
        %dma_start3A_518 = tpu.memref_slice %arg13[%dma_start3A_517] : memref<2048xi32, #tpu.memory_space<vmem>> -> memref<128xi32, #tpu.memory_space<vmem>>
        %dma_start3A_519 = tpu.memref_slice %arg15[%multiple_of3A_516] : memref<800768xi32, #tpu.memory_space<vmem_shared>> -> memref<128xi32, #tpu.memory_space<vmem_shared>>
        %dma_start3A_520 = arith.constant 1664 : i32
        %dma_start3A_521 = tpu.memref_slice %arg13[%dma_start3A_520] : memref<2048xi32, #tpu.memory_space<vmem>> -> memref<128xi32, #tpu.memory_space<vmem>>
        %dma_start3A_522 = tpu.memref_slice %arg15[%multiple_of3A_516] : memref<800768xi32, #tpu.memory_space<vmem_shared>> -> memref<128xi32, #tpu.memory_space<vmem_shared>>
        tpu.enqueue_dma source(%dma_start3A_522 : memref<128xi32, #tpu.memory_space<vmem_shared>>) target(%dma_start3A_521 : memref<128xi32, #tpu.memory_space<vmem>>) target_semaphore(%arg18 : memref<!tpu.dma_semaphore, #tpu.memory_space<semaphore_mem>>)
        %slice3A_523 = vector.extract_strided_slice %and3A_370 {offsets = [14], sizes = [1], strides = [1]} : vector<16xi32> to vector<1xi32>
        %squeeze3A_524 = vector.extract %slice3A_523[0] : i32 from vector<1xi32>
        %add3A_525 = arith.constant 700672 : i32
        %add3A_526 = arith.addi %add3A_525, %squeeze3A_524 : i32
        %multiple_of3A_527 = tpu.assume_multiple %add3A_526, 8 : i32
        %dma_start3A_528 = arith.constant 1792 : i32
        %dma_start3A_529 = tpu.memref_slice %arg13[%dma_start3A_528] : memref<2048xi32, #tpu.memory_space<vmem>> -> memref<128xi32, #tpu.memory_space<vmem>>
        %dma_start3A_530 = tpu.memref_slice %arg15[%multiple_of3A_527] : memref<800768xi32, #tpu.memory_space<vmem_shared>> -> memref<128xi32, #tpu.memory_space<vmem_shared>>
        %dma_start3A_531 = arith.constant 1792 : i32
        %dma_start3A_532 = tpu.memref_slice %arg13[%dma_start3A_531] : memref<2048xi32, #tpu.memory_space<vmem>> -> memref<128xi32, #tpu.memory_space<vmem>>
        %dma_start3A_533 = tpu.memref_slice %arg15[%multiple_of3A_527] : memref<800768xi32, #tpu.memory_space<vmem_shared>> -> memref<128xi32, #tpu.memory_space<vmem_shared>>
        tpu.enqueue_dma source(%dma_start3A_533 : memref<128xi32, #tpu.memory_space<vmem_shared>>) target(%dma_start3A_532 : memref<128xi32, #tpu.memory_space<vmem>>) target_semaphore(%arg18 : memref<!tpu.dma_semaphore, #tpu.memory_space<semaphore_mem>>)
        %slice3A_534 = vector.extract_strided_slice %and3A_370 {offsets = [15], sizes = [1], strides = [1]} : vector<16xi32> to vector<1xi32>
        %squeeze3A_535 = vector.extract %slice3A_534[0] : i32 from vector<1xi32>
        %add3A_536 = arith.constant 750720 : i32
        %add3A_537 = arith.addi %add3A_536, %squeeze3A_535 : i32
        %multiple_of3A_538 = tpu.assume_multiple %add3A_537, 8 : i32
        %dma_start3A_539 = arith.constant 1920 : i32
        %dma_start3A_540 = tpu.memref_slice %arg13[%dma_start3A_539] : memref<2048xi32, #tpu.memory_space<vmem>> -> memref<128xi32, #tpu.memory_space<vmem>>
        %dma_start3A_541 = tpu.memref_slice %arg15[%multiple_of3A_538] : memref<800768xi32, #tpu.memory_space<vmem_shared>> -> memref<128xi32, #tpu.memory_space<vmem_shared>>
        %dma_start3A_542 = arith.constant 1920 : i32
        %dma_start3A_543 = tpu.memref_slice %arg13[%dma_start3A_542] : memref<2048xi32, #tpu.memory_space<vmem>> -> memref<128xi32, #tpu.memory_space<vmem>>
        %dma_start3A_544 = tpu.memref_slice %arg15[%multiple_of3A_538] : memref<800768xi32, #tpu.memory_space<vmem_shared>> -> memref<128xi32, #tpu.memory_space<vmem_shared>>
        tpu.enqueue_dma source(%dma_start3A_544 : memref<128xi32, #tpu.memory_space<vmem_shared>>) target(%dma_start3A_543 : memref<128xi32, #tpu.memory_space<vmem>>) target_semaphore(%arg18 : memref<!tpu.dma_semaphore, #tpu.memory_space<semaphore_mem>>)
        %dma_wait3A_545 = arith.constant 0 : i32
        %dma_wait3A_546 = tpu.memref_slice %arg13[%dma_wait3A_545] : memref<2048xi32, #tpu.memory_space<vmem>> -> memref<128xi32, #tpu.memory_space<vmem>>
        %dma_wait3A_547 = tpu.memref_slice %arg15[%multiple_of3A_373] : memref<800768xi32, #tpu.memory_space<vmem_shared>> -> memref<128xi32, #tpu.memory_space<vmem_shared>>
        %dma_wait3A_548 = arith.constant 0 : i32
        %dma_wait3A_549 = tpu.memref_slice %arg13[%dma_wait3A_548] : memref<2048xi32, #tpu.memory_space<vmem>> -> memref<128xi32, #tpu.memory_space<vmem>>
        %dma_wait3A_550 = tpu.memref_slice %arg15[%multiple_of3A_373] : memref<800768xi32, #tpu.memory_space<vmem_shared>> -> memref<128xi32, #tpu.memory_space<vmem_shared>>
        tpu.wait_dma2 semaphore(%arg18 : memref<!tpu.dma_semaphore, #tpu.memory_space<semaphore_mem>>) src(%dma_wait3A_550 : memref<128xi32, #tpu.memory_space<vmem_shared>>) dst(%dma_wait3A_549 : memref<128xi32, #tpu.memory_space<vmem>>)
        %scan3A_551 = arith.constant 0 : i32
        %scan3A_552 = arith.constant 0 : i32
        %scan3A_553 = arith.constant 8 : i32
        %scan3A_554 = arith.addi %scan3A_552, %scan3A_553 : i32
        %scan3A_555 = arith.constant 1 : i32
        %scan3A_556 = scf.for %scan3A_1493 = %scan3A_552 to %scan3A_554 step %scan3A_555 iter_args(%scan3A_1494 = %scan3A_551) -> (i32)  : i32 {
          %mul3A_1495 = arith.constant 16 : i32
          %mul3A_1496 = arith.muli %scan3A_1493, %mul3A_1495 : i32
          %add3A_1497 = arith.constant 0 : i32
          %add3A_1498 = arith.addi %add3A_1497, %mul3A_1496 : i32
          %get3A = arith.index_cast %add3A_1498 : i32 to index
          %get3A_1499 = tpu.vector_load %arg13[%get3A] {strides = array<i32>} : memref<2048xi32, #tpu.memory_space<vmem>>, vector<16xi32>,
          %sub3A_1500 = vector.broadcast %shift_left3A_83 : i32 to vector<16xi32>
          %sub3A_1501 = arith.subi %get3A_1499, %sub3A_1500 : vector<16xi32>
          %ge3A = arith.constant 0 : i32
          %ge3A_1502 = vector.broadcast %ge3A : i32 to vector<16xi32>
          %ge3A_1503 = arith.cmpi sge, %sub3A_1501, %ge3A_1502 : vector<16xi32>
          %lt3A_1504 = arith.constant 8192 : i32
          %lt3A_1505 = vector.broadcast %lt3A_1504 : i32 to vector<16xi32>
          %lt3A_1506 = arith.cmpi slt, %sub3A_1501, %lt3A_1505 : vector<16xi32>
          %and3A_1507 = arith.andi %ge3A_1503, %lt3A_1506 : vector<16xi1>
          %jit3A_1508 = arith.constant 8192 : i32
          %broadcast_in_dim3A_1509 = vector.broadcast %jit3A_1508 : i32 to vector<16xi32>
          %select_n3A_1510 = arith.select %and3A_1507, %sub3A_1501, %broadcast_in_dim3A_1509 : vector<16xi1>, vector<16xi32>
          tpu.vector_store_idx %arg11[%select_n3A_1510], %broadcast_in_dim3A_0 {add = true} : memref<8208xf32, #tpu.memory_space<vmem>>[vector<16xi32>], vector<16xf32>,
          %scan3A_1511 = arith.constant 0 : i32
          scf.yield %scan3A_1511 : i32
        }
        %scan3A_557 = arith.constant 8 : i32
        %slice3A_558 = vector.extract_strided_slice %and3A_370 {offsets = [0], sizes = [1], strides = [1]} : vector<16xi32> to vector<1xi32>
        %squeeze3A_559 = vector.extract %slice3A_558[0] : i32 from vector<1xi32>
        %multiple_of3A_560 = tpu.assume_multiple %squeeze3A_559, 8 : i32
        %slice3A_561 = vector.extract_strided_slice %gather3A_367 {offsets = [0], sizes = [1], strides = [1]} : vector<16xi32> to vector<1xi32>
        %squeeze3A_562 = vector.extract %slice3A_561[0] : i32 from vector<1xi32>
        %sub3A = arith.subi %squeeze3A_562, %multiple_of3A_560 : i32
        %add3A_563 = arith.constant 128 : i32
        %add3A_564 = arith.addi %sub3A, %add3A_563 : i32
        %sub3A_565 = arith.constant 1 : i32
        %sub3A_566 = arith.subi %add3A_564, %sub3A_565 : i32
        %jit3A = arith.constant 128 : i32
        %div3A = arith.divsi %sub3A_566, %jit3A : i32
        %sign3A = arith.constant 0 : i32
        %sign3A_567 = arith.cmpi sgt, %sub3A_566, %sign3A : i32
        %sign3A_568 = arith.extui %sign3A_567 : i1 to i32
        %sign3A_569 = arith.constant 0 : i32
        %sign3A_570 = arith.cmpi slt, %sub3A_566, %sign3A_569 : i32
        %sign3A_571 = arith.extui %sign3A_570 : i1 to i32
        %sign3A_572 = arith.subi %sign3A_568, %sign3A_571 : i32
        %sign3A_573 = arith.constant 0 : i32
        %sign3A_574 = arith.cmpi sgt, %jit3A, %sign3A_573 : i32
        %sign3A_575 = arith.extui %sign3A_574 : i1 to i32
        %sign3A_576 = arith.constant 0 : i32
        %sign3A_577 = arith.cmpi slt, %jit3A, %sign3A_576 : i32
        %sign3A_578 = arith.extui %sign3A_577 : i1 to i32
        %sign3A_579 = arith.subi %sign3A_575, %sign3A_578 : i32
        %ne3A = arith.cmpi ne, %sign3A_572, %sign3A_579 : i32
        %rem3A = arith.remsi %sub3A_566, %jit3A : i32
        %ne3A_580 = arith.constant 0 : i32
        %ne3A_581 = arith.cmpi ne, %rem3A, %ne3A_580 : i32
        %and3A_582 = arith.andi %ne3A, %ne3A_581 : i1
        %sub3A_583 = arith.constant 1 : i32
        %sub3A_584 = arith.subi %div3A, %sub3A_583 : i32
        %select_n3A = arith.select %and3A_582, %sub3A_584, %div3A : i32
        %while3A = arith.constant 1 : i32
        %while3A_585 = arith.constant 0 : i32
        %while3A_586 = arith.subi %select_n3A, %while3A : i32
        %while3A_587 = arith.addi %while3A, %while3A_586 : i32
        %while3A_588 = arith.constant 1 : i32
        %while3A_589 = arith.divsi %while3A_586, %while3A_588 : i32
        %while3A_590 = arith.muli %while3A_589, %while3A_588 : i32
        %while3A_591 = arith.addi %while3A, %while3A_590 : i32
        %while3A_592 = arith.constant 1 : i32
        %while3A_593 = scf.for %while3A_1493 = %while3A to %while3A_591 step %while3A_592 iter_args(%while3A_1494 = %while3A_585) -> (i32)  : i32 {
          %add3A_1495 = arith.constant 0 : i32
          %add3A_1496 = arith.addi %add3A_1495, %multiple_of3A_560 : i32
          %mul3A_1497 = arith.constant 128 : i32
          %mul3A_1498 = arith.muli %while3A_1493, %mul3A_1497 : i32
          %add3A_1499 = arith.addi %add3A_1496, %mul3A_1498 : i32
          %multiple_of3A_1500 = tpu.assume_multiple %add3A_1499, 8 : i32
          "tpu.region"() ({
            %run_scoped3A = tpu.sem_alloc : memref<!tpu.dma_semaphore, #tpu.memory_space<semaphore_mem>>
            %dma_start3A_1509 = arith.constant 0 : i32
            %dma_start3A_1510 = tpu.memref_slice %arg13[%dma_start3A_1509] : memref<2048xi32, #tpu.memory_space<vmem>> -> memref<128xi32, #tpu.memory_space<vmem>>
            %dma_start3A_1511 = tpu.memref_slice %arg15[%multiple_of3A_1500] : memref<800768xi32, #tpu.memory_space<vmem_shared>> -> memref<128xi32, #tpu.memory_space<vmem_shared>>
            %dma_start3A_1512 = arith.constant 0 : i32
            %dma_start3A_1513 = tpu.memref_slice %arg13[%dma_start3A_1512] : memref<2048xi32, #tpu.memory_space<vmem>> -> memref<128xi32, #tpu.memory_space<vmem>>
            %dma_start3A_1514 = tpu.memref_slice %arg15[%multiple_of3A_1500] : memref<800768xi32, #tpu.memory_space<vmem_shared>> -> memref<128xi32, #tpu.memory_space<vmem_shared>>
            tpu.enqueue_dma source(%dma_start3A_1514 : memref<128xi32, #tpu.memory_space<vmem_shared>>) target(%dma_start3A_1513 : memref<128xi32, #tpu.memory_space<vmem>>) target_semaphore(%run_scoped3A : memref<!tpu.dma_semaphore, #tpu.memory_space<semaphore_mem>>)
            %dma_wait3A_1515 = arith.constant 0 : i32
            %dma_wait3A_1516 = tpu.memref_slice %arg13[%dma_wait3A_1515] : memref<2048xi32, #tpu.memory_space<vmem>> -> memref<128xi32, #tpu.memory_space<vmem>>
            %dma_wait3A_1517 = tpu.memref_slice %arg15[%multiple_of3A_1500] : memref<800768xi32, #tpu.memory_space<vmem_shared>> -> memref<128xi32, #tpu.memory_space<vmem_shared>>
            %dma_wait3A_1518 = arith.constant 0 : i32
            %dma_wait3A_1519 = tpu.memref_slice %arg13[%dma_wait3A_1518] : memref<2048xi32, #tpu.memory_space<vmem>> -> memref<128xi32, #tpu.memory_space<vmem>>
            %dma_wait3A_1520 = tpu.memref_slice %arg15[%multiple_of3A_1500] : memref<800768xi32, #tpu.memory_space<vmem_shared>> -> memref<128xi32, #tpu.memory_space<vmem_shared>>
            tpu.wait_dma2 semaphore(%run_scoped3A : memref<!tpu.dma_semaphore, #tpu.memory_space<semaphore_mem>>) src(%dma_wait3A_1520 : memref<128xi32, #tpu.memory_space<vmem_shared>>) dst(%dma_wait3A_1519 : memref<128xi32, #tpu.memory_space<vmem>>)
            tpu.yield
          }) : () -> ()
          %scan3A_1501 = arith.constant 0 : i32
          %scan3A_1502 = arith.constant 0 : i32
          %scan3A_1503 = arith.constant 8 : i32
          %scan3A_1504 = arith.addi %scan3A_1502, %scan3A_1503 : i32
          %scan3A_1505 = arith.constant 1 : i32
          %scan3A_1506 = scf.for %scan3A_1509 = %scan3A_1502 to %scan3A_1504 step %scan3A_1505 iter_args(%scan3A_1510 = %scan3A_1501) -> (i32)  : i32 {
            %mul3A_1511 = arith.constant 16 : i32
            %mul3A_1512 = arith.muli %scan3A_1509, %mul3A_1511 : i32
            %add3A_1513 = arith.constant 0 : i32
            %add3A_1514 = arith.addi %add3A_1513, %mul3A_1512 : i32
            %get3A = arith.index_cast %add3A_1514 : i32 to index
            %get3A_1515 = tpu.vector_load %arg13[%get3A] {strides = array<i32>} : memref<2048xi32, #tpu.memory_space<vmem>>, vector<16xi32>,
            %sub3A_1516 = vector.broadcast %shift_left3A_83 : i32 to vector<16xi32>
            %sub3A_1517 = arith.subi %get3A_1515, %sub3A_1516 : vector<16xi32>
            %ge3A = arith.constant 0 : i32
            %ge3A_1518 = vector.broadcast %ge3A : i32 to vector<16xi32>
            %ge3A_1519 = arith.cmpi sge, %sub3A_1517, %ge3A_1518 : vector<16xi32>
            %lt3A_1520 = arith.constant 8192 : i32
            %lt3A_1521 = vector.broadcast %lt3A_1520 : i32 to vector<16xi32>
            %lt3A_1522 = arith.cmpi slt, %sub3A_1517, %lt3A_1521 : vector<16xi32>
            %and3A_1523 = arith.andi %ge3A_1519, %lt3A_1522 : vector<16xi1>
            %jit3A_1524 = arith.constant 8192 : i32
            %broadcast_in_dim3A_1525 = vector.broadcast %jit3A_1524 : i32 to vector<16xi32>
            %select_n3A_1526 = arith.select %and3A_1523, %sub3A_1517, %broadcast_in_dim3A_1525 : vector<16xi1>, vector<16xi32>
            tpu.vector_store_idx %arg11[%select_n3A_1526], %broadcast_in_dim3A_0 {add = true} : memref<8208xf32, #tpu.memory_space<vmem>>[vector<16xi32>], vector<16xf32>,
            %scan3A_1527 = arith.constant 0 : i32
            scf.yield %scan3A_1527 : i32
          }
          %scan3A_1507 = arith.constant 8 : i32
          %while3A_1508 = arith.constant 0 : i32
          scf.yield %while3A_1508 : i32
        }
        %while3A_594 = arith.constant 1 : i32
        %while3A_595 = scf.for %while3A_1493 = %while3A_591 to %while3A_587 step %while3A_594 iter_args(%while3A_1494 = %while3A_593) -> (i32)  : i32 {
          %add3A_1495 = arith.constant 0 : i32
          %add3A_1496 = arith.addi %add3A_1495, %multiple_of3A_560 : i32
          %mul3A_1497 = arith.constant 128 : i32
          %mul3A_1498 = arith.muli %while3A_1493, %mul3A_1497 : i32
          %add3A_1499 = arith.addi %add3A_1496, %mul3A_1498 : i32
          %multiple_of3A_1500 = tpu.assume_multiple %add3A_1499, 8 : i32
          "tpu.region"() ({
            %run_scoped3A = tpu.sem_alloc : memref<!tpu.dma_semaphore, #tpu.memory_space<semaphore_mem>>
            %dma_start3A_1509 = arith.constant 0 : i32
            %dma_start3A_1510 = tpu.memref_slice %arg13[%dma_start3A_1509] : memref<2048xi32, #tpu.memory_space<vmem>> -> memref<128xi32, #tpu.memory_space<vmem>>
            %dma_start3A_1511 = tpu.memref_slice %arg15[%multiple_of3A_1500] : memref<800768xi32, #tpu.memory_space<vmem_shared>> -> memref<128xi32, #tpu.memory_space<vmem_shared>>
            %dma_start3A_1512 = arith.constant 0 : i32
            %dma_start3A_1513 = tpu.memref_slice %arg13[%dma_start3A_1512] : memref<2048xi32, #tpu.memory_space<vmem>> -> memref<128xi32, #tpu.memory_space<vmem>>
            %dma_start3A_1514 = tpu.memref_slice %arg15[%multiple_of3A_1500] : memref<800768xi32, #tpu.memory_space<vmem_shared>> -> memref<128xi32, #tpu.memory_space<vmem_shared>>
            tpu.enqueue_dma source(%dma_start3A_1514 : memref<128xi32, #tpu.memory_space<vmem_shared>>) target(%dma_start3A_1513 : memref<128xi32, #tpu.memory_space<vmem>>) target_semaphore(%run_scoped3A : memref<!tpu.dma_semaphore, #tpu.memory_space<semaphore_mem>>)
            %dma_wait3A_1515 = arith.constant 0 : i32
            %dma_wait3A_1516 = tpu.memref_slice %arg13[%dma_wait3A_1515] : memref<2048xi32, #tpu.memory_space<vmem>> -> memref<128xi32, #tpu.memory_space<vmem>>
            %dma_wait3A_1517 = tpu.memref_slice %arg15[%multiple_of3A_1500] : memref<800768xi32, #tpu.memory_space<vmem_shared>> -> memref<128xi32, #tpu.memory_space<vmem_shared>>
            %dma_wait3A_1518 = arith.constant 0 : i32
            %dma_wait3A_1519 = tpu.memref_slice %arg13[%dma_wait3A_1518] : memref<2048xi32, #tpu.memory_space<vmem>> -> memref<128xi32, #tpu.memory_space<vmem>>
            %dma_wait3A_1520 = tpu.memref_slice %arg15[%multiple_of3A_1500] : memref<800768xi32, #tpu.memory_space<vmem_shared>> -> memref<128xi32, #tpu.memory_space<vmem_shared>>
            tpu.wait_dma2 semaphore(%run_scoped3A : memref<!tpu.dma_semaphore, #tpu.memory_space<semaphore_mem>>) src(%dma_wait3A_1520 : memref<128xi32, #tpu.memory_space<vmem_shared>>) dst(%dma_wait3A_1519 : memref<128xi32, #tpu.memory_space<vmem>>)
            tpu.yield
          }) : () -> ()
          %scan3A_1501 = arith.constant 0 : i32
          %scan3A_1502 = arith.constant 0 : i32
          %scan3A_1503 = arith.constant 8 : i32
          %scan3A_1504 = arith.addi %scan3A_1502, %scan3A_1503 : i32
          %scan3A_1505 = arith.constant 1 : i32
          %scan3A_1506 = scf.for %scan3A_1509 = %scan3A_1502 to %scan3A_1504 step %scan3A_1505 iter_args(%scan3A_1510 = %scan3A_1501) -> (i32)  : i32 {
            %mul3A_1511 = arith.constant 16 : i32
            %mul3A_1512 = arith.muli %scan3A_1509, %mul3A_1511 : i32
            %add3A_1513 = arith.constant 0 : i32
            %add3A_1514 = arith.addi %add3A_1513, %mul3A_1512 : i32
            %get3A = arith.index_cast %add3A_1514 : i32 to index
            %get3A_1515 = tpu.vector_load %arg13[%get3A] {strides = array<i32>} : memref<2048xi32, #tpu.memory_space<vmem>>, vector<16xi32>,
            %sub3A_1516 = vector.broadcast %shift_left3A_83 : i32 to vector<16xi32>
            %sub3A_1517 = arith.subi %get3A_1515, %sub3A_1516 : vector<16xi32>
            %ge3A = arith.constant 0 : i32
            %ge3A_1518 = vector.broadcast %ge3A : i32 to vector<16xi32>
            %ge3A_1519 = arith.cmpi sge, %sub3A_1517, %ge3A_1518 : vector<16xi32>
            %lt3A_1520 = arith.constant 8192 : i32
            %lt3A_1521 = vector.broadcast %lt3A_1520 : i32 to vector<16xi32>
            %lt3A_1522 = arith.cmpi slt, %sub3A_1517, %lt3A_1521 : vector<16xi32>
            %and3A_1523 = arith.andi %ge3A_1519, %lt3A_1522 : vector<16xi1>
            %jit3A_1524 = arith.constant 8192 : i32
            %broadcast_in_dim3A_1525 = vector.broadcast %jit3A_1524 : i32 to vector<16xi32>
            %select_n3A_1526 = arith.select %and3A_1523, %sub3A_1517, %broadcast_in_dim3A_1525 : vector<16xi1>, vector<16xi32>
            tpu.vector_store_idx %arg11[%select_n3A_1526], %broadcast_in_dim3A_0 {add = true} : memref<8208xf32, #tpu.memory_space<vmem>>[vector<16xi32>], vector<16xf32>,
            %scan3A_1527 = arith.constant 0 : i32
            scf.yield %scan3A_1527 : i32
          }
          %scan3A_1507 = arith.constant 8 : i32
          %while3A_1508 = arith.constant 0 : i32
          scf.yield %while3A_1508 : i32
        }
        %dma_wait3A_596 = arith.constant 128 : i32
        %dma_wait3A_597 = tpu.memref_slice %arg13[%dma_wait3A_596] : memref<2048xi32, #tpu.memory_space<vmem>> -> memref<128xi32, #tpu.memory_space<vmem>>
        %dma_wait3A_598 = tpu.memref_slice %arg15[%multiple_of3A_384] : memref<800768xi32, #tpu.memory_space<vmem_shared>> -> memref<128xi32, #tpu.memory_space<vmem_shared>>
        %dma_wait3A_599 = arith.constant 128 : i32
        %dma_wait3A_600 = tpu.memref_slice %arg13[%dma_wait3A_599] : memref<2048xi32, #tpu.memory_space<vmem>> -> memref<128xi32, #tpu.memory_space<vmem>>
        %dma_wait3A_601 = tpu.memref_slice %arg15[%multiple_of3A_384] : memref<800768xi32, #tpu.memory_space<vmem_shared>> -> memref<128xi32, #tpu.memory_space<vmem_shared>>
        tpu.wait_dma2 semaphore(%arg18 : memref<!tpu.dma_semaphore, #tpu.memory_space<semaphore_mem>>) src(%dma_wait3A_601 : memref<128xi32, #tpu.memory_space<vmem_shared>>) dst(%dma_wait3A_600 : memref<128xi32, #tpu.memory_space<vmem>>)
        %scan3A_602 = arith.constant 0 : i32
        %scan3A_603 = arith.constant 0 : i32
        %scan3A_604 = arith.constant 8 : i32
        %scan3A_605 = arith.addi %scan3A_603, %scan3A_604 : i32
        %scan3A_606 = arith.constant 1 : i32
        %scan3A_607 = scf.for %scan3A_1493 = %scan3A_603 to %scan3A_605 step %scan3A_606 iter_args(%scan3A_1494 = %scan3A_602) -> (i32)  : i32 {
          %mul3A_1495 = arith.constant 16 : i32
          %mul3A_1496 = arith.muli %scan3A_1493, %mul3A_1495 : i32
          %add3A_1497 = arith.constant 128 : i32
          %add3A_1498 = arith.addi %add3A_1497, %mul3A_1496 : i32
          %get3A = arith.index_cast %add3A_1498 : i32 to index
          %get3A_1499 = tpu.vector_load %arg13[%get3A] {strides = array<i32>} : memref<2048xi32, #tpu.memory_space<vmem>>, vector<16xi32>,
          %sub3A_1500 = vector.broadcast %shift_left3A_83 : i32 to vector<16xi32>
          %sub3A_1501 = arith.subi %get3A_1499, %sub3A_1500 : vector<16xi32>
          %ge3A = arith.constant 0 : i32
          %ge3A_1502 = vector.broadcast %ge3A : i32 to vector<16xi32>
          %ge3A_1503 = arith.cmpi sge, %sub3A_1501, %ge3A_1502 : vector<16xi32>
          %lt3A_1504 = arith.constant 8192 : i32
          %lt3A_1505 = vector.broadcast %lt3A_1504 : i32 to vector<16xi32>
          %lt3A_1506 = arith.cmpi slt, %sub3A_1501, %lt3A_1505 : vector<16xi32>
          %and3A_1507 = arith.andi %ge3A_1503, %lt3A_1506 : vector<16xi1>
          %jit3A_1508 = arith.constant 8192 : i32
          %broadcast_in_dim3A_1509 = vector.broadcast %jit3A_1508 : i32 to vector<16xi32>
          %select_n3A_1510 = arith.select %and3A_1507, %sub3A_1501, %broadcast_in_dim3A_1509 : vector<16xi1>, vector<16xi32>
          tpu.vector_store_idx %arg11[%select_n3A_1510], %broadcast_in_dim3A_0 {add = true} : memref<8208xf32, #tpu.memory_space<vmem>>[vector<16xi32>], vector<16xf32>,
          %scan3A_1511 = arith.constant 0 : i32
          scf.yield %scan3A_1511 : i32
        }
        %scan3A_608 = arith.constant 8 : i32
        %slice3A_609 = vector.extract_strided_slice %and3A_370 {offsets = [1], sizes = [1], strides = [1]} : vector<16xi32> to vector<1xi32>
        %squeeze3A_610 = vector.extract %slice3A_609[0] : i32 from vector<1xi32>
        %multiple_of3A_611 = tpu.assume_multiple %squeeze3A_610, 8 : i32
        %slice3A_612 = vector.extract_strided_slice %gather3A_367 {offsets = [1], sizes = [1], strides = [1]} : vector<16xi32> to vector<1xi32>
        %squeeze3A_613 = vector.extract %slice3A_612[0] : i32 from vector<1xi32>
        %sub3A_614 = arith.subi %squeeze3A_613, %multiple_of3A_611 : i32
        %add3A_615 = arith.constant 128 : i32
        %add3A_616 = arith.addi %sub3A_614, %add3A_615 : i32
        %sub3A_617 = arith.constant 1 : i32
        %sub3A_618 = arith.subi %add3A_616, %sub3A_617 : i32
        %jit3A_619 = arith.constant 128 : i32
        %div3A_620 = arith.divsi %sub3A_618, %jit3A_619 : i32
        %sign3A_621 = arith.constant 0 : i32
        %sign3A_622 = arith.cmpi sgt, %sub3A_618, %sign3A_621 : i32
        %sign3A_623 = arith.extui %sign3A_622 : i1 to i32
        %sign3A_624 = arith.constant 0 : i32
        %sign3A_625 = arith.cmpi slt, %sub3A_618, %sign3A_624 : i32
        %sign3A_626 = arith.extui %sign3A_625 : i1 to i32
        %sign3A_627 = arith.subi %sign3A_623, %sign3A_626 : i32
        %sign3A_628 = arith.constant 0 : i32
        %sign3A_629 = arith.cmpi sgt, %jit3A_619, %sign3A_628 : i32
        %sign3A_630 = arith.extui %sign3A_629 : i1 to i32
        %sign3A_631 = arith.constant 0 : i32
        %sign3A_632 = arith.cmpi slt, %jit3A_619, %sign3A_631 : i32
        %sign3A_633 = arith.extui %sign3A_632 : i1 to i32
        %sign3A_634 = arith.subi %sign3A_630, %sign3A_633 : i32
        %ne3A_635 = arith.cmpi ne, %sign3A_627, %sign3A_634 : i32
        %rem3A_636 = arith.remsi %sub3A_618, %jit3A_619 : i32
        %ne3A_637 = arith.constant 0 : i32
        %ne3A_638 = arith.cmpi ne, %rem3A_636, %ne3A_637 : i32
        %and3A_639 = arith.andi %ne3A_635, %ne3A_638 : i1
        %sub3A_640 = arith.constant 1 : i32
        %sub3A_641 = arith.subi %div3A_620, %sub3A_640 : i32
        %select_n3A_642 = arith.select %and3A_639, %sub3A_641, %div3A_620 : i32
        %while3A_643 = arith.constant 1 : i32
        %while3A_644 = arith.constant 0 : i32
        %while3A_645 = arith.subi %select_n3A_642, %while3A_643 : i32
        %while3A_646 = arith.addi %while3A_643, %while3A_645 : i32
        %while3A_647 = arith.constant 1 : i32
        %while3A_648 = arith.divsi %while3A_645, %while3A_647 : i32
        %while3A_649 = arith.muli %while3A_648, %while3A_647 : i32
        %while3A_650 = arith.addi %while3A_643, %while3A_649 : i32
        %while3A_651 = arith.constant 1 : i32
        %while3A_652 = scf.for %while3A_1493 = %while3A_643 to %while3A_650 step %while3A_651 iter_args(%while3A_1494 = %while3A_644) -> (i32)  : i32 {
          %add3A_1495 = arith.constant 50048 : i32
          %add3A_1496 = arith.addi %add3A_1495, %multiple_of3A_611 : i32
          %mul3A_1497 = arith.constant 128 : i32
          %mul3A_1498 = arith.muli %while3A_1493, %mul3A_1497 : i32
          %add3A_1499 = arith.addi %add3A_1496, %mul3A_1498 : i32
          %multiple_of3A_1500 = tpu.assume_multiple %add3A_1499, 8 : i32
          "tpu.region"() ({
            %run_scoped3A = tpu.sem_alloc : memref<!tpu.dma_semaphore, #tpu.memory_space<semaphore_mem>>
            %dma_start3A_1509 = arith.constant 128 : i32
            %dma_start3A_1510 = tpu.memref_slice %arg13[%dma_start3A_1509] : memref<2048xi32, #tpu.memory_space<vmem>> -> memref<128xi32, #tpu.memory_space<vmem>>
            %dma_start3A_1511 = tpu.memref_slice %arg15[%multiple_of3A_1500] : memref<800768xi32, #tpu.memory_space<vmem_shared>> -> memref<128xi32, #tpu.memory_space<vmem_shared>>
            %dma_start3A_1512 = arith.constant 128 : i32
            %dma_start3A_1513 = tpu.memref_slice %arg13[%dma_start3A_1512] : memref<2048xi32, #tpu.memory_space<vmem>> -> memref<128xi32, #tpu.memory_space<vmem>>
            %dma_start3A_1514 = tpu.memref_slice %arg15[%multiple_of3A_1500] : memref<800768xi32, #tpu.memory_space<vmem_shared>> -> memref<128xi32, #tpu.memory_space<vmem_shared>>
            tpu.enqueue_dma source(%dma_start3A_1514 : memref<128xi32, #tpu.memory_space<vmem_shared>>) target(%dma_start3A_1513 : memref<128xi32, #tpu.memory_space<vmem>>) target_semaphore(%run_scoped3A : memref<!tpu.dma_semaphore, #tpu.memory_space<semaphore_mem>>)
            %dma_wait3A_1515 = arith.constant 128 : i32
            %dma_wait3A_1516 = tpu.memref_slice %arg13[%dma_wait3A_1515] : memref<2048xi32, #tpu.memory_space<vmem>> -> memref<128xi32, #tpu.memory_space<vmem>>
            %dma_wait3A_1517 = tpu.memref_slice %arg15[%multiple_of3A_1500] : memref<800768xi32, #tpu.memory_space<vmem_shared>> -> memref<128xi32, #tpu.memory_space<vmem_shared>>
            %dma_wait3A_1518 = arith.constant 128 : i32
            %dma_wait3A_1519 = tpu.memref_slice %arg13[%dma_wait3A_1518] : memref<2048xi32, #tpu.memory_space<vmem>> -> memref<128xi32, #tpu.memory_space<vmem>>
            %dma_wait3A_1520 = tpu.memref_slice %arg15[%multiple_of3A_1500] : memref<800768xi32, #tpu.memory_space<vmem_shared>> -> memref<128xi32, #tpu.memory_space<vmem_shared>>
            tpu.wait_dma2 semaphore(%run_scoped3A : memref<!tpu.dma_semaphore, #tpu.memory_space<semaphore_mem>>) src(%dma_wait3A_1520 : memref<128xi32, #tpu.memory_space<vmem_shared>>) dst(%dma_wait3A_1519 : memref<128xi32, #tpu.memory_space<vmem>>)
            tpu.yield
          }) : () -> ()
          %scan3A_1501 = arith.constant 0 : i32
          %scan3A_1502 = arith.constant 0 : i32
          %scan3A_1503 = arith.constant 8 : i32
          %scan3A_1504 = arith.addi %scan3A_1502, %scan3A_1503 : i32
          %scan3A_1505 = arith.constant 1 : i32
          %scan3A_1506 = scf.for %scan3A_1509 = %scan3A_1502 to %scan3A_1504 step %scan3A_1505 iter_args(%scan3A_1510 = %scan3A_1501) -> (i32)  : i32 {
            %mul3A_1511 = arith.constant 16 : i32
            %mul3A_1512 = arith.muli %scan3A_1509, %mul3A_1511 : i32
            %add3A_1513 = arith.constant 128 : i32
            %add3A_1514 = arith.addi %add3A_1513, %mul3A_1512 : i32
            %get3A = arith.index_cast %add3A_1514 : i32 to index
            %get3A_1515 = tpu.vector_load %arg13[%get3A] {strides = array<i32>} : memref<2048xi32, #tpu.memory_space<vmem>>, vector<16xi32>,
            %sub3A_1516 = vector.broadcast %shift_left3A_83 : i32 to vector<16xi32>
            %sub3A_1517 = arith.subi %get3A_1515, %sub3A_1516 : vector<16xi32>
            %ge3A = arith.constant 0 : i32
            %ge3A_1518 = vector.broadcast %ge3A : i32 to vector<16xi32>
            %ge3A_1519 = arith.cmpi sge, %sub3A_1517, %ge3A_1518 : vector<16xi32>
            %lt3A_1520 = arith.constant 8192 : i32
            %lt3A_1521 = vector.broadcast %lt3A_1520 : i32 to vector<16xi32>
            %lt3A_1522 = arith.cmpi slt, %sub3A_1517, %lt3A_1521 : vector<16xi32>
            %and3A_1523 = arith.andi %ge3A_1519, %lt3A_1522 : vector<16xi1>
            %jit3A_1524 = arith.constant 8192 : i32
            %broadcast_in_dim3A_1525 = vector.broadcast %jit3A_1524 : i32 to vector<16xi32>
            %select_n3A_1526 = arith.select %and3A_1523, %sub3A_1517, %broadcast_in_dim3A_1525 : vector<16xi1>, vector<16xi32>
            tpu.vector_store_idx %arg11[%select_n3A_1526], %broadcast_in_dim3A_0 {add = true} : memref<8208xf32, #tpu.memory_space<vmem>>[vector<16xi32>], vector<16xf32>,
            %scan3A_1527 = arith.constant 0 : i32
            scf.yield %scan3A_1527 : i32
          }
          %scan3A_1507 = arith.constant 8 : i32
          %while3A_1508 = arith.constant 0 : i32
          scf.yield %while3A_1508 : i32
        }
        %while3A_653 = arith.constant 1 : i32
        %while3A_654 = scf.for %while3A_1493 = %while3A_650 to %while3A_646 step %while3A_653 iter_args(%while3A_1494 = %while3A_652) -> (i32)  : i32 {
          %add3A_1495 = arith.constant 50048 : i32
          %add3A_1496 = arith.addi %add3A_1495, %multiple_of3A_611 : i32
          %mul3A_1497 = arith.constant 128 : i32
          %mul3A_1498 = arith.muli %while3A_1493, %mul3A_1497 : i32
          %add3A_1499 = arith.addi %add3A_1496, %mul3A_1498 : i32
          %multiple_of3A_1500 = tpu.assume_multiple %add3A_1499, 8 : i32
          "tpu.region"() ({
            %run_scoped3A = tpu.sem_alloc : memref<!tpu.dma_semaphore, #tpu.memory_space<semaphore_mem>>
            %dma_start3A_1509 = arith.constant 128 : i32
            %dma_start3A_1510 = tpu.memref_slice %arg13[%dma_start3A_1509] : memref<2048xi32, #tpu.memory_space<vmem>> -> memref<128xi32, #tpu.memory_space<vmem>>
            %dma_start3A_1511 = tpu.memref_slice %arg15[%multiple_of3A_1500] : memref<800768xi32, #tpu.memory_space<vmem_shared>> -> memref<128xi32, #tpu.memory_space<vmem_shared>>
            %dma_start3A_1512 = arith.constant 128 : i32
            %dma_start3A_1513 = tpu.memref_slice %arg13[%dma_start3A_1512] : memref<2048xi32, #tpu.memory_space<vmem>> -> memref<128xi32, #tpu.memory_space<vmem>>
            %dma_start3A_1514 = tpu.memref_slice %arg15[%multiple_of3A_1500] : memref<800768xi32, #tpu.memory_space<vmem_shared>> -> memref<128xi32, #tpu.memory_space<vmem_shared>>
            tpu.enqueue_dma source(%dma_start3A_1514 : memref<128xi32, #tpu.memory_space<vmem_shared>>) target(%dma_start3A_1513 : memref<128xi32, #tpu.memory_space<vmem>>) target_semaphore(%run_scoped3A : memref<!tpu.dma_semaphore, #tpu.memory_space<semaphore_mem>>)
            %dma_wait3A_1515 = arith.constant 128 : i32
            %dma_wait3A_1516 = tpu.memref_slice %arg13[%dma_wait3A_1515] : memref<2048xi32, #tpu.memory_space<vmem>> -> memref<128xi32, #tpu.memory_space<vmem>>
            %dma_wait3A_1517 = tpu.memref_slice %arg15[%multiple_of3A_1500] : memref<800768xi32, #tpu.memory_space<vmem_shared>> -> memref<128xi32, #tpu.memory_space<vmem_shared>>
            %dma_wait3A_1518 = arith.constant 128 : i32
            %dma_wait3A_1519 = tpu.memref_slice %arg13[%dma_wait3A_1518] : memref<2048xi32, #tpu.memory_space<vmem>> -> memref<128xi32, #tpu.memory_space<vmem>>
            %dma_wait3A_1520 = tpu.memref_slice %arg15[%multiple_of3A_1500] : memref<800768xi32, #tpu.memory_space<vmem_shared>> -> memref<128xi32, #tpu.memory_space<vmem_shared>>
            tpu.wait_dma2 semaphore(%run_scoped3A : memref<!tpu.dma_semaphore, #tpu.memory_space<semaphore_mem>>) src(%dma_wait3A_1520 : memref<128xi32, #tpu.memory_space<vmem_shared>>) dst(%dma_wait3A_1519 : memref<128xi32, #tpu.memory_space<vmem>>)
            tpu.yield
          }) : () -> ()
          %scan3A_1501 = arith.constant 0 : i32
          %scan3A_1502 = arith.constant 0 : i32
          %scan3A_1503 = arith.constant 8 : i32
          %scan3A_1504 = arith.addi %scan3A_1502, %scan3A_1503 : i32
          %scan3A_1505 = arith.constant 1 : i32
          %scan3A_1506 = scf.for %scan3A_1509 = %scan3A_1502 to %scan3A_1504 step %scan3A_1505 iter_args(%scan3A_1510 = %scan3A_1501) -> (i32)  : i32 {
            %mul3A_1511 = arith.constant 16 : i32
            %mul3A_1512 = arith.muli %scan3A_1509, %mul3A_1511 : i32
            %add3A_1513 = arith.constant 128 : i32
            %add3A_1514 = arith.addi %add3A_1513, %mul3A_1512 : i32
            %get3A = arith.index_cast %add3A_1514 : i32 to index
            %get3A_1515 = tpu.vector_load %arg13[%get3A] {strides = array<i32>} : memref<2048xi32, #tpu.memory_space<vmem>>, vector<16xi32>,
            %sub3A_1516 = vector.broadcast %shift_left3A_83 : i32 to vector<16xi32>
            %sub3A_1517 = arith.subi %get3A_1515, %sub3A_1516 : vector<16xi32>
            %ge3A = arith.constant 0 : i32
            %ge3A_1518 = vector.broadcast %ge3A : i32 to vector<16xi32>
            %ge3A_1519 = arith.cmpi sge, %sub3A_1517, %ge3A_1518 : vector<16xi32>
            %lt3A_1520 = arith.constant 8192 : i32
            %lt3A_1521 = vector.broadcast %lt3A_1520 : i32 to vector<16xi32>
            %lt3A_1522 = arith.cmpi slt, %sub3A_1517, %lt3A_1521 : vector<16xi32>
            %and3A_1523 = arith.andi %ge3A_1519, %lt3A_1522 : vector<16xi1>
            %jit3A_1524 = arith.constant 8192 : i32
            %broadcast_in_dim3A_1525 = vector.broadcast %jit3A_1524 : i32 to vector<16xi32>
            %select_n3A_1526 = arith.select %and3A_1523, %sub3A_1517, %broadcast_in_dim3A_1525 : vector<16xi1>, vector<16xi32>
            tpu.vector_store_idx %arg11[%select_n3A_1526], %broadcast_in_dim3A_0 {add = true} : memref<8208xf32, #tpu.memory_space<vmem>>[vector<16xi32>], vector<16xf32>,
            %scan3A_1527 = arith.constant 0 : i32
            scf.yield %scan3A_1527 : i32
          }
          %scan3A_1507 = arith.constant 8 : i32
          %while3A_1508 = arith.constant 0 : i32
          scf.yield %while3A_1508 : i32
        }
        %dma_wait3A_655 = arith.constant 256 : i32
        %dma_wait3A_656 = tpu.memref_slice %arg13[%dma_wait3A_655] : memref<2048xi32, #tpu.memory_space<vmem>> -> memref<128xi32, #tpu.memory_space<vmem>>
        %dma_wait3A_657 = tpu.memref_slice %arg15[%multiple_of3A_395] : memref<800768xi32, #tpu.memory_space<vmem_shared>> -> memref<128xi32, #tpu.memory_space<vmem_shared>>
        %dma_wait3A_658 = arith.constant 256 : i32
        %dma_wait3A_659 = tpu.memref_slice %arg13[%dma_wait3A_658] : memref<2048xi32, #tpu.memory_space<vmem>> -> memref<128xi32, #tpu.memory_space<vmem>>
        %dma_wait3A_660 = tpu.memref_slice %arg15[%multiple_of3A_395] : memref<800768xi32, #tpu.memory_space<vmem_shared>> -> memref<128xi32, #tpu.memory_space<vmem_shared>>
        tpu.wait_dma2 semaphore(%arg18 : memref<!tpu.dma_semaphore, #tpu.memory_space<semaphore_mem>>) src(%dma_wait3A_660 : memref<128xi32, #tpu.memory_space<vmem_shared>>) dst(%dma_wait3A_659 : memref<128xi32, #tpu.memory_space<vmem>>)
        %scan3A_661 = arith.constant 0 : i32
        %scan3A_662 = arith.constant 0 : i32
        %scan3A_663 = arith.constant 8 : i32
        %scan3A_664 = arith.addi %scan3A_662, %scan3A_663 : i32
        %scan3A_665 = arith.constant 1 : i32
        %scan3A_666 = scf.for %scan3A_1493 = %scan3A_662 to %scan3A_664 step %scan3A_665 iter_args(%scan3A_1494 = %scan3A_661) -> (i32)  : i32 {
          %mul3A_1495 = arith.constant 16 : i32
          %mul3A_1496 = arith.muli %scan3A_1493, %mul3A_1495 : i32
          %add3A_1497 = arith.constant 256 : i32
          %add3A_1498 = arith.addi %add3A_1497, %mul3A_1496 : i32
          %get3A = arith.index_cast %add3A_1498 : i32 to index
          %get3A_1499 = tpu.vector_load %arg13[%get3A] {strides = array<i32>} : memref<2048xi32, #tpu.memory_space<vmem>>, vector<16xi32>,
          %sub3A_1500 = vector.broadcast %shift_left3A_83 : i32 to vector<16xi32>
          %sub3A_1501 = arith.subi %get3A_1499, %sub3A_1500 : vector<16xi32>
          %ge3A = arith.constant 0 : i32
          %ge3A_1502 = vector.broadcast %ge3A : i32 to vector<16xi32>
          %ge3A_1503 = arith.cmpi sge, %sub3A_1501, %ge3A_1502 : vector<16xi32>
          %lt3A_1504 = arith.constant 8192 : i32
          %lt3A_1505 = vector.broadcast %lt3A_1504 : i32 to vector<16xi32>
          %lt3A_1506 = arith.cmpi slt, %sub3A_1501, %lt3A_1505 : vector<16xi32>
          %and3A_1507 = arith.andi %ge3A_1503, %lt3A_1506 : vector<16xi1>
          %jit3A_1508 = arith.constant 8192 : i32
          %broadcast_in_dim3A_1509 = vector.broadcast %jit3A_1508 : i32 to vector<16xi32>
          %select_n3A_1510 = arith.select %and3A_1507, %sub3A_1501, %broadcast_in_dim3A_1509 : vector<16xi1>, vector<16xi32>
          tpu.vector_store_idx %arg11[%select_n3A_1510], %broadcast_in_dim3A_0 {add = true} : memref<8208xf32, #tpu.memory_space<vmem>>[vector<16xi32>], vector<16xf32>,
          %scan3A_1511 = arith.constant 0 : i32
          scf.yield %scan3A_1511 : i32
        }
        %scan3A_667 = arith.constant 8 : i32
        %slice3A_668 = vector.extract_strided_slice %and3A_370 {offsets = [2], sizes = [1], strides = [1]} : vector<16xi32> to vector<1xi32>
        %squeeze3A_669 = vector.extract %slice3A_668[0] : i32 from vector<1xi32>
        %multiple_of3A_670 = tpu.assume_multiple %squeeze3A_669, 8 : i32
        %slice3A_671 = vector.extract_strided_slice %gather3A_367 {offsets = [2], sizes = [1], strides = [1]} : vector<16xi32> to vector<1xi32>
        %squeeze3A_672 = vector.extract %slice3A_671[0] : i32 from vector<1xi32>
        %sub3A_673 = arith.subi %squeeze3A_672, %multiple_of3A_670 : i32
        %add3A_674 = arith.constant 128 : i32
        %add3A_675 = arith.addi %sub3A_673, %add3A_674 : i32
        %sub3A_676 = arith.constant 1 : i32
        %sub3A_677 = arith.subi %add3A_675, %sub3A_676 : i32
        %jit3A_678 = arith.constant 128 : i32
        %div3A_679 = arith.divsi %sub3A_677, %jit3A_678 : i32
        %sign3A_680 = arith.constant 0 : i32
        %sign3A_681 = arith.cmpi sgt, %sub3A_677, %sign3A_680 : i32
        %sign3A_682 = arith.extui %sign3A_681 : i1 to i32
        %sign3A_683 = arith.constant 0 : i32
        %sign3A_684 = arith.cmpi slt, %sub3A_677, %sign3A_683 : i32
        %sign3A_685 = arith.extui %sign3A_684 : i1 to i32
        %sign3A_686 = arith.subi %sign3A_682, %sign3A_685 : i32
        %sign3A_687 = arith.constant 0 : i32
        %sign3A_688 = arith.cmpi sgt, %jit3A_678, %sign3A_687 : i32
        %sign3A_689 = arith.extui %sign3A_688 : i1 to i32
        %sign3A_690 = arith.constant 0 : i32
        %sign3A_691 = arith.cmpi slt, %jit3A_678, %sign3A_690 : i32
        %sign3A_692 = arith.extui %sign3A_691 : i1 to i32
        %sign3A_693 = arith.subi %sign3A_689, %sign3A_692 : i32
        %ne3A_694 = arith.cmpi ne, %sign3A_686, %sign3A_693 : i32
        %rem3A_695 = arith.remsi %sub3A_677, %jit3A_678 : i32
        %ne3A_696 = arith.constant 0 : i32
        %ne3A_697 = arith.cmpi ne, %rem3A_695, %ne3A_696 : i32
        %and3A_698 = arith.andi %ne3A_694, %ne3A_697 : i1
        %sub3A_699 = arith.constant 1 : i32
        %sub3A_700 = arith.subi %div3A_679, %sub3A_699 : i32
        %select_n3A_701 = arith.select %and3A_698, %sub3A_700, %div3A_679 : i32
        %while3A_702 = arith.constant 1 : i32
        %while3A_703 = arith.constant 0 : i32
        %while3A_704 = arith.subi %select_n3A_701, %while3A_702 : i32
        %while3A_705 = arith.addi %while3A_702, %while3A_704 : i32
        %while3A_706 = arith.constant 1 : i32
        %while3A_707 = arith.divsi %while3A_704, %while3A_706 : i32
        %while3A_708 = arith.muli %while3A_707, %while3A_706 : i32
        %while3A_709 = arith.addi %while3A_702, %while3A_708 : i32
        %while3A_710 = arith.constant 1 : i32
        %while3A_711 = scf.for %while3A_1493 = %while3A_702 to %while3A_709 step %while3A_710 iter_args(%while3A_1494 = %while3A_703) -> (i32)  : i32 {
          %add3A_1495 = arith.constant 100096 : i32
          %add3A_1496 = arith.addi %add3A_1495, %multiple_of3A_670 : i32
          %mul3A_1497 = arith.constant 128 : i32
          %mul3A_1498 = arith.muli %while3A_1493, %mul3A_1497 : i32
          %add3A_1499 = arith.addi %add3A_1496, %mul3A_1498 : i32
          %multiple_of3A_1500 = tpu.assume_multiple %add3A_1499, 8 : i32
          "tpu.region"() ({
            %run_scoped3A = tpu.sem_alloc : memref<!tpu.dma_semaphore, #tpu.memory_space<semaphore_mem>>
            %dma_start3A_1509 = arith.constant 256 : i32
            %dma_start3A_1510 = tpu.memref_slice %arg13[%dma_start3A_1509] : memref<2048xi32, #tpu.memory_space<vmem>> -> memref<128xi32, #tpu.memory_space<vmem>>
            %dma_start3A_1511 = tpu.memref_slice %arg15[%multiple_of3A_1500] : memref<800768xi32, #tpu.memory_space<vmem_shared>> -> memref<128xi32, #tpu.memory_space<vmem_shared>>
            %dma_start3A_1512 = arith.constant 256 : i32
            %dma_start3A_1513 = tpu.memref_slice %arg13[%dma_start3A_1512] : memref<2048xi32, #tpu.memory_space<vmem>> -> memref<128xi32, #tpu.memory_space<vmem>>
            %dma_start3A_1514 = tpu.memref_slice %arg15[%multiple_of3A_1500] : memref<800768xi32, #tpu.memory_space<vmem_shared>> -> memref<128xi32, #tpu.memory_space<vmem_shared>>
            tpu.enqueue_dma source(%dma_start3A_1514 : memref<128xi32, #tpu.memory_space<vmem_shared>>) target(%dma_start3A_1513 : memref<128xi32, #tpu.memory_space<vmem>>) target_semaphore(%run_scoped3A : memref<!tpu.dma_semaphore, #tpu.memory_space<semaphore_mem>>)
            %dma_wait3A_1515 = arith.constant 256 : i32
            %dma_wait3A_1516 = tpu.memref_slice %arg13[%dma_wait3A_1515] : memref<2048xi32, #tpu.memory_space<vmem>> -> memref<128xi32, #tpu.memory_space<vmem>>
            %dma_wait3A_1517 = tpu.memref_slice %arg15[%multiple_of3A_1500] : memref<800768xi32, #tpu.memory_space<vmem_shared>> -> memref<128xi32, #tpu.memory_space<vmem_shared>>
            %dma_wait3A_1518 = arith.constant 256 : i32
            %dma_wait3A_1519 = tpu.memref_slice %arg13[%dma_wait3A_1518] : memref<2048xi32, #tpu.memory_space<vmem>> -> memref<128xi32, #tpu.memory_space<vmem>>
            %dma_wait3A_1520 = tpu.memref_slice %arg15[%multiple_of3A_1500] : memref<800768xi32, #tpu.memory_space<vmem_shared>> -> memref<128xi32, #tpu.memory_space<vmem_shared>>
            tpu.wait_dma2 semaphore(%run_scoped3A : memref<!tpu.dma_semaphore, #tpu.memory_space<semaphore_mem>>) src(%dma_wait3A_1520 : memref<128xi32, #tpu.memory_space<vmem_shared>>) dst(%dma_wait3A_1519 : memref<128xi32, #tpu.memory_space<vmem>>)
            tpu.yield
          }) : () -> ()
          %scan3A_1501 = arith.constant 0 : i32
          %scan3A_1502 = arith.constant 0 : i32
          %scan3A_1503 = arith.constant 8 : i32
          %scan3A_1504 = arith.addi %scan3A_1502, %scan3A_1503 : i32
          %scan3A_1505 = arith.constant 1 : i32
          %scan3A_1506 = scf.for %scan3A_1509 = %scan3A_1502 to %scan3A_1504 step %scan3A_1505 iter_args(%scan3A_1510 = %scan3A_1501) -> (i32)  : i32 {
            %mul3A_1511 = arith.constant 16 : i32
            %mul3A_1512 = arith.muli %scan3A_1509, %mul3A_1511 : i32
            %add3A_1513 = arith.constant 256 : i32
            %add3A_1514 = arith.addi %add3A_1513, %mul3A_1512 : i32
            %get3A = arith.index_cast %add3A_1514 : i32 to index
            %get3A_1515 = tpu.vector_load %arg13[%get3A] {strides = array<i32>} : memref<2048xi32, #tpu.memory_space<vmem>>, vector<16xi32>,
            %sub3A_1516 = vector.broadcast %shift_left3A_83 : i32 to vector<16xi32>
            %sub3A_1517 = arith.subi %get3A_1515, %sub3A_1516 : vector<16xi32>
            %ge3A = arith.constant 0 : i32
            %ge3A_1518 = vector.broadcast %ge3A : i32 to vector<16xi32>
            %ge3A_1519 = arith.cmpi sge, %sub3A_1517, %ge3A_1518 : vector<16xi32>
            %lt3A_1520 = arith.constant 8192 : i32
            %lt3A_1521 = vector.broadcast %lt3A_1520 : i32 to vector<16xi32>
            %lt3A_1522 = arith.cmpi slt, %sub3A_1517, %lt3A_1521 : vector<16xi32>
            %and3A_1523 = arith.andi %ge3A_1519, %lt3A_1522 : vector<16xi1>
            %jit3A_1524 = arith.constant 8192 : i32
            %broadcast_in_dim3A_1525 = vector.broadcast %jit3A_1524 : i32 to vector<16xi32>
            %select_n3A_1526 = arith.select %and3A_1523, %sub3A_1517, %broadcast_in_dim3A_1525 : vector<16xi1>, vector<16xi32>
            tpu.vector_store_idx %arg11[%select_n3A_1526], %broadcast_in_dim3A_0 {add = true} : memref<8208xf32, #tpu.memory_space<vmem>>[vector<16xi32>], vector<16xf32>,
            %scan3A_1527 = arith.constant 0 : i32
            scf.yield %scan3A_1527 : i32
          }
          %scan3A_1507 = arith.constant 8 : i32
          %while3A_1508 = arith.constant 0 : i32
          scf.yield %while3A_1508 : i32
        }
        %while3A_712 = arith.constant 1 : i32
        %while3A_713 = scf.for %while3A_1493 = %while3A_709 to %while3A_705 step %while3A_712 iter_args(%while3A_1494 = %while3A_711) -> (i32)  : i32 {
          %add3A_1495 = arith.constant 100096 : i32
          %add3A_1496 = arith.addi %add3A_1495, %multiple_of3A_670 : i32
          %mul3A_1497 = arith.constant 128 : i32
          %mul3A_1498 = arith.muli %while3A_1493, %mul3A_1497 : i32
          %add3A_1499 = arith.addi %add3A_1496, %mul3A_1498 : i32
          %multiple_of3A_1500 = tpu.assume_multiple %add3A_1499, 8 : i32
          "tpu.region"() ({
            %run_scoped3A = tpu.sem_alloc : memref<!tpu.dma_semaphore, #tpu.memory_space<semaphore_mem>>
            %dma_start3A_1509 = arith.constant 256 : i32
            %dma_start3A_1510 = tpu.memref_slice %arg13[%dma_start3A_1509] : memref<2048xi32, #tpu.memory_space<vmem>> -> memref<128xi32, #tpu.memory_space<vmem>>
            %dma_start3A_1511 = tpu.memref_slice %arg15[%multiple_of3A_1500] : memref<800768xi32, #tpu.memory_space<vmem_shared>> -> memref<128xi32, #tpu.memory_space<vmem_shared>>
            %dma_start3A_1512 = arith.constant 256 : i32
            %dma_start3A_1513 = tpu.memref_slice %arg13[%dma_start3A_1512] : memref<2048xi32, #tpu.memory_space<vmem>> -> memref<128xi32, #tpu.memory_space<vmem>>
            %dma_start3A_1514 = tpu.memref_slice %arg15[%multiple_of3A_1500] : memref<800768xi32, #tpu.memory_space<vmem_shared>> -> memref<128xi32, #tpu.memory_space<vmem_shared>>
            tpu.enqueue_dma source(%dma_start3A_1514 : memref<128xi32, #tpu.memory_space<vmem_shared>>) target(%dma_start3A_1513 : memref<128xi32, #tpu.memory_space<vmem>>) target_semaphore(%run_scoped3A : memref<!tpu.dma_semaphore, #tpu.memory_space<semaphore_mem>>)
            %dma_wait3A_1515 = arith.constant 256 : i32
            %dma_wait3A_1516 = tpu.memref_slice %arg13[%dma_wait3A_1515] : memref<2048xi32, #tpu.memory_space<vmem>> -> memref<128xi32, #tpu.memory_space<vmem>>
            %dma_wait3A_1517 = tpu.memref_slice %arg15[%multiple_of3A_1500] : memref<800768xi32, #tpu.memory_space<vmem_shared>> -> memref<128xi32, #tpu.memory_space<vmem_shared>>
            %dma_wait3A_1518 = arith.constant 256 : i32
            %dma_wait3A_1519 = tpu.memref_slice %arg13[%dma_wait3A_1518] : memref<2048xi32, #tpu.memory_space<vmem>> -> memref<128xi32, #tpu.memory_space<vmem>>
            %dma_wait3A_1520 = tpu.memref_slice %arg15[%multiple_of3A_1500] : memref<800768xi32, #tpu.memory_space<vmem_shared>> -> memref<128xi32, #tpu.memory_space<vmem_shared>>
            tpu.wait_dma2 semaphore(%run_scoped3A : memref<!tpu.dma_semaphore, #tpu.memory_space<semaphore_mem>>) src(%dma_wait3A_1520 : memref<128xi32, #tpu.memory_space<vmem_shared>>) dst(%dma_wait3A_1519 : memref<128xi32, #tpu.memory_space<vmem>>)
            tpu.yield
          }) : () -> ()
          %scan3A_1501 = arith.constant 0 : i32
          %scan3A_1502 = arith.constant 0 : i32
          %scan3A_1503 = arith.constant 8 : i32
          %scan3A_1504 = arith.addi %scan3A_1502, %scan3A_1503 : i32
          %scan3A_1505 = arith.constant 1 : i32
          %scan3A_1506 = scf.for %scan3A_1509 = %scan3A_1502 to %scan3A_1504 step %scan3A_1505 iter_args(%scan3A_1510 = %scan3A_1501) -> (i32)  : i32 {
            %mul3A_1511 = arith.constant 16 : i32
            %mul3A_1512 = arith.muli %scan3A_1509, %mul3A_1511 : i32
            %add3A_1513 = arith.constant 256 : i32
            %add3A_1514 = arith.addi %add3A_1513, %mul3A_1512 : i32
            %get3A = arith.index_cast %add3A_1514 : i32 to index
            %get3A_1515 = tpu.vector_load %arg13[%get3A] {strides = array<i32>} : memref<2048xi32, #tpu.memory_space<vmem>>, vector<16xi32>,
            %sub3A_1516 = vector.broadcast %shift_left3A_83 : i32 to vector<16xi32>
            %sub3A_1517 = arith.subi %get3A_1515, %sub3A_1516 : vector<16xi32>
            %ge3A = arith.constant 0 : i32
            %ge3A_1518 = vector.broadcast %ge3A : i32 to vector<16xi32>
            %ge3A_1519 = arith.cmpi sge, %sub3A_1517, %ge3A_1518 : vector<16xi32>
            %lt3A_1520 = arith.constant 8192 : i32
            %lt3A_1521 = vector.broadcast %lt3A_1520 : i32 to vector<16xi32>
            %lt3A_1522 = arith.cmpi slt, %sub3A_1517, %lt3A_1521 : vector<16xi32>
            %and3A_1523 = arith.andi %ge3A_1519, %lt3A_1522 : vector<16xi1>
            %jit3A_1524 = arith.constant 8192 : i32
            %broadcast_in_dim3A_1525 = vector.broadcast %jit3A_1524 : i32 to vector<16xi32>
            %select_n3A_1526 = arith.select %and3A_1523, %sub3A_1517, %broadcast_in_dim3A_1525 : vector<16xi1>, vector<16xi32>
            tpu.vector_store_idx %arg11[%select_n3A_1526], %broadcast_in_dim3A_0 {add = true} : memref<8208xf32, #tpu.memory_space<vmem>>[vector<16xi32>], vector<16xf32>,
            %scan3A_1527 = arith.constant 0 : i32
            scf.yield %scan3A_1527 : i32
          }
          %scan3A_1507 = arith.constant 8 : i32
          %while3A_1508 = arith.constant 0 : i32
          scf.yield %while3A_1508 : i32
        }
        %dma_wait3A_714 = arith.constant 384 : i32
        %dma_wait3A_715 = tpu.memref_slice %arg13[%dma_wait3A_714] : memref<2048xi32, #tpu.memory_space<vmem>> -> memref<128xi32, #tpu.memory_space<vmem>>
        %dma_wait3A_716 = tpu.memref_slice %arg15[%multiple_of3A_406] : memref<800768xi32, #tpu.memory_space<vmem_shared>> -> memref<128xi32, #tpu.memory_space<vmem_shared>>
        %dma_wait3A_717 = arith.constant 384 : i32
        %dma_wait3A_718 = tpu.memref_slice %arg13[%dma_wait3A_717] : memref<2048xi32, #tpu.memory_space<vmem>> -> memref<128xi32, #tpu.memory_space<vmem>>
        %dma_wait3A_719 = tpu.memref_slice %arg15[%multiple_of3A_406] : memref<800768xi32, #tpu.memory_space<vmem_shared>> -> memref<128xi32, #tpu.memory_space<vmem_shared>>
        tpu.wait_dma2 semaphore(%arg18 : memref<!tpu.dma_semaphore, #tpu.memory_space<semaphore_mem>>) src(%dma_wait3A_719 : memref<128xi32, #tpu.memory_space<vmem_shared>>) dst(%dma_wait3A_718 : memref<128xi32, #tpu.memory_space<vmem>>)
        %scan3A_720 = arith.constant 0 : i32
        %scan3A_721 = arith.constant 0 : i32
        %scan3A_722 = arith.constant 8 : i32
        %scan3A_723 = arith.addi %scan3A_721, %scan3A_722 : i32
        %scan3A_724 = arith.constant 1 : i32
        %scan3A_725 = scf.for %scan3A_1493 = %scan3A_721 to %scan3A_723 step %scan3A_724 iter_args(%scan3A_1494 = %scan3A_720) -> (i32)  : i32 {
          %mul3A_1495 = arith.constant 16 : i32
          %mul3A_1496 = arith.muli %scan3A_1493, %mul3A_1495 : i32
          %add3A_1497 = arith.constant 384 : i32
          %add3A_1498 = arith.addi %add3A_1497, %mul3A_1496 : i32
          %get3A = arith.index_cast %add3A_1498 : i32 to index
          %get3A_1499 = tpu.vector_load %arg13[%get3A] {strides = array<i32>} : memref<2048xi32, #tpu.memory_space<vmem>>, vector<16xi32>,
          %sub3A_1500 = vector.broadcast %shift_left3A_83 : i32 to vector<16xi32>
          %sub3A_1501 = arith.subi %get3A_1499, %sub3A_1500 : vector<16xi32>
          %ge3A = arith.constant 0 : i32
          %ge3A_1502 = vector.broadcast %ge3A : i32 to vector<16xi32>
          %ge3A_1503 = arith.cmpi sge, %sub3A_1501, %ge3A_1502 : vector<16xi32>
          %lt3A_1504 = arith.constant 8192 : i32
          %lt3A_1505 = vector.broadcast %lt3A_1504 : i32 to vector<16xi32>
          %lt3A_1506 = arith.cmpi slt, %sub3A_1501, %lt3A_1505 : vector<16xi32>
          %and3A_1507 = arith.andi %ge3A_1503, %lt3A_1506 : vector<16xi1>
          %jit3A_1508 = arith.constant 8192 : i32
          %broadcast_in_dim3A_1509 = vector.broadcast %jit3A_1508 : i32 to vector<16xi32>
          %select_n3A_1510 = arith.select %and3A_1507, %sub3A_1501, %broadcast_in_dim3A_1509 : vector<16xi1>, vector<16xi32>
          tpu.vector_store_idx %arg11[%select_n3A_1510], %broadcast_in_dim3A_0 {add = true} : memref<8208xf32, #tpu.memory_space<vmem>>[vector<16xi32>], vector<16xf32>,
          %scan3A_1511 = arith.constant 0 : i32
          scf.yield %scan3A_1511 : i32
        }
        %scan3A_726 = arith.constant 8 : i32
        %slice3A_727 = vector.extract_strided_slice %and3A_370 {offsets = [3], sizes = [1], strides = [1]} : vector<16xi32> to vector<1xi32>
        %squeeze3A_728 = vector.extract %slice3A_727[0] : i32 from vector<1xi32>
        %multiple_of3A_729 = tpu.assume_multiple %squeeze3A_728, 8 : i32
        %slice3A_730 = vector.extract_strided_slice %gather3A_367 {offsets = [3], sizes = [1], strides = [1]} : vector<16xi32> to vector<1xi32>
        %squeeze3A_731 = vector.extract %slice3A_730[0] : i32 from vector<1xi32>
        %sub3A_732 = arith.subi %squeeze3A_731, %multiple_of3A_729 : i32
        %add3A_733 = arith.constant 128 : i32
        %add3A_734 = arith.addi %sub3A_732, %add3A_733 : i32
        %sub3A_735 = arith.constant 1 : i32
        %sub3A_736 = arith.subi %add3A_734, %sub3A_735 : i32
        %jit3A_737 = arith.constant 128 : i32
        %div3A_738 = arith.divsi %sub3A_736, %jit3A_737 : i32
        %sign3A_739 = arith.constant 0 : i32
        %sign3A_740 = arith.cmpi sgt, %sub3A_736, %sign3A_739 : i32
        %sign3A_741 = arith.extui %sign3A_740 : i1 to i32
        %sign3A_742 = arith.constant 0 : i32
        %sign3A_743 = arith.cmpi slt, %sub3A_736, %sign3A_742 : i32
        %sign3A_744 = arith.extui %sign3A_743 : i1 to i32
        %sign3A_745 = arith.subi %sign3A_741, %sign3A_744 : i32
        %sign3A_746 = arith.constant 0 : i32
        %sign3A_747 = arith.cmpi sgt, %jit3A_737, %sign3A_746 : i32
        %sign3A_748 = arith.extui %sign3A_747 : i1 to i32
        %sign3A_749 = arith.constant 0 : i32
        %sign3A_750 = arith.cmpi slt, %jit3A_737, %sign3A_749 : i32
        %sign3A_751 = arith.extui %sign3A_750 : i1 to i32
        %sign3A_752 = arith.subi %sign3A_748, %sign3A_751 : i32
        %ne3A_753 = arith.cmpi ne, %sign3A_745, %sign3A_752 : i32
        %rem3A_754 = arith.remsi %sub3A_736, %jit3A_737 : i32
        %ne3A_755 = arith.constant 0 : i32
        %ne3A_756 = arith.cmpi ne, %rem3A_754, %ne3A_755 : i32
        %and3A_757 = arith.andi %ne3A_753, %ne3A_756 : i1
        %sub3A_758 = arith.constant 1 : i32
        %sub3A_759 = arith.subi %div3A_738, %sub3A_758 : i32
        %select_n3A_760 = arith.select %and3A_757, %sub3A_759, %div3A_738 : i32
        %while3A_761 = arith.constant 1 : i32
        %while3A_762 = arith.constant 0 : i32
        %while3A_763 = arith.subi %select_n3A_760, %while3A_761 : i32
        %while3A_764 = arith.addi %while3A_761, %while3A_763 : i32
        %while3A_765 = arith.constant 1 : i32
        %while3A_766 = arith.divsi %while3A_763, %while3A_765 : i32
        %while3A_767 = arith.muli %while3A_766, %while3A_765 : i32
        %while3A_768 = arith.addi %while3A_761, %while3A_767 : i32
        %while3A_769 = arith.constant 1 : i32
        %while3A_770 = scf.for %while3A_1493 = %while3A_761 to %while3A_768 step %while3A_769 iter_args(%while3A_1494 = %while3A_762) -> (i32)  : i32 {
          %add3A_1495 = arith.constant 150144 : i32
          %add3A_1496 = arith.addi %add3A_1495, %multiple_of3A_729 : i32
          %mul3A_1497 = arith.constant 128 : i32
          %mul3A_1498 = arith.muli %while3A_1493, %mul3A_1497 : i32
          %add3A_1499 = arith.addi %add3A_1496, %mul3A_1498 : i32
          %multiple_of3A_1500 = tpu.assume_multiple %add3A_1499, 8 : i32
          "tpu.region"() ({
            %run_scoped3A = tpu.sem_alloc : memref<!tpu.dma_semaphore, #tpu.memory_space<semaphore_mem>>
            %dma_start3A_1509 = arith.constant 384 : i32
            %dma_start3A_1510 = tpu.memref_slice %arg13[%dma_start3A_1509] : memref<2048xi32, #tpu.memory_space<vmem>> -> memref<128xi32, #tpu.memory_space<vmem>>
            %dma_start3A_1511 = tpu.memref_slice %arg15[%multiple_of3A_1500] : memref<800768xi32, #tpu.memory_space<vmem_shared>> -> memref<128xi32, #tpu.memory_space<vmem_shared>>
            %dma_start3A_1512 = arith.constant 384 : i32
            %dma_start3A_1513 = tpu.memref_slice %arg13[%dma_start3A_1512] : memref<2048xi32, #tpu.memory_space<vmem>> -> memref<128xi32, #tpu.memory_space<vmem>>
            %dma_start3A_1514 = tpu.memref_slice %arg15[%multiple_of3A_1500] : memref<800768xi32, #tpu.memory_space<vmem_shared>> -> memref<128xi32, #tpu.memory_space<vmem_shared>>
            tpu.enqueue_dma source(%dma_start3A_1514 : memref<128xi32, #tpu.memory_space<vmem_shared>>) target(%dma_start3A_1513 : memref<128xi32, #tpu.memory_space<vmem>>) target_semaphore(%run_scoped3A : memref<!tpu.dma_semaphore, #tpu.memory_space<semaphore_mem>>)
            %dma_wait3A_1515 = arith.constant 384 : i32
            %dma_wait3A_1516 = tpu.memref_slice %arg13[%dma_wait3A_1515] : memref<2048xi32, #tpu.memory_space<vmem>> -> memref<128xi32, #tpu.memory_space<vmem>>
            %dma_wait3A_1517 = tpu.memref_slice %arg15[%multiple_of3A_1500] : memref<800768xi32, #tpu.memory_space<vmem_shared>> -> memref<128xi32, #tpu.memory_space<vmem_shared>>
            %dma_wait3A_1518 = arith.constant 384 : i32
            %dma_wait3A_1519 = tpu.memref_slice %arg13[%dma_wait3A_1518] : memref<2048xi32, #tpu.memory_space<vmem>> -> memref<128xi32, #tpu.memory_space<vmem>>
            %dma_wait3A_1520 = tpu.memref_slice %arg15[%multiple_of3A_1500] : memref<800768xi32, #tpu.memory_space<vmem_shared>> -> memref<128xi32, #tpu.memory_space<vmem_shared>>
            tpu.wait_dma2 semaphore(%run_scoped3A : memref<!tpu.dma_semaphore, #tpu.memory_space<semaphore_mem>>) src(%dma_wait3A_1520 : memref<128xi32, #tpu.memory_space<vmem_shared>>) dst(%dma_wait3A_1519 : memref<128xi32, #tpu.memory_space<vmem>>)
            tpu.yield
          }) : () -> ()
          %scan3A_1501 = arith.constant 0 : i32
          %scan3A_1502 = arith.constant 0 : i32
          %scan3A_1503 = arith.constant 8 : i32
          %scan3A_1504 = arith.addi %scan3A_1502, %scan3A_1503 : i32
          %scan3A_1505 = arith.constant 1 : i32
          %scan3A_1506 = scf.for %scan3A_1509 = %scan3A_1502 to %scan3A_1504 step %scan3A_1505 iter_args(%scan3A_1510 = %scan3A_1501) -> (i32)  : i32 {
            %mul3A_1511 = arith.constant 16 : i32
            %mul3A_1512 = arith.muli %scan3A_1509, %mul3A_1511 : i32
            %add3A_1513 = arith.constant 384 : i32
            %add3A_1514 = arith.addi %add3A_1513, %mul3A_1512 : i32
            %get3A = arith.index_cast %add3A_1514 : i32 to index
            %get3A_1515 = tpu.vector_load %arg13[%get3A] {strides = array<i32>} : memref<2048xi32, #tpu.memory_space<vmem>>, vector<16xi32>,
            %sub3A_1516 = vector.broadcast %shift_left3A_83 : i32 to vector<16xi32>
            %sub3A_1517 = arith.subi %get3A_1515, %sub3A_1516 : vector<16xi32>
            %ge3A = arith.constant 0 : i32
            %ge3A_1518 = vector.broadcast %ge3A : i32 to vector<16xi32>
            %ge3A_1519 = arith.cmpi sge, %sub3A_1517, %ge3A_1518 : vector<16xi32>
            %lt3A_1520 = arith.constant 8192 : i32
            %lt3A_1521 = vector.broadcast %lt3A_1520 : i32 to vector<16xi32>
            %lt3A_1522 = arith.cmpi slt, %sub3A_1517, %lt3A_1521 : vector<16xi32>
            %and3A_1523 = arith.andi %ge3A_1519, %lt3A_1522 : vector<16xi1>
            %jit3A_1524 = arith.constant 8192 : i32
            %broadcast_in_dim3A_1525 = vector.broadcast %jit3A_1524 : i32 to vector<16xi32>
            %select_n3A_1526 = arith.select %and3A_1523, %sub3A_1517, %broadcast_in_dim3A_1525 : vector<16xi1>, vector<16xi32>
            tpu.vector_store_idx %arg11[%select_n3A_1526], %broadcast_in_dim3A_0 {add = true} : memref<8208xf32, #tpu.memory_space<vmem>>[vector<16xi32>], vector<16xf32>,
            %scan3A_1527 = arith.constant 0 : i32
            scf.yield %scan3A_1527 : i32
          }
          %scan3A_1507 = arith.constant 8 : i32
          %while3A_1508 = arith.constant 0 : i32
          scf.yield %while3A_1508 : i32
        }
        %while3A_771 = arith.constant 1 : i32
        %while3A_772 = scf.for %while3A_1493 = %while3A_768 to %while3A_764 step %while3A_771 iter_args(%while3A_1494 = %while3A_770) -> (i32)  : i32 {
          %add3A_1495 = arith.constant 150144 : i32
          %add3A_1496 = arith.addi %add3A_1495, %multiple_of3A_729 : i32
          %mul3A_1497 = arith.constant 128 : i32
          %mul3A_1498 = arith.muli %while3A_1493, %mul3A_1497 : i32
          %add3A_1499 = arith.addi %add3A_1496, %mul3A_1498 : i32
          %multiple_of3A_1500 = tpu.assume_multiple %add3A_1499, 8 : i32
          "tpu.region"() ({
            %run_scoped3A = tpu.sem_alloc : memref<!tpu.dma_semaphore, #tpu.memory_space<semaphore_mem>>
            %dma_start3A_1509 = arith.constant 384 : i32
            %dma_start3A_1510 = tpu.memref_slice %arg13[%dma_start3A_1509] : memref<2048xi32, #tpu.memory_space<vmem>> -> memref<128xi32, #tpu.memory_space<vmem>>
            %dma_start3A_1511 = tpu.memref_slice %arg15[%multiple_of3A_1500] : memref<800768xi32, #tpu.memory_space<vmem_shared>> -> memref<128xi32, #tpu.memory_space<vmem_shared>>
            %dma_start3A_1512 = arith.constant 384 : i32
            %dma_start3A_1513 = tpu.memref_slice %arg13[%dma_start3A_1512] : memref<2048xi32, #tpu.memory_space<vmem>> -> memref<128xi32, #tpu.memory_space<vmem>>
            %dma_start3A_1514 = tpu.memref_slice %arg15[%multiple_of3A_1500] : memref<800768xi32, #tpu.memory_space<vmem_shared>> -> memref<128xi32, #tpu.memory_space<vmem_shared>>
            tpu.enqueue_dma source(%dma_start3A_1514 : memref<128xi32, #tpu.memory_space<vmem_shared>>) target(%dma_start3A_1513 : memref<128xi32, #tpu.memory_space<vmem>>) target_semaphore(%run_scoped3A : memref<!tpu.dma_semaphore, #tpu.memory_space<semaphore_mem>>)
            %dma_wait3A_1515 = arith.constant 384 : i32
            %dma_wait3A_1516 = tpu.memref_slice %arg13[%dma_wait3A_1515] : memref<2048xi32, #tpu.memory_space<vmem>> -> memref<128xi32, #tpu.memory_space<vmem>>
            %dma_wait3A_1517 = tpu.memref_slice %arg15[%multiple_of3A_1500] : memref<800768xi32, #tpu.memory_space<vmem_shared>> -> memref<128xi32, #tpu.memory_space<vmem_shared>>
            %dma_wait3A_1518 = arith.constant 384 : i32
            %dma_wait3A_1519 = tpu.memref_slice %arg13[%dma_wait3A_1518] : memref<2048xi32, #tpu.memory_space<vmem>> -> memref<128xi32, #tpu.memory_space<vmem>>
            %dma_wait3A_1520 = tpu.memref_slice %arg15[%multiple_of3A_1500] : memref<800768xi32, #tpu.memory_space<vmem_shared>> -> memref<128xi32, #tpu.memory_space<vmem_shared>>
            tpu.wait_dma2 semaphore(%run_scoped3A : memref<!tpu.dma_semaphore, #tpu.memory_space<semaphore_mem>>) src(%dma_wait3A_1520 : memref<128xi32, #tpu.memory_space<vmem_shared>>) dst(%dma_wait3A_1519 : memref<128xi32, #tpu.memory_space<vmem>>)
            tpu.yield
          }) : () -> ()
          %scan3A_1501 = arith.constant 0 : i32
          %scan3A_1502 = arith.constant 0 : i32
          %scan3A_1503 = arith.constant 8 : i32
          %scan3A_1504 = arith.addi %scan3A_1502, %scan3A_1503 : i32
          %scan3A_1505 = arith.constant 1 : i32
          %scan3A_1506 = scf.for %scan3A_1509 = %scan3A_1502 to %scan3A_1504 step %scan3A_1505 iter_args(%scan3A_1510 = %scan3A_1501) -> (i32)  : i32 {
            %mul3A_1511 = arith.constant 16 : i32
            %mul3A_1512 = arith.muli %scan3A_1509, %mul3A_1511 : i32
            %add3A_1513 = arith.constant 384 : i32
            %add3A_1514 = arith.addi %add3A_1513, %mul3A_1512 : i32
            %get3A = arith.index_cast %add3A_1514 : i32 to index
            %get3A_1515 = tpu.vector_load %arg13[%get3A] {strides = array<i32>} : memref<2048xi32, #tpu.memory_space<vmem>>, vector<16xi32>,
            %sub3A_1516 = vector.broadcast %shift_left3A_83 : i32 to vector<16xi32>
            %sub3A_1517 = arith.subi %get3A_1515, %sub3A_1516 : vector<16xi32>
            %ge3A = arith.constant 0 : i32
            %ge3A_1518 = vector.broadcast %ge3A : i32 to vector<16xi32>
            %ge3A_1519 = arith.cmpi sge, %sub3A_1517, %ge3A_1518 : vector<16xi32>
            %lt3A_1520 = arith.constant 8192 : i32
            %lt3A_1521 = vector.broadcast %lt3A_1520 : i32 to vector<16xi32>
            %lt3A_1522 = arith.cmpi slt, %sub3A_1517, %lt3A_1521 : vector<16xi32>
            %and3A_1523 = arith.andi %ge3A_1519, %lt3A_1522 : vector<16xi1>
            %jit3A_1524 = arith.constant 8192 : i32
            %broadcast_in_dim3A_1525 = vector.broadcast %jit3A_1524 : i32 to vector<16xi32>
            %select_n3A_1526 = arith.select %and3A_1523, %sub3A_1517, %broadcast_in_dim3A_1525 : vector<16xi1>, vector<16xi32>
            tpu.vector_store_idx %arg11[%select_n3A_1526], %broadcast_in_dim3A_0 {add = true} : memref<8208xf32, #tpu.memory_space<vmem>>[vector<16xi32>], vector<16xf32>,
            %scan3A_1527 = arith.constant 0 : i32
            scf.yield %scan3A_1527 : i32
          }
          %scan3A_1507 = arith.constant 8 : i32
          %while3A_1508 = arith.constant 0 : i32
          scf.yield %while3A_1508 : i32
        }
        %dma_wait3A_773 = arith.constant 512 : i32
        %dma_wait3A_774 = tpu.memref_slice %arg13[%dma_wait3A_773] : memref<2048xi32, #tpu.memory_space<vmem>> -> memref<128xi32, #tpu.memory_space<vmem>>
        %dma_wait3A_775 = tpu.memref_slice %arg15[%multiple_of3A_417] : memref<800768xi32, #tpu.memory_space<vmem_shared>> -> memref<128xi32, #tpu.memory_space<vmem_shared>>
        %dma_wait3A_776 = arith.constant 512 : i32
        %dma_wait3A_777 = tpu.memref_slice %arg13[%dma_wait3A_776] : memref<2048xi32, #tpu.memory_space<vmem>> -> memref<128xi32, #tpu.memory_space<vmem>>
        %dma_wait3A_778 = tpu.memref_slice %arg15[%multiple_of3A_417] : memref<800768xi32, #tpu.memory_space<vmem_shared>> -> memref<128xi32, #tpu.memory_space<vmem_shared>>
        tpu.wait_dma2 semaphore(%arg18 : memref<!tpu.dma_semaphore, #tpu.memory_space<semaphore_mem>>) src(%dma_wait3A_778 : memref<128xi32, #tpu.memory_space<vmem_shared>>) dst(%dma_wait3A_777 : memref<128xi32, #tpu.memory_space<vmem>>)
        %scan3A_779 = arith.constant 0 : i32
        %scan3A_780 = arith.constant 0 : i32
        %scan3A_781 = arith.constant 8 : i32
        %scan3A_782 = arith.addi %scan3A_780, %scan3A_781 : i32
        %scan3A_783 = arith.constant 1 : i32
        %scan3A_784 = scf.for %scan3A_1493 = %scan3A_780 to %scan3A_782 step %scan3A_783 iter_args(%scan3A_1494 = %scan3A_779) -> (i32)  : i32 {
          %mul3A_1495 = arith.constant 16 : i32
          %mul3A_1496 = arith.muli %scan3A_1493, %mul3A_1495 : i32
          %add3A_1497 = arith.constant 512 : i32
          %add3A_1498 = arith.addi %add3A_1497, %mul3A_1496 : i32
          %get3A = arith.index_cast %add3A_1498 : i32 to index
          %get3A_1499 = tpu.vector_load %arg13[%get3A] {strides = array<i32>} : memref<2048xi32, #tpu.memory_space<vmem>>, vector<16xi32>,
          %sub3A_1500 = vector.broadcast %shift_left3A_83 : i32 to vector<16xi32>
          %sub3A_1501 = arith.subi %get3A_1499, %sub3A_1500 : vector<16xi32>
          %ge3A = arith.constant 0 : i32
          %ge3A_1502 = vector.broadcast %ge3A : i32 to vector<16xi32>
          %ge3A_1503 = arith.cmpi sge, %sub3A_1501, %ge3A_1502 : vector<16xi32>
          %lt3A_1504 = arith.constant 8192 : i32
          %lt3A_1505 = vector.broadcast %lt3A_1504 : i32 to vector<16xi32>
          %lt3A_1506 = arith.cmpi slt, %sub3A_1501, %lt3A_1505 : vector<16xi32>
          %and3A_1507 = arith.andi %ge3A_1503, %lt3A_1506 : vector<16xi1>
          %jit3A_1508 = arith.constant 8192 : i32
          %broadcast_in_dim3A_1509 = vector.broadcast %jit3A_1508 : i32 to vector<16xi32>
          %select_n3A_1510 = arith.select %and3A_1507, %sub3A_1501, %broadcast_in_dim3A_1509 : vector<16xi1>, vector<16xi32>
          tpu.vector_store_idx %arg11[%select_n3A_1510], %broadcast_in_dim3A_0 {add = true} : memref<8208xf32, #tpu.memory_space<vmem>>[vector<16xi32>], vector<16xf32>,
          %scan3A_1511 = arith.constant 0 : i32
          scf.yield %scan3A_1511 : i32
        }
        %scan3A_785 = arith.constant 8 : i32
        %slice3A_786 = vector.extract_strided_slice %and3A_370 {offsets = [4], sizes = [1], strides = [1]} : vector<16xi32> to vector<1xi32>
        %squeeze3A_787 = vector.extract %slice3A_786[0] : i32 from vector<1xi32>
        %multiple_of3A_788 = tpu.assume_multiple %squeeze3A_787, 8 : i32
        %slice3A_789 = vector.extract_strided_slice %gather3A_367 {offsets = [4], sizes = [1], strides = [1]} : vector<16xi32> to vector<1xi32>
        %squeeze3A_790 = vector.extract %slice3A_789[0] : i32 from vector<1xi32>
        %sub3A_791 = arith.subi %squeeze3A_790, %multiple_of3A_788 : i32
        %add3A_792 = arith.constant 128 : i32
        %add3A_793 = arith.addi %sub3A_791, %add3A_792 : i32
        %sub3A_794 = arith.constant 1 : i32
        %sub3A_795 = arith.subi %add3A_793, %sub3A_794 : i32
        %jit3A_796 = arith.constant 128 : i32
        %div3A_797 = arith.divsi %sub3A_795, %jit3A_796 : i32
        %sign3A_798 = arith.constant 0 : i32
        %sign3A_799 = arith.cmpi sgt, %sub3A_795, %sign3A_798 : i32
        %sign3A_800 = arith.extui %sign3A_799 : i1 to i32
        %sign3A_801 = arith.constant 0 : i32
        %sign3A_802 = arith.cmpi slt, %sub3A_795, %sign3A_801 : i32
        %sign3A_803 = arith.extui %sign3A_802 : i1 to i32
        %sign3A_804 = arith.subi %sign3A_800, %sign3A_803 : i32
        %sign3A_805 = arith.constant 0 : i32
        %sign3A_806 = arith.cmpi sgt, %jit3A_796, %sign3A_805 : i32
        %sign3A_807 = arith.extui %sign3A_806 : i1 to i32
        %sign3A_808 = arith.constant 0 : i32
        %sign3A_809 = arith.cmpi slt, %jit3A_796, %sign3A_808 : i32
        %sign3A_810 = arith.extui %sign3A_809 : i1 to i32
        %sign3A_811 = arith.subi %sign3A_807, %sign3A_810 : i32
        %ne3A_812 = arith.cmpi ne, %sign3A_804, %sign3A_811 : i32
        %rem3A_813 = arith.remsi %sub3A_795, %jit3A_796 : i32
        %ne3A_814 = arith.constant 0 : i32
        %ne3A_815 = arith.cmpi ne, %rem3A_813, %ne3A_814 : i32
        %and3A_816 = arith.andi %ne3A_812, %ne3A_815 : i1
        %sub3A_817 = arith.constant 1 : i32
        %sub3A_818 = arith.subi %div3A_797, %sub3A_817 : i32
        %select_n3A_819 = arith.select %and3A_816, %sub3A_818, %div3A_797 : i32
        %while3A_820 = arith.constant 1 : i32
        %while3A_821 = arith.constant 0 : i32
        %while3A_822 = arith.subi %select_n3A_819, %while3A_820 : i32
        %while3A_823 = arith.addi %while3A_820, %while3A_822 : i32
        %while3A_824 = arith.constant 1 : i32
        %while3A_825 = arith.divsi %while3A_822, %while3A_824 : i32
        %while3A_826 = arith.muli %while3A_825, %while3A_824 : i32
        %while3A_827 = arith.addi %while3A_820, %while3A_826 : i32
        %while3A_828 = arith.constant 1 : i32
        %while3A_829 = scf.for %while3A_1493 = %while3A_820 to %while3A_827 step %while3A_828 iter_args(%while3A_1494 = %while3A_821) -> (i32)  : i32 {
          %add3A_1495 = arith.constant 200192 : i32
          %add3A_1496 = arith.addi %add3A_1495, %multiple_of3A_788 : i32
          %mul3A_1497 = arith.constant 128 : i32
          %mul3A_1498 = arith.muli %while3A_1493, %mul3A_1497 : i32
          %add3A_1499 = arith.addi %add3A_1496, %mul3A_1498 : i32
          %multiple_of3A_1500 = tpu.assume_multiple %add3A_1499, 8 : i32
          "tpu.region"() ({
            %run_scoped3A = tpu.sem_alloc : memref<!tpu.dma_semaphore, #tpu.memory_space<semaphore_mem>>
            %dma_start3A_1509 = arith.constant 512 : i32
            %dma_start3A_1510 = tpu.memref_slice %arg13[%dma_start3A_1509] : memref<2048xi32, #tpu.memory_space<vmem>> -> memref<128xi32, #tpu.memory_space<vmem>>
            %dma_start3A_1511 = tpu.memref_slice %arg15[%multiple_of3A_1500] : memref<800768xi32, #tpu.memory_space<vmem_shared>> -> memref<128xi32, #tpu.memory_space<vmem_shared>>
            %dma_start3A_1512 = arith.constant 512 : i32
            %dma_start3A_1513 = tpu.memref_slice %arg13[%dma_start3A_1512] : memref<2048xi32, #tpu.memory_space<vmem>> -> memref<128xi32, #tpu.memory_space<vmem>>
            %dma_start3A_1514 = tpu.memref_slice %arg15[%multiple_of3A_1500] : memref<800768xi32, #tpu.memory_space<vmem_shared>> -> memref<128xi32, #tpu.memory_space<vmem_shared>>
            tpu.enqueue_dma source(%dma_start3A_1514 : memref<128xi32, #tpu.memory_space<vmem_shared>>) target(%dma_start3A_1513 : memref<128xi32, #tpu.memory_space<vmem>>) target_semaphore(%run_scoped3A : memref<!tpu.dma_semaphore, #tpu.memory_space<semaphore_mem>>)
            %dma_wait3A_1515 = arith.constant 512 : i32
            %dma_wait3A_1516 = tpu.memref_slice %arg13[%dma_wait3A_1515] : memref<2048xi32, #tpu.memory_space<vmem>> -> memref<128xi32, #tpu.memory_space<vmem>>
            %dma_wait3A_1517 = tpu.memref_slice %arg15[%multiple_of3A_1500] : memref<800768xi32, #tpu.memory_space<vmem_shared>> -> memref<128xi32, #tpu.memory_space<vmem_shared>>
            %dma_wait3A_1518 = arith.constant 512 : i32
            %dma_wait3A_1519 = tpu.memref_slice %arg13[%dma_wait3A_1518] : memref<2048xi32, #tpu.memory_space<vmem>> -> memref<128xi32, #tpu.memory_space<vmem>>
            %dma_wait3A_1520 = tpu.memref_slice %arg15[%multiple_of3A_1500] : memref<800768xi32, #tpu.memory_space<vmem_shared>> -> memref<128xi32, #tpu.memory_space<vmem_shared>>
            tpu.wait_dma2 semaphore(%run_scoped3A : memref<!tpu.dma_semaphore, #tpu.memory_space<semaphore_mem>>) src(%dma_wait3A_1520 : memref<128xi32, #tpu.memory_space<vmem_shared>>) dst(%dma_wait3A_1519 : memref<128xi32, #tpu.memory_space<vmem>>)
            tpu.yield
          }) : () -> ()
          %scan3A_1501 = arith.constant 0 : i32
          %scan3A_1502 = arith.constant 0 : i32
          %scan3A_1503 = arith.constant 8 : i32
          %scan3A_1504 = arith.addi %scan3A_1502, %scan3A_1503 : i32
          %scan3A_1505 = arith.constant 1 : i32
          %scan3A_1506 = scf.for %scan3A_1509 = %scan3A_1502 to %scan3A_1504 step %scan3A_1505 iter_args(%scan3A_1510 = %scan3A_1501) -> (i32)  : i32 {
            %mul3A_1511 = arith.constant 16 : i32
            %mul3A_1512 = arith.muli %scan3A_1509, %mul3A_1511 : i32
            %add3A_1513 = arith.constant 512 : i32
            %add3A_1514 = arith.addi %add3A_1513, %mul3A_1512 : i32
            %get3A = arith.index_cast %add3A_1514 : i32 to index
            %get3A_1515 = tpu.vector_load %arg13[%get3A] {strides = array<i32>} : memref<2048xi32, #tpu.memory_space<vmem>>, vector<16xi32>,
            %sub3A_1516 = vector.broadcast %shift_left3A_83 : i32 to vector<16xi32>
            %sub3A_1517 = arith.subi %get3A_1515, %sub3A_1516 : vector<16xi32>
            %ge3A = arith.constant 0 : i32
            %ge3A_1518 = vector.broadcast %ge3A : i32 to vector<16xi32>
            %ge3A_1519 = arith.cmpi sge, %sub3A_1517, %ge3A_1518 : vector<16xi32>
            %lt3A_1520 = arith.constant 8192 : i32
            %lt3A_1521 = vector.broadcast %lt3A_1520 : i32 to vector<16xi32>
            %lt3A_1522 = arith.cmpi slt, %sub3A_1517, %lt3A_1521 : vector<16xi32>
            %and3A_1523 = arith.andi %ge3A_1519, %lt3A_1522 : vector<16xi1>
            %jit3A_1524 = arith.constant 8192 : i32
            %broadcast_in_dim3A_1525 = vector.broadcast %jit3A_1524 : i32 to vector<16xi32>
            %select_n3A_1526 = arith.select %and3A_1523, %sub3A_1517, %broadcast_in_dim3A_1525 : vector<16xi1>, vector<16xi32>
            tpu.vector_store_idx %arg11[%select_n3A_1526], %broadcast_in_dim3A_0 {add = true} : memref<8208xf32, #tpu.memory_space<vmem>>[vector<16xi32>], vector<16xf32>,
            %scan3A_1527 = arith.constant 0 : i32
            scf.yield %scan3A_1527 : i32
          }
          %scan3A_1507 = arith.constant 8 : i32
          %while3A_1508 = arith.constant 0 : i32
          scf.yield %while3A_1508 : i32
        }
        %while3A_830 = arith.constant 1 : i32
        %while3A_831 = scf.for %while3A_1493 = %while3A_827 to %while3A_823 step %while3A_830 iter_args(%while3A_1494 = %while3A_829) -> (i32)  : i32 {
          %add3A_1495 = arith.constant 200192 : i32
          %add3A_1496 = arith.addi %add3A_1495, %multiple_of3A_788 : i32
          %mul3A_1497 = arith.constant 128 : i32
          %mul3A_1498 = arith.muli %while3A_1493, %mul3A_1497 : i32
          %add3A_1499 = arith.addi %add3A_1496, %mul3A_1498 : i32
          %multiple_of3A_1500 = tpu.assume_multiple %add3A_1499, 8 : i32
          "tpu.region"() ({
            %run_scoped3A = tpu.sem_alloc : memref<!tpu.dma_semaphore, #tpu.memory_space<semaphore_mem>>
            %dma_start3A_1509 = arith.constant 512 : i32
            %dma_start3A_1510 = tpu.memref_slice %arg13[%dma_start3A_1509] : memref<2048xi32, #tpu.memory_space<vmem>> -> memref<128xi32, #tpu.memory_space<vmem>>
            %dma_start3A_1511 = tpu.memref_slice %arg15[%multiple_of3A_1500] : memref<800768xi32, #tpu.memory_space<vmem_shared>> -> memref<128xi32, #tpu.memory_space<vmem_shared>>
            %dma_start3A_1512 = arith.constant 512 : i32
            %dma_start3A_1513 = tpu.memref_slice %arg13[%dma_start3A_1512] : memref<2048xi32, #tpu.memory_space<vmem>> -> memref<128xi32, #tpu.memory_space<vmem>>
            %dma_start3A_1514 = tpu.memref_slice %arg15[%multiple_of3A_1500] : memref<800768xi32, #tpu.memory_space<vmem_shared>> -> memref<128xi32, #tpu.memory_space<vmem_shared>>
            tpu.enqueue_dma source(%dma_start3A_1514 : memref<128xi32, #tpu.memory_space<vmem_shared>>) target(%dma_start3A_1513 : memref<128xi32, #tpu.memory_space<vmem>>) target_semaphore(%run_scoped3A : memref<!tpu.dma_semaphore, #tpu.memory_space<semaphore_mem>>)
            %dma_wait3A_1515 = arith.constant 512 : i32
            %dma_wait3A_1516 = tpu.memref_slice %arg13[%dma_wait3A_1515] : memref<2048xi32, #tpu.memory_space<vmem>> -> memref<128xi32, #tpu.memory_space<vmem>>
            %dma_wait3A_1517 = tpu.memref_slice %arg15[%multiple_of3A_1500] : memref<800768xi32, #tpu.memory_space<vmem_shared>> -> memref<128xi32, #tpu.memory_space<vmem_shared>>
            %dma_wait3A_1518 = arith.constant 512 : i32
            %dma_wait3A_1519 = tpu.memref_slice %arg13[%dma_wait3A_1518] : memref<2048xi32, #tpu.memory_space<vmem>> -> memref<128xi32, #tpu.memory_space<vmem>>
            %dma_wait3A_1520 = tpu.memref_slice %arg15[%multiple_of3A_1500] : memref<800768xi32, #tpu.memory_space<vmem_shared>> -> memref<128xi32, #tpu.memory_space<vmem_shared>>
            tpu.wait_dma2 semaphore(%run_scoped3A : memref<!tpu.dma_semaphore, #tpu.memory_space<semaphore_mem>>) src(%dma_wait3A_1520 : memref<128xi32, #tpu.memory_space<vmem_shared>>) dst(%dma_wait3A_1519 : memref<128xi32, #tpu.memory_space<vmem>>)
            tpu.yield
          }) : () -> ()
          %scan3A_1501 = arith.constant 0 : i32
          %scan3A_1502 = arith.constant 0 : i32
          %scan3A_1503 = arith.constant 8 : i32
          %scan3A_1504 = arith.addi %scan3A_1502, %scan3A_1503 : i32
          %scan3A_1505 = arith.constant 1 : i32
          %scan3A_1506 = scf.for %scan3A_1509 = %scan3A_1502 to %scan3A_1504 step %scan3A_1505 iter_args(%scan3A_1510 = %scan3A_1501) -> (i32)  : i32 {
            %mul3A_1511 = arith.constant 16 : i32
            %mul3A_1512 = arith.muli %scan3A_1509, %mul3A_1511 : i32
            %add3A_1513 = arith.constant 512 : i32
            %add3A_1514 = arith.addi %add3A_1513, %mul3A_1512 : i32
            %get3A = arith.index_cast %add3A_1514 : i32 to index
            %get3A_1515 = tpu.vector_load %arg13[%get3A] {strides = array<i32>} : memref<2048xi32, #tpu.memory_space<vmem>>, vector<16xi32>,
            %sub3A_1516 = vector.broadcast %shift_left3A_83 : i32 to vector<16xi32>
            %sub3A_1517 = arith.subi %get3A_1515, %sub3A_1516 : vector<16xi32>
            %ge3A = arith.constant 0 : i32
            %ge3A_1518 = vector.broadcast %ge3A : i32 to vector<16xi32>
            %ge3A_1519 = arith.cmpi sge, %sub3A_1517, %ge3A_1518 : vector<16xi32>
            %lt3A_1520 = arith.constant 8192 : i32
            %lt3A_1521 = vector.broadcast %lt3A_1520 : i32 to vector<16xi32>
            %lt3A_1522 = arith.cmpi slt, %sub3A_1517, %lt3A_1521 : vector<16xi32>
            %and3A_1523 = arith.andi %ge3A_1519, %lt3A_1522 : vector<16xi1>
            %jit3A_1524 = arith.constant 8192 : i32
            %broadcast_in_dim3A_1525 = vector.broadcast %jit3A_1524 : i32 to vector<16xi32>
            %select_n3A_1526 = arith.select %and3A_1523, %sub3A_1517, %broadcast_in_dim3A_1525 : vector<16xi1>, vector<16xi32>
            tpu.vector_store_idx %arg11[%select_n3A_1526], %broadcast_in_dim3A_0 {add = true} : memref<8208xf32, #tpu.memory_space<vmem>>[vector<16xi32>], vector<16xf32>,
            %scan3A_1527 = arith.constant 0 : i32
            scf.yield %scan3A_1527 : i32
          }
          %scan3A_1507 = arith.constant 8 : i32
          %while3A_1508 = arith.constant 0 : i32
          scf.yield %while3A_1508 : i32
        }
        %dma_wait3A_832 = arith.constant 640 : i32
        %dma_wait3A_833 = tpu.memref_slice %arg13[%dma_wait3A_832] : memref<2048xi32, #tpu.memory_space<vmem>> -> memref<128xi32, #tpu.memory_space<vmem>>
        %dma_wait3A_834 = tpu.memref_slice %arg15[%multiple_of3A_428] : memref<800768xi32, #tpu.memory_space<vmem_shared>> -> memref<128xi32, #tpu.memory_space<vmem_shared>>
        %dma_wait3A_835 = arith.constant 640 : i32
        %dma_wait3A_836 = tpu.memref_slice %arg13[%dma_wait3A_835] : memref<2048xi32, #tpu.memory_space<vmem>> -> memref<128xi32, #tpu.memory_space<vmem>>
        %dma_wait3A_837 = tpu.memref_slice %arg15[%multiple_of3A_428] : memref<800768xi32, #tpu.memory_space<vmem_shared>> -> memref<128xi32, #tpu.memory_space<vmem_shared>>
        tpu.wait_dma2 semaphore(%arg18 : memref<!tpu.dma_semaphore, #tpu.memory_space<semaphore_mem>>) src(%dma_wait3A_837 : memref<128xi32, #tpu.memory_space<vmem_shared>>) dst(%dma_wait3A_836 : memref<128xi32, #tpu.memory_space<vmem>>)
        %scan3A_838 = arith.constant 0 : i32
        %scan3A_839 = arith.constant 0 : i32
        %scan3A_840 = arith.constant 8 : i32
        %scan3A_841 = arith.addi %scan3A_839, %scan3A_840 : i32
        %scan3A_842 = arith.constant 1 : i32
        %scan3A_843 = scf.for %scan3A_1493 = %scan3A_839 to %scan3A_841 step %scan3A_842 iter_args(%scan3A_1494 = %scan3A_838) -> (i32)  : i32 {
          %mul3A_1495 = arith.constant 16 : i32
          %mul3A_1496 = arith.muli %scan3A_1493, %mul3A_1495 : i32
          %add3A_1497 = arith.constant 640 : i32
          %add3A_1498 = arith.addi %add3A_1497, %mul3A_1496 : i32
          %get3A = arith.index_cast %add3A_1498 : i32 to index
          %get3A_1499 = tpu.vector_load %arg13[%get3A] {strides = array<i32>} : memref<2048xi32, #tpu.memory_space<vmem>>, vector<16xi32>,
          %sub3A_1500 = vector.broadcast %shift_left3A_83 : i32 to vector<16xi32>
          %sub3A_1501 = arith.subi %get3A_1499, %sub3A_1500 : vector<16xi32>
          %ge3A = arith.constant 0 : i32
          %ge3A_1502 = vector.broadcast %ge3A : i32 to vector<16xi32>
          %ge3A_1503 = arith.cmpi sge, %sub3A_1501, %ge3A_1502 : vector<16xi32>
          %lt3A_1504 = arith.constant 8192 : i32
          %lt3A_1505 = vector.broadcast %lt3A_1504 : i32 to vector<16xi32>
          %lt3A_1506 = arith.cmpi slt, %sub3A_1501, %lt3A_1505 : vector<16xi32>
          %and3A_1507 = arith.andi %ge3A_1503, %lt3A_1506 : vector<16xi1>
          %jit3A_1508 = arith.constant 8192 : i32
          %broadcast_in_dim3A_1509 = vector.broadcast %jit3A_1508 : i32 to vector<16xi32>
          %select_n3A_1510 = arith.select %and3A_1507, %sub3A_1501, %broadcast_in_dim3A_1509 : vector<16xi1>, vector<16xi32>
          tpu.vector_store_idx %arg11[%select_n3A_1510], %broadcast_in_dim3A_0 {add = true} : memref<8208xf32, #tpu.memory_space<vmem>>[vector<16xi32>], vector<16xf32>,
          %scan3A_1511 = arith.constant 0 : i32
          scf.yield %scan3A_1511 : i32
        }
        %scan3A_844 = arith.constant 8 : i32
        %slice3A_845 = vector.extract_strided_slice %and3A_370 {offsets = [5], sizes = [1], strides = [1]} : vector<16xi32> to vector<1xi32>
        %squeeze3A_846 = vector.extract %slice3A_845[0] : i32 from vector<1xi32>
        %multiple_of3A_847 = tpu.assume_multiple %squeeze3A_846, 8 : i32
        %slice3A_848 = vector.extract_strided_slice %gather3A_367 {offsets = [5], sizes = [1], strides = [1]} : vector<16xi32> to vector<1xi32>
        %squeeze3A_849 = vector.extract %slice3A_848[0] : i32 from vector<1xi32>
        %sub3A_850 = arith.subi %squeeze3A_849, %multiple_of3A_847 : i32
        %add3A_851 = arith.constant 128 : i32
        %add3A_852 = arith.addi %sub3A_850, %add3A_851 : i32
        %sub3A_853 = arith.constant 1 : i32
        %sub3A_854 = arith.subi %add3A_852, %sub3A_853 : i32
        %jit3A_855 = arith.constant 128 : i32
        %div3A_856 = arith.divsi %sub3A_854, %jit3A_855 : i32
        %sign3A_857 = arith.constant 0 : i32
        %sign3A_858 = arith.cmpi sgt, %sub3A_854, %sign3A_857 : i32
        %sign3A_859 = arith.extui %sign3A_858 : i1 to i32
        %sign3A_860 = arith.constant 0 : i32
        %sign3A_861 = arith.cmpi slt, %sub3A_854, %sign3A_860 : i32
        %sign3A_862 = arith.extui %sign3A_861 : i1 to i32
        %sign3A_863 = arith.subi %sign3A_859, %sign3A_862 : i32
        %sign3A_864 = arith.constant 0 : i32
        %sign3A_865 = arith.cmpi sgt, %jit3A_855, %sign3A_864 : i32
        %sign3A_866 = arith.extui %sign3A_865 : i1 to i32
        %sign3A_867 = arith.constant 0 : i32
        %sign3A_868 = arith.cmpi slt, %jit3A_855, %sign3A_867 : i32
        %sign3A_869 = arith.extui %sign3A_868 : i1 to i32
        %sign3A_870 = arith.subi %sign3A_866, %sign3A_869 : i32
        %ne3A_871 = arith.cmpi ne, %sign3A_863, %sign3A_870 : i32
        %rem3A_872 = arith.remsi %sub3A_854, %jit3A_855 : i32
        %ne3A_873 = arith.constant 0 : i32
        %ne3A_874 = arith.cmpi ne, %rem3A_872, %ne3A_873 : i32
        %and3A_875 = arith.andi %ne3A_871, %ne3A_874 : i1
        %sub3A_876 = arith.constant 1 : i32
        %sub3A_877 = arith.subi %div3A_856, %sub3A_876 : i32
        %select_n3A_878 = arith.select %and3A_875, %sub3A_877, %div3A_856 : i32
        %while3A_879 = arith.constant 1 : i32
        %while3A_880 = arith.constant 0 : i32
        %while3A_881 = arith.subi %select_n3A_878, %while3A_879 : i32
        %while3A_882 = arith.addi %while3A_879, %while3A_881 : i32
        %while3A_883 = arith.constant 1 : i32
        %while3A_884 = arith.divsi %while3A_881, %while3A_883 : i32
        %while3A_885 = arith.muli %while3A_884, %while3A_883 : i32
        %while3A_886 = arith.addi %while3A_879, %while3A_885 : i32
        %while3A_887 = arith.constant 1 : i32
        %while3A_888 = scf.for %while3A_1493 = %while3A_879 to %while3A_886 step %while3A_887 iter_args(%while3A_1494 = %while3A_880) -> (i32)  : i32 {
          %add3A_1495 = arith.constant 250240 : i32
          %add3A_1496 = arith.addi %add3A_1495, %multiple_of3A_847 : i32
          %mul3A_1497 = arith.constant 128 : i32
          %mul3A_1498 = arith.muli %while3A_1493, %mul3A_1497 : i32
          %add3A_1499 = arith.addi %add3A_1496, %mul3A_1498 : i32
          %multiple_of3A_1500 = tpu.assume_multiple %add3A_1499, 8 : i32
          "tpu.region"() ({
            %run_scoped3A = tpu.sem_alloc : memref<!tpu.dma_semaphore, #tpu.memory_space<semaphore_mem>>
            %dma_start3A_1509 = arith.constant 640 : i32
            %dma_start3A_1510 = tpu.memref_slice %arg13[%dma_start3A_1509] : memref<2048xi32, #tpu.memory_space<vmem>> -> memref<128xi32, #tpu.memory_space<vmem>>
            %dma_start3A_1511 = tpu.memref_slice %arg15[%multiple_of3A_1500] : memref<800768xi32, #tpu.memory_space<vmem_shared>> -> memref<128xi32, #tpu.memory_space<vmem_shared>>
            %dma_start3A_1512 = arith.constant 640 : i32
            %dma_start3A_1513 = tpu.memref_slice %arg13[%dma_start3A_1512] : memref<2048xi32, #tpu.memory_space<vmem>> -> memref<128xi32, #tpu.memory_space<vmem>>
            %dma_start3A_1514 = tpu.memref_slice %arg15[%multiple_of3A_1500] : memref<800768xi32, #tpu.memory_space<vmem_shared>> -> memref<128xi32, #tpu.memory_space<vmem_shared>>
            tpu.enqueue_dma source(%dma_start3A_1514 : memref<128xi32, #tpu.memory_space<vmem_shared>>) target(%dma_start3A_1513 : memref<128xi32, #tpu.memory_space<vmem>>) target_semaphore(%run_scoped3A : memref<!tpu.dma_semaphore, #tpu.memory_space<semaphore_mem>>)
            %dma_wait3A_1515 = arith.constant 640 : i32
            %dma_wait3A_1516 = tpu.memref_slice %arg13[%dma_wait3A_1515] : memref<2048xi32, #tpu.memory_space<vmem>> -> memref<128xi32, #tpu.memory_space<vmem>>
            %dma_wait3A_1517 = tpu.memref_slice %arg15[%multiple_of3A_1500] : memref<800768xi32, #tpu.memory_space<vmem_shared>> -> memref<128xi32, #tpu.memory_space<vmem_shared>>
            %dma_wait3A_1518 = arith.constant 640 : i32
            %dma_wait3A_1519 = tpu.memref_slice %arg13[%dma_wait3A_1518] : memref<2048xi32, #tpu.memory_space<vmem>> -> memref<128xi32, #tpu.memory_space<vmem>>
            %dma_wait3A_1520 = tpu.memref_slice %arg15[%multiple_of3A_1500] : memref<800768xi32, #tpu.memory_space<vmem_shared>> -> memref<128xi32, #tpu.memory_space<vmem_shared>>
            tpu.wait_dma2 semaphore(%run_scoped3A : memref<!tpu.dma_semaphore, #tpu.memory_space<semaphore_mem>>) src(%dma_wait3A_1520 : memref<128xi32, #tpu.memory_space<vmem_shared>>) dst(%dma_wait3A_1519 : memref<128xi32, #tpu.memory_space<vmem>>)
            tpu.yield
          }) : () -> ()
          %scan3A_1501 = arith.constant 0 : i32
          %scan3A_1502 = arith.constant 0 : i32
          %scan3A_1503 = arith.constant 8 : i32
          %scan3A_1504 = arith.addi %scan3A_1502, %scan3A_1503 : i32
          %scan3A_1505 = arith.constant 1 : i32
          %scan3A_1506 = scf.for %scan3A_1509 = %scan3A_1502 to %scan3A_1504 step %scan3A_1505 iter_args(%scan3A_1510 = %scan3A_1501) -> (i32)  : i32 {
            %mul3A_1511 = arith.constant 16 : i32
            %mul3A_1512 = arith.muli %scan3A_1509, %mul3A_1511 : i32
            %add3A_1513 = arith.constant 640 : i32
            %add3A_1514 = arith.addi %add3A_1513, %mul3A_1512 : i32
            %get3A = arith.index_cast %add3A_1514 : i32 to index
            %get3A_1515 = tpu.vector_load %arg13[%get3A] {strides = array<i32>} : memref<2048xi32, #tpu.memory_space<vmem>>, vector<16xi32>,
            %sub3A_1516 = vector.broadcast %shift_left3A_83 : i32 to vector<16xi32>
            %sub3A_1517 = arith.subi %get3A_1515, %sub3A_1516 : vector<16xi32>
            %ge3A = arith.constant 0 : i32
            %ge3A_1518 = vector.broadcast %ge3A : i32 to vector<16xi32>
            %ge3A_1519 = arith.cmpi sge, %sub3A_1517, %ge3A_1518 : vector<16xi32>
            %lt3A_1520 = arith.constant 8192 : i32
            %lt3A_1521 = vector.broadcast %lt3A_1520 : i32 to vector<16xi32>
            %lt3A_1522 = arith.cmpi slt, %sub3A_1517, %lt3A_1521 : vector<16xi32>
            %and3A_1523 = arith.andi %ge3A_1519, %lt3A_1522 : vector<16xi1>
            %jit3A_1524 = arith.constant 8192 : i32
            %broadcast_in_dim3A_1525 = vector.broadcast %jit3A_1524 : i32 to vector<16xi32>
            %select_n3A_1526 = arith.select %and3A_1523, %sub3A_1517, %broadcast_in_dim3A_1525 : vector<16xi1>, vector<16xi32>
            tpu.vector_store_idx %arg11[%select_n3A_1526], %broadcast_in_dim3A_0 {add = true} : memref<8208xf32, #tpu.memory_space<vmem>>[vector<16xi32>], vector<16xf32>,
            %scan3A_1527 = arith.constant 0 : i32
            scf.yield %scan3A_1527 : i32
          }
          %scan3A_1507 = arith.constant 8 : i32
          %while3A_1508 = arith.constant 0 : i32
          scf.yield %while3A_1508 : i32
        }
        %while3A_889 = arith.constant 1 : i32
        %while3A_890 = scf.for %while3A_1493 = %while3A_886 to %while3A_882 step %while3A_889 iter_args(%while3A_1494 = %while3A_888) -> (i32)  : i32 {
          %add3A_1495 = arith.constant 250240 : i32
          %add3A_1496 = arith.addi %add3A_1495, %multiple_of3A_847 : i32
          %mul3A_1497 = arith.constant 128 : i32
          %mul3A_1498 = arith.muli %while3A_1493, %mul3A_1497 : i32
          %add3A_1499 = arith.addi %add3A_1496, %mul3A_1498 : i32
          %multiple_of3A_1500 = tpu.assume_multiple %add3A_1499, 8 : i32
          "tpu.region"() ({
            %run_scoped3A = tpu.sem_alloc : memref<!tpu.dma_semaphore, #tpu.memory_space<semaphore_mem>>
            %dma_start3A_1509 = arith.constant 640 : i32
            %dma_start3A_1510 = tpu.memref_slice %arg13[%dma_start3A_1509] : memref<2048xi32, #tpu.memory_space<vmem>> -> memref<128xi32, #tpu.memory_space<vmem>>
            %dma_start3A_1511 = tpu.memref_slice %arg15[%multiple_of3A_1500] : memref<800768xi32, #tpu.memory_space<vmem_shared>> -> memref<128xi32, #tpu.memory_space<vmem_shared>>
            %dma_start3A_1512 = arith.constant 640 : i32
            %dma_start3A_1513 = tpu.memref_slice %arg13[%dma_start3A_1512] : memref<2048xi32, #tpu.memory_space<vmem>> -> memref<128xi32, #tpu.memory_space<vmem>>
            %dma_start3A_1514 = tpu.memref_slice %arg15[%multiple_of3A_1500] : memref<800768xi32, #tpu.memory_space<vmem_shared>> -> memref<128xi32, #tpu.memory_space<vmem_shared>>
            tpu.enqueue_dma source(%dma_start3A_1514 : memref<128xi32, #tpu.memory_space<vmem_shared>>) target(%dma_start3A_1513 : memref<128xi32, #tpu.memory_space<vmem>>) target_semaphore(%run_scoped3A : memref<!tpu.dma_semaphore, #tpu.memory_space<semaphore_mem>>)
            %dma_wait3A_1515 = arith.constant 640 : i32
            %dma_wait3A_1516 = tpu.memref_slice %arg13[%dma_wait3A_1515] : memref<2048xi32, #tpu.memory_space<vmem>> -> memref<128xi32, #tpu.memory_space<vmem>>
            %dma_wait3A_1517 = tpu.memref_slice %arg15[%multiple_of3A_1500] : memref<800768xi32, #tpu.memory_space<vmem_shared>> -> memref<128xi32, #tpu.memory_space<vmem_shared>>
            %dma_wait3A_1518 = arith.constant 640 : i32
            %dma_wait3A_1519 = tpu.memref_slice %arg13[%dma_wait3A_1518] : memref<2048xi32, #tpu.memory_space<vmem>> -> memref<128xi32, #tpu.memory_space<vmem>>
            %dma_wait3A_1520 = tpu.memref_slice %arg15[%multiple_of3A_1500] : memref<800768xi32, #tpu.memory_space<vmem_shared>> -> memref<128xi32, #tpu.memory_space<vmem_shared>>
            tpu.wait_dma2 semaphore(%run_scoped3A : memref<!tpu.dma_semaphore, #tpu.memory_space<semaphore_mem>>) src(%dma_wait3A_1520 : memref<128xi32, #tpu.memory_space<vmem_shared>>) dst(%dma_wait3A_1519 : memref<128xi32, #tpu.memory_space<vmem>>)
            tpu.yield
          }) : () -> ()
          %scan3A_1501 = arith.constant 0 : i32
          %scan3A_1502 = arith.constant 0 : i32
          %scan3A_1503 = arith.constant 8 : i32
          %scan3A_1504 = arith.addi %scan3A_1502, %scan3A_1503 : i32
          %scan3A_1505 = arith.constant 1 : i32
          %scan3A_1506 = scf.for %scan3A_1509 = %scan3A_1502 to %scan3A_1504 step %scan3A_1505 iter_args(%scan3A_1510 = %scan3A_1501) -> (i32)  : i32 {
            %mul3A_1511 = arith.constant 16 : i32
            %mul3A_1512 = arith.muli %scan3A_1509, %mul3A_1511 : i32
            %add3A_1513 = arith.constant 640 : i32
            %add3A_1514 = arith.addi %add3A_1513, %mul3A_1512 : i32
            %get3A = arith.index_cast %add3A_1514 : i32 to index
            %get3A_1515 = tpu.vector_load %arg13[%get3A] {strides = array<i32>} : memref<2048xi32, #tpu.memory_space<vmem>>, vector<16xi32>,
            %sub3A_1516 = vector.broadcast %shift_left3A_83 : i32 to vector<16xi32>
            %sub3A_1517 = arith.subi %get3A_1515, %sub3A_1516 : vector<16xi32>
            %ge3A = arith.constant 0 : i32
            %ge3A_1518 = vector.broadcast %ge3A : i32 to vector<16xi32>
            %ge3A_1519 = arith.cmpi sge, %sub3A_1517, %ge3A_1518 : vector<16xi32>
            %lt3A_1520 = arith.constant 8192 : i32
            %lt3A_1521 = vector.broadcast %lt3A_1520 : i32 to vector<16xi32>
            %lt3A_1522 = arith.cmpi slt, %sub3A_1517, %lt3A_1521 : vector<16xi32>
            %and3A_1523 = arith.andi %ge3A_1519, %lt3A_1522 : vector<16xi1>
            %jit3A_1524 = arith.constant 8192 : i32
            %broadcast_in_dim3A_1525 = vector.broadcast %jit3A_1524 : i32 to vector<16xi32>
            %select_n3A_1526 = arith.select %and3A_1523, %sub3A_1517, %broadcast_in_dim3A_1525 : vector<16xi1>, vector<16xi32>
            tpu.vector_store_idx %arg11[%select_n3A_1526], %broadcast_in_dim3A_0 {add = true} : memref<8208xf32, #tpu.memory_space<vmem>>[vector<16xi32>], vector<16xf32>,
            %scan3A_1527 = arith.constant 0 : i32
            scf.yield %scan3A_1527 : i32
          }
          %scan3A_1507 = arith.constant 8 : i32
          %while3A_1508 = arith.constant 0 : i32
          scf.yield %while3A_1508 : i32
        }
        %dma_wait3A_891 = arith.constant 768 : i32
        %dma_wait3A_892 = tpu.memref_slice %arg13[%dma_wait3A_891] : memref<2048xi32, #tpu.memory_space<vmem>> -> memref<128xi32, #tpu.memory_space<vmem>>
        %dma_wait3A_893 = tpu.memref_slice %arg15[%multiple_of3A_439] : memref<800768xi32, #tpu.memory_space<vmem_shared>> -> memref<128xi32, #tpu.memory_space<vmem_shared>>
        %dma_wait3A_894 = arith.constant 768 : i32
        %dma_wait3A_895 = tpu.memref_slice %arg13[%dma_wait3A_894] : memref<2048xi32, #tpu.memory_space<vmem>> -> memref<128xi32, #tpu.memory_space<vmem>>
        %dma_wait3A_896 = tpu.memref_slice %arg15[%multiple_of3A_439] : memref<800768xi32, #tpu.memory_space<vmem_shared>> -> memref<128xi32, #tpu.memory_space<vmem_shared>>
        tpu.wait_dma2 semaphore(%arg18 : memref<!tpu.dma_semaphore, #tpu.memory_space<semaphore_mem>>) src(%dma_wait3A_896 : memref<128xi32, #tpu.memory_space<vmem_shared>>) dst(%dma_wait3A_895 : memref<128xi32, #tpu.memory_space<vmem>>)
        %scan3A_897 = arith.constant 0 : i32
        %scan3A_898 = arith.constant 0 : i32
        %scan3A_899 = arith.constant 8 : i32
        %scan3A_900 = arith.addi %scan3A_898, %scan3A_899 : i32
        %scan3A_901 = arith.constant 1 : i32
        %scan3A_902 = scf.for %scan3A_1493 = %scan3A_898 to %scan3A_900 step %scan3A_901 iter_args(%scan3A_1494 = %scan3A_897) -> (i32)  : i32 {
          %mul3A_1495 = arith.constant 16 : i32
          %mul3A_1496 = arith.muli %scan3A_1493, %mul3A_1495 : i32
          %add3A_1497 = arith.constant 768 : i32
          %add3A_1498 = arith.addi %add3A_1497, %mul3A_1496 : i32
          %get3A = arith.index_cast %add3A_1498 : i32 to index
          %get3A_1499 = tpu.vector_load %arg13[%get3A] {strides = array<i32>} : memref<2048xi32, #tpu.memory_space<vmem>>, vector<16xi32>,
          %sub3A_1500 = vector.broadcast %shift_left3A_83 : i32 to vector<16xi32>
          %sub3A_1501 = arith.subi %get3A_1499, %sub3A_1500 : vector<16xi32>
          %ge3A = arith.constant 0 : i32
          %ge3A_1502 = vector.broadcast %ge3A : i32 to vector<16xi32>
          %ge3A_1503 = arith.cmpi sge, %sub3A_1501, %ge3A_1502 : vector<16xi32>
          %lt3A_1504 = arith.constant 8192 : i32
          %lt3A_1505 = vector.broadcast %lt3A_1504 : i32 to vector<16xi32>
          %lt3A_1506 = arith.cmpi slt, %sub3A_1501, %lt3A_1505 : vector<16xi32>
          %and3A_1507 = arith.andi %ge3A_1503, %lt3A_1506 : vector<16xi1>
          %jit3A_1508 = arith.constant 8192 : i32
          %broadcast_in_dim3A_1509 = vector.broadcast %jit3A_1508 : i32 to vector<16xi32>
          %select_n3A_1510 = arith.select %and3A_1507, %sub3A_1501, %broadcast_in_dim3A_1509 : vector<16xi1>, vector<16xi32>
          tpu.vector_store_idx %arg11[%select_n3A_1510], %broadcast_in_dim3A_0 {add = true} : memref<8208xf32, #tpu.memory_space<vmem>>[vector<16xi32>], vector<16xf32>,
          %scan3A_1511 = arith.constant 0 : i32
          scf.yield %scan3A_1511 : i32
        }
        %scan3A_903 = arith.constant 8 : i32
        %slice3A_904 = vector.extract_strided_slice %and3A_370 {offsets = [6], sizes = [1], strides = [1]} : vector<16xi32> to vector<1xi32>
        %squeeze3A_905 = vector.extract %slice3A_904[0] : i32 from vector<1xi32>
        %multiple_of3A_906 = tpu.assume_multiple %squeeze3A_905, 8 : i32
        %slice3A_907 = vector.extract_strided_slice %gather3A_367 {offsets = [6], sizes = [1], strides = [1]} : vector<16xi32> to vector<1xi32>
        %squeeze3A_908 = vector.extract %slice3A_907[0] : i32 from vector<1xi32>
        %sub3A_909 = arith.subi %squeeze3A_908, %multiple_of3A_906 : i32
        %add3A_910 = arith.constant 128 : i32
        %add3A_911 = arith.addi %sub3A_909, %add3A_910 : i32
        %sub3A_912 = arith.constant 1 : i32
        %sub3A_913 = arith.subi %add3A_911, %sub3A_912 : i32
        %jit3A_914 = arith.constant 128 : i32
        %div3A_915 = arith.divsi %sub3A_913, %jit3A_914 : i32
        %sign3A_916 = arith.constant 0 : i32
        %sign3A_917 = arith.cmpi sgt, %sub3A_913, %sign3A_916 : i32
        %sign3A_918 = arith.extui %sign3A_917 : i1 to i32
        %sign3A_919 = arith.constant 0 : i32
        %sign3A_920 = arith.cmpi slt, %sub3A_913, %sign3A_919 : i32
        %sign3A_921 = arith.extui %sign3A_920 : i1 to i32
        %sign3A_922 = arith.subi %sign3A_918, %sign3A_921 : i32
        %sign3A_923 = arith.constant 0 : i32
        %sign3A_924 = arith.cmpi sgt, %jit3A_914, %sign3A_923 : i32
        %sign3A_925 = arith.extui %sign3A_924 : i1 to i32
        %sign3A_926 = arith.constant 0 : i32
        %sign3A_927 = arith.cmpi slt, %jit3A_914, %sign3A_926 : i32
        %sign3A_928 = arith.extui %sign3A_927 : i1 to i32
        %sign3A_929 = arith.subi %sign3A_925, %sign3A_928 : i32
        %ne3A_930 = arith.cmpi ne, %sign3A_922, %sign3A_929 : i32
        %rem3A_931 = arith.remsi %sub3A_913, %jit3A_914 : i32
        %ne3A_932 = arith.constant 0 : i32
        %ne3A_933 = arith.cmpi ne, %rem3A_931, %ne3A_932 : i32
        %and3A_934 = arith.andi %ne3A_930, %ne3A_933 : i1
        %sub3A_935 = arith.constant 1 : i32
        %sub3A_936 = arith.subi %div3A_915, %sub3A_935 : i32
        %select_n3A_937 = arith.select %and3A_934, %sub3A_936, %div3A_915 : i32
        %while3A_938 = arith.constant 1 : i32
        %while3A_939 = arith.constant 0 : i32
        %while3A_940 = arith.subi %select_n3A_937, %while3A_938 : i32
        %while3A_941 = arith.addi %while3A_938, %while3A_940 : i32
        %while3A_942 = arith.constant 1 : i32
        %while3A_943 = arith.divsi %while3A_940, %while3A_942 : i32
        %while3A_944 = arith.muli %while3A_943, %while3A_942 : i32
        %while3A_945 = arith.addi %while3A_938, %while3A_944 : i32
        %while3A_946 = arith.constant 1 : i32
        %while3A_947 = scf.for %while3A_1493 = %while3A_938 to %while3A_945 step %while3A_946 iter_args(%while3A_1494 = %while3A_939) -> (i32)  : i32 {
          %add3A_1495 = arith.constant 300288 : i32
          %add3A_1496 = arith.addi %add3A_1495, %multiple_of3A_906 : i32
          %mul3A_1497 = arith.constant 128 : i32
          %mul3A_1498 = arith.muli %while3A_1493, %mul3A_1497 : i32
          %add3A_1499 = arith.addi %add3A_1496, %mul3A_1498 : i32
          %multiple_of3A_1500 = tpu.assume_multiple %add3A_1499, 8 : i32
          "tpu.region"() ({
            %run_scoped3A = tpu.sem_alloc : memref<!tpu.dma_semaphore, #tpu.memory_space<semaphore_mem>>
            %dma_start3A_1509 = arith.constant 768 : i32
            %dma_start3A_1510 = tpu.memref_slice %arg13[%dma_start3A_1509] : memref<2048xi32, #tpu.memory_space<vmem>> -> memref<128xi32, #tpu.memory_space<vmem>>
            %dma_start3A_1511 = tpu.memref_slice %arg15[%multiple_of3A_1500] : memref<800768xi32, #tpu.memory_space<vmem_shared>> -> memref<128xi32, #tpu.memory_space<vmem_shared>>
            %dma_start3A_1512 = arith.constant 768 : i32
            %dma_start3A_1513 = tpu.memref_slice %arg13[%dma_start3A_1512] : memref<2048xi32, #tpu.memory_space<vmem>> -> memref<128xi32, #tpu.memory_space<vmem>>
            %dma_start3A_1514 = tpu.memref_slice %arg15[%multiple_of3A_1500] : memref<800768xi32, #tpu.memory_space<vmem_shared>> -> memref<128xi32, #tpu.memory_space<vmem_shared>>
            tpu.enqueue_dma source(%dma_start3A_1514 : memref<128xi32, #tpu.memory_space<vmem_shared>>) target(%dma_start3A_1513 : memref<128xi32, #tpu.memory_space<vmem>>) target_semaphore(%run_scoped3A : memref<!tpu.dma_semaphore, #tpu.memory_space<semaphore_mem>>)
            %dma_wait3A_1515 = arith.constant 768 : i32
            %dma_wait3A_1516 = tpu.memref_slice %arg13[%dma_wait3A_1515] : memref<2048xi32, #tpu.memory_space<vmem>> -> memref<128xi32, #tpu.memory_space<vmem>>
            %dma_wait3A_1517 = tpu.memref_slice %arg15[%multiple_of3A_1500] : memref<800768xi32, #tpu.memory_space<vmem_shared>> -> memref<128xi32, #tpu.memory_space<vmem_shared>>
            %dma_wait3A_1518 = arith.constant 768 : i32
            %dma_wait3A_1519 = tpu.memref_slice %arg13[%dma_wait3A_1518] : memref<2048xi32, #tpu.memory_space<vmem>> -> memref<128xi32, #tpu.memory_space<vmem>>
            %dma_wait3A_1520 = tpu.memref_slice %arg15[%multiple_of3A_1500] : memref<800768xi32, #tpu.memory_space<vmem_shared>> -> memref<128xi32, #tpu.memory_space<vmem_shared>>
            tpu.wait_dma2 semaphore(%run_scoped3A : memref<!tpu.dma_semaphore, #tpu.memory_space<semaphore_mem>>) src(%dma_wait3A_1520 : memref<128xi32, #tpu.memory_space<vmem_shared>>) dst(%dma_wait3A_1519 : memref<128xi32, #tpu.memory_space<vmem>>)
            tpu.yield
          }) : () -> ()
          %scan3A_1501 = arith.constant 0 : i32
          %scan3A_1502 = arith.constant 0 : i32
          %scan3A_1503 = arith.constant 8 : i32
          %scan3A_1504 = arith.addi %scan3A_1502, %scan3A_1503 : i32
          %scan3A_1505 = arith.constant 1 : i32
          %scan3A_1506 = scf.for %scan3A_1509 = %scan3A_1502 to %scan3A_1504 step %scan3A_1505 iter_args(%scan3A_1510 = %scan3A_1501) -> (i32)  : i32 {
            %mul3A_1511 = arith.constant 16 : i32
            %mul3A_1512 = arith.muli %scan3A_1509, %mul3A_1511 : i32
            %add3A_1513 = arith.constant 768 : i32
            %add3A_1514 = arith.addi %add3A_1513, %mul3A_1512 : i32
            %get3A = arith.index_cast %add3A_1514 : i32 to index
            %get3A_1515 = tpu.vector_load %arg13[%get3A] {strides = array<i32>} : memref<2048xi32, #tpu.memory_space<vmem>>, vector<16xi32>,
            %sub3A_1516 = vector.broadcast %shift_left3A_83 : i32 to vector<16xi32>
            %sub3A_1517 = arith.subi %get3A_1515, %sub3A_1516 : vector<16xi32>
            %ge3A = arith.constant 0 : i32
            %ge3A_1518 = vector.broadcast %ge3A : i32 to vector<16xi32>
            %ge3A_1519 = arith.cmpi sge, %sub3A_1517, %ge3A_1518 : vector<16xi32>
            %lt3A_1520 = arith.constant 8192 : i32
            %lt3A_1521 = vector.broadcast %lt3A_1520 : i32 to vector<16xi32>
            %lt3A_1522 = arith.cmpi slt, %sub3A_1517, %lt3A_1521 : vector<16xi32>
            %and3A_1523 = arith.andi %ge3A_1519, %lt3A_1522 : vector<16xi1>
            %jit3A_1524 = arith.constant 8192 : i32
            %broadcast_in_dim3A_1525 = vector.broadcast %jit3A_1524 : i32 to vector<16xi32>
            %select_n3A_1526 = arith.select %and3A_1523, %sub3A_1517, %broadcast_in_dim3A_1525 : vector<16xi1>, vector<16xi32>
            tpu.vector_store_idx %arg11[%select_n3A_1526], %broadcast_in_dim3A_0 {add = true} : memref<8208xf32, #tpu.memory_space<vmem>>[vector<16xi32>], vector<16xf32>,
            %scan3A_1527 = arith.constant 0 : i32
            scf.yield %scan3A_1527 : i32
          }
          %scan3A_1507 = arith.constant 8 : i32
          %while3A_1508 = arith.constant 0 : i32
          scf.yield %while3A_1508 : i32
        }
        %while3A_948 = arith.constant 1 : i32
        %while3A_949 = scf.for %while3A_1493 = %while3A_945 to %while3A_941 step %while3A_948 iter_args(%while3A_1494 = %while3A_947) -> (i32)  : i32 {
          %add3A_1495 = arith.constant 300288 : i32
          %add3A_1496 = arith.addi %add3A_1495, %multiple_of3A_906 : i32
          %mul3A_1497 = arith.constant 128 : i32
          %mul3A_1498 = arith.muli %while3A_1493, %mul3A_1497 : i32
          %add3A_1499 = arith.addi %add3A_1496, %mul3A_1498 : i32
          %multiple_of3A_1500 = tpu.assume_multiple %add3A_1499, 8 : i32
          "tpu.region"() ({
            %run_scoped3A = tpu.sem_alloc : memref<!tpu.dma_semaphore, #tpu.memory_space<semaphore_mem>>
            %dma_start3A_1509 = arith.constant 768 : i32
            %dma_start3A_1510 = tpu.memref_slice %arg13[%dma_start3A_1509] : memref<2048xi32, #tpu.memory_space<vmem>> -> memref<128xi32, #tpu.memory_space<vmem>>
            %dma_start3A_1511 = tpu.memref_slice %arg15[%multiple_of3A_1500] : memref<800768xi32, #tpu.memory_space<vmem_shared>> -> memref<128xi32, #tpu.memory_space<vmem_shared>>
            %dma_start3A_1512 = arith.constant 768 : i32
            %dma_start3A_1513 = tpu.memref_slice %arg13[%dma_start3A_1512] : memref<2048xi32, #tpu.memory_space<vmem>> -> memref<128xi32, #tpu.memory_space<vmem>>
            %dma_start3A_1514 = tpu.memref_slice %arg15[%multiple_of3A_1500] : memref<800768xi32, #tpu.memory_space<vmem_shared>> -> memref<128xi32, #tpu.memory_space<vmem_shared>>
            tpu.enqueue_dma source(%dma_start3A_1514 : memref<128xi32, #tpu.memory_space<vmem_shared>>) target(%dma_start3A_1513 : memref<128xi32, #tpu.memory_space<vmem>>) target_semaphore(%run_scoped3A : memref<!tpu.dma_semaphore, #tpu.memory_space<semaphore_mem>>)
            %dma_wait3A_1515 = arith.constant 768 : i32
            %dma_wait3A_1516 = tpu.memref_slice %arg13[%dma_wait3A_1515] : memref<2048xi32, #tpu.memory_space<vmem>> -> memref<128xi32, #tpu.memory_space<vmem>>
            %dma_wait3A_1517 = tpu.memref_slice %arg15[%multiple_of3A_1500] : memref<800768xi32, #tpu.memory_space<vmem_shared>> -> memref<128xi32, #tpu.memory_space<vmem_shared>>
            %dma_wait3A_1518 = arith.constant 768 : i32
            %dma_wait3A_1519 = tpu.memref_slice %arg13[%dma_wait3A_1518] : memref<2048xi32, #tpu.memory_space<vmem>> -> memref<128xi32, #tpu.memory_space<vmem>>
            %dma_wait3A_1520 = tpu.memref_slice %arg15[%multiple_of3A_1500] : memref<800768xi32, #tpu.memory_space<vmem_shared>> -> memref<128xi32, #tpu.memory_space<vmem_shared>>
            tpu.wait_dma2 semaphore(%run_scoped3A : memref<!tpu.dma_semaphore, #tpu.memory_space<semaphore_mem>>) src(%dma_wait3A_1520 : memref<128xi32, #tpu.memory_space<vmem_shared>>) dst(%dma_wait3A_1519 : memref<128xi32, #tpu.memory_space<vmem>>)
            tpu.yield
          }) : () -> ()
          %scan3A_1501 = arith.constant 0 : i32
          %scan3A_1502 = arith.constant 0 : i32
          %scan3A_1503 = arith.constant 8 : i32
          %scan3A_1504 = arith.addi %scan3A_1502, %scan3A_1503 : i32
          %scan3A_1505 = arith.constant 1 : i32
          %scan3A_1506 = scf.for %scan3A_1509 = %scan3A_1502 to %scan3A_1504 step %scan3A_1505 iter_args(%scan3A_1510 = %scan3A_1501) -> (i32)  : i32 {
            %mul3A_1511 = arith.constant 16 : i32
            %mul3A_1512 = arith.muli %scan3A_1509, %mul3A_1511 : i32
            %add3A_1513 = arith.constant 768 : i32
            %add3A_1514 = arith.addi %add3A_1513, %mul3A_1512 : i32
            %get3A = arith.index_cast %add3A_1514 : i32 to index
            %get3A_1515 = tpu.vector_load %arg13[%get3A] {strides = array<i32>} : memref<2048xi32, #tpu.memory_space<vmem>>, vector<16xi32>,
            %sub3A_1516 = vector.broadcast %shift_left3A_83 : i32 to vector<16xi32>
            %sub3A_1517 = arith.subi %get3A_1515, %sub3A_1516 : vector<16xi32>
            %ge3A = arith.constant 0 : i32
            %ge3A_1518 = vector.broadcast %ge3A : i32 to vector<16xi32>
            %ge3A_1519 = arith.cmpi sge, %sub3A_1517, %ge3A_1518 : vector<16xi32>
            %lt3A_1520 = arith.constant 8192 : i32
            %lt3A_1521 = vector.broadcast %lt3A_1520 : i32 to vector<16xi32>
            %lt3A_1522 = arith.cmpi slt, %sub3A_1517, %lt3A_1521 : vector<16xi32>
            %and3A_1523 = arith.andi %ge3A_1519, %lt3A_1522 : vector<16xi1>
            %jit3A_1524 = arith.constant 8192 : i32
            %broadcast_in_dim3A_1525 = vector.broadcast %jit3A_1524 : i32 to vector<16xi32>
            %select_n3A_1526 = arith.select %and3A_1523, %sub3A_1517, %broadcast_in_dim3A_1525 : vector<16xi1>, vector<16xi32>
            tpu.vector_store_idx %arg11[%select_n3A_1526], %broadcast_in_dim3A_0 {add = true} : memref<8208xf32, #tpu.memory_space<vmem>>[vector<16xi32>], vector<16xf32>,
            %scan3A_1527 = arith.constant 0 : i32
            scf.yield %scan3A_1527 : i32
          }
          %scan3A_1507 = arith.constant 8 : i32
          %while3A_1508 = arith.constant 0 : i32
          scf.yield %while3A_1508 : i32
        }
        %dma_wait3A_950 = arith.constant 896 : i32
        %dma_wait3A_951 = tpu.memref_slice %arg13[%dma_wait3A_950] : memref<2048xi32, #tpu.memory_space<vmem>> -> memref<128xi32, #tpu.memory_space<vmem>>
        %dma_wait3A_952 = tpu.memref_slice %arg15[%multiple_of3A_450] : memref<800768xi32, #tpu.memory_space<vmem_shared>> -> memref<128xi32, #tpu.memory_space<vmem_shared>>
        %dma_wait3A_953 = arith.constant 896 : i32
        %dma_wait3A_954 = tpu.memref_slice %arg13[%dma_wait3A_953] : memref<2048xi32, #tpu.memory_space<vmem>> -> memref<128xi32, #tpu.memory_space<vmem>>
        %dma_wait3A_955 = tpu.memref_slice %arg15[%multiple_of3A_450] : memref<800768xi32, #tpu.memory_space<vmem_shared>> -> memref<128xi32, #tpu.memory_space<vmem_shared>>
        tpu.wait_dma2 semaphore(%arg18 : memref<!tpu.dma_semaphore, #tpu.memory_space<semaphore_mem>>) src(%dma_wait3A_955 : memref<128xi32, #tpu.memory_space<vmem_shared>>) dst(%dma_wait3A_954 : memref<128xi32, #tpu.memory_space<vmem>>)
        %scan3A_956 = arith.constant 0 : i32
        %scan3A_957 = arith.constant 0 : i32
        %scan3A_958 = arith.constant 8 : i32
        %scan3A_959 = arith.addi %scan3A_957, %scan3A_958 : i32
        %scan3A_960 = arith.constant 1 : i32
        %scan3A_961 = scf.for %scan3A_1493 = %scan3A_957 to %scan3A_959 step %scan3A_960 iter_args(%scan3A_1494 = %scan3A_956) -> (i32)  : i32 {
          %mul3A_1495 = arith.constant 16 : i32
          %mul3A_1496 = arith.muli %scan3A_1493, %mul3A_1495 : i32
          %add3A_1497 = arith.constant 896 : i32
          %add3A_1498 = arith.addi %add3A_1497, %mul3A_1496 : i32
          %get3A = arith.index_cast %add3A_1498 : i32 to index
          %get3A_1499 = tpu.vector_load %arg13[%get3A] {strides = array<i32>} : memref<2048xi32, #tpu.memory_space<vmem>>, vector<16xi32>,
          %sub3A_1500 = vector.broadcast %shift_left3A_83 : i32 to vector<16xi32>
          %sub3A_1501 = arith.subi %get3A_1499, %sub3A_1500 : vector<16xi32>
          %ge3A = arith.constant 0 : i32
          %ge3A_1502 = vector.broadcast %ge3A : i32 to vector<16xi32>
          %ge3A_1503 = arith.cmpi sge, %sub3A_1501, %ge3A_1502 : vector<16xi32>
          %lt3A_1504 = arith.constant 8192 : i32
          %lt3A_1505 = vector.broadcast %lt3A_1504 : i32 to vector<16xi32>
          %lt3A_1506 = arith.cmpi slt, %sub3A_1501, %lt3A_1505 : vector<16xi32>
          %and3A_1507 = arith.andi %ge3A_1503, %lt3A_1506 : vector<16xi1>
          %jit3A_1508 = arith.constant 8192 : i32
          %broadcast_in_dim3A_1509 = vector.broadcast %jit3A_1508 : i32 to vector<16xi32>
          %select_n3A_1510 = arith.select %and3A_1507, %sub3A_1501, %broadcast_in_dim3A_1509 : vector<16xi1>, vector<16xi32>
          tpu.vector_store_idx %arg11[%select_n3A_1510], %broadcast_in_dim3A_0 {add = true} : memref<8208xf32, #tpu.memory_space<vmem>>[vector<16xi32>], vector<16xf32>,
          %scan3A_1511 = arith.constant 0 : i32
          scf.yield %scan3A_1511 : i32
        }
        %scan3A_962 = arith.constant 8 : i32
        %slice3A_963 = vector.extract_strided_slice %and3A_370 {offsets = [7], sizes = [1], strides = [1]} : vector<16xi32> to vector<1xi32>
        %squeeze3A_964 = vector.extract %slice3A_963[0] : i32 from vector<1xi32>
        %multiple_of3A_965 = tpu.assume_multiple %squeeze3A_964, 8 : i32
        %slice3A_966 = vector.extract_strided_slice %gather3A_367 {offsets = [7], sizes = [1], strides = [1]} : vector<16xi32> to vector<1xi32>
        %squeeze3A_967 = vector.extract %slice3A_966[0] : i32 from vector<1xi32>
        %sub3A_968 = arith.subi %squeeze3A_967, %multiple_of3A_965 : i32
        %add3A_969 = arith.constant 128 : i32
        %add3A_970 = arith.addi %sub3A_968, %add3A_969 : i32
        %sub3A_971 = arith.constant 1 : i32
        %sub3A_972 = arith.subi %add3A_970, %sub3A_971 : i32
        %jit3A_973 = arith.constant 128 : i32
        %div3A_974 = arith.divsi %sub3A_972, %jit3A_973 : i32
        %sign3A_975 = arith.constant 0 : i32
        %sign3A_976 = arith.cmpi sgt, %sub3A_972, %sign3A_975 : i32
        %sign3A_977 = arith.extui %sign3A_976 : i1 to i32
        %sign3A_978 = arith.constant 0 : i32
        %sign3A_979 = arith.cmpi slt, %sub3A_972, %sign3A_978 : i32
        %sign3A_980 = arith.extui %sign3A_979 : i1 to i32
        %sign3A_981 = arith.subi %sign3A_977, %sign3A_980 : i32
        %sign3A_982 = arith.constant 0 : i32
        %sign3A_983 = arith.cmpi sgt, %jit3A_973, %sign3A_982 : i32
        %sign3A_984 = arith.extui %sign3A_983 : i1 to i32
        %sign3A_985 = arith.constant 0 : i32
        %sign3A_986 = arith.cmpi slt, %jit3A_973, %sign3A_985 : i32
        %sign3A_987 = arith.extui %sign3A_986 : i1 to i32
        %sign3A_988 = arith.subi %sign3A_984, %sign3A_987 : i32
        %ne3A_989 = arith.cmpi ne, %sign3A_981, %sign3A_988 : i32
        %rem3A_990 = arith.remsi %sub3A_972, %jit3A_973 : i32
        %ne3A_991 = arith.constant 0 : i32
        %ne3A_992 = arith.cmpi ne, %rem3A_990, %ne3A_991 : i32
        %and3A_993 = arith.andi %ne3A_989, %ne3A_992 : i1
        %sub3A_994 = arith.constant 1 : i32
        %sub3A_995 = arith.subi %div3A_974, %sub3A_994 : i32
        %select_n3A_996 = arith.select %and3A_993, %sub3A_995, %div3A_974 : i32
        %while3A_997 = arith.constant 1 : i32
        %while3A_998 = arith.constant 0 : i32
        %while3A_999 = arith.subi %select_n3A_996, %while3A_997 : i32
        %while3A_1000 = arith.addi %while3A_997, %while3A_999 : i32
        %while3A_1001 = arith.constant 1 : i32
        %while3A_1002 = arith.divsi %while3A_999, %while3A_1001 : i32
        %while3A_1003 = arith.muli %while3A_1002, %while3A_1001 : i32
        %while3A_1004 = arith.addi %while3A_997, %while3A_1003 : i32
        %while3A_1005 = arith.constant 1 : i32
        %while3A_1006 = scf.for %while3A_1493 = %while3A_997 to %while3A_1004 step %while3A_1005 iter_args(%while3A_1494 = %while3A_998) -> (i32)  : i32 {
          %add3A_1495 = arith.constant 350336 : i32
          %add3A_1496 = arith.addi %add3A_1495, %multiple_of3A_965 : i32
          %mul3A_1497 = arith.constant 128 : i32
          %mul3A_1498 = arith.muli %while3A_1493, %mul3A_1497 : i32
          %add3A_1499 = arith.addi %add3A_1496, %mul3A_1498 : i32
          %multiple_of3A_1500 = tpu.assume_multiple %add3A_1499, 8 : i32
          "tpu.region"() ({
            %run_scoped3A = tpu.sem_alloc : memref<!tpu.dma_semaphore, #tpu.memory_space<semaphore_mem>>
            %dma_start3A_1509 = arith.constant 896 : i32
            %dma_start3A_1510 = tpu.memref_slice %arg13[%dma_start3A_1509] : memref<2048xi32, #tpu.memory_space<vmem>> -> memref<128xi32, #tpu.memory_space<vmem>>
            %dma_start3A_1511 = tpu.memref_slice %arg15[%multiple_of3A_1500] : memref<800768xi32, #tpu.memory_space<vmem_shared>> -> memref<128xi32, #tpu.memory_space<vmem_shared>>
            %dma_start3A_1512 = arith.constant 896 : i32
            %dma_start3A_1513 = tpu.memref_slice %arg13[%dma_start3A_1512] : memref<2048xi32, #tpu.memory_space<vmem>> -> memref<128xi32, #tpu.memory_space<vmem>>
            %dma_start3A_1514 = tpu.memref_slice %arg15[%multiple_of3A_1500] : memref<800768xi32, #tpu.memory_space<vmem_shared>> -> memref<128xi32, #tpu.memory_space<vmem_shared>>
            tpu.enqueue_dma source(%dma_start3A_1514 : memref<128xi32, #tpu.memory_space<vmem_shared>>) target(%dma_start3A_1513 : memref<128xi32, #tpu.memory_space<vmem>>) target_semaphore(%run_scoped3A : memref<!tpu.dma_semaphore, #tpu.memory_space<semaphore_mem>>)
            %dma_wait3A_1515 = arith.constant 896 : i32
            %dma_wait3A_1516 = tpu.memref_slice %arg13[%dma_wait3A_1515] : memref<2048xi32, #tpu.memory_space<vmem>> -> memref<128xi32, #tpu.memory_space<vmem>>
            %dma_wait3A_1517 = tpu.memref_slice %arg15[%multiple_of3A_1500] : memref<800768xi32, #tpu.memory_space<vmem_shared>> -> memref<128xi32, #tpu.memory_space<vmem_shared>>
            %dma_wait3A_1518 = arith.constant 896 : i32
            %dma_wait3A_1519 = tpu.memref_slice %arg13[%dma_wait3A_1518] : memref<2048xi32, #tpu.memory_space<vmem>> -> memref<128xi32, #tpu.memory_space<vmem>>
            %dma_wait3A_1520 = tpu.memref_slice %arg15[%multiple_of3A_1500] : memref<800768xi32, #tpu.memory_space<vmem_shared>> -> memref<128xi32, #tpu.memory_space<vmem_shared>>
            tpu.wait_dma2 semaphore(%run_scoped3A : memref<!tpu.dma_semaphore, #tpu.memory_space<semaphore_mem>>) src(%dma_wait3A_1520 : memref<128xi32, #tpu.memory_space<vmem_shared>>) dst(%dma_wait3A_1519 : memref<128xi32, #tpu.memory_space<vmem>>)
            tpu.yield
          }) : () -> ()
          %scan3A_1501 = arith.constant 0 : i32
          %scan3A_1502 = arith.constant 0 : i32
          %scan3A_1503 = arith.constant 8 : i32
          %scan3A_1504 = arith.addi %scan3A_1502, %scan3A_1503 : i32
          %scan3A_1505 = arith.constant 1 : i32
          %scan3A_1506 = scf.for %scan3A_1509 = %scan3A_1502 to %scan3A_1504 step %scan3A_1505 iter_args(%scan3A_1510 = %scan3A_1501) -> (i32)  : i32 {
            %mul3A_1511 = arith.constant 16 : i32
            %mul3A_1512 = arith.muli %scan3A_1509, %mul3A_1511 : i32
            %add3A_1513 = arith.constant 896 : i32
            %add3A_1514 = arith.addi %add3A_1513, %mul3A_1512 : i32
            %get3A = arith.index_cast %add3A_1514 : i32 to index
            %get3A_1515 = tpu.vector_load %arg13[%get3A] {strides = array<i32>} : memref<2048xi32, #tpu.memory_space<vmem>>, vector<16xi32>,
            %sub3A_1516 = vector.broadcast %shift_left3A_83 : i32 to vector<16xi32>
            %sub3A_1517 = arith.subi %get3A_1515, %sub3A_1516 : vector<16xi32>
            %ge3A = arith.constant 0 : i32
            %ge3A_1518 = vector.broadcast %ge3A : i32 to vector<16xi32>
            %ge3A_1519 = arith.cmpi sge, %sub3A_1517, %ge3A_1518 : vector<16xi32>
            %lt3A_1520 = arith.constant 8192 : i32
            %lt3A_1521 = vector.broadcast %lt3A_1520 : i32 to vector<16xi32>
            %lt3A_1522 = arith.cmpi slt, %sub3A_1517, %lt3A_1521 : vector<16xi32>
            %and3A_1523 = arith.andi %ge3A_1519, %lt3A_1522 : vector<16xi1>
            %jit3A_1524 = arith.constant 8192 : i32
            %broadcast_in_dim3A_1525 = vector.broadcast %jit3A_1524 : i32 to vector<16xi32>
            %select_n3A_1526 = arith.select %and3A_1523, %sub3A_1517, %broadcast_in_dim3A_1525 : vector<16xi1>, vector<16xi32>
            tpu.vector_store_idx %arg11[%select_n3A_1526], %broadcast_in_dim3A_0 {add = true} : memref<8208xf32, #tpu.memory_space<vmem>>[vector<16xi32>], vector<16xf32>,
            %scan3A_1527 = arith.constant 0 : i32
            scf.yield %scan3A_1527 : i32
          }
          %scan3A_1507 = arith.constant 8 : i32
          %while3A_1508 = arith.constant 0 : i32
          scf.yield %while3A_1508 : i32
        }
        %while3A_1007 = arith.constant 1 : i32
        %while3A_1008 = scf.for %while3A_1493 = %while3A_1004 to %while3A_1000 step %while3A_1007 iter_args(%while3A_1494 = %while3A_1006) -> (i32)  : i32 {
          %add3A_1495 = arith.constant 350336 : i32
          %add3A_1496 = arith.addi %add3A_1495, %multiple_of3A_965 : i32
          %mul3A_1497 = arith.constant 128 : i32
          %mul3A_1498 = arith.muli %while3A_1493, %mul3A_1497 : i32
          %add3A_1499 = arith.addi %add3A_1496, %mul3A_1498 : i32
          %multiple_of3A_1500 = tpu.assume_multiple %add3A_1499, 8 : i32
          "tpu.region"() ({
            %run_scoped3A = tpu.sem_alloc : memref<!tpu.dma_semaphore, #tpu.memory_space<semaphore_mem>>
            %dma_start3A_1509 = arith.constant 896 : i32
            %dma_start3A_1510 = tpu.memref_slice %arg13[%dma_start3A_1509] : memref<2048xi32, #tpu.memory_space<vmem>> -> memref<128xi32, #tpu.memory_space<vmem>>
            %dma_start3A_1511 = tpu.memref_slice %arg15[%multiple_of3A_1500] : memref<800768xi32, #tpu.memory_space<vmem_shared>> -> memref<128xi32, #tpu.memory_space<vmem_shared>>
            %dma_start3A_1512 = arith.constant 896 : i32
            %dma_start3A_1513 = tpu.memref_slice %arg13[%dma_start3A_1512] : memref<2048xi32, #tpu.memory_space<vmem>> -> memref<128xi32, #tpu.memory_space<vmem>>
            %dma_start3A_1514 = tpu.memref_slice %arg15[%multiple_of3A_1500] : memref<800768xi32, #tpu.memory_space<vmem_shared>> -> memref<128xi32, #tpu.memory_space<vmem_shared>>
            tpu.enqueue_dma source(%dma_start3A_1514 : memref<128xi32, #tpu.memory_space<vmem_shared>>) target(%dma_start3A_1513 : memref<128xi32, #tpu.memory_space<vmem>>) target_semaphore(%run_scoped3A : memref<!tpu.dma_semaphore, #tpu.memory_space<semaphore_mem>>)
            %dma_wait3A_1515 = arith.constant 896 : i32
            %dma_wait3A_1516 = tpu.memref_slice %arg13[%dma_wait3A_1515] : memref<2048xi32, #tpu.memory_space<vmem>> -> memref<128xi32, #tpu.memory_space<vmem>>
            %dma_wait3A_1517 = tpu.memref_slice %arg15[%multiple_of3A_1500] : memref<800768xi32, #tpu.memory_space<vmem_shared>> -> memref<128xi32, #tpu.memory_space<vmem_shared>>
            %dma_wait3A_1518 = arith.constant 896 : i32
            %dma_wait3A_1519 = tpu.memref_slice %arg13[%dma_wait3A_1518] : memref<2048xi32, #tpu.memory_space<vmem>> -> memref<128xi32, #tpu.memory_space<vmem>>
            %dma_wait3A_1520 = tpu.memref_slice %arg15[%multiple_of3A_1500] : memref<800768xi32, #tpu.memory_space<vmem_shared>> -> memref<128xi32, #tpu.memory_space<vmem_shared>>
            tpu.wait_dma2 semaphore(%run_scoped3A : memref<!tpu.dma_semaphore, #tpu.memory_space<semaphore_mem>>) src(%dma_wait3A_1520 : memref<128xi32, #tpu.memory_space<vmem_shared>>) dst(%dma_wait3A_1519 : memref<128xi32, #tpu.memory_space<vmem>>)
            tpu.yield
          }) : () -> ()
          %scan3A_1501 = arith.constant 0 : i32
          %scan3A_1502 = arith.constant 0 : i32
          %scan3A_1503 = arith.constant 8 : i32
          %scan3A_1504 = arith.addi %scan3A_1502, %scan3A_1503 : i32
          %scan3A_1505 = arith.constant 1 : i32
          %scan3A_1506 = scf.for %scan3A_1509 = %scan3A_1502 to %scan3A_1504 step %scan3A_1505 iter_args(%scan3A_1510 = %scan3A_1501) -> (i32)  : i32 {
            %mul3A_1511 = arith.constant 16 : i32
            %mul3A_1512 = arith.muli %scan3A_1509, %mul3A_1511 : i32
            %add3A_1513 = arith.constant 896 : i32
            %add3A_1514 = arith.addi %add3A_1513, %mul3A_1512 : i32
            %get3A = arith.index_cast %add3A_1514 : i32 to index
            %get3A_1515 = tpu.vector_load %arg13[%get3A] {strides = array<i32>} : memref<2048xi32, #tpu.memory_space<vmem>>, vector<16xi32>,
            %sub3A_1516 = vector.broadcast %shift_left3A_83 : i32 to vector<16xi32>
            %sub3A_1517 = arith.subi %get3A_1515, %sub3A_1516 : vector<16xi32>
            %ge3A = arith.constant 0 : i32
            %ge3A_1518 = vector.broadcast %ge3A : i32 to vector<16xi32>
            %ge3A_1519 = arith.cmpi sge, %sub3A_1517, %ge3A_1518 : vector<16xi32>
            %lt3A_1520 = arith.constant 8192 : i32
            %lt3A_1521 = vector.broadcast %lt3A_1520 : i32 to vector<16xi32>
            %lt3A_1522 = arith.cmpi slt, %sub3A_1517, %lt3A_1521 : vector<16xi32>
            %and3A_1523 = arith.andi %ge3A_1519, %lt3A_1522 : vector<16xi1>
            %jit3A_1524 = arith.constant 8192 : i32
            %broadcast_in_dim3A_1525 = vector.broadcast %jit3A_1524 : i32 to vector<16xi32>
            %select_n3A_1526 = arith.select %and3A_1523, %sub3A_1517, %broadcast_in_dim3A_1525 : vector<16xi1>, vector<16xi32>
            tpu.vector_store_idx %arg11[%select_n3A_1526], %broadcast_in_dim3A_0 {add = true} : memref<8208xf32, #tpu.memory_space<vmem>>[vector<16xi32>], vector<16xf32>,
            %scan3A_1527 = arith.constant 0 : i32
            scf.yield %scan3A_1527 : i32
          }
          %scan3A_1507 = arith.constant 8 : i32
          %while3A_1508 = arith.constant 0 : i32
          scf.yield %while3A_1508 : i32
        }
        %dma_wait3A_1009 = arith.constant 1024 : i32
        %dma_wait3A_1010 = tpu.memref_slice %arg13[%dma_wait3A_1009] : memref<2048xi32, #tpu.memory_space<vmem>> -> memref<128xi32, #tpu.memory_space<vmem>>
        %dma_wait3A_1011 = tpu.memref_slice %arg15[%multiple_of3A_461] : memref<800768xi32, #tpu.memory_space<vmem_shared>> -> memref<128xi32, #tpu.memory_space<vmem_shared>>
        %dma_wait3A_1012 = arith.constant 1024 : i32
        %dma_wait3A_1013 = tpu.memref_slice %arg13[%dma_wait3A_1012] : memref<2048xi32, #tpu.memory_space<vmem>> -> memref<128xi32, #tpu.memory_space<vmem>>
        %dma_wait3A_1014 = tpu.memref_slice %arg15[%multiple_of3A_461] : memref<800768xi32, #tpu.memory_space<vmem_shared>> -> memref<128xi32, #tpu.memory_space<vmem_shared>>
        tpu.wait_dma2 semaphore(%arg18 : memref<!tpu.dma_semaphore, #tpu.memory_space<semaphore_mem>>) src(%dma_wait3A_1014 : memref<128xi32, #tpu.memory_space<vmem_shared>>) dst(%dma_wait3A_1013 : memref<128xi32, #tpu.memory_space<vmem>>)
        %scan3A_1015 = arith.constant 0 : i32
        %scan3A_1016 = arith.constant 0 : i32
        %scan3A_1017 = arith.constant 8 : i32
        %scan3A_1018 = arith.addi %scan3A_1016, %scan3A_1017 : i32
        %scan3A_1019 = arith.constant 1 : i32
        %scan3A_1020 = scf.for %scan3A_1493 = %scan3A_1016 to %scan3A_1018 step %scan3A_1019 iter_args(%scan3A_1494 = %scan3A_1015) -> (i32)  : i32 {
          %mul3A_1495 = arith.constant 16 : i32
          %mul3A_1496 = arith.muli %scan3A_1493, %mul3A_1495 : i32
          %add3A_1497 = arith.constant 1024 : i32
          %add3A_1498 = arith.addi %add3A_1497, %mul3A_1496 : i32
          %get3A = arith.index_cast %add3A_1498 : i32 to index
          %get3A_1499 = tpu.vector_load %arg13[%get3A] {strides = array<i32>} : memref<2048xi32, #tpu.memory_space<vmem>>, vector<16xi32>,
          %sub3A_1500 = vector.broadcast %shift_left3A_83 : i32 to vector<16xi32>
          %sub3A_1501 = arith.subi %get3A_1499, %sub3A_1500 : vector<16xi32>
          %ge3A = arith.constant 0 : i32
          %ge3A_1502 = vector.broadcast %ge3A : i32 to vector<16xi32>
          %ge3A_1503 = arith.cmpi sge, %sub3A_1501, %ge3A_1502 : vector<16xi32>
          %lt3A_1504 = arith.constant 8192 : i32
          %lt3A_1505 = vector.broadcast %lt3A_1504 : i32 to vector<16xi32>
          %lt3A_1506 = arith.cmpi slt, %sub3A_1501, %lt3A_1505 : vector<16xi32>
          %and3A_1507 = arith.andi %ge3A_1503, %lt3A_1506 : vector<16xi1>
          %jit3A_1508 = arith.constant 8192 : i32
          %broadcast_in_dim3A_1509 = vector.broadcast %jit3A_1508 : i32 to vector<16xi32>
          %select_n3A_1510 = arith.select %and3A_1507, %sub3A_1501, %broadcast_in_dim3A_1509 : vector<16xi1>, vector<16xi32>
          tpu.vector_store_idx %arg11[%select_n3A_1510], %broadcast_in_dim3A_0 {add = true} : memref<8208xf32, #tpu.memory_space<vmem>>[vector<16xi32>], vector<16xf32>,
          %scan3A_1511 = arith.constant 0 : i32
          scf.yield %scan3A_1511 : i32
        }
        %scan3A_1021 = arith.constant 8 : i32
        %slice3A_1022 = vector.extract_strided_slice %and3A_370 {offsets = [8], sizes = [1], strides = [1]} : vector<16xi32> to vector<1xi32>
        %squeeze3A_1023 = vector.extract %slice3A_1022[0] : i32 from vector<1xi32>
        %multiple_of3A_1024 = tpu.assume_multiple %squeeze3A_1023, 8 : i32
        %slice3A_1025 = vector.extract_strided_slice %gather3A_367 {offsets = [8], sizes = [1], strides = [1]} : vector<16xi32> to vector<1xi32>
        %squeeze3A_1026 = vector.extract %slice3A_1025[0] : i32 from vector<1xi32>
        %sub3A_1027 = arith.subi %squeeze3A_1026, %multiple_of3A_1024 : i32
        %add3A_1028 = arith.constant 128 : i32
        %add3A_1029 = arith.addi %sub3A_1027, %add3A_1028 : i32
        %sub3A_1030 = arith.constant 1 : i32
        %sub3A_1031 = arith.subi %add3A_1029, %sub3A_1030 : i32
        %jit3A_1032 = arith.constant 128 : i32
        %div3A_1033 = arith.divsi %sub3A_1031, %jit3A_1032 : i32
        %sign3A_1034 = arith.constant 0 : i32
        %sign3A_1035 = arith.cmpi sgt, %sub3A_1031, %sign3A_1034 : i32
        %sign3A_1036 = arith.extui %sign3A_1035 : i1 to i32
        %sign3A_1037 = arith.constant 0 : i32
        %sign3A_1038 = arith.cmpi slt, %sub3A_1031, %sign3A_1037 : i32
        %sign3A_1039 = arith.extui %sign3A_1038 : i1 to i32
        %sign3A_1040 = arith.subi %sign3A_1036, %sign3A_1039 : i32
        %sign3A_1041 = arith.constant 0 : i32
        %sign3A_1042 = arith.cmpi sgt, %jit3A_1032, %sign3A_1041 : i32
        %sign3A_1043 = arith.extui %sign3A_1042 : i1 to i32
        %sign3A_1044 = arith.constant 0 : i32
        %sign3A_1045 = arith.cmpi slt, %jit3A_1032, %sign3A_1044 : i32
        %sign3A_1046 = arith.extui %sign3A_1045 : i1 to i32
        %sign3A_1047 = arith.subi %sign3A_1043, %sign3A_1046 : i32
        %ne3A_1048 = arith.cmpi ne, %sign3A_1040, %sign3A_1047 : i32
        %rem3A_1049 = arith.remsi %sub3A_1031, %jit3A_1032 : i32
        %ne3A_1050 = arith.constant 0 : i32
        %ne3A_1051 = arith.cmpi ne, %rem3A_1049, %ne3A_1050 : i32
        %and3A_1052 = arith.andi %ne3A_1048, %ne3A_1051 : i1
        %sub3A_1053 = arith.constant 1 : i32
        %sub3A_1054 = arith.subi %div3A_1033, %sub3A_1053 : i32
        %select_n3A_1055 = arith.select %and3A_1052, %sub3A_1054, %div3A_1033 : i32
        %while3A_1056 = arith.constant 1 : i32
        %while3A_1057 = arith.constant 0 : i32
        %while3A_1058 = arith.subi %select_n3A_1055, %while3A_1056 : i32
        %while3A_1059 = arith.addi %while3A_1056, %while3A_1058 : i32
        %while3A_1060 = arith.constant 1 : i32
        %while3A_1061 = arith.divsi %while3A_1058, %while3A_1060 : i32
        %while3A_1062 = arith.muli %while3A_1061, %while3A_1060 : i32
        %while3A_1063 = arith.addi %while3A_1056, %while3A_1062 : i32
        %while3A_1064 = arith.constant 1 : i32
        %while3A_1065 = scf.for %while3A_1493 = %while3A_1056 to %while3A_1063 step %while3A_1064 iter_args(%while3A_1494 = %while3A_1057) -> (i32)  : i32 {
          %add3A_1495 = arith.constant 400384 : i32
          %add3A_1496 = arith.addi %add3A_1495, %multiple_of3A_1024 : i32
          %mul3A_1497 = arith.constant 128 : i32
          %mul3A_1498 = arith.muli %while3A_1493, %mul3A_1497 : i32
          %add3A_1499 = arith.addi %add3A_1496, %mul3A_1498 : i32
          %multiple_of3A_1500 = tpu.assume_multiple %add3A_1499, 8 : i32
          "tpu.region"() ({
            %run_scoped3A = tpu.sem_alloc : memref<!tpu.dma_semaphore, #tpu.memory_space<semaphore_mem>>
            %dma_start3A_1509 = arith.constant 1024 : i32
            %dma_start3A_1510 = tpu.memref_slice %arg13[%dma_start3A_1509] : memref<2048xi32, #tpu.memory_space<vmem>> -> memref<128xi32, #tpu.memory_space<vmem>>
            %dma_start3A_1511 = tpu.memref_slice %arg15[%multiple_of3A_1500] : memref<800768xi32, #tpu.memory_space<vmem_shared>> -> memref<128xi32, #tpu.memory_space<vmem_shared>>
            %dma_start3A_1512 = arith.constant 1024 : i32
            %dma_start3A_1513 = tpu.memref_slice %arg13[%dma_start3A_1512] : memref<2048xi32, #tpu.memory_space<vmem>> -> memref<128xi32, #tpu.memory_space<vmem>>
            %dma_start3A_1514 = tpu.memref_slice %arg15[%multiple_of3A_1500] : memref<800768xi32, #tpu.memory_space<vmem_shared>> -> memref<128xi32, #tpu.memory_space<vmem_shared>>
            tpu.enqueue_dma source(%dma_start3A_1514 : memref<128xi32, #tpu.memory_space<vmem_shared>>) target(%dma_start3A_1513 : memref<128xi32, #tpu.memory_space<vmem>>) target_semaphore(%run_scoped3A : memref<!tpu.dma_semaphore, #tpu.memory_space<semaphore_mem>>)
            %dma_wait3A_1515 = arith.constant 1024 : i32
            %dma_wait3A_1516 = tpu.memref_slice %arg13[%dma_wait3A_1515] : memref<2048xi32, #tpu.memory_space<vmem>> -> memref<128xi32, #tpu.memory_space<vmem>>
            %dma_wait3A_1517 = tpu.memref_slice %arg15[%multiple_of3A_1500] : memref<800768xi32, #tpu.memory_space<vmem_shared>> -> memref<128xi32, #tpu.memory_space<vmem_shared>>
            %dma_wait3A_1518 = arith.constant 1024 : i32
            %dma_wait3A_1519 = tpu.memref_slice %arg13[%dma_wait3A_1518] : memref<2048xi32, #tpu.memory_space<vmem>> -> memref<128xi32, #tpu.memory_space<vmem>>
            %dma_wait3A_1520 = tpu.memref_slice %arg15[%multiple_of3A_1500] : memref<800768xi32, #tpu.memory_space<vmem_shared>> -> memref<128xi32, #tpu.memory_space<vmem_shared>>
            tpu.wait_dma2 semaphore(%run_scoped3A : memref<!tpu.dma_semaphore, #tpu.memory_space<semaphore_mem>>) src(%dma_wait3A_1520 : memref<128xi32, #tpu.memory_space<vmem_shared>>) dst(%dma_wait3A_1519 : memref<128xi32, #tpu.memory_space<vmem>>)
            tpu.yield
          }) : () -> ()
          %scan3A_1501 = arith.constant 0 : i32
          %scan3A_1502 = arith.constant 0 : i32
          %scan3A_1503 = arith.constant 8 : i32
          %scan3A_1504 = arith.addi %scan3A_1502, %scan3A_1503 : i32
          %scan3A_1505 = arith.constant 1 : i32
          %scan3A_1506 = scf.for %scan3A_1509 = %scan3A_1502 to %scan3A_1504 step %scan3A_1505 iter_args(%scan3A_1510 = %scan3A_1501) -> (i32)  : i32 {
            %mul3A_1511 = arith.constant 16 : i32
            %mul3A_1512 = arith.muli %scan3A_1509, %mul3A_1511 : i32
            %add3A_1513 = arith.constant 1024 : i32
            %add3A_1514 = arith.addi %add3A_1513, %mul3A_1512 : i32
            %get3A = arith.index_cast %add3A_1514 : i32 to index
            %get3A_1515 = tpu.vector_load %arg13[%get3A] {strides = array<i32>} : memref<2048xi32, #tpu.memory_space<vmem>>, vector<16xi32>,
            %sub3A_1516 = vector.broadcast %shift_left3A_83 : i32 to vector<16xi32>
            %sub3A_1517 = arith.subi %get3A_1515, %sub3A_1516 : vector<16xi32>
            %ge3A = arith.constant 0 : i32
            %ge3A_1518 = vector.broadcast %ge3A : i32 to vector<16xi32>
            %ge3A_1519 = arith.cmpi sge, %sub3A_1517, %ge3A_1518 : vector<16xi32>
            %lt3A_1520 = arith.constant 8192 : i32
            %lt3A_1521 = vector.broadcast %lt3A_1520 : i32 to vector<16xi32>
            %lt3A_1522 = arith.cmpi slt, %sub3A_1517, %lt3A_1521 : vector<16xi32>
            %and3A_1523 = arith.andi %ge3A_1519, %lt3A_1522 : vector<16xi1>
            %jit3A_1524 = arith.constant 8192 : i32
            %broadcast_in_dim3A_1525 = vector.broadcast %jit3A_1524 : i32 to vector<16xi32>
            %select_n3A_1526 = arith.select %and3A_1523, %sub3A_1517, %broadcast_in_dim3A_1525 : vector<16xi1>, vector<16xi32>
            tpu.vector_store_idx %arg11[%select_n3A_1526], %broadcast_in_dim3A_0 {add = true} : memref<8208xf32, #tpu.memory_space<vmem>>[vector<16xi32>], vector<16xf32>,
            %scan3A_1527 = arith.constant 0 : i32
            scf.yield %scan3A_1527 : i32
          }
          %scan3A_1507 = arith.constant 8 : i32
          %while3A_1508 = arith.constant 0 : i32
          scf.yield %while3A_1508 : i32
        }
        %while3A_1066 = arith.constant 1 : i32
        %while3A_1067 = scf.for %while3A_1493 = %while3A_1063 to %while3A_1059 step %while3A_1066 iter_args(%while3A_1494 = %while3A_1065) -> (i32)  : i32 {
          %add3A_1495 = arith.constant 400384 : i32
          %add3A_1496 = arith.addi %add3A_1495, %multiple_of3A_1024 : i32
          %mul3A_1497 = arith.constant 128 : i32
          %mul3A_1498 = arith.muli %while3A_1493, %mul3A_1497 : i32
          %add3A_1499 = arith.addi %add3A_1496, %mul3A_1498 : i32
          %multiple_of3A_1500 = tpu.assume_multiple %add3A_1499, 8 : i32
          "tpu.region"() ({
            %run_scoped3A = tpu.sem_alloc : memref<!tpu.dma_semaphore, #tpu.memory_space<semaphore_mem>>
            %dma_start3A_1509 = arith.constant 1024 : i32
            %dma_start3A_1510 = tpu.memref_slice %arg13[%dma_start3A_1509] : memref<2048xi32, #tpu.memory_space<vmem>> -> memref<128xi32, #tpu.memory_space<vmem>>
            %dma_start3A_1511 = tpu.memref_slice %arg15[%multiple_of3A_1500] : memref<800768xi32, #tpu.memory_space<vmem_shared>> -> memref<128xi32, #tpu.memory_space<vmem_shared>>
            %dma_start3A_1512 = arith.constant 1024 : i32
            %dma_start3A_1513 = tpu.memref_slice %arg13[%dma_start3A_1512] : memref<2048xi32, #tpu.memory_space<vmem>> -> memref<128xi32, #tpu.memory_space<vmem>>
            %dma_start3A_1514 = tpu.memref_slice %arg15[%multiple_of3A_1500] : memref<800768xi32, #tpu.memory_space<vmem_shared>> -> memref<128xi32, #tpu.memory_space<vmem_shared>>
            tpu.enqueue_dma source(%dma_start3A_1514 : memref<128xi32, #tpu.memory_space<vmem_shared>>) target(%dma_start3A_1513 : memref<128xi32, #tpu.memory_space<vmem>>) target_semaphore(%run_scoped3A : memref<!tpu.dma_semaphore, #tpu.memory_space<semaphore_mem>>)
            %dma_wait3A_1515 = arith.constant 1024 : i32
            %dma_wait3A_1516 = tpu.memref_slice %arg13[%dma_wait3A_1515] : memref<2048xi32, #tpu.memory_space<vmem>> -> memref<128xi32, #tpu.memory_space<vmem>>
            %dma_wait3A_1517 = tpu.memref_slice %arg15[%multiple_of3A_1500] : memref<800768xi32, #tpu.memory_space<vmem_shared>> -> memref<128xi32, #tpu.memory_space<vmem_shared>>
            %dma_wait3A_1518 = arith.constant 1024 : i32
            %dma_wait3A_1519 = tpu.memref_slice %arg13[%dma_wait3A_1518] : memref<2048xi32, #tpu.memory_space<vmem>> -> memref<128xi32, #tpu.memory_space<vmem>>
            %dma_wait3A_1520 = tpu.memref_slice %arg15[%multiple_of3A_1500] : memref<800768xi32, #tpu.memory_space<vmem_shared>> -> memref<128xi32, #tpu.memory_space<vmem_shared>>
            tpu.wait_dma2 semaphore(%run_scoped3A : memref<!tpu.dma_semaphore, #tpu.memory_space<semaphore_mem>>) src(%dma_wait3A_1520 : memref<128xi32, #tpu.memory_space<vmem_shared>>) dst(%dma_wait3A_1519 : memref<128xi32, #tpu.memory_space<vmem>>)
            tpu.yield
          }) : () -> ()
          %scan3A_1501 = arith.constant 0 : i32
          %scan3A_1502 = arith.constant 0 : i32
          %scan3A_1503 = arith.constant 8 : i32
          %scan3A_1504 = arith.addi %scan3A_1502, %scan3A_1503 : i32
          %scan3A_1505 = arith.constant 1 : i32
          %scan3A_1506 = scf.for %scan3A_1509 = %scan3A_1502 to %scan3A_1504 step %scan3A_1505 iter_args(%scan3A_1510 = %scan3A_1501) -> (i32)  : i32 {
            %mul3A_1511 = arith.constant 16 : i32
            %mul3A_1512 = arith.muli %scan3A_1509, %mul3A_1511 : i32
            %add3A_1513 = arith.constant 1024 : i32
            %add3A_1514 = arith.addi %add3A_1513, %mul3A_1512 : i32
            %get3A = arith.index_cast %add3A_1514 : i32 to index
            %get3A_1515 = tpu.vector_load %arg13[%get3A] {strides = array<i32>} : memref<2048xi32, #tpu.memory_space<vmem>>, vector<16xi32>,
            %sub3A_1516 = vector.broadcast %shift_left3A_83 : i32 to vector<16xi32>
            %sub3A_1517 = arith.subi %get3A_1515, %sub3A_1516 : vector<16xi32>
            %ge3A = arith.constant 0 : i32
            %ge3A_1518 = vector.broadcast %ge3A : i32 to vector<16xi32>
            %ge3A_1519 = arith.cmpi sge, %sub3A_1517, %ge3A_1518 : vector<16xi32>
            %lt3A_1520 = arith.constant 8192 : i32
            %lt3A_1521 = vector.broadcast %lt3A_1520 : i32 to vector<16xi32>
            %lt3A_1522 = arith.cmpi slt, %sub3A_1517, %lt3A_1521 : vector<16xi32>
            %and3A_1523 = arith.andi %ge3A_1519, %lt3A_1522 : vector<16xi1>
            %jit3A_1524 = arith.constant 8192 : i32
            %broadcast_in_dim3A_1525 = vector.broadcast %jit3A_1524 : i32 to vector<16xi32>
            %select_n3A_1526 = arith.select %and3A_1523, %sub3A_1517, %broadcast_in_dim3A_1525 : vector<16xi1>, vector<16xi32>
            tpu.vector_store_idx %arg11[%select_n3A_1526], %broadcast_in_dim3A_0 {add = true} : memref<8208xf32, #tpu.memory_space<vmem>>[vector<16xi32>], vector<16xf32>,
            %scan3A_1527 = arith.constant 0 : i32
            scf.yield %scan3A_1527 : i32
          }
          %scan3A_1507 = arith.constant 8 : i32
          %while3A_1508 = arith.constant 0 : i32
          scf.yield %while3A_1508 : i32
        }
        %dma_wait3A_1068 = arith.constant 1152 : i32
        %dma_wait3A_1069 = tpu.memref_slice %arg13[%dma_wait3A_1068] : memref<2048xi32, #tpu.memory_space<vmem>> -> memref<128xi32, #tpu.memory_space<vmem>>
        %dma_wait3A_1070 = tpu.memref_slice %arg15[%multiple_of3A_472] : memref<800768xi32, #tpu.memory_space<vmem_shared>> -> memref<128xi32, #tpu.memory_space<vmem_shared>>
        %dma_wait3A_1071 = arith.constant 1152 : i32
        %dma_wait3A_1072 = tpu.memref_slice %arg13[%dma_wait3A_1071] : memref<2048xi32, #tpu.memory_space<vmem>> -> memref<128xi32, #tpu.memory_space<vmem>>
        %dma_wait3A_1073 = tpu.memref_slice %arg15[%multiple_of3A_472] : memref<800768xi32, #tpu.memory_space<vmem_shared>> -> memref<128xi32, #tpu.memory_space<vmem_shared>>
        tpu.wait_dma2 semaphore(%arg18 : memref<!tpu.dma_semaphore, #tpu.memory_space<semaphore_mem>>) src(%dma_wait3A_1073 : memref<128xi32, #tpu.memory_space<vmem_shared>>) dst(%dma_wait3A_1072 : memref<128xi32, #tpu.memory_space<vmem>>)
        %scan3A_1074 = arith.constant 0 : i32
        %scan3A_1075 = arith.constant 0 : i32
        %scan3A_1076 = arith.constant 8 : i32
        %scan3A_1077 = arith.addi %scan3A_1075, %scan3A_1076 : i32
        %scan3A_1078 = arith.constant 1 : i32
        %scan3A_1079 = scf.for %scan3A_1493 = %scan3A_1075 to %scan3A_1077 step %scan3A_1078 iter_args(%scan3A_1494 = %scan3A_1074) -> (i32)  : i32 {
          %mul3A_1495 = arith.constant 16 : i32
          %mul3A_1496 = arith.muli %scan3A_1493, %mul3A_1495 : i32
          %add3A_1497 = arith.constant 1152 : i32
          %add3A_1498 = arith.addi %add3A_1497, %mul3A_1496 : i32
          %get3A = arith.index_cast %add3A_1498 : i32 to index
          %get3A_1499 = tpu.vector_load %arg13[%get3A] {strides = array<i32>} : memref<2048xi32, #tpu.memory_space<vmem>>, vector<16xi32>,
          %sub3A_1500 = vector.broadcast %shift_left3A_83 : i32 to vector<16xi32>
          %sub3A_1501 = arith.subi %get3A_1499, %sub3A_1500 : vector<16xi32>
          %ge3A = arith.constant 0 : i32
          %ge3A_1502 = vector.broadcast %ge3A : i32 to vector<16xi32>
          %ge3A_1503 = arith.cmpi sge, %sub3A_1501, %ge3A_1502 : vector<16xi32>
          %lt3A_1504 = arith.constant 8192 : i32
          %lt3A_1505 = vector.broadcast %lt3A_1504 : i32 to vector<16xi32>
          %lt3A_1506 = arith.cmpi slt, %sub3A_1501, %lt3A_1505 : vector<16xi32>
          %and3A_1507 = arith.andi %ge3A_1503, %lt3A_1506 : vector<16xi1>
          %jit3A_1508 = arith.constant 8192 : i32
          %broadcast_in_dim3A_1509 = vector.broadcast %jit3A_1508 : i32 to vector<16xi32>
          %select_n3A_1510 = arith.select %and3A_1507, %sub3A_1501, %broadcast_in_dim3A_1509 : vector<16xi1>, vector<16xi32>
          tpu.vector_store_idx %arg11[%select_n3A_1510], %broadcast_in_dim3A_0 {add = true} : memref<8208xf32, #tpu.memory_space<vmem>>[vector<16xi32>], vector<16xf32>,
          %scan3A_1511 = arith.constant 0 : i32
          scf.yield %scan3A_1511 : i32
        }
        %scan3A_1080 = arith.constant 8 : i32
        %slice3A_1081 = vector.extract_strided_slice %and3A_370 {offsets = [9], sizes = [1], strides = [1]} : vector<16xi32> to vector<1xi32>
        %squeeze3A_1082 = vector.extract %slice3A_1081[0] : i32 from vector<1xi32>
        %multiple_of3A_1083 = tpu.assume_multiple %squeeze3A_1082, 8 : i32
        %slice3A_1084 = vector.extract_strided_slice %gather3A_367 {offsets = [9], sizes = [1], strides = [1]} : vector<16xi32> to vector<1xi32>
        %squeeze3A_1085 = vector.extract %slice3A_1084[0] : i32 from vector<1xi32>
        %sub3A_1086 = arith.subi %squeeze3A_1085, %multiple_of3A_1083 : i32
        %add3A_1087 = arith.constant 128 : i32
        %add3A_1088 = arith.addi %sub3A_1086, %add3A_1087 : i32
        %sub3A_1089 = arith.constant 1 : i32
        %sub3A_1090 = arith.subi %add3A_1088, %sub3A_1089 : i32
        %jit3A_1091 = arith.constant 128 : i32
        %div3A_1092 = arith.divsi %sub3A_1090, %jit3A_1091 : i32
        %sign3A_1093 = arith.constant 0 : i32
        %sign3A_1094 = arith.cmpi sgt, %sub3A_1090, %sign3A_1093 : i32
        %sign3A_1095 = arith.extui %sign3A_1094 : i1 to i32
        %sign3A_1096 = arith.constant 0 : i32
        %sign3A_1097 = arith.cmpi slt, %sub3A_1090, %sign3A_1096 : i32
        %sign3A_1098 = arith.extui %sign3A_1097 : i1 to i32
        %sign3A_1099 = arith.subi %sign3A_1095, %sign3A_1098 : i32
        %sign3A_1100 = arith.constant 0 : i32
        %sign3A_1101 = arith.cmpi sgt, %jit3A_1091, %sign3A_1100 : i32
        %sign3A_1102 = arith.extui %sign3A_1101 : i1 to i32
        %sign3A_1103 = arith.constant 0 : i32
        %sign3A_1104 = arith.cmpi slt, %jit3A_1091, %sign3A_1103 : i32
        %sign3A_1105 = arith.extui %sign3A_1104 : i1 to i32
        %sign3A_1106 = arith.subi %sign3A_1102, %sign3A_1105 : i32
        %ne3A_1107 = arith.cmpi ne, %sign3A_1099, %sign3A_1106 : i32
        %rem3A_1108 = arith.remsi %sub3A_1090, %jit3A_1091 : i32
        %ne3A_1109 = arith.constant 0 : i32
        %ne3A_1110 = arith.cmpi ne, %rem3A_1108, %ne3A_1109 : i32
        %and3A_1111 = arith.andi %ne3A_1107, %ne3A_1110 : i1
        %sub3A_1112 = arith.constant 1 : i32
        %sub3A_1113 = arith.subi %div3A_1092, %sub3A_1112 : i32
        %select_n3A_1114 = arith.select %and3A_1111, %sub3A_1113, %div3A_1092 : i32
        %while3A_1115 = arith.constant 1 : i32
        %while3A_1116 = arith.constant 0 : i32
        %while3A_1117 = arith.subi %select_n3A_1114, %while3A_1115 : i32
        %while3A_1118 = arith.addi %while3A_1115, %while3A_1117 : i32
        %while3A_1119 = arith.constant 1 : i32
        %while3A_1120 = arith.divsi %while3A_1117, %while3A_1119 : i32
        %while3A_1121 = arith.muli %while3A_1120, %while3A_1119 : i32
        %while3A_1122 = arith.addi %while3A_1115, %while3A_1121 : i32
        %while3A_1123 = arith.constant 1 : i32
        %while3A_1124 = scf.for %while3A_1493 = %while3A_1115 to %while3A_1122 step %while3A_1123 iter_args(%while3A_1494 = %while3A_1116) -> (i32)  : i32 {
          %add3A_1495 = arith.constant 450432 : i32
          %add3A_1496 = arith.addi %add3A_1495, %multiple_of3A_1083 : i32
          %mul3A_1497 = arith.constant 128 : i32
          %mul3A_1498 = arith.muli %while3A_1493, %mul3A_1497 : i32
          %add3A_1499 = arith.addi %add3A_1496, %mul3A_1498 : i32
          %multiple_of3A_1500 = tpu.assume_multiple %add3A_1499, 8 : i32
          "tpu.region"() ({
            %run_scoped3A = tpu.sem_alloc : memref<!tpu.dma_semaphore, #tpu.memory_space<semaphore_mem>>
            %dma_start3A_1509 = arith.constant 1152 : i32
            %dma_start3A_1510 = tpu.memref_slice %arg13[%dma_start3A_1509] : memref<2048xi32, #tpu.memory_space<vmem>> -> memref<128xi32, #tpu.memory_space<vmem>>
            %dma_start3A_1511 = tpu.memref_slice %arg15[%multiple_of3A_1500] : memref<800768xi32, #tpu.memory_space<vmem_shared>> -> memref<128xi32, #tpu.memory_space<vmem_shared>>
            %dma_start3A_1512 = arith.constant 1152 : i32
            %dma_start3A_1513 = tpu.memref_slice %arg13[%dma_start3A_1512] : memref<2048xi32, #tpu.memory_space<vmem>> -> memref<128xi32, #tpu.memory_space<vmem>>
            %dma_start3A_1514 = tpu.memref_slice %arg15[%multiple_of3A_1500] : memref<800768xi32, #tpu.memory_space<vmem_shared>> -> memref<128xi32, #tpu.memory_space<vmem_shared>>
            tpu.enqueue_dma source(%dma_start3A_1514 : memref<128xi32, #tpu.memory_space<vmem_shared>>) target(%dma_start3A_1513 : memref<128xi32, #tpu.memory_space<vmem>>) target_semaphore(%run_scoped3A : memref<!tpu.dma_semaphore, #tpu.memory_space<semaphore_mem>>)
            %dma_wait3A_1515 = arith.constant 1152 : i32
            %dma_wait3A_1516 = tpu.memref_slice %arg13[%dma_wait3A_1515] : memref<2048xi32, #tpu.memory_space<vmem>> -> memref<128xi32, #tpu.memory_space<vmem>>
            %dma_wait3A_1517 = tpu.memref_slice %arg15[%multiple_of3A_1500] : memref<800768xi32, #tpu.memory_space<vmem_shared>> -> memref<128xi32, #tpu.memory_space<vmem_shared>>
            %dma_wait3A_1518 = arith.constant 1152 : i32
            %dma_wait3A_1519 = tpu.memref_slice %arg13[%dma_wait3A_1518] : memref<2048xi32, #tpu.memory_space<vmem>> -> memref<128xi32, #tpu.memory_space<vmem>>
            %dma_wait3A_1520 = tpu.memref_slice %arg15[%multiple_of3A_1500] : memref<800768xi32, #tpu.memory_space<vmem_shared>> -> memref<128xi32, #tpu.memory_space<vmem_shared>>
            tpu.wait_dma2 semaphore(%run_scoped3A : memref<!tpu.dma_semaphore, #tpu.memory_space<semaphore_mem>>) src(%dma_wait3A_1520 : memref<128xi32, #tpu.memory_space<vmem_shared>>) dst(%dma_wait3A_1519 : memref<128xi32, #tpu.memory_space<vmem>>)
            tpu.yield
          }) : () -> ()
          %scan3A_1501 = arith.constant 0 : i32
          %scan3A_1502 = arith.constant 0 : i32
          %scan3A_1503 = arith.constant 8 : i32
          %scan3A_1504 = arith.addi %scan3A_1502, %scan3A_1503 : i32
          %scan3A_1505 = arith.constant 1 : i32
          %scan3A_1506 = scf.for %scan3A_1509 = %scan3A_1502 to %scan3A_1504 step %scan3A_1505 iter_args(%scan3A_1510 = %scan3A_1501) -> (i32)  : i32 {
            %mul3A_1511 = arith.constant 16 : i32
            %mul3A_1512 = arith.muli %scan3A_1509, %mul3A_1511 : i32
            %add3A_1513 = arith.constant 1152 : i32
            %add3A_1514 = arith.addi %add3A_1513, %mul3A_1512 : i32
            %get3A = arith.index_cast %add3A_1514 : i32 to index
            %get3A_1515 = tpu.vector_load %arg13[%get3A] {strides = array<i32>} : memref<2048xi32, #tpu.memory_space<vmem>>, vector<16xi32>,
            %sub3A_1516 = vector.broadcast %shift_left3A_83 : i32 to vector<16xi32>
            %sub3A_1517 = arith.subi %get3A_1515, %sub3A_1516 : vector<16xi32>
            %ge3A = arith.constant 0 : i32
            %ge3A_1518 = vector.broadcast %ge3A : i32 to vector<16xi32>
            %ge3A_1519 = arith.cmpi sge, %sub3A_1517, %ge3A_1518 : vector<16xi32>
            %lt3A_1520 = arith.constant 8192 : i32
            %lt3A_1521 = vector.broadcast %lt3A_1520 : i32 to vector<16xi32>
            %lt3A_1522 = arith.cmpi slt, %sub3A_1517, %lt3A_1521 : vector<16xi32>
            %and3A_1523 = arith.andi %ge3A_1519, %lt3A_1522 : vector<16xi1>
            %jit3A_1524 = arith.constant 8192 : i32
            %broadcast_in_dim3A_1525 = vector.broadcast %jit3A_1524 : i32 to vector<16xi32>
            %select_n3A_1526 = arith.select %and3A_1523, %sub3A_1517, %broadcast_in_dim3A_1525 : vector<16xi1>, vector<16xi32>
            tpu.vector_store_idx %arg11[%select_n3A_1526], %broadcast_in_dim3A_0 {add = true} : memref<8208xf32, #tpu.memory_space<vmem>>[vector<16xi32>], vector<16xf32>,
            %scan3A_1527 = arith.constant 0 : i32
            scf.yield %scan3A_1527 : i32
          }
          %scan3A_1507 = arith.constant 8 : i32
          %while3A_1508 = arith.constant 0 : i32
          scf.yield %while3A_1508 : i32
        }
        %while3A_1125 = arith.constant 1 : i32
        %while3A_1126 = scf.for %while3A_1493 = %while3A_1122 to %while3A_1118 step %while3A_1125 iter_args(%while3A_1494 = %while3A_1124) -> (i32)  : i32 {
          %add3A_1495 = arith.constant 450432 : i32
          %add3A_1496 = arith.addi %add3A_1495, %multiple_of3A_1083 : i32
          %mul3A_1497 = arith.constant 128 : i32
          %mul3A_1498 = arith.muli %while3A_1493, %mul3A_1497 : i32
          %add3A_1499 = arith.addi %add3A_1496, %mul3A_1498 : i32
          %multiple_of3A_1500 = tpu.assume_multiple %add3A_1499, 8 : i32
          "tpu.region"() ({
            %run_scoped3A = tpu.sem_alloc : memref<!tpu.dma_semaphore, #tpu.memory_space<semaphore_mem>>
            %dma_start3A_1509 = arith.constant 1152 : i32
            %dma_start3A_1510 = tpu.memref_slice %arg13[%dma_start3A_1509] : memref<2048xi32, #tpu.memory_space<vmem>> -> memref<128xi32, #tpu.memory_space<vmem>>
            %dma_start3A_1511 = tpu.memref_slice %arg15[%multiple_of3A_1500] : memref<800768xi32, #tpu.memory_space<vmem_shared>> -> memref<128xi32, #tpu.memory_space<vmem_shared>>
            %dma_start3A_1512 = arith.constant 1152 : i32
            %dma_start3A_1513 = tpu.memref_slice %arg13[%dma_start3A_1512] : memref<2048xi32, #tpu.memory_space<vmem>> -> memref<128xi32, #tpu.memory_space<vmem>>
            %dma_start3A_1514 = tpu.memref_slice %arg15[%multiple_of3A_1500] : memref<800768xi32, #tpu.memory_space<vmem_shared>> -> memref<128xi32, #tpu.memory_space<vmem_shared>>
            tpu.enqueue_dma source(%dma_start3A_1514 : memref<128xi32, #tpu.memory_space<vmem_shared>>) target(%dma_start3A_1513 : memref<128xi32, #tpu.memory_space<vmem>>) target_semaphore(%run_scoped3A : memref<!tpu.dma_semaphore, #tpu.memory_space<semaphore_mem>>)
            %dma_wait3A_1515 = arith.constant 1152 : i32
            %dma_wait3A_1516 = tpu.memref_slice %arg13[%dma_wait3A_1515] : memref<2048xi32, #tpu.memory_space<vmem>> -> memref<128xi32, #tpu.memory_space<vmem>>
            %dma_wait3A_1517 = tpu.memref_slice %arg15[%multiple_of3A_1500] : memref<800768xi32, #tpu.memory_space<vmem_shared>> -> memref<128xi32, #tpu.memory_space<vmem_shared>>
            %dma_wait3A_1518 = arith.constant 1152 : i32
            %dma_wait3A_1519 = tpu.memref_slice %arg13[%dma_wait3A_1518] : memref<2048xi32, #tpu.memory_space<vmem>> -> memref<128xi32, #tpu.memory_space<vmem>>
            %dma_wait3A_1520 = tpu.memref_slice %arg15[%multiple_of3A_1500] : memref<800768xi32, #tpu.memory_space<vmem_shared>> -> memref<128xi32, #tpu.memory_space<vmem_shared>>
            tpu.wait_dma2 semaphore(%run_scoped3A : memref<!tpu.dma_semaphore, #tpu.memory_space<semaphore_mem>>) src(%dma_wait3A_1520 : memref<128xi32, #tpu.memory_space<vmem_shared>>) dst(%dma_wait3A_1519 : memref<128xi32, #tpu.memory_space<vmem>>)
            tpu.yield
          }) : () -> ()
          %scan3A_1501 = arith.constant 0 : i32
          %scan3A_1502 = arith.constant 0 : i32
          %scan3A_1503 = arith.constant 8 : i32
          %scan3A_1504 = arith.addi %scan3A_1502, %scan3A_1503 : i32
          %scan3A_1505 = arith.constant 1 : i32
          %scan3A_1506 = scf.for %scan3A_1509 = %scan3A_1502 to %scan3A_1504 step %scan3A_1505 iter_args(%scan3A_1510 = %scan3A_1501) -> (i32)  : i32 {
            %mul3A_1511 = arith.constant 16 : i32
            %mul3A_1512 = arith.muli %scan3A_1509, %mul3A_1511 : i32
            %add3A_1513 = arith.constant 1152 : i32
            %add3A_1514 = arith.addi %add3A_1513, %mul3A_1512 : i32
            %get3A = arith.index_cast %add3A_1514 : i32 to index
            %get3A_1515 = tpu.vector_load %arg13[%get3A] {strides = array<i32>} : memref<2048xi32, #tpu.memory_space<vmem>>, vector<16xi32>,
            %sub3A_1516 = vector.broadcast %shift_left3A_83 : i32 to vector<16xi32>
            %sub3A_1517 = arith.subi %get3A_1515, %sub3A_1516 : vector<16xi32>
            %ge3A = arith.constant 0 : i32
            %ge3A_1518 = vector.broadcast %ge3A : i32 to vector<16xi32>
            %ge3A_1519 = arith.cmpi sge, %sub3A_1517, %ge3A_1518 : vector<16xi32>
            %lt3A_1520 = arith.constant 8192 : i32
            %lt3A_1521 = vector.broadcast %lt3A_1520 : i32 to vector<16xi32>
            %lt3A_1522 = arith.cmpi slt, %sub3A_1517, %lt3A_1521 : vector<16xi32>
            %and3A_1523 = arith.andi %ge3A_1519, %lt3A_1522 : vector<16xi1>
            %jit3A_1524 = arith.constant 8192 : i32
            %broadcast_in_dim3A_1525 = vector.broadcast %jit3A_1524 : i32 to vector<16xi32>
            %select_n3A_1526 = arith.select %and3A_1523, %sub3A_1517, %broadcast_in_dim3A_1525 : vector<16xi1>, vector<16xi32>
            tpu.vector_store_idx %arg11[%select_n3A_1526], %broadcast_in_dim3A_0 {add = true} : memref<8208xf32, #tpu.memory_space<vmem>>[vector<16xi32>], vector<16xf32>,
            %scan3A_1527 = arith.constant 0 : i32
            scf.yield %scan3A_1527 : i32
          }
          %scan3A_1507 = arith.constant 8 : i32
          %while3A_1508 = arith.constant 0 : i32
          scf.yield %while3A_1508 : i32
        }
        %dma_wait3A_1127 = arith.constant 1280 : i32
        %dma_wait3A_1128 = tpu.memref_slice %arg13[%dma_wait3A_1127] : memref<2048xi32, #tpu.memory_space<vmem>> -> memref<128xi32, #tpu.memory_space<vmem>>
        %dma_wait3A_1129 = tpu.memref_slice %arg15[%multiple_of3A_483] : memref<800768xi32, #tpu.memory_space<vmem_shared>> -> memref<128xi32, #tpu.memory_space<vmem_shared>>
        %dma_wait3A_1130 = arith.constant 1280 : i32
        %dma_wait3A_1131 = tpu.memref_slice %arg13[%dma_wait3A_1130] : memref<2048xi32, #tpu.memory_space<vmem>> -> memref<128xi32, #tpu.memory_space<vmem>>
        %dma_wait3A_1132 = tpu.memref_slice %arg15[%multiple_of3A_483] : memref<800768xi32, #tpu.memory_space<vmem_shared>> -> memref<128xi32, #tpu.memory_space<vmem_shared>>
        tpu.wait_dma2 semaphore(%arg18 : memref<!tpu.dma_semaphore, #tpu.memory_space<semaphore_mem>>) src(%dma_wait3A_1132 : memref<128xi32, #tpu.memory_space<vmem_shared>>) dst(%dma_wait3A_1131 : memref<128xi32, #tpu.memory_space<vmem>>)
        %scan3A_1133 = arith.constant 0 : i32
        %scan3A_1134 = arith.constant 0 : i32
        %scan3A_1135 = arith.constant 8 : i32
        %scan3A_1136 = arith.addi %scan3A_1134, %scan3A_1135 : i32
        %scan3A_1137 = arith.constant 1 : i32
        %scan3A_1138 = scf.for %scan3A_1493 = %scan3A_1134 to %scan3A_1136 step %scan3A_1137 iter_args(%scan3A_1494 = %scan3A_1133) -> (i32)  : i32 {
          %mul3A_1495 = arith.constant 16 : i32
          %mul3A_1496 = arith.muli %scan3A_1493, %mul3A_1495 : i32
          %add3A_1497 = arith.constant 1280 : i32
          %add3A_1498 = arith.addi %add3A_1497, %mul3A_1496 : i32
          %get3A = arith.index_cast %add3A_1498 : i32 to index
          %get3A_1499 = tpu.vector_load %arg13[%get3A] {strides = array<i32>} : memref<2048xi32, #tpu.memory_space<vmem>>, vector<16xi32>,
          %sub3A_1500 = vector.broadcast %shift_left3A_83 : i32 to vector<16xi32>
          %sub3A_1501 = arith.subi %get3A_1499, %sub3A_1500 : vector<16xi32>
          %ge3A = arith.constant 0 : i32
          %ge3A_1502 = vector.broadcast %ge3A : i32 to vector<16xi32>
          %ge3A_1503 = arith.cmpi sge, %sub3A_1501, %ge3A_1502 : vector<16xi32>
          %lt3A_1504 = arith.constant 8192 : i32
          %lt3A_1505 = vector.broadcast %lt3A_1504 : i32 to vector<16xi32>
          %lt3A_1506 = arith.cmpi slt, %sub3A_1501, %lt3A_1505 : vector<16xi32>
          %and3A_1507 = arith.andi %ge3A_1503, %lt3A_1506 : vector<16xi1>
          %jit3A_1508 = arith.constant 8192 : i32
          %broadcast_in_dim3A_1509 = vector.broadcast %jit3A_1508 : i32 to vector<16xi32>
          %select_n3A_1510 = arith.select %and3A_1507, %sub3A_1501, %broadcast_in_dim3A_1509 : vector<16xi1>, vector<16xi32>
          tpu.vector_store_idx %arg11[%select_n3A_1510], %broadcast_in_dim3A_0 {add = true} : memref<8208xf32, #tpu.memory_space<vmem>>[vector<16xi32>], vector<16xf32>,
          %scan3A_1511 = arith.constant 0 : i32
          scf.yield %scan3A_1511 : i32
        }
        %scan3A_1139 = arith.constant 8 : i32
        %slice3A_1140 = vector.extract_strided_slice %and3A_370 {offsets = [10], sizes = [1], strides = [1]} : vector<16xi32> to vector<1xi32>
        %squeeze3A_1141 = vector.extract %slice3A_1140[0] : i32 from vector<1xi32>
        %multiple_of3A_1142 = tpu.assume_multiple %squeeze3A_1141, 8 : i32
        %slice3A_1143 = vector.extract_strided_slice %gather3A_367 {offsets = [10], sizes = [1], strides = [1]} : vector<16xi32> to vector<1xi32>
        %squeeze3A_1144 = vector.extract %slice3A_1143[0] : i32 from vector<1xi32>
        %sub3A_1145 = arith.subi %squeeze3A_1144, %multiple_of3A_1142 : i32
        %add3A_1146 = arith.constant 128 : i32
        %add3A_1147 = arith.addi %sub3A_1145, %add3A_1146 : i32
        %sub3A_1148 = arith.constant 1 : i32
        %sub3A_1149 = arith.subi %add3A_1147, %sub3A_1148 : i32
        %jit3A_1150 = arith.constant 128 : i32
        %div3A_1151 = arith.divsi %sub3A_1149, %jit3A_1150 : i32
        %sign3A_1152 = arith.constant 0 : i32
        %sign3A_1153 = arith.cmpi sgt, %sub3A_1149, %sign3A_1152 : i32
        %sign3A_1154 = arith.extui %sign3A_1153 : i1 to i32
        %sign3A_1155 = arith.constant 0 : i32
        %sign3A_1156 = arith.cmpi slt, %sub3A_1149, %sign3A_1155 : i32
        %sign3A_1157 = arith.extui %sign3A_1156 : i1 to i32
        %sign3A_1158 = arith.subi %sign3A_1154, %sign3A_1157 : i32
        %sign3A_1159 = arith.constant 0 : i32
        %sign3A_1160 = arith.cmpi sgt, %jit3A_1150, %sign3A_1159 : i32
        %sign3A_1161 = arith.extui %sign3A_1160 : i1 to i32
        %sign3A_1162 = arith.constant 0 : i32
        %sign3A_1163 = arith.cmpi slt, %jit3A_1150, %sign3A_1162 : i32
        %sign3A_1164 = arith.extui %sign3A_1163 : i1 to i32
        %sign3A_1165 = arith.subi %sign3A_1161, %sign3A_1164 : i32
        %ne3A_1166 = arith.cmpi ne, %sign3A_1158, %sign3A_1165 : i32
        %rem3A_1167 = arith.remsi %sub3A_1149, %jit3A_1150 : i32
        %ne3A_1168 = arith.constant 0 : i32
        %ne3A_1169 = arith.cmpi ne, %rem3A_1167, %ne3A_1168 : i32
        %and3A_1170 = arith.andi %ne3A_1166, %ne3A_1169 : i1
        %sub3A_1171 = arith.constant 1 : i32
        %sub3A_1172 = arith.subi %div3A_1151, %sub3A_1171 : i32
        %select_n3A_1173 = arith.select %and3A_1170, %sub3A_1172, %div3A_1151 : i32
        %while3A_1174 = arith.constant 1 : i32
        %while3A_1175 = arith.constant 0 : i32
        %while3A_1176 = arith.subi %select_n3A_1173, %while3A_1174 : i32
        %while3A_1177 = arith.addi %while3A_1174, %while3A_1176 : i32
        %while3A_1178 = arith.constant 1 : i32
        %while3A_1179 = arith.divsi %while3A_1176, %while3A_1178 : i32
        %while3A_1180 = arith.muli %while3A_1179, %while3A_1178 : i32
        %while3A_1181 = arith.addi %while3A_1174, %while3A_1180 : i32
        %while3A_1182 = arith.constant 1 : i32
        %while3A_1183 = scf.for %while3A_1493 = %while3A_1174 to %while3A_1181 step %while3A_1182 iter_args(%while3A_1494 = %while3A_1175) -> (i32)  : i32 {
          %add3A_1495 = arith.constant 500480 : i32
          %add3A_1496 = arith.addi %add3A_1495, %multiple_of3A_1142 : i32
          %mul3A_1497 = arith.constant 128 : i32
          %mul3A_1498 = arith.muli %while3A_1493, %mul3A_1497 : i32
          %add3A_1499 = arith.addi %add3A_1496, %mul3A_1498 : i32
          %multiple_of3A_1500 = tpu.assume_multiple %add3A_1499, 8 : i32
          "tpu.region"() ({
            %run_scoped3A = tpu.sem_alloc : memref<!tpu.dma_semaphore, #tpu.memory_space<semaphore_mem>>
            %dma_start3A_1509 = arith.constant 1280 : i32
            %dma_start3A_1510 = tpu.memref_slice %arg13[%dma_start3A_1509] : memref<2048xi32, #tpu.memory_space<vmem>> -> memref<128xi32, #tpu.memory_space<vmem>>
            %dma_start3A_1511 = tpu.memref_slice %arg15[%multiple_of3A_1500] : memref<800768xi32, #tpu.memory_space<vmem_shared>> -> memref<128xi32, #tpu.memory_space<vmem_shared>>
            %dma_start3A_1512 = arith.constant 1280 : i32
            %dma_start3A_1513 = tpu.memref_slice %arg13[%dma_start3A_1512] : memref<2048xi32, #tpu.memory_space<vmem>> -> memref<128xi32, #tpu.memory_space<vmem>>
            %dma_start3A_1514 = tpu.memref_slice %arg15[%multiple_of3A_1500] : memref<800768xi32, #tpu.memory_space<vmem_shared>> -> memref<128xi32, #tpu.memory_space<vmem_shared>>
            tpu.enqueue_dma source(%dma_start3A_1514 : memref<128xi32, #tpu.memory_space<vmem_shared>>) target(%dma_start3A_1513 : memref<128xi32, #tpu.memory_space<vmem>>) target_semaphore(%run_scoped3A : memref<!tpu.dma_semaphore, #tpu.memory_space<semaphore_mem>>)
            %dma_wait3A_1515 = arith.constant 1280 : i32
            %dma_wait3A_1516 = tpu.memref_slice %arg13[%dma_wait3A_1515] : memref<2048xi32, #tpu.memory_space<vmem>> -> memref<128xi32, #tpu.memory_space<vmem>>
            %dma_wait3A_1517 = tpu.memref_slice %arg15[%multiple_of3A_1500] : memref<800768xi32, #tpu.memory_space<vmem_shared>> -> memref<128xi32, #tpu.memory_space<vmem_shared>>
            %dma_wait3A_1518 = arith.constant 1280 : i32
            %dma_wait3A_1519 = tpu.memref_slice %arg13[%dma_wait3A_1518] : memref<2048xi32, #tpu.memory_space<vmem>> -> memref<128xi32, #tpu.memory_space<vmem>>
            %dma_wait3A_1520 = tpu.memref_slice %arg15[%multiple_of3A_1500] : memref<800768xi32, #tpu.memory_space<vmem_shared>> -> memref<128xi32, #tpu.memory_space<vmem_shared>>
            tpu.wait_dma2 semaphore(%run_scoped3A : memref<!tpu.dma_semaphore, #tpu.memory_space<semaphore_mem>>) src(%dma_wait3A_1520 : memref<128xi32, #tpu.memory_space<vmem_shared>>) dst(%dma_wait3A_1519 : memref<128xi32, #tpu.memory_space<vmem>>)
            tpu.yield
          }) : () -> ()
          %scan3A_1501 = arith.constant 0 : i32
          %scan3A_1502 = arith.constant 0 : i32
          %scan3A_1503 = arith.constant 8 : i32
          %scan3A_1504 = arith.addi %scan3A_1502, %scan3A_1503 : i32
          %scan3A_1505 = arith.constant 1 : i32
          %scan3A_1506 = scf.for %scan3A_1509 = %scan3A_1502 to %scan3A_1504 step %scan3A_1505 iter_args(%scan3A_1510 = %scan3A_1501) -> (i32)  : i32 {
            %mul3A_1511 = arith.constant 16 : i32
            %mul3A_1512 = arith.muli %scan3A_1509, %mul3A_1511 : i32
            %add3A_1513 = arith.constant 1280 : i32
            %add3A_1514 = arith.addi %add3A_1513, %mul3A_1512 : i32
            %get3A = arith.index_cast %add3A_1514 : i32 to index
            %get3A_1515 = tpu.vector_load %arg13[%get3A] {strides = array<i32>} : memref<2048xi32, #tpu.memory_space<vmem>>, vector<16xi32>,
            %sub3A_1516 = vector.broadcast %shift_left3A_83 : i32 to vector<16xi32>
            %sub3A_1517 = arith.subi %get3A_1515, %sub3A_1516 : vector<16xi32>
            %ge3A = arith.constant 0 : i32
            %ge3A_1518 = vector.broadcast %ge3A : i32 to vector<16xi32>
            %ge3A_1519 = arith.cmpi sge, %sub3A_1517, %ge3A_1518 : vector<16xi32>
            %lt3A_1520 = arith.constant 8192 : i32
            %lt3A_1521 = vector.broadcast %lt3A_1520 : i32 to vector<16xi32>
            %lt3A_1522 = arith.cmpi slt, %sub3A_1517, %lt3A_1521 : vector<16xi32>
            %and3A_1523 = arith.andi %ge3A_1519, %lt3A_1522 : vector<16xi1>
            %jit3A_1524 = arith.constant 8192 : i32
            %broadcast_in_dim3A_1525 = vector.broadcast %jit3A_1524 : i32 to vector<16xi32>
            %select_n3A_1526 = arith.select %and3A_1523, %sub3A_1517, %broadcast_in_dim3A_1525 : vector<16xi1>, vector<16xi32>
            tpu.vector_store_idx %arg11[%select_n3A_1526], %broadcast_in_dim3A_0 {add = true} : memref<8208xf32, #tpu.memory_space<vmem>>[vector<16xi32>], vector<16xf32>,
            %scan3A_1527 = arith.constant 0 : i32
            scf.yield %scan3A_1527 : i32
          }
          %scan3A_1507 = arith.constant 8 : i32
          %while3A_1508 = arith.constant 0 : i32
          scf.yield %while3A_1508 : i32
        }
        %while3A_1184 = arith.constant 1 : i32
        %while3A_1185 = scf.for %while3A_1493 = %while3A_1181 to %while3A_1177 step %while3A_1184 iter_args(%while3A_1494 = %while3A_1183) -> (i32)  : i32 {
          %add3A_1495 = arith.constant 500480 : i32
          %add3A_1496 = arith.addi %add3A_1495, %multiple_of3A_1142 : i32
          %mul3A_1497 = arith.constant 128 : i32
          %mul3A_1498 = arith.muli %while3A_1493, %mul3A_1497 : i32
          %add3A_1499 = arith.addi %add3A_1496, %mul3A_1498 : i32
          %multiple_of3A_1500 = tpu.assume_multiple %add3A_1499, 8 : i32
          "tpu.region"() ({
            %run_scoped3A = tpu.sem_alloc : memref<!tpu.dma_semaphore, #tpu.memory_space<semaphore_mem>>
            %dma_start3A_1509 = arith.constant 1280 : i32
            %dma_start3A_1510 = tpu.memref_slice %arg13[%dma_start3A_1509] : memref<2048xi32, #tpu.memory_space<vmem>> -> memref<128xi32, #tpu.memory_space<vmem>>
            %dma_start3A_1511 = tpu.memref_slice %arg15[%multiple_of3A_1500] : memref<800768xi32, #tpu.memory_space<vmem_shared>> -> memref<128xi32, #tpu.memory_space<vmem_shared>>
            %dma_start3A_1512 = arith.constant 1280 : i32
            %dma_start3A_1513 = tpu.memref_slice %arg13[%dma_start3A_1512] : memref<2048xi32, #tpu.memory_space<vmem>> -> memref<128xi32, #tpu.memory_space<vmem>>
            %dma_start3A_1514 = tpu.memref_slice %arg15[%multiple_of3A_1500] : memref<800768xi32, #tpu.memory_space<vmem_shared>> -> memref<128xi32, #tpu.memory_space<vmem_shared>>
            tpu.enqueue_dma source(%dma_start3A_1514 : memref<128xi32, #tpu.memory_space<vmem_shared>>) target(%dma_start3A_1513 : memref<128xi32, #tpu.memory_space<vmem>>) target_semaphore(%run_scoped3A : memref<!tpu.dma_semaphore, #tpu.memory_space<semaphore_mem>>)
            %dma_wait3A_1515 = arith.constant 1280 : i32
            %dma_wait3A_1516 = tpu.memref_slice %arg13[%dma_wait3A_1515] : memref<2048xi32, #tpu.memory_space<vmem>> -> memref<128xi32, #tpu.memory_space<vmem>>
            %dma_wait3A_1517 = tpu.memref_slice %arg15[%multiple_of3A_1500] : memref<800768xi32, #tpu.memory_space<vmem_shared>> -> memref<128xi32, #tpu.memory_space<vmem_shared>>
            %dma_wait3A_1518 = arith.constant 1280 : i32
            %dma_wait3A_1519 = tpu.memref_slice %arg13[%dma_wait3A_1518] : memref<2048xi32, #tpu.memory_space<vmem>> -> memref<128xi32, #tpu.memory_space<vmem>>
            %dma_wait3A_1520 = tpu.memref_slice %arg15[%multiple_of3A_1500] : memref<800768xi32, #tpu.memory_space<vmem_shared>> -> memref<128xi32, #tpu.memory_space<vmem_shared>>
            tpu.wait_dma2 semaphore(%run_scoped3A : memref<!tpu.dma_semaphore, #tpu.memory_space<semaphore_mem>>) src(%dma_wait3A_1520 : memref<128xi32, #tpu.memory_space<vmem_shared>>) dst(%dma_wait3A_1519 : memref<128xi32, #tpu.memory_space<vmem>>)
            tpu.yield
          }) : () -> ()
          %scan3A_1501 = arith.constant 0 : i32
          %scan3A_1502 = arith.constant 0 : i32
          %scan3A_1503 = arith.constant 8 : i32
          %scan3A_1504 = arith.addi %scan3A_1502, %scan3A_1503 : i32
          %scan3A_1505 = arith.constant 1 : i32
          %scan3A_1506 = scf.for %scan3A_1509 = %scan3A_1502 to %scan3A_1504 step %scan3A_1505 iter_args(%scan3A_1510 = %scan3A_1501) -> (i32)  : i32 {
            %mul3A_1511 = arith.constant 16 : i32
            %mul3A_1512 = arith.muli %scan3A_1509, %mul3A_1511 : i32
            %add3A_1513 = arith.constant 1280 : i32
            %add3A_1514 = arith.addi %add3A_1513, %mul3A_1512 : i32
            %get3A = arith.index_cast %add3A_1514 : i32 to index
            %get3A_1515 = tpu.vector_load %arg13[%get3A] {strides = array<i32>} : memref<2048xi32, #tpu.memory_space<vmem>>, vector<16xi32>,
            %sub3A_1516 = vector.broadcast %shift_left3A_83 : i32 to vector<16xi32>
            %sub3A_1517 = arith.subi %get3A_1515, %sub3A_1516 : vector<16xi32>
            %ge3A = arith.constant 0 : i32
            %ge3A_1518 = vector.broadcast %ge3A : i32 to vector<16xi32>
            %ge3A_1519 = arith.cmpi sge, %sub3A_1517, %ge3A_1518 : vector<16xi32>
            %lt3A_1520 = arith.constant 8192 : i32
            %lt3A_1521 = vector.broadcast %lt3A_1520 : i32 to vector<16xi32>
            %lt3A_1522 = arith.cmpi slt, %sub3A_1517, %lt3A_1521 : vector<16xi32>
            %and3A_1523 = arith.andi %ge3A_1519, %lt3A_1522 : vector<16xi1>
            %jit3A_1524 = arith.constant 8192 : i32
            %broadcast_in_dim3A_1525 = vector.broadcast %jit3A_1524 : i32 to vector<16xi32>
            %select_n3A_1526 = arith.select %and3A_1523, %sub3A_1517, %broadcast_in_dim3A_1525 : vector<16xi1>, vector<16xi32>
            tpu.vector_store_idx %arg11[%select_n3A_1526], %broadcast_in_dim3A_0 {add = true} : memref<8208xf32, #tpu.memory_space<vmem>>[vector<16xi32>], vector<16xf32>,
            %scan3A_1527 = arith.constant 0 : i32
            scf.yield %scan3A_1527 : i32
          }
          %scan3A_1507 = arith.constant 8 : i32
          %while3A_1508 = arith.constant 0 : i32
          scf.yield %while3A_1508 : i32
        }
        %dma_wait3A_1186 = arith.constant 1408 : i32
        %dma_wait3A_1187 = tpu.memref_slice %arg13[%dma_wait3A_1186] : memref<2048xi32, #tpu.memory_space<vmem>> -> memref<128xi32, #tpu.memory_space<vmem>>
        %dma_wait3A_1188 = tpu.memref_slice %arg15[%multiple_of3A_494] : memref<800768xi32, #tpu.memory_space<vmem_shared>> -> memref<128xi32, #tpu.memory_space<vmem_shared>>
        %dma_wait3A_1189 = arith.constant 1408 : i32
        %dma_wait3A_1190 = tpu.memref_slice %arg13[%dma_wait3A_1189] : memref<2048xi32, #tpu.memory_space<vmem>> -> memref<128xi32, #tpu.memory_space<vmem>>
        %dma_wait3A_1191 = tpu.memref_slice %arg15[%multiple_of3A_494] : memref<800768xi32, #tpu.memory_space<vmem_shared>> -> memref<128xi32, #tpu.memory_space<vmem_shared>>
        tpu.wait_dma2 semaphore(%arg18 : memref<!tpu.dma_semaphore, #tpu.memory_space<semaphore_mem>>) src(%dma_wait3A_1191 : memref<128xi32, #tpu.memory_space<vmem_shared>>) dst(%dma_wait3A_1190 : memref<128xi32, #tpu.memory_space<vmem>>)
        %scan3A_1192 = arith.constant 0 : i32
        %scan3A_1193 = arith.constant 0 : i32
        %scan3A_1194 = arith.constant 8 : i32
        %scan3A_1195 = arith.addi %scan3A_1193, %scan3A_1194 : i32
        %scan3A_1196 = arith.constant 1 : i32
        %scan3A_1197 = scf.for %scan3A_1493 = %scan3A_1193 to %scan3A_1195 step %scan3A_1196 iter_args(%scan3A_1494 = %scan3A_1192) -> (i32)  : i32 {
          %mul3A_1495 = arith.constant 16 : i32
          %mul3A_1496 = arith.muli %scan3A_1493, %mul3A_1495 : i32
          %add3A_1497 = arith.constant 1408 : i32
          %add3A_1498 = arith.addi %add3A_1497, %mul3A_1496 : i32
          %get3A = arith.index_cast %add3A_1498 : i32 to index
          %get3A_1499 = tpu.vector_load %arg13[%get3A] {strides = array<i32>} : memref<2048xi32, #tpu.memory_space<vmem>>, vector<16xi32>,
          %sub3A_1500 = vector.broadcast %shift_left3A_83 : i32 to vector<16xi32>
          %sub3A_1501 = arith.subi %get3A_1499, %sub3A_1500 : vector<16xi32>
          %ge3A = arith.constant 0 : i32
          %ge3A_1502 = vector.broadcast %ge3A : i32 to vector<16xi32>
          %ge3A_1503 = arith.cmpi sge, %sub3A_1501, %ge3A_1502 : vector<16xi32>
          %lt3A_1504 = arith.constant 8192 : i32
          %lt3A_1505 = vector.broadcast %lt3A_1504 : i32 to vector<16xi32>
          %lt3A_1506 = arith.cmpi slt, %sub3A_1501, %lt3A_1505 : vector<16xi32>
          %and3A_1507 = arith.andi %ge3A_1503, %lt3A_1506 : vector<16xi1>
          %jit3A_1508 = arith.constant 8192 : i32
          %broadcast_in_dim3A_1509 = vector.broadcast %jit3A_1508 : i32 to vector<16xi32>
          %select_n3A_1510 = arith.select %and3A_1507, %sub3A_1501, %broadcast_in_dim3A_1509 : vector<16xi1>, vector<16xi32>
          tpu.vector_store_idx %arg11[%select_n3A_1510], %broadcast_in_dim3A_0 {add = true} : memref<8208xf32, #tpu.memory_space<vmem>>[vector<16xi32>], vector<16xf32>,
          %scan3A_1511 = arith.constant 0 : i32
          scf.yield %scan3A_1511 : i32
        }
        %scan3A_1198 = arith.constant 8 : i32
        %slice3A_1199 = vector.extract_strided_slice %and3A_370 {offsets = [11], sizes = [1], strides = [1]} : vector<16xi32> to vector<1xi32>
        %squeeze3A_1200 = vector.extract %slice3A_1199[0] : i32 from vector<1xi32>
        %multiple_of3A_1201 = tpu.assume_multiple %squeeze3A_1200, 8 : i32
        %slice3A_1202 = vector.extract_strided_slice %gather3A_367 {offsets = [11], sizes = [1], strides = [1]} : vector<16xi32> to vector<1xi32>
        %squeeze3A_1203 = vector.extract %slice3A_1202[0] : i32 from vector<1xi32>
        %sub3A_1204 = arith.subi %squeeze3A_1203, %multiple_of3A_1201 : i32
        %add3A_1205 = arith.constant 128 : i32
        %add3A_1206 = arith.addi %sub3A_1204, %add3A_1205 : i32
        %sub3A_1207 = arith.constant 1 : i32
        %sub3A_1208 = arith.subi %add3A_1206, %sub3A_1207 : i32
        %jit3A_1209 = arith.constant 128 : i32
        %div3A_1210 = arith.divsi %sub3A_1208, %jit3A_1209 : i32
        %sign3A_1211 = arith.constant 0 : i32
        %sign3A_1212 = arith.cmpi sgt, %sub3A_1208, %sign3A_1211 : i32
        %sign3A_1213 = arith.extui %sign3A_1212 : i1 to i32
        %sign3A_1214 = arith.constant 0 : i32
        %sign3A_1215 = arith.cmpi slt, %sub3A_1208, %sign3A_1214 : i32
        %sign3A_1216 = arith.extui %sign3A_1215 : i1 to i32
        %sign3A_1217 = arith.subi %sign3A_1213, %sign3A_1216 : i32
        %sign3A_1218 = arith.constant 0 : i32
        %sign3A_1219 = arith.cmpi sgt, %jit3A_1209, %sign3A_1218 : i32
        %sign3A_1220 = arith.extui %sign3A_1219 : i1 to i32
        %sign3A_1221 = arith.constant 0 : i32
        %sign3A_1222 = arith.cmpi slt, %jit3A_1209, %sign3A_1221 : i32
        %sign3A_1223 = arith.extui %sign3A_1222 : i1 to i32
        %sign3A_1224 = arith.subi %sign3A_1220, %sign3A_1223 : i32
        %ne3A_1225 = arith.cmpi ne, %sign3A_1217, %sign3A_1224 : i32
        %rem3A_1226 = arith.remsi %sub3A_1208, %jit3A_1209 : i32
        %ne3A_1227 = arith.constant 0 : i32
        %ne3A_1228 = arith.cmpi ne, %rem3A_1226, %ne3A_1227 : i32
        %and3A_1229 = arith.andi %ne3A_1225, %ne3A_1228 : i1
        %sub3A_1230 = arith.constant 1 : i32
        %sub3A_1231 = arith.subi %div3A_1210, %sub3A_1230 : i32
        %select_n3A_1232 = arith.select %and3A_1229, %sub3A_1231, %div3A_1210 : i32
        %while3A_1233 = arith.constant 1 : i32
        %while3A_1234 = arith.constant 0 : i32
        %while3A_1235 = arith.subi %select_n3A_1232, %while3A_1233 : i32
        %while3A_1236 = arith.addi %while3A_1233, %while3A_1235 : i32
        %while3A_1237 = arith.constant 1 : i32
        %while3A_1238 = arith.divsi %while3A_1235, %while3A_1237 : i32
        %while3A_1239 = arith.muli %while3A_1238, %while3A_1237 : i32
        %while3A_1240 = arith.addi %while3A_1233, %while3A_1239 : i32
        %while3A_1241 = arith.constant 1 : i32
        %while3A_1242 = scf.for %while3A_1493 = %while3A_1233 to %while3A_1240 step %while3A_1241 iter_args(%while3A_1494 = %while3A_1234) -> (i32)  : i32 {
          %add3A_1495 = arith.constant 550528 : i32
          %add3A_1496 = arith.addi %add3A_1495, %multiple_of3A_1201 : i32
          %mul3A_1497 = arith.constant 128 : i32
          %mul3A_1498 = arith.muli %while3A_1493, %mul3A_1497 : i32
          %add3A_1499 = arith.addi %add3A_1496, %mul3A_1498 : i32
          %multiple_of3A_1500 = tpu.assume_multiple %add3A_1499, 8 : i32
          "tpu.region"() ({
            %run_scoped3A = tpu.sem_alloc : memref<!tpu.dma_semaphore, #tpu.memory_space<semaphore_mem>>
            %dma_start3A_1509 = arith.constant 1408 : i32
            %dma_start3A_1510 = tpu.memref_slice %arg13[%dma_start3A_1509] : memref<2048xi32, #tpu.memory_space<vmem>> -> memref<128xi32, #tpu.memory_space<vmem>>
            %dma_start3A_1511 = tpu.memref_slice %arg15[%multiple_of3A_1500] : memref<800768xi32, #tpu.memory_space<vmem_shared>> -> memref<128xi32, #tpu.memory_space<vmem_shared>>
            %dma_start3A_1512 = arith.constant 1408 : i32
            %dma_start3A_1513 = tpu.memref_slice %arg13[%dma_start3A_1512] : memref<2048xi32, #tpu.memory_space<vmem>> -> memref<128xi32, #tpu.memory_space<vmem>>
            %dma_start3A_1514 = tpu.memref_slice %arg15[%multiple_of3A_1500] : memref<800768xi32, #tpu.memory_space<vmem_shared>> -> memref<128xi32, #tpu.memory_space<vmem_shared>>
            tpu.enqueue_dma source(%dma_start3A_1514 : memref<128xi32, #tpu.memory_space<vmem_shared>>) target(%dma_start3A_1513 : memref<128xi32, #tpu.memory_space<vmem>>) target_semaphore(%run_scoped3A : memref<!tpu.dma_semaphore, #tpu.memory_space<semaphore_mem>>)
            %dma_wait3A_1515 = arith.constant 1408 : i32
            %dma_wait3A_1516 = tpu.memref_slice %arg13[%dma_wait3A_1515] : memref<2048xi32, #tpu.memory_space<vmem>> -> memref<128xi32, #tpu.memory_space<vmem>>
            %dma_wait3A_1517 = tpu.memref_slice %arg15[%multiple_of3A_1500] : memref<800768xi32, #tpu.memory_space<vmem_shared>> -> memref<128xi32, #tpu.memory_space<vmem_shared>>
            %dma_wait3A_1518 = arith.constant 1408 : i32
            %dma_wait3A_1519 = tpu.memref_slice %arg13[%dma_wait3A_1518] : memref<2048xi32, #tpu.memory_space<vmem>> -> memref<128xi32, #tpu.memory_space<vmem>>
            %dma_wait3A_1520 = tpu.memref_slice %arg15[%multiple_of3A_1500] : memref<800768xi32, #tpu.memory_space<vmem_shared>> -> memref<128xi32, #tpu.memory_space<vmem_shared>>
            tpu.wait_dma2 semaphore(%run_scoped3A : memref<!tpu.dma_semaphore, #tpu.memory_space<semaphore_mem>>) src(%dma_wait3A_1520 : memref<128xi32, #tpu.memory_space<vmem_shared>>) dst(%dma_wait3A_1519 : memref<128xi32, #tpu.memory_space<vmem>>)
            tpu.yield
          }) : () -> ()
          %scan3A_1501 = arith.constant 0 : i32
          %scan3A_1502 = arith.constant 0 : i32
          %scan3A_1503 = arith.constant 8 : i32
          %scan3A_1504 = arith.addi %scan3A_1502, %scan3A_1503 : i32
          %scan3A_1505 = arith.constant 1 : i32
          %scan3A_1506 = scf.for %scan3A_1509 = %scan3A_1502 to %scan3A_1504 step %scan3A_1505 iter_args(%scan3A_1510 = %scan3A_1501) -> (i32)  : i32 {
            %mul3A_1511 = arith.constant 16 : i32
            %mul3A_1512 = arith.muli %scan3A_1509, %mul3A_1511 : i32
            %add3A_1513 = arith.constant 1408 : i32
            %add3A_1514 = arith.addi %add3A_1513, %mul3A_1512 : i32
            %get3A = arith.index_cast %add3A_1514 : i32 to index
            %get3A_1515 = tpu.vector_load %arg13[%get3A] {strides = array<i32>} : memref<2048xi32, #tpu.memory_space<vmem>>, vector<16xi32>,
            %sub3A_1516 = vector.broadcast %shift_left3A_83 : i32 to vector<16xi32>
            %sub3A_1517 = arith.subi %get3A_1515, %sub3A_1516 : vector<16xi32>
            %ge3A = arith.constant 0 : i32
            %ge3A_1518 = vector.broadcast %ge3A : i32 to vector<16xi32>
            %ge3A_1519 = arith.cmpi sge, %sub3A_1517, %ge3A_1518 : vector<16xi32>
            %lt3A_1520 = arith.constant 8192 : i32
            %lt3A_1521 = vector.broadcast %lt3A_1520 : i32 to vector<16xi32>
            %lt3A_1522 = arith.cmpi slt, %sub3A_1517, %lt3A_1521 : vector<16xi32>
            %and3A_1523 = arith.andi %ge3A_1519, %lt3A_1522 : vector<16xi1>
            %jit3A_1524 = arith.constant 8192 : i32
            %broadcast_in_dim3A_1525 = vector.broadcast %jit3A_1524 : i32 to vector<16xi32>
            %select_n3A_1526 = arith.select %and3A_1523, %sub3A_1517, %broadcast_in_dim3A_1525 : vector<16xi1>, vector<16xi32>
            tpu.vector_store_idx %arg11[%select_n3A_1526], %broadcast_in_dim3A_0 {add = true} : memref<8208xf32, #tpu.memory_space<vmem>>[vector<16xi32>], vector<16xf32>,
            %scan3A_1527 = arith.constant 0 : i32
            scf.yield %scan3A_1527 : i32
          }
          %scan3A_1507 = arith.constant 8 : i32
          %while3A_1508 = arith.constant 0 : i32
          scf.yield %while3A_1508 : i32
        }
        %while3A_1243 = arith.constant 1 : i32
        %while3A_1244 = scf.for %while3A_1493 = %while3A_1240 to %while3A_1236 step %while3A_1243 iter_args(%while3A_1494 = %while3A_1242) -> (i32)  : i32 {
          %add3A_1495 = arith.constant 550528 : i32
          %add3A_1496 = arith.addi %add3A_1495, %multiple_of3A_1201 : i32
          %mul3A_1497 = arith.constant 128 : i32
          %mul3A_1498 = arith.muli %while3A_1493, %mul3A_1497 : i32
          %add3A_1499 = arith.addi %add3A_1496, %mul3A_1498 : i32
          %multiple_of3A_1500 = tpu.assume_multiple %add3A_1499, 8 : i32
          "tpu.region"() ({
            %run_scoped3A = tpu.sem_alloc : memref<!tpu.dma_semaphore, #tpu.memory_space<semaphore_mem>>
            %dma_start3A_1509 = arith.constant 1408 : i32
            %dma_start3A_1510 = tpu.memref_slice %arg13[%dma_start3A_1509] : memref<2048xi32, #tpu.memory_space<vmem>> -> memref<128xi32, #tpu.memory_space<vmem>>
            %dma_start3A_1511 = tpu.memref_slice %arg15[%multiple_of3A_1500] : memref<800768xi32, #tpu.memory_space<vmem_shared>> -> memref<128xi32, #tpu.memory_space<vmem_shared>>
            %dma_start3A_1512 = arith.constant 1408 : i32
            %dma_start3A_1513 = tpu.memref_slice %arg13[%dma_start3A_1512] : memref<2048xi32, #tpu.memory_space<vmem>> -> memref<128xi32, #tpu.memory_space<vmem>>
            %dma_start3A_1514 = tpu.memref_slice %arg15[%multiple_of3A_1500] : memref<800768xi32, #tpu.memory_space<vmem_shared>> -> memref<128xi32, #tpu.memory_space<vmem_shared>>
            tpu.enqueue_dma source(%dma_start3A_1514 : memref<128xi32, #tpu.memory_space<vmem_shared>>) target(%dma_start3A_1513 : memref<128xi32, #tpu.memory_space<vmem>>) target_semaphore(%run_scoped3A : memref<!tpu.dma_semaphore, #tpu.memory_space<semaphore_mem>>)
            %dma_wait3A_1515 = arith.constant 1408 : i32
            %dma_wait3A_1516 = tpu.memref_slice %arg13[%dma_wait3A_1515] : memref<2048xi32, #tpu.memory_space<vmem>> -> memref<128xi32, #tpu.memory_space<vmem>>
            %dma_wait3A_1517 = tpu.memref_slice %arg15[%multiple_of3A_1500] : memref<800768xi32, #tpu.memory_space<vmem_shared>> -> memref<128xi32, #tpu.memory_space<vmem_shared>>
            %dma_wait3A_1518 = arith.constant 1408 : i32
            %dma_wait3A_1519 = tpu.memref_slice %arg13[%dma_wait3A_1518] : memref<2048xi32, #tpu.memory_space<vmem>> -> memref<128xi32, #tpu.memory_space<vmem>>
            %dma_wait3A_1520 = tpu.memref_slice %arg15[%multiple_of3A_1500] : memref<800768xi32, #tpu.memory_space<vmem_shared>> -> memref<128xi32, #tpu.memory_space<vmem_shared>>
            tpu.wait_dma2 semaphore(%run_scoped3A : memref<!tpu.dma_semaphore, #tpu.memory_space<semaphore_mem>>) src(%dma_wait3A_1520 : memref<128xi32, #tpu.memory_space<vmem_shared>>) dst(%dma_wait3A_1519 : memref<128xi32, #tpu.memory_space<vmem>>)
            tpu.yield
          }) : () -> ()
          %scan3A_1501 = arith.constant 0 : i32
          %scan3A_1502 = arith.constant 0 : i32
          %scan3A_1503 = arith.constant 8 : i32
          %scan3A_1504 = arith.addi %scan3A_1502, %scan3A_1503 : i32
          %scan3A_1505 = arith.constant 1 : i32
          %scan3A_1506 = scf.for %scan3A_1509 = %scan3A_1502 to %scan3A_1504 step %scan3A_1505 iter_args(%scan3A_1510 = %scan3A_1501) -> (i32)  : i32 {
            %mul3A_1511 = arith.constant 16 : i32
            %mul3A_1512 = arith.muli %scan3A_1509, %mul3A_1511 : i32
            %add3A_1513 = arith.constant 1408 : i32
            %add3A_1514 = arith.addi %add3A_1513, %mul3A_1512 : i32
            %get3A = arith.index_cast %add3A_1514 : i32 to index
            %get3A_1515 = tpu.vector_load %arg13[%get3A] {strides = array<i32>} : memref<2048xi32, #tpu.memory_space<vmem>>, vector<16xi32>,
            %sub3A_1516 = vector.broadcast %shift_left3A_83 : i32 to vector<16xi32>
            %sub3A_1517 = arith.subi %get3A_1515, %sub3A_1516 : vector<16xi32>
            %ge3A = arith.constant 0 : i32
            %ge3A_1518 = vector.broadcast %ge3A : i32 to vector<16xi32>
            %ge3A_1519 = arith.cmpi sge, %sub3A_1517, %ge3A_1518 : vector<16xi32>
            %lt3A_1520 = arith.constant 8192 : i32
            %lt3A_1521 = vector.broadcast %lt3A_1520 : i32 to vector<16xi32>
            %lt3A_1522 = arith.cmpi slt, %sub3A_1517, %lt3A_1521 : vector<16xi32>
            %and3A_1523 = arith.andi %ge3A_1519, %lt3A_1522 : vector<16xi1>
            %jit3A_1524 = arith.constant 8192 : i32
            %broadcast_in_dim3A_1525 = vector.broadcast %jit3A_1524 : i32 to vector<16xi32>
            %select_n3A_1526 = arith.select %and3A_1523, %sub3A_1517, %broadcast_in_dim3A_1525 : vector<16xi1>, vector<16xi32>
            tpu.vector_store_idx %arg11[%select_n3A_1526], %broadcast_in_dim3A_0 {add = true} : memref<8208xf32, #tpu.memory_space<vmem>>[vector<16xi32>], vector<16xf32>,
            %scan3A_1527 = arith.constant 0 : i32
            scf.yield %scan3A_1527 : i32
          }
          %scan3A_1507 = arith.constant 8 : i32
          %while3A_1508 = arith.constant 0 : i32
          scf.yield %while3A_1508 : i32
        }
        %dma_wait3A_1245 = arith.constant 1536 : i32
        %dma_wait3A_1246 = tpu.memref_slice %arg13[%dma_wait3A_1245] : memref<2048xi32, #tpu.memory_space<vmem>> -> memref<128xi32, #tpu.memory_space<vmem>>
        %dma_wait3A_1247 = tpu.memref_slice %arg15[%multiple_of3A_505] : memref<800768xi32, #tpu.memory_space<vmem_shared>> -> memref<128xi32, #tpu.memory_space<vmem_shared>>
        %dma_wait3A_1248 = arith.constant 1536 : i32
        %dma_wait3A_1249 = tpu.memref_slice %arg13[%dma_wait3A_1248] : memref<2048xi32, #tpu.memory_space<vmem>> -> memref<128xi32, #tpu.memory_space<vmem>>
        %dma_wait3A_1250 = tpu.memref_slice %arg15[%multiple_of3A_505] : memref<800768xi32, #tpu.memory_space<vmem_shared>> -> memref<128xi32, #tpu.memory_space<vmem_shared>>
        tpu.wait_dma2 semaphore(%arg18 : memref<!tpu.dma_semaphore, #tpu.memory_space<semaphore_mem>>) src(%dma_wait3A_1250 : memref<128xi32, #tpu.memory_space<vmem_shared>>) dst(%dma_wait3A_1249 : memref<128xi32, #tpu.memory_space<vmem>>)
        %scan3A_1251 = arith.constant 0 : i32
        %scan3A_1252 = arith.constant 0 : i32
        %scan3A_1253 = arith.constant 8 : i32
        %scan3A_1254 = arith.addi %scan3A_1252, %scan3A_1253 : i32
        %scan3A_1255 = arith.constant 1 : i32
        %scan3A_1256 = scf.for %scan3A_1493 = %scan3A_1252 to %scan3A_1254 step %scan3A_1255 iter_args(%scan3A_1494 = %scan3A_1251) -> (i32)  : i32 {
          %mul3A_1495 = arith.constant 16 : i32
          %mul3A_1496 = arith.muli %scan3A_1493, %mul3A_1495 : i32
          %add3A_1497 = arith.constant 1536 : i32
          %add3A_1498 = arith.addi %add3A_1497, %mul3A_1496 : i32
          %get3A = arith.index_cast %add3A_1498 : i32 to index
          %get3A_1499 = tpu.vector_load %arg13[%get3A] {strides = array<i32>} : memref<2048xi32, #tpu.memory_space<vmem>>, vector<16xi32>,
          %sub3A_1500 = vector.broadcast %shift_left3A_83 : i32 to vector<16xi32>
          %sub3A_1501 = arith.subi %get3A_1499, %sub3A_1500 : vector<16xi32>
          %ge3A = arith.constant 0 : i32
          %ge3A_1502 = vector.broadcast %ge3A : i32 to vector<16xi32>
          %ge3A_1503 = arith.cmpi sge, %sub3A_1501, %ge3A_1502 : vector<16xi32>
          %lt3A_1504 = arith.constant 8192 : i32
          %lt3A_1505 = vector.broadcast %lt3A_1504 : i32 to vector<16xi32>
          %lt3A_1506 = arith.cmpi slt, %sub3A_1501, %lt3A_1505 : vector<16xi32>
          %and3A_1507 = arith.andi %ge3A_1503, %lt3A_1506 : vector<16xi1>
          %jit3A_1508 = arith.constant 8192 : i32
          %broadcast_in_dim3A_1509 = vector.broadcast %jit3A_1508 : i32 to vector<16xi32>
          %select_n3A_1510 = arith.select %and3A_1507, %sub3A_1501, %broadcast_in_dim3A_1509 : vector<16xi1>, vector<16xi32>
          tpu.vector_store_idx %arg11[%select_n3A_1510], %broadcast_in_dim3A_0 {add = true} : memref<8208xf32, #tpu.memory_space<vmem>>[vector<16xi32>], vector<16xf32>,
          %scan3A_1511 = arith.constant 0 : i32
          scf.yield %scan3A_1511 : i32
        }
        %scan3A_1257 = arith.constant 8 : i32
        %slice3A_1258 = vector.extract_strided_slice %and3A_370 {offsets = [12], sizes = [1], strides = [1]} : vector<16xi32> to vector<1xi32>
        %squeeze3A_1259 = vector.extract %slice3A_1258[0] : i32 from vector<1xi32>
        %multiple_of3A_1260 = tpu.assume_multiple %squeeze3A_1259, 8 : i32
        %slice3A_1261 = vector.extract_strided_slice %gather3A_367 {offsets = [12], sizes = [1], strides = [1]} : vector<16xi32> to vector<1xi32>
        %squeeze3A_1262 = vector.extract %slice3A_1261[0] : i32 from vector<1xi32>
        %sub3A_1263 = arith.subi %squeeze3A_1262, %multiple_of3A_1260 : i32
        %add3A_1264 = arith.constant 128 : i32
        %add3A_1265 = arith.addi %sub3A_1263, %add3A_1264 : i32
        %sub3A_1266 = arith.constant 1 : i32
        %sub3A_1267 = arith.subi %add3A_1265, %sub3A_1266 : i32
        %jit3A_1268 = arith.constant 128 : i32
        %div3A_1269 = arith.divsi %sub3A_1267, %jit3A_1268 : i32
        %sign3A_1270 = arith.constant 0 : i32
        %sign3A_1271 = arith.cmpi sgt, %sub3A_1267, %sign3A_1270 : i32
        %sign3A_1272 = arith.extui %sign3A_1271 : i1 to i32
        %sign3A_1273 = arith.constant 0 : i32
        %sign3A_1274 = arith.cmpi slt, %sub3A_1267, %sign3A_1273 : i32
        %sign3A_1275 = arith.extui %sign3A_1274 : i1 to i32
        %sign3A_1276 = arith.subi %sign3A_1272, %sign3A_1275 : i32
        %sign3A_1277 = arith.constant 0 : i32
        %sign3A_1278 = arith.cmpi sgt, %jit3A_1268, %sign3A_1277 : i32
        %sign3A_1279 = arith.extui %sign3A_1278 : i1 to i32
        %sign3A_1280 = arith.constant 0 : i32
        %sign3A_1281 = arith.cmpi slt, %jit3A_1268, %sign3A_1280 : i32
        %sign3A_1282 = arith.extui %sign3A_1281 : i1 to i32
        %sign3A_1283 = arith.subi %sign3A_1279, %sign3A_1282 : i32
        %ne3A_1284 = arith.cmpi ne, %sign3A_1276, %sign3A_1283 : i32
        %rem3A_1285 = arith.remsi %sub3A_1267, %jit3A_1268 : i32
        %ne3A_1286 = arith.constant 0 : i32
        %ne3A_1287 = arith.cmpi ne, %rem3A_1285, %ne3A_1286 : i32
        %and3A_1288 = arith.andi %ne3A_1284, %ne3A_1287 : i1
        %sub3A_1289 = arith.constant 1 : i32
        %sub3A_1290 = arith.subi %div3A_1269, %sub3A_1289 : i32
        %select_n3A_1291 = arith.select %and3A_1288, %sub3A_1290, %div3A_1269 : i32
        %while3A_1292 = arith.constant 1 : i32
        %while3A_1293 = arith.constant 0 : i32
        %while3A_1294 = arith.subi %select_n3A_1291, %while3A_1292 : i32
        %while3A_1295 = arith.addi %while3A_1292, %while3A_1294 : i32
        %while3A_1296 = arith.constant 1 : i32
        %while3A_1297 = arith.divsi %while3A_1294, %while3A_1296 : i32
        %while3A_1298 = arith.muli %while3A_1297, %while3A_1296 : i32
        %while3A_1299 = arith.addi %while3A_1292, %while3A_1298 : i32
        %while3A_1300 = arith.constant 1 : i32
        %while3A_1301 = scf.for %while3A_1493 = %while3A_1292 to %while3A_1299 step %while3A_1300 iter_args(%while3A_1494 = %while3A_1293) -> (i32)  : i32 {
          %add3A_1495 = arith.constant 600576 : i32
          %add3A_1496 = arith.addi %add3A_1495, %multiple_of3A_1260 : i32
          %mul3A_1497 = arith.constant 128 : i32
          %mul3A_1498 = arith.muli %while3A_1493, %mul3A_1497 : i32
          %add3A_1499 = arith.addi %add3A_1496, %mul3A_1498 : i32
          %multiple_of3A_1500 = tpu.assume_multiple %add3A_1499, 8 : i32
          "tpu.region"() ({
            %run_scoped3A = tpu.sem_alloc : memref<!tpu.dma_semaphore, #tpu.memory_space<semaphore_mem>>
            %dma_start3A_1509 = arith.constant 1536 : i32
            %dma_start3A_1510 = tpu.memref_slice %arg13[%dma_start3A_1509] : memref<2048xi32, #tpu.memory_space<vmem>> -> memref<128xi32, #tpu.memory_space<vmem>>
            %dma_start3A_1511 = tpu.memref_slice %arg15[%multiple_of3A_1500] : memref<800768xi32, #tpu.memory_space<vmem_shared>> -> memref<128xi32, #tpu.memory_space<vmem_shared>>
            %dma_start3A_1512 = arith.constant 1536 : i32
            %dma_start3A_1513 = tpu.memref_slice %arg13[%dma_start3A_1512] : memref<2048xi32, #tpu.memory_space<vmem>> -> memref<128xi32, #tpu.memory_space<vmem>>
            %dma_start3A_1514 = tpu.memref_slice %arg15[%multiple_of3A_1500] : memref<800768xi32, #tpu.memory_space<vmem_shared>> -> memref<128xi32, #tpu.memory_space<vmem_shared>>
            tpu.enqueue_dma source(%dma_start3A_1514 : memref<128xi32, #tpu.memory_space<vmem_shared>>) target(%dma_start3A_1513 : memref<128xi32, #tpu.memory_space<vmem>>) target_semaphore(%run_scoped3A : memref<!tpu.dma_semaphore, #tpu.memory_space<semaphore_mem>>)
            %dma_wait3A_1515 = arith.constant 1536 : i32
            %dma_wait3A_1516 = tpu.memref_slice %arg13[%dma_wait3A_1515] : memref<2048xi32, #tpu.memory_space<vmem>> -> memref<128xi32, #tpu.memory_space<vmem>>
            %dma_wait3A_1517 = tpu.memref_slice %arg15[%multiple_of3A_1500] : memref<800768xi32, #tpu.memory_space<vmem_shared>> -> memref<128xi32, #tpu.memory_space<vmem_shared>>
            %dma_wait3A_1518 = arith.constant 1536 : i32
            %dma_wait3A_1519 = tpu.memref_slice %arg13[%dma_wait3A_1518] : memref<2048xi32, #tpu.memory_space<vmem>> -> memref<128xi32, #tpu.memory_space<vmem>>
            %dma_wait3A_1520 = tpu.memref_slice %arg15[%multiple_of3A_1500] : memref<800768xi32, #tpu.memory_space<vmem_shared>> -> memref<128xi32, #tpu.memory_space<vmem_shared>>
            tpu.wait_dma2 semaphore(%run_scoped3A : memref<!tpu.dma_semaphore, #tpu.memory_space<semaphore_mem>>) src(%dma_wait3A_1520 : memref<128xi32, #tpu.memory_space<vmem_shared>>) dst(%dma_wait3A_1519 : memref<128xi32, #tpu.memory_space<vmem>>)
            tpu.yield
          }) : () -> ()
          %scan3A_1501 = arith.constant 0 : i32
          %scan3A_1502 = arith.constant 0 : i32
          %scan3A_1503 = arith.constant 8 : i32
          %scan3A_1504 = arith.addi %scan3A_1502, %scan3A_1503 : i32
          %scan3A_1505 = arith.constant 1 : i32
          %scan3A_1506 = scf.for %scan3A_1509 = %scan3A_1502 to %scan3A_1504 step %scan3A_1505 iter_args(%scan3A_1510 = %scan3A_1501) -> (i32)  : i32 {
            %mul3A_1511 = arith.constant 16 : i32
            %mul3A_1512 = arith.muli %scan3A_1509, %mul3A_1511 : i32
            %add3A_1513 = arith.constant 1536 : i32
            %add3A_1514 = arith.addi %add3A_1513, %mul3A_1512 : i32
            %get3A = arith.index_cast %add3A_1514 : i32 to index
            %get3A_1515 = tpu.vector_load %arg13[%get3A] {strides = array<i32>} : memref<2048xi32, #tpu.memory_space<vmem>>, vector<16xi32>,
            %sub3A_1516 = vector.broadcast %shift_left3A_83 : i32 to vector<16xi32>
            %sub3A_1517 = arith.subi %get3A_1515, %sub3A_1516 : vector<16xi32>
            %ge3A = arith.constant 0 : i32
            %ge3A_1518 = vector.broadcast %ge3A : i32 to vector<16xi32>
            %ge3A_1519 = arith.cmpi sge, %sub3A_1517, %ge3A_1518 : vector<16xi32>
            %lt3A_1520 = arith.constant 8192 : i32
            %lt3A_1521 = vector.broadcast %lt3A_1520 : i32 to vector<16xi32>
            %lt3A_1522 = arith.cmpi slt, %sub3A_1517, %lt3A_1521 : vector<16xi32>
            %and3A_1523 = arith.andi %ge3A_1519, %lt3A_1522 : vector<16xi1>
            %jit3A_1524 = arith.constant 8192 : i32
            %broadcast_in_dim3A_1525 = vector.broadcast %jit3A_1524 : i32 to vector<16xi32>
            %select_n3A_1526 = arith.select %and3A_1523, %sub3A_1517, %broadcast_in_dim3A_1525 : vector<16xi1>, vector<16xi32>
            tpu.vector_store_idx %arg11[%select_n3A_1526], %broadcast_in_dim3A_0 {add = true} : memref<8208xf32, #tpu.memory_space<vmem>>[vector<16xi32>], vector<16xf32>,
            %scan3A_1527 = arith.constant 0 : i32
            scf.yield %scan3A_1527 : i32
          }
          %scan3A_1507 = arith.constant 8 : i32
          %while3A_1508 = arith.constant 0 : i32
          scf.yield %while3A_1508 : i32
        }
        %while3A_1302 = arith.constant 1 : i32
        %while3A_1303 = scf.for %while3A_1493 = %while3A_1299 to %while3A_1295 step %while3A_1302 iter_args(%while3A_1494 = %while3A_1301) -> (i32)  : i32 {
          %add3A_1495 = arith.constant 600576 : i32
          %add3A_1496 = arith.addi %add3A_1495, %multiple_of3A_1260 : i32
          %mul3A_1497 = arith.constant 128 : i32
          %mul3A_1498 = arith.muli %while3A_1493, %mul3A_1497 : i32
          %add3A_1499 = arith.addi %add3A_1496, %mul3A_1498 : i32
          %multiple_of3A_1500 = tpu.assume_multiple %add3A_1499, 8 : i32
          "tpu.region"() ({
            %run_scoped3A = tpu.sem_alloc : memref<!tpu.dma_semaphore, #tpu.memory_space<semaphore_mem>>
            %dma_start3A_1509 = arith.constant 1536 : i32
            %dma_start3A_1510 = tpu.memref_slice %arg13[%dma_start3A_1509] : memref<2048xi32, #tpu.memory_space<vmem>> -> memref<128xi32, #tpu.memory_space<vmem>>
            %dma_start3A_1511 = tpu.memref_slice %arg15[%multiple_of3A_1500] : memref<800768xi32, #tpu.memory_space<vmem_shared>> -> memref<128xi32, #tpu.memory_space<vmem_shared>>
            %dma_start3A_1512 = arith.constant 1536 : i32
            %dma_start3A_1513 = tpu.memref_slice %arg13[%dma_start3A_1512] : memref<2048xi32, #tpu.memory_space<vmem>> -> memref<128xi32, #tpu.memory_space<vmem>>
            %dma_start3A_1514 = tpu.memref_slice %arg15[%multiple_of3A_1500] : memref<800768xi32, #tpu.memory_space<vmem_shared>> -> memref<128xi32, #tpu.memory_space<vmem_shared>>
            tpu.enqueue_dma source(%dma_start3A_1514 : memref<128xi32, #tpu.memory_space<vmem_shared>>) target(%dma_start3A_1513 : memref<128xi32, #tpu.memory_space<vmem>>) target_semaphore(%run_scoped3A : memref<!tpu.dma_semaphore, #tpu.memory_space<semaphore_mem>>)
            %dma_wait3A_1515 = arith.constant 1536 : i32
            %dma_wait3A_1516 = tpu.memref_slice %arg13[%dma_wait3A_1515] : memref<2048xi32, #tpu.memory_space<vmem>> -> memref<128xi32, #tpu.memory_space<vmem>>
            %dma_wait3A_1517 = tpu.memref_slice %arg15[%multiple_of3A_1500] : memref<800768xi32, #tpu.memory_space<vmem_shared>> -> memref<128xi32, #tpu.memory_space<vmem_shared>>
            %dma_wait3A_1518 = arith.constant 1536 : i32
            %dma_wait3A_1519 = tpu.memref_slice %arg13[%dma_wait3A_1518] : memref<2048xi32, #tpu.memory_space<vmem>> -> memref<128xi32, #tpu.memory_space<vmem>>
            %dma_wait3A_1520 = tpu.memref_slice %arg15[%multiple_of3A_1500] : memref<800768xi32, #tpu.memory_space<vmem_shared>> -> memref<128xi32, #tpu.memory_space<vmem_shared>>
            tpu.wait_dma2 semaphore(%run_scoped3A : memref<!tpu.dma_semaphore, #tpu.memory_space<semaphore_mem>>) src(%dma_wait3A_1520 : memref<128xi32, #tpu.memory_space<vmem_shared>>) dst(%dma_wait3A_1519 : memref<128xi32, #tpu.memory_space<vmem>>)
            tpu.yield
          }) : () -> ()
          %scan3A_1501 = arith.constant 0 : i32
          %scan3A_1502 = arith.constant 0 : i32
          %scan3A_1503 = arith.constant 8 : i32
          %scan3A_1504 = arith.addi %scan3A_1502, %scan3A_1503 : i32
          %scan3A_1505 = arith.constant 1 : i32
          %scan3A_1506 = scf.for %scan3A_1509 = %scan3A_1502 to %scan3A_1504 step %scan3A_1505 iter_args(%scan3A_1510 = %scan3A_1501) -> (i32)  : i32 {
            %mul3A_1511 = arith.constant 16 : i32
            %mul3A_1512 = arith.muli %scan3A_1509, %mul3A_1511 : i32
            %add3A_1513 = arith.constant 1536 : i32
            %add3A_1514 = arith.addi %add3A_1513, %mul3A_1512 : i32
            %get3A = arith.index_cast %add3A_1514 : i32 to index
            %get3A_1515 = tpu.vector_load %arg13[%get3A] {strides = array<i32>} : memref<2048xi32, #tpu.memory_space<vmem>>, vector<16xi32>,
            %sub3A_1516 = vector.broadcast %shift_left3A_83 : i32 to vector<16xi32>
            %sub3A_1517 = arith.subi %get3A_1515, %sub3A_1516 : vector<16xi32>
            %ge3A = arith.constant 0 : i32
            %ge3A_1518 = vector.broadcast %ge3A : i32 to vector<16xi32>
            %ge3A_1519 = arith.cmpi sge, %sub3A_1517, %ge3A_1518 : vector<16xi32>
            %lt3A_1520 = arith.constant 8192 : i32
            %lt3A_1521 = vector.broadcast %lt3A_1520 : i32 to vector<16xi32>
            %lt3A_1522 = arith.cmpi slt, %sub3A_1517, %lt3A_1521 : vector<16xi32>
            %and3A_1523 = arith.andi %ge3A_1519, %lt3A_1522 : vector<16xi1>
            %jit3A_1524 = arith.constant 8192 : i32
            %broadcast_in_dim3A_1525 = vector.broadcast %jit3A_1524 : i32 to vector<16xi32>
            %select_n3A_1526 = arith.select %and3A_1523, %sub3A_1517, %broadcast_in_dim3A_1525 : vector<16xi1>, vector<16xi32>
            tpu.vector_store_idx %arg11[%select_n3A_1526], %broadcast_in_dim3A_0 {add = true} : memref<8208xf32, #tpu.memory_space<vmem>>[vector<16xi32>], vector<16xf32>,
            %scan3A_1527 = arith.constant 0 : i32
            scf.yield %scan3A_1527 : i32
          }
          %scan3A_1507 = arith.constant 8 : i32
          %while3A_1508 = arith.constant 0 : i32
          scf.yield %while3A_1508 : i32
        }
        %dma_wait3A_1304 = arith.constant 1664 : i32
        %dma_wait3A_1305 = tpu.memref_slice %arg13[%dma_wait3A_1304] : memref<2048xi32, #tpu.memory_space<vmem>> -> memref<128xi32, #tpu.memory_space<vmem>>
        %dma_wait3A_1306 = tpu.memref_slice %arg15[%multiple_of3A_516] : memref<800768xi32, #tpu.memory_space<vmem_shared>> -> memref<128xi32, #tpu.memory_space<vmem_shared>>
        %dma_wait3A_1307 = arith.constant 1664 : i32
        %dma_wait3A_1308 = tpu.memref_slice %arg13[%dma_wait3A_1307] : memref<2048xi32, #tpu.memory_space<vmem>> -> memref<128xi32, #tpu.memory_space<vmem>>
        %dma_wait3A_1309 = tpu.memref_slice %arg15[%multiple_of3A_516] : memref<800768xi32, #tpu.memory_space<vmem_shared>> -> memref<128xi32, #tpu.memory_space<vmem_shared>>
        tpu.wait_dma2 semaphore(%arg18 : memref<!tpu.dma_semaphore, #tpu.memory_space<semaphore_mem>>) src(%dma_wait3A_1309 : memref<128xi32, #tpu.memory_space<vmem_shared>>) dst(%dma_wait3A_1308 : memref<128xi32, #tpu.memory_space<vmem>>)
        %scan3A_1310 = arith.constant 0 : i32
        %scan3A_1311 = arith.constant 0 : i32
        %scan3A_1312 = arith.constant 8 : i32
        %scan3A_1313 = arith.addi %scan3A_1311, %scan3A_1312 : i32
        %scan3A_1314 = arith.constant 1 : i32
        %scan3A_1315 = scf.for %scan3A_1493 = %scan3A_1311 to %scan3A_1313 step %scan3A_1314 iter_args(%scan3A_1494 = %scan3A_1310) -> (i32)  : i32 {
          %mul3A_1495 = arith.constant 16 : i32
          %mul3A_1496 = arith.muli %scan3A_1493, %mul3A_1495 : i32
          %add3A_1497 = arith.constant 1664 : i32
          %add3A_1498 = arith.addi %add3A_1497, %mul3A_1496 : i32
          %get3A = arith.index_cast %add3A_1498 : i32 to index
          %get3A_1499 = tpu.vector_load %arg13[%get3A] {strides = array<i32>} : memref<2048xi32, #tpu.memory_space<vmem>>, vector<16xi32>,
          %sub3A_1500 = vector.broadcast %shift_left3A_83 : i32 to vector<16xi32>
          %sub3A_1501 = arith.subi %get3A_1499, %sub3A_1500 : vector<16xi32>
          %ge3A = arith.constant 0 : i32
          %ge3A_1502 = vector.broadcast %ge3A : i32 to vector<16xi32>
          %ge3A_1503 = arith.cmpi sge, %sub3A_1501, %ge3A_1502 : vector<16xi32>
          %lt3A_1504 = arith.constant 8192 : i32
          %lt3A_1505 = vector.broadcast %lt3A_1504 : i32 to vector<16xi32>
          %lt3A_1506 = arith.cmpi slt, %sub3A_1501, %lt3A_1505 : vector<16xi32>
          %and3A_1507 = arith.andi %ge3A_1503, %lt3A_1506 : vector<16xi1>
          %jit3A_1508 = arith.constant 8192 : i32
          %broadcast_in_dim3A_1509 = vector.broadcast %jit3A_1508 : i32 to vector<16xi32>
          %select_n3A_1510 = arith.select %and3A_1507, %sub3A_1501, %broadcast_in_dim3A_1509 : vector<16xi1>, vector<16xi32>
          tpu.vector_store_idx %arg11[%select_n3A_1510], %broadcast_in_dim3A_0 {add = true} : memref<8208xf32, #tpu.memory_space<vmem>>[vector<16xi32>], vector<16xf32>,
          %scan3A_1511 = arith.constant 0 : i32
          scf.yield %scan3A_1511 : i32
        }
        %scan3A_1316 = arith.constant 8 : i32
        %slice3A_1317 = vector.extract_strided_slice %and3A_370 {offsets = [13], sizes = [1], strides = [1]} : vector<16xi32> to vector<1xi32>
        %squeeze3A_1318 = vector.extract %slice3A_1317[0] : i32 from vector<1xi32>
        %multiple_of3A_1319 = tpu.assume_multiple %squeeze3A_1318, 8 : i32
        %slice3A_1320 = vector.extract_strided_slice %gather3A_367 {offsets = [13], sizes = [1], strides = [1]} : vector<16xi32> to vector<1xi32>
        %squeeze3A_1321 = vector.extract %slice3A_1320[0] : i32 from vector<1xi32>
        %sub3A_1322 = arith.subi %squeeze3A_1321, %multiple_of3A_1319 : i32
        %add3A_1323 = arith.constant 128 : i32
        %add3A_1324 = arith.addi %sub3A_1322, %add3A_1323 : i32
        %sub3A_1325 = arith.constant 1 : i32
        %sub3A_1326 = arith.subi %add3A_1324, %sub3A_1325 : i32
        %jit3A_1327 = arith.constant 128 : i32
        %div3A_1328 = arith.divsi %sub3A_1326, %jit3A_1327 : i32
        %sign3A_1329 = arith.constant 0 : i32
        %sign3A_1330 = arith.cmpi sgt, %sub3A_1326, %sign3A_1329 : i32
        %sign3A_1331 = arith.extui %sign3A_1330 : i1 to i32
        %sign3A_1332 = arith.constant 0 : i32
        %sign3A_1333 = arith.cmpi slt, %sub3A_1326, %sign3A_1332 : i32
        %sign3A_1334 = arith.extui %sign3A_1333 : i1 to i32
        %sign3A_1335 = arith.subi %sign3A_1331, %sign3A_1334 : i32
        %sign3A_1336 = arith.constant 0 : i32
        %sign3A_1337 = arith.cmpi sgt, %jit3A_1327, %sign3A_1336 : i32
        %sign3A_1338 = arith.extui %sign3A_1337 : i1 to i32
        %sign3A_1339 = arith.constant 0 : i32
        %sign3A_1340 = arith.cmpi slt, %jit3A_1327, %sign3A_1339 : i32
        %sign3A_1341 = arith.extui %sign3A_1340 : i1 to i32
        %sign3A_1342 = arith.subi %sign3A_1338, %sign3A_1341 : i32
        %ne3A_1343 = arith.cmpi ne, %sign3A_1335, %sign3A_1342 : i32
        %rem3A_1344 = arith.remsi %sub3A_1326, %jit3A_1327 : i32
        %ne3A_1345 = arith.constant 0 : i32
        %ne3A_1346 = arith.cmpi ne, %rem3A_1344, %ne3A_1345 : i32
        %and3A_1347 = arith.andi %ne3A_1343, %ne3A_1346 : i1
        %sub3A_1348 = arith.constant 1 : i32
        %sub3A_1349 = arith.subi %div3A_1328, %sub3A_1348 : i32
        %select_n3A_1350 = arith.select %and3A_1347, %sub3A_1349, %div3A_1328 : i32
        %while3A_1351 = arith.constant 1 : i32
        %while3A_1352 = arith.constant 0 : i32
        %while3A_1353 = arith.subi %select_n3A_1350, %while3A_1351 : i32
        %while3A_1354 = arith.addi %while3A_1351, %while3A_1353 : i32
        %while3A_1355 = arith.constant 1 : i32
        %while3A_1356 = arith.divsi %while3A_1353, %while3A_1355 : i32
        %while3A_1357 = arith.muli %while3A_1356, %while3A_1355 : i32
        %while3A_1358 = arith.addi %while3A_1351, %while3A_1357 : i32
        %while3A_1359 = arith.constant 1 : i32
        %while3A_1360 = scf.for %while3A_1493 = %while3A_1351 to %while3A_1358 step %while3A_1359 iter_args(%while3A_1494 = %while3A_1352) -> (i32)  : i32 {
          %add3A_1495 = arith.constant 650624 : i32
          %add3A_1496 = arith.addi %add3A_1495, %multiple_of3A_1319 : i32
          %mul3A_1497 = arith.constant 128 : i32
          %mul3A_1498 = arith.muli %while3A_1493, %mul3A_1497 : i32
          %add3A_1499 = arith.addi %add3A_1496, %mul3A_1498 : i32
          %multiple_of3A_1500 = tpu.assume_multiple %add3A_1499, 8 : i32
          "tpu.region"() ({
            %run_scoped3A = tpu.sem_alloc : memref<!tpu.dma_semaphore, #tpu.memory_space<semaphore_mem>>
            %dma_start3A_1509 = arith.constant 1664 : i32
            %dma_start3A_1510 = tpu.memref_slice %arg13[%dma_start3A_1509] : memref<2048xi32, #tpu.memory_space<vmem>> -> memref<128xi32, #tpu.memory_space<vmem>>
            %dma_start3A_1511 = tpu.memref_slice %arg15[%multiple_of3A_1500] : memref<800768xi32, #tpu.memory_space<vmem_shared>> -> memref<128xi32, #tpu.memory_space<vmem_shared>>
            %dma_start3A_1512 = arith.constant 1664 : i32
            %dma_start3A_1513 = tpu.memref_slice %arg13[%dma_start3A_1512] : memref<2048xi32, #tpu.memory_space<vmem>> -> memref<128xi32, #tpu.memory_space<vmem>>
            %dma_start3A_1514 = tpu.memref_slice %arg15[%multiple_of3A_1500] : memref<800768xi32, #tpu.memory_space<vmem_shared>> -> memref<128xi32, #tpu.memory_space<vmem_shared>>
            tpu.enqueue_dma source(%dma_start3A_1514 : memref<128xi32, #tpu.memory_space<vmem_shared>>) target(%dma_start3A_1513 : memref<128xi32, #tpu.memory_space<vmem>>) target_semaphore(%run_scoped3A : memref<!tpu.dma_semaphore, #tpu.memory_space<semaphore_mem>>)
            %dma_wait3A_1515 = arith.constant 1664 : i32
            %dma_wait3A_1516 = tpu.memref_slice %arg13[%dma_wait3A_1515] : memref<2048xi32, #tpu.memory_space<vmem>> -> memref<128xi32, #tpu.memory_space<vmem>>
            %dma_wait3A_1517 = tpu.memref_slice %arg15[%multiple_of3A_1500] : memref<800768xi32, #tpu.memory_space<vmem_shared>> -> memref<128xi32, #tpu.memory_space<vmem_shared>>
            %dma_wait3A_1518 = arith.constant 1664 : i32
            %dma_wait3A_1519 = tpu.memref_slice %arg13[%dma_wait3A_1518] : memref<2048xi32, #tpu.memory_space<vmem>> -> memref<128xi32, #tpu.memory_space<vmem>>
            %dma_wait3A_1520 = tpu.memref_slice %arg15[%multiple_of3A_1500] : memref<800768xi32, #tpu.memory_space<vmem_shared>> -> memref<128xi32, #tpu.memory_space<vmem_shared>>
            tpu.wait_dma2 semaphore(%run_scoped3A : memref<!tpu.dma_semaphore, #tpu.memory_space<semaphore_mem>>) src(%dma_wait3A_1520 : memref<128xi32, #tpu.memory_space<vmem_shared>>) dst(%dma_wait3A_1519 : memref<128xi32, #tpu.memory_space<vmem>>)
            tpu.yield
          }) : () -> ()
          %scan3A_1501 = arith.constant 0 : i32
          %scan3A_1502 = arith.constant 0 : i32
          %scan3A_1503 = arith.constant 8 : i32
          %scan3A_1504 = arith.addi %scan3A_1502, %scan3A_1503 : i32
          %scan3A_1505 = arith.constant 1 : i32
          %scan3A_1506 = scf.for %scan3A_1509 = %scan3A_1502 to %scan3A_1504 step %scan3A_1505 iter_args(%scan3A_1510 = %scan3A_1501) -> (i32)  : i32 {
            %mul3A_1511 = arith.constant 16 : i32
            %mul3A_1512 = arith.muli %scan3A_1509, %mul3A_1511 : i32
            %add3A_1513 = arith.constant 1664 : i32
            %add3A_1514 = arith.addi %add3A_1513, %mul3A_1512 : i32
            %get3A = arith.index_cast %add3A_1514 : i32 to index
            %get3A_1515 = tpu.vector_load %arg13[%get3A] {strides = array<i32>} : memref<2048xi32, #tpu.memory_space<vmem>>, vector<16xi32>,
            %sub3A_1516 = vector.broadcast %shift_left3A_83 : i32 to vector<16xi32>
            %sub3A_1517 = arith.subi %get3A_1515, %sub3A_1516 : vector<16xi32>
            %ge3A = arith.constant 0 : i32
            %ge3A_1518 = vector.broadcast %ge3A : i32 to vector<16xi32>
            %ge3A_1519 = arith.cmpi sge, %sub3A_1517, %ge3A_1518 : vector<16xi32>
            %lt3A_1520 = arith.constant 8192 : i32
            %lt3A_1521 = vector.broadcast %lt3A_1520 : i32 to vector<16xi32>
            %lt3A_1522 = arith.cmpi slt, %sub3A_1517, %lt3A_1521 : vector<16xi32>
            %and3A_1523 = arith.andi %ge3A_1519, %lt3A_1522 : vector<16xi1>
            %jit3A_1524 = arith.constant 8192 : i32
            %broadcast_in_dim3A_1525 = vector.broadcast %jit3A_1524 : i32 to vector<16xi32>
            %select_n3A_1526 = arith.select %and3A_1523, %sub3A_1517, %broadcast_in_dim3A_1525 : vector<16xi1>, vector<16xi32>
            tpu.vector_store_idx %arg11[%select_n3A_1526], %broadcast_in_dim3A_0 {add = true} : memref<8208xf32, #tpu.memory_space<vmem>>[vector<16xi32>], vector<16xf32>,
            %scan3A_1527 = arith.constant 0 : i32
            scf.yield %scan3A_1527 : i32
          }
          %scan3A_1507 = arith.constant 8 : i32
          %while3A_1508 = arith.constant 0 : i32
          scf.yield %while3A_1508 : i32
        }
        %while3A_1361 = arith.constant 1 : i32
        %while3A_1362 = scf.for %while3A_1493 = %while3A_1358 to %while3A_1354 step %while3A_1361 iter_args(%while3A_1494 = %while3A_1360) -> (i32)  : i32 {
          %add3A_1495 = arith.constant 650624 : i32
          %add3A_1496 = arith.addi %add3A_1495, %multiple_of3A_1319 : i32
          %mul3A_1497 = arith.constant 128 : i32
          %mul3A_1498 = arith.muli %while3A_1493, %mul3A_1497 : i32
          %add3A_1499 = arith.addi %add3A_1496, %mul3A_1498 : i32
          %multiple_of3A_1500 = tpu.assume_multiple %add3A_1499, 8 : i32
          "tpu.region"() ({
            %run_scoped3A = tpu.sem_alloc : memref<!tpu.dma_semaphore, #tpu.memory_space<semaphore_mem>>
            %dma_start3A_1509 = arith.constant 1664 : i32
            %dma_start3A_1510 = tpu.memref_slice %arg13[%dma_start3A_1509] : memref<2048xi32, #tpu.memory_space<vmem>> -> memref<128xi32, #tpu.memory_space<vmem>>
            %dma_start3A_1511 = tpu.memref_slice %arg15[%multiple_of3A_1500] : memref<800768xi32, #tpu.memory_space<vmem_shared>> -> memref<128xi32, #tpu.memory_space<vmem_shared>>
            %dma_start3A_1512 = arith.constant 1664 : i32
            %dma_start3A_1513 = tpu.memref_slice %arg13[%dma_start3A_1512] : memref<2048xi32, #tpu.memory_space<vmem>> -> memref<128xi32, #tpu.memory_space<vmem>>
            %dma_start3A_1514 = tpu.memref_slice %arg15[%multiple_of3A_1500] : memref<800768xi32, #tpu.memory_space<vmem_shared>> -> memref<128xi32, #tpu.memory_space<vmem_shared>>
            tpu.enqueue_dma source(%dma_start3A_1514 : memref<128xi32, #tpu.memory_space<vmem_shared>>) target(%dma_start3A_1513 : memref<128xi32, #tpu.memory_space<vmem>>) target_semaphore(%run_scoped3A : memref<!tpu.dma_semaphore, #tpu.memory_space<semaphore_mem>>)
            %dma_wait3A_1515 = arith.constant 1664 : i32
            %dma_wait3A_1516 = tpu.memref_slice %arg13[%dma_wait3A_1515] : memref<2048xi32, #tpu.memory_space<vmem>> -> memref<128xi32, #tpu.memory_space<vmem>>
            %dma_wait3A_1517 = tpu.memref_slice %arg15[%multiple_of3A_1500] : memref<800768xi32, #tpu.memory_space<vmem_shared>> -> memref<128xi32, #tpu.memory_space<vmem_shared>>
            %dma_wait3A_1518 = arith.constant 1664 : i32
            %dma_wait3A_1519 = tpu.memref_slice %arg13[%dma_wait3A_1518] : memref<2048xi32, #tpu.memory_space<vmem>> -> memref<128xi32, #tpu.memory_space<vmem>>
            %dma_wait3A_1520 = tpu.memref_slice %arg15[%multiple_of3A_1500] : memref<800768xi32, #tpu.memory_space<vmem_shared>> -> memref<128xi32, #tpu.memory_space<vmem_shared>>
            tpu.wait_dma2 semaphore(%run_scoped3A : memref<!tpu.dma_semaphore, #tpu.memory_space<semaphore_mem>>) src(%dma_wait3A_1520 : memref<128xi32, #tpu.memory_space<vmem_shared>>) dst(%dma_wait3A_1519 : memref<128xi32, #tpu.memory_space<vmem>>)
            tpu.yield
          }) : () -> ()
          %scan3A_1501 = arith.constant 0 : i32
          %scan3A_1502 = arith.constant 0 : i32
          %scan3A_1503 = arith.constant 8 : i32
          %scan3A_1504 = arith.addi %scan3A_1502, %scan3A_1503 : i32
          %scan3A_1505 = arith.constant 1 : i32
          %scan3A_1506 = scf.for %scan3A_1509 = %scan3A_1502 to %scan3A_1504 step %scan3A_1505 iter_args(%scan3A_1510 = %scan3A_1501) -> (i32)  : i32 {
            %mul3A_1511 = arith.constant 16 : i32
            %mul3A_1512 = arith.muli %scan3A_1509, %mul3A_1511 : i32
            %add3A_1513 = arith.constant 1664 : i32
            %add3A_1514 = arith.addi %add3A_1513, %mul3A_1512 : i32
            %get3A = arith.index_cast %add3A_1514 : i32 to index
            %get3A_1515 = tpu.vector_load %arg13[%get3A] {strides = array<i32>} : memref<2048xi32, #tpu.memory_space<vmem>>, vector<16xi32>,
            %sub3A_1516 = vector.broadcast %shift_left3A_83 : i32 to vector<16xi32>
            %sub3A_1517 = arith.subi %get3A_1515, %sub3A_1516 : vector<16xi32>
            %ge3A = arith.constant 0 : i32
            %ge3A_1518 = vector.broadcast %ge3A : i32 to vector<16xi32>
            %ge3A_1519 = arith.cmpi sge, %sub3A_1517, %ge3A_1518 : vector<16xi32>
            %lt3A_1520 = arith.constant 8192 : i32
            %lt3A_1521 = vector.broadcast %lt3A_1520 : i32 to vector<16xi32>
            %lt3A_1522 = arith.cmpi slt, %sub3A_1517, %lt3A_1521 : vector<16xi32>
            %and3A_1523 = arith.andi %ge3A_1519, %lt3A_1522 : vector<16xi1>
            %jit3A_1524 = arith.constant 8192 : i32
            %broadcast_in_dim3A_1525 = vector.broadcast %jit3A_1524 : i32 to vector<16xi32>
            %select_n3A_1526 = arith.select %and3A_1523, %sub3A_1517, %broadcast_in_dim3A_1525 : vector<16xi1>, vector<16xi32>
            tpu.vector_store_idx %arg11[%select_n3A_1526], %broadcast_in_dim3A_0 {add = true} : memref<8208xf32, #tpu.memory_space<vmem>>[vector<16xi32>], vector<16xf32>,
            %scan3A_1527 = arith.constant 0 : i32
            scf.yield %scan3A_1527 : i32
          }
          %scan3A_1507 = arith.constant 8 : i32
          %while3A_1508 = arith.constant 0 : i32
          scf.yield %while3A_1508 : i32
        }
        %dma_wait3A_1363 = arith.constant 1792 : i32
        %dma_wait3A_1364 = tpu.memref_slice %arg13[%dma_wait3A_1363] : memref<2048xi32, #tpu.memory_space<vmem>> -> memref<128xi32, #tpu.memory_space<vmem>>
        %dma_wait3A_1365 = tpu.memref_slice %arg15[%multiple_of3A_527] : memref<800768xi32, #tpu.memory_space<vmem_shared>> -> memref<128xi32, #tpu.memory_space<vmem_shared>>
        %dma_wait3A_1366 = arith.constant 1792 : i32
        %dma_wait3A_1367 = tpu.memref_slice %arg13[%dma_wait3A_1366] : memref<2048xi32, #tpu.memory_space<vmem>> -> memref<128xi32, #tpu.memory_space<vmem>>
        %dma_wait3A_1368 = tpu.memref_slice %arg15[%multiple_of3A_527] : memref<800768xi32, #tpu.memory_space<vmem_shared>> -> memref<128xi32, #tpu.memory_space<vmem_shared>>
        tpu.wait_dma2 semaphore(%arg18 : memref<!tpu.dma_semaphore, #tpu.memory_space<semaphore_mem>>) src(%dma_wait3A_1368 : memref<128xi32, #tpu.memory_space<vmem_shared>>) dst(%dma_wait3A_1367 : memref<128xi32, #tpu.memory_space<vmem>>)
        %scan3A_1369 = arith.constant 0 : i32
        %scan3A_1370 = arith.constant 0 : i32
        %scan3A_1371 = arith.constant 8 : i32
        %scan3A_1372 = arith.addi %scan3A_1370, %scan3A_1371 : i32
        %scan3A_1373 = arith.constant 1 : i32
        %scan3A_1374 = scf.for %scan3A_1493 = %scan3A_1370 to %scan3A_1372 step %scan3A_1373 iter_args(%scan3A_1494 = %scan3A_1369) -> (i32)  : i32 {
          %mul3A_1495 = arith.constant 16 : i32
          %mul3A_1496 = arith.muli %scan3A_1493, %mul3A_1495 : i32
          %add3A_1497 = arith.constant 1792 : i32
          %add3A_1498 = arith.addi %add3A_1497, %mul3A_1496 : i32
          %get3A = arith.index_cast %add3A_1498 : i32 to index
          %get3A_1499 = tpu.vector_load %arg13[%get3A] {strides = array<i32>} : memref<2048xi32, #tpu.memory_space<vmem>>, vector<16xi32>,
          %sub3A_1500 = vector.broadcast %shift_left3A_83 : i32 to vector<16xi32>
          %sub3A_1501 = arith.subi %get3A_1499, %sub3A_1500 : vector<16xi32>
          %ge3A = arith.constant 0 : i32
          %ge3A_1502 = vector.broadcast %ge3A : i32 to vector<16xi32>
          %ge3A_1503 = arith.cmpi sge, %sub3A_1501, %ge3A_1502 : vector<16xi32>
          %lt3A_1504 = arith.constant 8192 : i32
          %lt3A_1505 = vector.broadcast %lt3A_1504 : i32 to vector<16xi32>
          %lt3A_1506 = arith.cmpi slt, %sub3A_1501, %lt3A_1505 : vector<16xi32>
          %and3A_1507 = arith.andi %ge3A_1503, %lt3A_1506 : vector<16xi1>
          %jit3A_1508 = arith.constant 8192 : i32
          %broadcast_in_dim3A_1509 = vector.broadcast %jit3A_1508 : i32 to vector<16xi32>
          %select_n3A_1510 = arith.select %and3A_1507, %sub3A_1501, %broadcast_in_dim3A_1509 : vector<16xi1>, vector<16xi32>
          tpu.vector_store_idx %arg11[%select_n3A_1510], %broadcast_in_dim3A_0 {add = true} : memref<8208xf32, #tpu.memory_space<vmem>>[vector<16xi32>], vector<16xf32>,
          %scan3A_1511 = arith.constant 0 : i32
          scf.yield %scan3A_1511 : i32
        }
        %scan3A_1375 = arith.constant 8 : i32
        %slice3A_1376 = vector.extract_strided_slice %and3A_370 {offsets = [14], sizes = [1], strides = [1]} : vector<16xi32> to vector<1xi32>
        %squeeze3A_1377 = vector.extract %slice3A_1376[0] : i32 from vector<1xi32>
        %multiple_of3A_1378 = tpu.assume_multiple %squeeze3A_1377, 8 : i32
        %slice3A_1379 = vector.extract_strided_slice %gather3A_367 {offsets = [14], sizes = [1], strides = [1]} : vector<16xi32> to vector<1xi32>
        %squeeze3A_1380 = vector.extract %slice3A_1379[0] : i32 from vector<1xi32>
        %sub3A_1381 = arith.subi %squeeze3A_1380, %multiple_of3A_1378 : i32
        %add3A_1382 = arith.constant 128 : i32
        %add3A_1383 = arith.addi %sub3A_1381, %add3A_1382 : i32
        %sub3A_1384 = arith.constant 1 : i32
        %sub3A_1385 = arith.subi %add3A_1383, %sub3A_1384 : i32
        %jit3A_1386 = arith.constant 128 : i32
        %div3A_1387 = arith.divsi %sub3A_1385, %jit3A_1386 : i32
        %sign3A_1388 = arith.constant 0 : i32
        %sign3A_1389 = arith.cmpi sgt, %sub3A_1385, %sign3A_1388 : i32
        %sign3A_1390 = arith.extui %sign3A_1389 : i1 to i32
        %sign3A_1391 = arith.constant 0 : i32
        %sign3A_1392 = arith.cmpi slt, %sub3A_1385, %sign3A_1391 : i32
        %sign3A_1393 = arith.extui %sign3A_1392 : i1 to i32
        %sign3A_1394 = arith.subi %sign3A_1390, %sign3A_1393 : i32
        %sign3A_1395 = arith.constant 0 : i32
        %sign3A_1396 = arith.cmpi sgt, %jit3A_1386, %sign3A_1395 : i32
        %sign3A_1397 = arith.extui %sign3A_1396 : i1 to i32
        %sign3A_1398 = arith.constant 0 : i32
        %sign3A_1399 = arith.cmpi slt, %jit3A_1386, %sign3A_1398 : i32
        %sign3A_1400 = arith.extui %sign3A_1399 : i1 to i32
        %sign3A_1401 = arith.subi %sign3A_1397, %sign3A_1400 : i32
        %ne3A_1402 = arith.cmpi ne, %sign3A_1394, %sign3A_1401 : i32
        %rem3A_1403 = arith.remsi %sub3A_1385, %jit3A_1386 : i32
        %ne3A_1404 = arith.constant 0 : i32
        %ne3A_1405 = arith.cmpi ne, %rem3A_1403, %ne3A_1404 : i32
        %and3A_1406 = arith.andi %ne3A_1402, %ne3A_1405 : i1
        %sub3A_1407 = arith.constant 1 : i32
        %sub3A_1408 = arith.subi %div3A_1387, %sub3A_1407 : i32
        %select_n3A_1409 = arith.select %and3A_1406, %sub3A_1408, %div3A_1387 : i32
        %while3A_1410 = arith.constant 1 : i32
        %while3A_1411 = arith.constant 0 : i32
        %while3A_1412 = arith.subi %select_n3A_1409, %while3A_1410 : i32
        %while3A_1413 = arith.addi %while3A_1410, %while3A_1412 : i32
        %while3A_1414 = arith.constant 1 : i32
        %while3A_1415 = arith.divsi %while3A_1412, %while3A_1414 : i32
        %while3A_1416 = arith.muli %while3A_1415, %while3A_1414 : i32
        %while3A_1417 = arith.addi %while3A_1410, %while3A_1416 : i32
        %while3A_1418 = arith.constant 1 : i32
        %while3A_1419 = scf.for %while3A_1493 = %while3A_1410 to %while3A_1417 step %while3A_1418 iter_args(%while3A_1494 = %while3A_1411) -> (i32)  : i32 {
          %add3A_1495 = arith.constant 700672 : i32
          %add3A_1496 = arith.addi %add3A_1495, %multiple_of3A_1378 : i32
          %mul3A_1497 = arith.constant 128 : i32
          %mul3A_1498 = arith.muli %while3A_1493, %mul3A_1497 : i32
          %add3A_1499 = arith.addi %add3A_1496, %mul3A_1498 : i32
          %multiple_of3A_1500 = tpu.assume_multiple %add3A_1499, 8 : i32
          "tpu.region"() ({
            %run_scoped3A = tpu.sem_alloc : memref<!tpu.dma_semaphore, #tpu.memory_space<semaphore_mem>>
            %dma_start3A_1509 = arith.constant 1792 : i32
            %dma_start3A_1510 = tpu.memref_slice %arg13[%dma_start3A_1509] : memref<2048xi32, #tpu.memory_space<vmem>> -> memref<128xi32, #tpu.memory_space<vmem>>
            %dma_start3A_1511 = tpu.memref_slice %arg15[%multiple_of3A_1500] : memref<800768xi32, #tpu.memory_space<vmem_shared>> -> memref<128xi32, #tpu.memory_space<vmem_shared>>
            %dma_start3A_1512 = arith.constant 1792 : i32
            %dma_start3A_1513 = tpu.memref_slice %arg13[%dma_start3A_1512] : memref<2048xi32, #tpu.memory_space<vmem>> -> memref<128xi32, #tpu.memory_space<vmem>>
            %dma_start3A_1514 = tpu.memref_slice %arg15[%multiple_of3A_1500] : memref<800768xi32, #tpu.memory_space<vmem_shared>> -> memref<128xi32, #tpu.memory_space<vmem_shared>>
            tpu.enqueue_dma source(%dma_start3A_1514 : memref<128xi32, #tpu.memory_space<vmem_shared>>) target(%dma_start3A_1513 : memref<128xi32, #tpu.memory_space<vmem>>) target_semaphore(%run_scoped3A : memref<!tpu.dma_semaphore, #tpu.memory_space<semaphore_mem>>)
            %dma_wait3A_1515 = arith.constant 1792 : i32
            %dma_wait3A_1516 = tpu.memref_slice %arg13[%dma_wait3A_1515] : memref<2048xi32, #tpu.memory_space<vmem>> -> memref<128xi32, #tpu.memory_space<vmem>>
            %dma_wait3A_1517 = tpu.memref_slice %arg15[%multiple_of3A_1500] : memref<800768xi32, #tpu.memory_space<vmem_shared>> -> memref<128xi32, #tpu.memory_space<vmem_shared>>
            %dma_wait3A_1518 = arith.constant 1792 : i32
            %dma_wait3A_1519 = tpu.memref_slice %arg13[%dma_wait3A_1518] : memref<2048xi32, #tpu.memory_space<vmem>> -> memref<128xi32, #tpu.memory_space<vmem>>
            %dma_wait3A_1520 = tpu.memref_slice %arg15[%multiple_of3A_1500] : memref<800768xi32, #tpu.memory_space<vmem_shared>> -> memref<128xi32, #tpu.memory_space<vmem_shared>>
            tpu.wait_dma2 semaphore(%run_scoped3A : memref<!tpu.dma_semaphore, #tpu.memory_space<semaphore_mem>>) src(%dma_wait3A_1520 : memref<128xi32, #tpu.memory_space<vmem_shared>>) dst(%dma_wait3A_1519 : memref<128xi32, #tpu.memory_space<vmem>>)
            tpu.yield
          }) : () -> ()
          %scan3A_1501 = arith.constant 0 : i32
          %scan3A_1502 = arith.constant 0 : i32
          %scan3A_1503 = arith.constant 8 : i32
          %scan3A_1504 = arith.addi %scan3A_1502, %scan3A_1503 : i32
          %scan3A_1505 = arith.constant 1 : i32
          %scan3A_1506 = scf.for %scan3A_1509 = %scan3A_1502 to %scan3A_1504 step %scan3A_1505 iter_args(%scan3A_1510 = %scan3A_1501) -> (i32)  : i32 {
            %mul3A_1511 = arith.constant 16 : i32
            %mul3A_1512 = arith.muli %scan3A_1509, %mul3A_1511 : i32
            %add3A_1513 = arith.constant 1792 : i32
            %add3A_1514 = arith.addi %add3A_1513, %mul3A_1512 : i32
            %get3A = arith.index_cast %add3A_1514 : i32 to index
            %get3A_1515 = tpu.vector_load %arg13[%get3A] {strides = array<i32>} : memref<2048xi32, #tpu.memory_space<vmem>>, vector<16xi32>,
            %sub3A_1516 = vector.broadcast %shift_left3A_83 : i32 to vector<16xi32>
            %sub3A_1517 = arith.subi %get3A_1515, %sub3A_1516 : vector<16xi32>
            %ge3A = arith.constant 0 : i32
            %ge3A_1518 = vector.broadcast %ge3A : i32 to vector<16xi32>
            %ge3A_1519 = arith.cmpi sge, %sub3A_1517, %ge3A_1518 : vector<16xi32>
            %lt3A_1520 = arith.constant 8192 : i32
            %lt3A_1521 = vector.broadcast %lt3A_1520 : i32 to vector<16xi32>
            %lt3A_1522 = arith.cmpi slt, %sub3A_1517, %lt3A_1521 : vector<16xi32>
            %and3A_1523 = arith.andi %ge3A_1519, %lt3A_1522 : vector<16xi1>
            %jit3A_1524 = arith.constant 8192 : i32
            %broadcast_in_dim3A_1525 = vector.broadcast %jit3A_1524 : i32 to vector<16xi32>
            %select_n3A_1526 = arith.select %and3A_1523, %sub3A_1517, %broadcast_in_dim3A_1525 : vector<16xi1>, vector<16xi32>
            tpu.vector_store_idx %arg11[%select_n3A_1526], %broadcast_in_dim3A_0 {add = true} : memref<8208xf32, #tpu.memory_space<vmem>>[vector<16xi32>], vector<16xf32>,
            %scan3A_1527 = arith.constant 0 : i32
            scf.yield %scan3A_1527 : i32
          }
          %scan3A_1507 = arith.constant 8 : i32
          %while3A_1508 = arith.constant 0 : i32
          scf.yield %while3A_1508 : i32
        }
        %while3A_1420 = arith.constant 1 : i32
        %while3A_1421 = scf.for %while3A_1493 = %while3A_1417 to %while3A_1413 step %while3A_1420 iter_args(%while3A_1494 = %while3A_1419) -> (i32)  : i32 {
          %add3A_1495 = arith.constant 700672 : i32
          %add3A_1496 = arith.addi %add3A_1495, %multiple_of3A_1378 : i32
          %mul3A_1497 = arith.constant 128 : i32
          %mul3A_1498 = arith.muli %while3A_1493, %mul3A_1497 : i32
          %add3A_1499 = arith.addi %add3A_1496, %mul3A_1498 : i32
          %multiple_of3A_1500 = tpu.assume_multiple %add3A_1499, 8 : i32
          "tpu.region"() ({
            %run_scoped3A = tpu.sem_alloc : memref<!tpu.dma_semaphore, #tpu.memory_space<semaphore_mem>>
            %dma_start3A_1509 = arith.constant 1792 : i32
            %dma_start3A_1510 = tpu.memref_slice %arg13[%dma_start3A_1509] : memref<2048xi32, #tpu.memory_space<vmem>> -> memref<128xi32, #tpu.memory_space<vmem>>
            %dma_start3A_1511 = tpu.memref_slice %arg15[%multiple_of3A_1500] : memref<800768xi32, #tpu.memory_space<vmem_shared>> -> memref<128xi32, #tpu.memory_space<vmem_shared>>
            %dma_start3A_1512 = arith.constant 1792 : i32
            %dma_start3A_1513 = tpu.memref_slice %arg13[%dma_start3A_1512] : memref<2048xi32, #tpu.memory_space<vmem>> -> memref<128xi32, #tpu.memory_space<vmem>>
            %dma_start3A_1514 = tpu.memref_slice %arg15[%multiple_of3A_1500] : memref<800768xi32, #tpu.memory_space<vmem_shared>> -> memref<128xi32, #tpu.memory_space<vmem_shared>>
            tpu.enqueue_dma source(%dma_start3A_1514 : memref<128xi32, #tpu.memory_space<vmem_shared>>) target(%dma_start3A_1513 : memref<128xi32, #tpu.memory_space<vmem>>) target_semaphore(%run_scoped3A : memref<!tpu.dma_semaphore, #tpu.memory_space<semaphore_mem>>)
            %dma_wait3A_1515 = arith.constant 1792 : i32
            %dma_wait3A_1516 = tpu.memref_slice %arg13[%dma_wait3A_1515] : memref<2048xi32, #tpu.memory_space<vmem>> -> memref<128xi32, #tpu.memory_space<vmem>>
            %dma_wait3A_1517 = tpu.memref_slice %arg15[%multiple_of3A_1500] : memref<800768xi32, #tpu.memory_space<vmem_shared>> -> memref<128xi32, #tpu.memory_space<vmem_shared>>
            %dma_wait3A_1518 = arith.constant 1792 : i32
            %dma_wait3A_1519 = tpu.memref_slice %arg13[%dma_wait3A_1518] : memref<2048xi32, #tpu.memory_space<vmem>> -> memref<128xi32, #tpu.memory_space<vmem>>
            %dma_wait3A_1520 = tpu.memref_slice %arg15[%multiple_of3A_1500] : memref<800768xi32, #tpu.memory_space<vmem_shared>> -> memref<128xi32, #tpu.memory_space<vmem_shared>>
            tpu.wait_dma2 semaphore(%run_scoped3A : memref<!tpu.dma_semaphore, #tpu.memory_space<semaphore_mem>>) src(%dma_wait3A_1520 : memref<128xi32, #tpu.memory_space<vmem_shared>>) dst(%dma_wait3A_1519 : memref<128xi32, #tpu.memory_space<vmem>>)
            tpu.yield
          }) : () -> ()
          %scan3A_1501 = arith.constant 0 : i32
          %scan3A_1502 = arith.constant 0 : i32
          %scan3A_1503 = arith.constant 8 : i32
          %scan3A_1504 = arith.addi %scan3A_1502, %scan3A_1503 : i32
          %scan3A_1505 = arith.constant 1 : i32
          %scan3A_1506 = scf.for %scan3A_1509 = %scan3A_1502 to %scan3A_1504 step %scan3A_1505 iter_args(%scan3A_1510 = %scan3A_1501) -> (i32)  : i32 {
            %mul3A_1511 = arith.constant 16 : i32
            %mul3A_1512 = arith.muli %scan3A_1509, %mul3A_1511 : i32
            %add3A_1513 = arith.constant 1792 : i32
            %add3A_1514 = arith.addi %add3A_1513, %mul3A_1512 : i32
            %get3A = arith.index_cast %add3A_1514 : i32 to index
            %get3A_1515 = tpu.vector_load %arg13[%get3A] {strides = array<i32>} : memref<2048xi32, #tpu.memory_space<vmem>>, vector<16xi32>,
            %sub3A_1516 = vector.broadcast %shift_left3A_83 : i32 to vector<16xi32>
            %sub3A_1517 = arith.subi %get3A_1515, %sub3A_1516 : vector<16xi32>
            %ge3A = arith.constant 0 : i32
            %ge3A_1518 = vector.broadcast %ge3A : i32 to vector<16xi32>
            %ge3A_1519 = arith.cmpi sge, %sub3A_1517, %ge3A_1518 : vector<16xi32>
            %lt3A_1520 = arith.constant 8192 : i32
            %lt3A_1521 = vector.broadcast %lt3A_1520 : i32 to vector<16xi32>
            %lt3A_1522 = arith.cmpi slt, %sub3A_1517, %lt3A_1521 : vector<16xi32>
            %and3A_1523 = arith.andi %ge3A_1519, %lt3A_1522 : vector<16xi1>
            %jit3A_1524 = arith.constant 8192 : i32
            %broadcast_in_dim3A_1525 = vector.broadcast %jit3A_1524 : i32 to vector<16xi32>
            %select_n3A_1526 = arith.select %and3A_1523, %sub3A_1517, %broadcast_in_dim3A_1525 : vector<16xi1>, vector<16xi32>
            tpu.vector_store_idx %arg11[%select_n3A_1526], %broadcast_in_dim3A_0 {add = true} : memref<8208xf32, #tpu.memory_space<vmem>>[vector<16xi32>], vector<16xf32>,
            %scan3A_1527 = arith.constant 0 : i32
            scf.yield %scan3A_1527 : i32
          }
          %scan3A_1507 = arith.constant 8 : i32
          %while3A_1508 = arith.constant 0 : i32
          scf.yield %while3A_1508 : i32
        }
        %dma_wait3A_1422 = arith.constant 1920 : i32
        %dma_wait3A_1423 = tpu.memref_slice %arg13[%dma_wait3A_1422] : memref<2048xi32, #tpu.memory_space<vmem>> -> memref<128xi32, #tpu.memory_space<vmem>>
        %dma_wait3A_1424 = tpu.memref_slice %arg15[%multiple_of3A_538] : memref<800768xi32, #tpu.memory_space<vmem_shared>> -> memref<128xi32, #tpu.memory_space<vmem_shared>>
        %dma_wait3A_1425 = arith.constant 1920 : i32
        %dma_wait3A_1426 = tpu.memref_slice %arg13[%dma_wait3A_1425] : memref<2048xi32, #tpu.memory_space<vmem>> -> memref<128xi32, #tpu.memory_space<vmem>>
        %dma_wait3A_1427 = tpu.memref_slice %arg15[%multiple_of3A_538] : memref<800768xi32, #tpu.memory_space<vmem_shared>> -> memref<128xi32, #tpu.memory_space<vmem_shared>>
        tpu.wait_dma2 semaphore(%arg18 : memref<!tpu.dma_semaphore, #tpu.memory_space<semaphore_mem>>) src(%dma_wait3A_1427 : memref<128xi32, #tpu.memory_space<vmem_shared>>) dst(%dma_wait3A_1426 : memref<128xi32, #tpu.memory_space<vmem>>)
        %scan3A_1428 = arith.constant 0 : i32
        %scan3A_1429 = arith.constant 0 : i32
        %scan3A_1430 = arith.constant 8 : i32
        %scan3A_1431 = arith.addi %scan3A_1429, %scan3A_1430 : i32
        %scan3A_1432 = arith.constant 1 : i32
        %scan3A_1433 = scf.for %scan3A_1493 = %scan3A_1429 to %scan3A_1431 step %scan3A_1432 iter_args(%scan3A_1494 = %scan3A_1428) -> (i32)  : i32 {
          %mul3A_1495 = arith.constant 16 : i32
          %mul3A_1496 = arith.muli %scan3A_1493, %mul3A_1495 : i32
          %add3A_1497 = arith.constant 1920 : i32
          %add3A_1498 = arith.addi %add3A_1497, %mul3A_1496 : i32
          %get3A = arith.index_cast %add3A_1498 : i32 to index
          %get3A_1499 = tpu.vector_load %arg13[%get3A] {strides = array<i32>} : memref<2048xi32, #tpu.memory_space<vmem>>, vector<16xi32>,
          %sub3A_1500 = vector.broadcast %shift_left3A_83 : i32 to vector<16xi32>
          %sub3A_1501 = arith.subi %get3A_1499, %sub3A_1500 : vector<16xi32>
          %ge3A = arith.constant 0 : i32
          %ge3A_1502 = vector.broadcast %ge3A : i32 to vector<16xi32>
          %ge3A_1503 = arith.cmpi sge, %sub3A_1501, %ge3A_1502 : vector<16xi32>
          %lt3A_1504 = arith.constant 8192 : i32
          %lt3A_1505 = vector.broadcast %lt3A_1504 : i32 to vector<16xi32>
          %lt3A_1506 = arith.cmpi slt, %sub3A_1501, %lt3A_1505 : vector<16xi32>
          %and3A_1507 = arith.andi %ge3A_1503, %lt3A_1506 : vector<16xi1>
          %jit3A_1508 = arith.constant 8192 : i32
          %broadcast_in_dim3A_1509 = vector.broadcast %jit3A_1508 : i32 to vector<16xi32>
          %select_n3A_1510 = arith.select %and3A_1507, %sub3A_1501, %broadcast_in_dim3A_1509 : vector<16xi1>, vector<16xi32>
          tpu.vector_store_idx %arg11[%select_n3A_1510], %broadcast_in_dim3A_0 {add = true} : memref<8208xf32, #tpu.memory_space<vmem>>[vector<16xi32>], vector<16xf32>,
          %scan3A_1511 = arith.constant 0 : i32
          scf.yield %scan3A_1511 : i32
        }
        %scan3A_1434 = arith.constant 8 : i32
        %slice3A_1435 = vector.extract_strided_slice %and3A_370 {offsets = [15], sizes = [1], strides = [1]} : vector<16xi32> to vector<1xi32>
        %squeeze3A_1436 = vector.extract %slice3A_1435[0] : i32 from vector<1xi32>
        %multiple_of3A_1437 = tpu.assume_multiple %squeeze3A_1436, 8 : i32
        %slice3A_1438 = vector.extract_strided_slice %gather3A_367 {offsets = [15], sizes = [1], strides = [1]} : vector<16xi32> to vector<1xi32>
        %squeeze3A_1439 = vector.extract %slice3A_1438[0] : i32 from vector<1xi32>
        %sub3A_1440 = arith.subi %squeeze3A_1439, %multiple_of3A_1437 : i32
        %add3A_1441 = arith.constant 128 : i32
        %add3A_1442 = arith.addi %sub3A_1440, %add3A_1441 : i32
        %sub3A_1443 = arith.constant 1 : i32
        %sub3A_1444 = arith.subi %add3A_1442, %sub3A_1443 : i32
        %jit3A_1445 = arith.constant 128 : i32
        %div3A_1446 = arith.divsi %sub3A_1444, %jit3A_1445 : i32
        %sign3A_1447 = arith.constant 0 : i32
        %sign3A_1448 = arith.cmpi sgt, %sub3A_1444, %sign3A_1447 : i32
        %sign3A_1449 = arith.extui %sign3A_1448 : i1 to i32
        %sign3A_1450 = arith.constant 0 : i32
        %sign3A_1451 = arith.cmpi slt, %sub3A_1444, %sign3A_1450 : i32
        %sign3A_1452 = arith.extui %sign3A_1451 : i1 to i32
        %sign3A_1453 = arith.subi %sign3A_1449, %sign3A_1452 : i32
        %sign3A_1454 = arith.constant 0 : i32
        %sign3A_1455 = arith.cmpi sgt, %jit3A_1445, %sign3A_1454 : i32
        %sign3A_1456 = arith.extui %sign3A_1455 : i1 to i32
        %sign3A_1457 = arith.constant 0 : i32
        %sign3A_1458 = arith.cmpi slt, %jit3A_1445, %sign3A_1457 : i32
        %sign3A_1459 = arith.extui %sign3A_1458 : i1 to i32
        %sign3A_1460 = arith.subi %sign3A_1456, %sign3A_1459 : i32
        %ne3A_1461 = arith.cmpi ne, %sign3A_1453, %sign3A_1460 : i32
        %rem3A_1462 = arith.remsi %sub3A_1444, %jit3A_1445 : i32
        %ne3A_1463 = arith.constant 0 : i32
        %ne3A_1464 = arith.cmpi ne, %rem3A_1462, %ne3A_1463 : i32
        %and3A_1465 = arith.andi %ne3A_1461, %ne3A_1464 : i1
        %sub3A_1466 = arith.constant 1 : i32
        %sub3A_1467 = arith.subi %div3A_1446, %sub3A_1466 : i32
        %select_n3A_1468 = arith.select %and3A_1465, %sub3A_1467, %div3A_1446 : i32
        %while3A_1469 = arith.constant 1 : i32
        %while3A_1470 = arith.constant 0 : i32
        %while3A_1471 = arith.subi %select_n3A_1468, %while3A_1469 : i32
        %while3A_1472 = arith.addi %while3A_1469, %while3A_1471 : i32
        %while3A_1473 = arith.constant 1 : i32
        %while3A_1474 = arith.divsi %while3A_1471, %while3A_1473 : i32
        %while3A_1475 = arith.muli %while3A_1474, %while3A_1473 : i32
        %while3A_1476 = arith.addi %while3A_1469, %while3A_1475 : i32
        %while3A_1477 = arith.constant 1 : i32
        %while3A_1478 = scf.for %while3A_1493 = %while3A_1469 to %while3A_1476 step %while3A_1477 iter_args(%while3A_1494 = %while3A_1470) -> (i32)  : i32 {
          %add3A_1495 = arith.constant 750720 : i32
          %add3A_1496 = arith.addi %add3A_1495, %multiple_of3A_1437 : i32
          %mul3A_1497 = arith.constant 128 : i32
          %mul3A_1498 = arith.muli %while3A_1493, %mul3A_1497 : i32
          %add3A_1499 = arith.addi %add3A_1496, %mul3A_1498 : i32
          %multiple_of3A_1500 = tpu.assume_multiple %add3A_1499, 8 : i32
          "tpu.region"() ({
            %run_scoped3A = tpu.sem_alloc : memref<!tpu.dma_semaphore, #tpu.memory_space<semaphore_mem>>
            %dma_start3A_1509 = arith.constant 1920 : i32
            %dma_start3A_1510 = tpu.memref_slice %arg13[%dma_start3A_1509] : memref<2048xi32, #tpu.memory_space<vmem>> -> memref<128xi32, #tpu.memory_space<vmem>>
            %dma_start3A_1511 = tpu.memref_slice %arg15[%multiple_of3A_1500] : memref<800768xi32, #tpu.memory_space<vmem_shared>> -> memref<128xi32, #tpu.memory_space<vmem_shared>>
            %dma_start3A_1512 = arith.constant 1920 : i32
            %dma_start3A_1513 = tpu.memref_slice %arg13[%dma_start3A_1512] : memref<2048xi32, #tpu.memory_space<vmem>> -> memref<128xi32, #tpu.memory_space<vmem>>
            %dma_start3A_1514 = tpu.memref_slice %arg15[%multiple_of3A_1500] : memref<800768xi32, #tpu.memory_space<vmem_shared>> -> memref<128xi32, #tpu.memory_space<vmem_shared>>
            tpu.enqueue_dma source(%dma_start3A_1514 : memref<128xi32, #tpu.memory_space<vmem_shared>>) target(%dma_start3A_1513 : memref<128xi32, #tpu.memory_space<vmem>>) target_semaphore(%run_scoped3A : memref<!tpu.dma_semaphore, #tpu.memory_space<semaphore_mem>>)
            %dma_wait3A_1515 = arith.constant 1920 : i32
            %dma_wait3A_1516 = tpu.memref_slice %arg13[%dma_wait3A_1515] : memref<2048xi32, #tpu.memory_space<vmem>> -> memref<128xi32, #tpu.memory_space<vmem>>
            %dma_wait3A_1517 = tpu.memref_slice %arg15[%multiple_of3A_1500] : memref<800768xi32, #tpu.memory_space<vmem_shared>> -> memref<128xi32, #tpu.memory_space<vmem_shared>>
            %dma_wait3A_1518 = arith.constant 1920 : i32
            %dma_wait3A_1519 = tpu.memref_slice %arg13[%dma_wait3A_1518] : memref<2048xi32, #tpu.memory_space<vmem>> -> memref<128xi32, #tpu.memory_space<vmem>>
            %dma_wait3A_1520 = tpu.memref_slice %arg15[%multiple_of3A_1500] : memref<800768xi32, #tpu.memory_space<vmem_shared>> -> memref<128xi32, #tpu.memory_space<vmem_shared>>
            tpu.wait_dma2 semaphore(%run_scoped3A : memref<!tpu.dma_semaphore, #tpu.memory_space<semaphore_mem>>) src(%dma_wait3A_1520 : memref<128xi32, #tpu.memory_space<vmem_shared>>) dst(%dma_wait3A_1519 : memref<128xi32, #tpu.memory_space<vmem>>)
            tpu.yield
          }) : () -> ()
          %scan3A_1501 = arith.constant 0 : i32
          %scan3A_1502 = arith.constant 0 : i32
          %scan3A_1503 = arith.constant 8 : i32
          %scan3A_1504 = arith.addi %scan3A_1502, %scan3A_1503 : i32
          %scan3A_1505 = arith.constant 1 : i32
          %scan3A_1506 = scf.for %scan3A_1509 = %scan3A_1502 to %scan3A_1504 step %scan3A_1505 iter_args(%scan3A_1510 = %scan3A_1501) -> (i32)  : i32 {
            %mul3A_1511 = arith.constant 16 : i32
            %mul3A_1512 = arith.muli %scan3A_1509, %mul3A_1511 : i32
            %add3A_1513 = arith.constant 1920 : i32
            %add3A_1514 = arith.addi %add3A_1513, %mul3A_1512 : i32
            %get3A = arith.index_cast %add3A_1514 : i32 to index
            %get3A_1515 = tpu.vector_load %arg13[%get3A] {strides = array<i32>} : memref<2048xi32, #tpu.memory_space<vmem>>, vector<16xi32>,
            %sub3A_1516 = vector.broadcast %shift_left3A_83 : i32 to vector<16xi32>
            %sub3A_1517 = arith.subi %get3A_1515, %sub3A_1516 : vector<16xi32>
            %ge3A = arith.constant 0 : i32
            %ge3A_1518 = vector.broadcast %ge3A : i32 to vector<16xi32>
            %ge3A_1519 = arith.cmpi sge, %sub3A_1517, %ge3A_1518 : vector<16xi32>
            %lt3A_1520 = arith.constant 8192 : i32
            %lt3A_1521 = vector.broadcast %lt3A_1520 : i32 to vector<16xi32>
            %lt3A_1522 = arith.cmpi slt, %sub3A_1517, %lt3A_1521 : vector<16xi32>
            %and3A_1523 = arith.andi %ge3A_1519, %lt3A_1522 : vector<16xi1>
            %jit3A_1524 = arith.constant 8192 : i32
            %broadcast_in_dim3A_1525 = vector.broadcast %jit3A_1524 : i32 to vector<16xi32>
            %select_n3A_1526 = arith.select %and3A_1523, %sub3A_1517, %broadcast_in_dim3A_1525 : vector<16xi1>, vector<16xi32>
            tpu.vector_store_idx %arg11[%select_n3A_1526], %broadcast_in_dim3A_0 {add = true} : memref<8208xf32, #tpu.memory_space<vmem>>[vector<16xi32>], vector<16xf32>,
            %scan3A_1527 = arith.constant 0 : i32
            scf.yield %scan3A_1527 : i32
          }
          %scan3A_1507 = arith.constant 8 : i32
          %while3A_1508 = arith.constant 0 : i32
          scf.yield %while3A_1508 : i32
        }
        %while3A_1479 = arith.constant 1 : i32
        %while3A_1480 = scf.for %while3A_1493 = %while3A_1476 to %while3A_1472 step %while3A_1479 iter_args(%while3A_1494 = %while3A_1478) -> (i32)  : i32 {
          %add3A_1495 = arith.constant 750720 : i32
          %add3A_1496 = arith.addi %add3A_1495, %multiple_of3A_1437 : i32
          %mul3A_1497 = arith.constant 128 : i32
          %mul3A_1498 = arith.muli %while3A_1493, %mul3A_1497 : i32
          %add3A_1499 = arith.addi %add3A_1496, %mul3A_1498 : i32
          %multiple_of3A_1500 = tpu.assume_multiple %add3A_1499, 8 : i32
          "tpu.region"() ({
            %run_scoped3A = tpu.sem_alloc : memref<!tpu.dma_semaphore, #tpu.memory_space<semaphore_mem>>
            %dma_start3A_1509 = arith.constant 1920 : i32
            %dma_start3A_1510 = tpu.memref_slice %arg13[%dma_start3A_1509] : memref<2048xi32, #tpu.memory_space<vmem>> -> memref<128xi32, #tpu.memory_space<vmem>>
            %dma_start3A_1511 = tpu.memref_slice %arg15[%multiple_of3A_1500] : memref<800768xi32, #tpu.memory_space<vmem_shared>> -> memref<128xi32, #tpu.memory_space<vmem_shared>>
            %dma_start3A_1512 = arith.constant 1920 : i32
            %dma_start3A_1513 = tpu.memref_slice %arg13[%dma_start3A_1512] : memref<2048xi32, #tpu.memory_space<vmem>> -> memref<128xi32, #tpu.memory_space<vmem>>
            %dma_start3A_1514 = tpu.memref_slice %arg15[%multiple_of3A_1500] : memref<800768xi32, #tpu.memory_space<vmem_shared>> -> memref<128xi32, #tpu.memory_space<vmem_shared>>
            tpu.enqueue_dma source(%dma_start3A_1514 : memref<128xi32, #tpu.memory_space<vmem_shared>>) target(%dma_start3A_1513 : memref<128xi32, #tpu.memory_space<vmem>>) target_semaphore(%run_scoped3A : memref<!tpu.dma_semaphore, #tpu.memory_space<semaphore_mem>>)
            %dma_wait3A_1515 = arith.constant 1920 : i32
            %dma_wait3A_1516 = tpu.memref_slice %arg13[%dma_wait3A_1515] : memref<2048xi32, #tpu.memory_space<vmem>> -> memref<128xi32, #tpu.memory_space<vmem>>
            %dma_wait3A_1517 = tpu.memref_slice %arg15[%multiple_of3A_1500] : memref<800768xi32, #tpu.memory_space<vmem_shared>> -> memref<128xi32, #tpu.memory_space<vmem_shared>>
            %dma_wait3A_1518 = arith.constant 1920 : i32
            %dma_wait3A_1519 = tpu.memref_slice %arg13[%dma_wait3A_1518] : memref<2048xi32, #tpu.memory_space<vmem>> -> memref<128xi32, #tpu.memory_space<vmem>>
            %dma_wait3A_1520 = tpu.memref_slice %arg15[%multiple_of3A_1500] : memref<800768xi32, #tpu.memory_space<vmem_shared>> -> memref<128xi32, #tpu.memory_space<vmem_shared>>
            tpu.wait_dma2 semaphore(%run_scoped3A : memref<!tpu.dma_semaphore, #tpu.memory_space<semaphore_mem>>) src(%dma_wait3A_1520 : memref<128xi32, #tpu.memory_space<vmem_shared>>) dst(%dma_wait3A_1519 : memref<128xi32, #tpu.memory_space<vmem>>)
            tpu.yield
          }) : () -> ()
          %scan3A_1501 = arith.constant 0 : i32
          %scan3A_1502 = arith.constant 0 : i32
          %scan3A_1503 = arith.constant 8 : i32
          %scan3A_1504 = arith.addi %scan3A_1502, %scan3A_1503 : i32
          %scan3A_1505 = arith.constant 1 : i32
          %scan3A_1506 = scf.for %scan3A_1509 = %scan3A_1502 to %scan3A_1504 step %scan3A_1505 iter_args(%scan3A_1510 = %scan3A_1501) -> (i32)  : i32 {
            %mul3A_1511 = arith.constant 16 : i32
            %mul3A_1512 = arith.muli %scan3A_1509, %mul3A_1511 : i32
            %add3A_1513 = arith.constant 1920 : i32
            %add3A_1514 = arith.addi %add3A_1513, %mul3A_1512 : i32
            %get3A = arith.index_cast %add3A_1514 : i32 to index
            %get3A_1515 = tpu.vector_load %arg13[%get3A] {strides = array<i32>} : memref<2048xi32, #tpu.memory_space<vmem>>, vector<16xi32>,
            %sub3A_1516 = vector.broadcast %shift_left3A_83 : i32 to vector<16xi32>
            %sub3A_1517 = arith.subi %get3A_1515, %sub3A_1516 : vector<16xi32>
            %ge3A = arith.constant 0 : i32
            %ge3A_1518 = vector.broadcast %ge3A : i32 to vector<16xi32>
            %ge3A_1519 = arith.cmpi sge, %sub3A_1517, %ge3A_1518 : vector<16xi32>
            %lt3A_1520 = arith.constant 8192 : i32
            %lt3A_1521 = vector.broadcast %lt3A_1520 : i32 to vector<16xi32>
            %lt3A_1522 = arith.cmpi slt, %sub3A_1517, %lt3A_1521 : vector<16xi32>
            %and3A_1523 = arith.andi %ge3A_1519, %lt3A_1522 : vector<16xi1>
            %jit3A_1524 = arith.constant 8192 : i32
            %broadcast_in_dim3A_1525 = vector.broadcast %jit3A_1524 : i32 to vector<16xi32>
            %select_n3A_1526 = arith.select %and3A_1523, %sub3A_1517, %broadcast_in_dim3A_1525 : vector<16xi1>, vector<16xi32>
            tpu.vector_store_idx %arg11[%select_n3A_1526], %broadcast_in_dim3A_0 {add = true} : memref<8208xf32, #tpu.memory_space<vmem>>[vector<16xi32>], vector<16xf32>,
            %scan3A_1527 = arith.constant 0 : i32
            scf.yield %scan3A_1527 : i32
          }
          %scan3A_1507 = arith.constant 8 : i32
          %while3A_1508 = arith.constant 0 : i32
          scf.yield %while3A_1508 : i32
        }
        %add3A_1481 = arith.addi %mul3A_57, %shift_left3A_83 : i32
        %multiple_of3A_1482 = tpu.assume_multiple %add3A_1481, 8 : i32
        %lt3A_1483 = arith.constant 390 : i32
        %lt3A_1484 = arith.cmpi slt, %add3A, %lt3A_1483 : i32
        %convert_element_type3A_1485 = arith.extui %lt3A_1484 : i1 to i32
        %cond3A_1486 = arith.constant 0 : i32
        %cond3A_1487 = arith.cmpi ne, %convert_element_type3A_1485, %cond3A_1486 : i32
        scf.if %cond3A_1487 {
          "tpu.region"() ({
            %run_scoped3A = tpu.sem_alloc : memref<!tpu.dma_semaphore, #tpu.memory_space<semaphore_mem>>
            %dma_start3A_1493 = arith.constant 0 : i32
            %dma_start3A_1494 = tpu.memref_slice %arg11[%dma_start3A_1493] : memref<8208xf32, #tpu.memory_space<vmem>> -> memref<8192xf32, #tpu.memory_space<vmem>>
            %dma_start3A_1495 = tpu.memref_slice %arg4[%multiple_of3A_1482] : memref<6400000xf32, #tpu.memory_space<hbm>> -> memref<8192xf32, #tpu.memory_space<hbm>>
            %dma_start3A_1496 = tpu.memref_slice %arg4[%multiple_of3A_1482] : memref<6400000xf32, #tpu.memory_space<hbm>> -> memref<8192xf32, #tpu.memory_space<hbm>>
            %dma_start3A_1497 = arith.constant 0 : i32
            %dma_start3A_1498 = tpu.memref_slice %arg11[%dma_start3A_1497] : memref<8208xf32, #tpu.memory_space<vmem>> -> memref<8192xf32, #tpu.memory_space<vmem>>
            tpu.enqueue_dma source(%dma_start3A_1498 : memref<8192xf32, #tpu.memory_space<vmem>>) target(%dma_start3A_1496 : memref<8192xf32, #tpu.memory_space<hbm>>) target_semaphore(%run_scoped3A : memref<!tpu.dma_semaphore, #tpu.memory_space<semaphore_mem>>)
            %dma_wait3A_1499 = arith.constant 0 : i32
            %dma_wait3A_1500 = tpu.memref_slice %arg11[%dma_wait3A_1499] : memref<8208xf32, #tpu.memory_space<vmem>> -> memref<8192xf32, #tpu.memory_space<vmem>>
            %dma_wait3A_1501 = tpu.memref_slice %arg4[%multiple_of3A_1482] : memref<6400000xf32, #tpu.memory_space<hbm>> -> memref<8192xf32, #tpu.memory_space<hbm>>
            %dma_wait3A_1502 = tpu.memref_slice %arg4[%multiple_of3A_1482] : memref<6400000xf32, #tpu.memory_space<hbm>> -> memref<8192xf32, #tpu.memory_space<hbm>>
            %dma_wait3A_1503 = arith.constant 0 : i32
            %dma_wait3A_1504 = tpu.memref_slice %arg11[%dma_wait3A_1503] : memref<8208xf32, #tpu.memory_space<vmem>> -> memref<8192xf32, #tpu.memory_space<vmem>>
            tpu.wait_dma2 semaphore(%run_scoped3A : memref<!tpu.dma_semaphore, #tpu.memory_space<semaphore_mem>>) src(%dma_wait3A_1504 : memref<8192xf32, #tpu.memory_space<vmem>>) dst(%dma_wait3A_1502 : memref<8192xf32, #tpu.memory_space<hbm>>)
            tpu.yield
          }) : () -> ()
        } else {
        }
        %eq3A_1488 = arith.constant 390 : i32
        %eq3A_1489 = arith.cmpi eq, %add3A, %eq3A_1488 : i32
        %convert_element_type3A_1490 = arith.extui %eq3A_1489 : i1 to i32
        %cond3A_1491 = arith.constant 0 : i32
        %cond3A_1492 = arith.cmpi ne, %convert_element_type3A_1490, %cond3A_1491 : i32
        scf.if %cond3A_1492 {
          "tpu.region"() ({
            %run_scoped3A = tpu.sem_alloc : memref<!tpu.dma_semaphore, #tpu.memory_space<semaphore_mem>>
            %dma_start3A_1493 = arith.constant 0 : i32
            %dma_start3A_1494 = tpu.memref_slice %arg11[%dma_start3A_1493] : memref<8208xf32, #tpu.memory_space<vmem>> -> memref<5120xf32, #tpu.memory_space<vmem>>
            %dma_start3A_1495 = tpu.memref_slice %arg4[%multiple_of3A_1482] : memref<6400000xf32, #tpu.memory_space<hbm>> -> memref<5120xf32, #tpu.memory_space<hbm>>
            %dma_start3A_1496 = tpu.memref_slice %arg4[%multiple_of3A_1482] : memref<6400000xf32, #tpu.memory_space<hbm>> -> memref<5120xf32, #tpu.memory_space<hbm>>
            %dma_start3A_1497 = arith.constant 0 : i32
            %dma_start3A_1498 = tpu.memref_slice %arg11[%dma_start3A_1497] : memref<8208xf32, #tpu.memory_space<vmem>> -> memref<5120xf32, #tpu.memory_space<vmem>>
            tpu.enqueue_dma source(%dma_start3A_1498 : memref<5120xf32, #tpu.memory_space<vmem>>) target(%dma_start3A_1496 : memref<5120xf32, #tpu.memory_space<hbm>>) target_semaphore(%run_scoped3A : memref<!tpu.dma_semaphore, #tpu.memory_space<semaphore_mem>>)
            %dma_wait3A_1499 = arith.constant 0 : i32
            %dma_wait3A_1500 = tpu.memref_slice %arg11[%dma_wait3A_1499] : memref<8208xf32, #tpu.memory_space<vmem>> -> memref<5120xf32, #tpu.memory_space<vmem>>
            %dma_wait3A_1501 = tpu.memref_slice %arg4[%multiple_of3A_1482] : memref<6400000xf32, #tpu.memory_space<hbm>> -> memref<5120xf32, #tpu.memory_space<hbm>>
            %dma_wait3A_1502 = tpu.memref_slice %arg4[%multiple_of3A_1482] : memref<6400000xf32, #tpu.memory_space<hbm>> -> memref<5120xf32, #tpu.memory_space<hbm>>
            %dma_wait3A_1503 = arith.constant 0 : i32
            %dma_wait3A_1504 = tpu.memref_slice %arg11[%dma_wait3A_1503] : memref<8208xf32, #tpu.memory_space<vmem>> -> memref<5120xf32, #tpu.memory_space<vmem>>
            tpu.wait_dma2 semaphore(%run_scoped3A : memref<!tpu.dma_semaphore, #tpu.memory_space<semaphore_mem>>) src(%dma_wait3A_1504 : memref<5120xf32, #tpu.memory_space<vmem>>) dst(%dma_wait3A_1502 : memref<5120xf32, #tpu.memory_space<hbm>>)
            tpu.yield
          }) : () -> ()
        } else {
        }
      } else {
      }
      %scan3A_75 = arith.constant 0 : i32
      scf.yield %scan3A_75 : i32
    }
    %scan3A_64 = arith.constant 25 : i32
    %barrier3A_65 = arith.constant 0 : index
    tpu.barrier barrier_id(%barrier3A_65)
    return
  }
}

module attributes {stable_mosaic.version = 14 : i64} {
  func.func @_argmax_body(%arg0: i32, %arg1: memref<64x512xf32, #tpu.memory_space<vmem>>, %arg2: memref<1x1x512xi32, #tpu.memory_space<vmem>>) attributes {dimension_semantics = [#tpu.dimension_semantics<arbitrary>], iteration_bounds = array<i64: 98>, scalar_prefetch = 0 : i64, scratch_operands = 0 : i64, tpu.core_type = #tpu.core_type<tc>, window_params = [{transform_indices = @transform_0, window_bounds = array<i64: 64, 512>}, {transform_indices = @transform_1, window_bounds = array<i64: 1, 1, 512>}]} {
    %get3A = arith.constant 0 : index
    %get3A_0 = arith.constant 0 : index
    %get3A_1 = vector.load %arg1[%get3A, %get3A_0] : memref<64x512xf32, #tpu.memory_space<vmem>>, vector<64x512xf32>
    %argmax3A = tpu.reduce_index %get3A_1 {axis = 0 : i32, kind = #tpu.reduction_kind<arg_max>} : vector<64x512xf32> -> vector<512xi32>
    %swap3A = arith.constant 0 : index
    %swap3A_2 = arith.constant 0 : index
    %swap3A_3 = arith.constant 0 : index
    %swap3A_4 = vector.load %arg2[%swap3A, %swap3A_2, %swap3A_3] : memref<1x1x512xi32, #tpu.memory_space<vmem>>, vector<1x1x512xi32>
    %swap3A_5 = vector.shape_cast %swap3A_4 : vector<1x1x512xi32> to vector<512xi32>
    %swap3A_6 = vector.shape_cast %argmax3A : vector<512xi32> to vector<1x1x512xi32>
    tpu.vector_store %arg2[%swap3A, %swap3A_2, %swap3A_3], %swap3A_6 {strides = array<i32>} : memref<1x1x512xi32, #tpu.memory_space<vmem>>, vector<1x1x512xi32>,
    return
  }
  func.func @transform_0(%arg0: i32) -> (i32, i32) {
    %c0_i32 = arith.constant 0 : i32
    %c0_i32_0 = arith.constant 0 : i32
    return %c0_i32, %arg0 : i32, i32
  }
  func.func @transform_1(%arg0: i32) -> (i32, i32, i32) {
    %c0_i32 = arith.constant 0 : i32
    %c0_i32_0 = arith.constant 0 : i32
    %c0_i32_1 = arith.constant 0 : i32
    return %arg0, %c0_i32, %c0_i32_0 : i32, i32, i32
  }
}

module attributes {stable_mosaic.version = 14 : i64} {
  func.func @_prep_body(%arg0: memref<64x64xf32, #tpu.memory_space<vmem>>, %arg1: memref<64x256xf32, #tpu.memory_space<vmem>>, %arg2: memref<256x256xf32, #tpu.memory_space<vmem>>, %arg3: memref<64x256xf32, #tpu.memory_space<vmem>>) attributes {dimension_semantics = [], scalar_prefetch = 0 : i64, scratch_operands = 0 : i64, tpu.core_type = #tpu.core_type<tc>} {
    %get3A = arith.constant 0 : index
    %get3A_0 = arith.constant 0 : index
    %get3A_1 = vector.load %arg0[%get3A, %get3A_0] : memref<64x64xf32, #tpu.memory_space<vmem>>, vector<64x64xf32>
    %get3A_2 = arith.constant 0 : index
    %get3A_3 = arith.constant 0 : index
    %get3A_4 = vector.load %arg1[%get3A_2, %get3A_3] : memref<64x256xf32, #tpu.memory_space<vmem>>, vector<64x256xf32>
    %dot_general3A = arith.constant dense<0.000000e+00> : vector<64x256xf32>
    %dot_general3A_5 = tpu.matmul %get3A_1, %get3A_4, %dot_general3A {dimension_numbers = #tpu.dot_dimension_numbers<[1], [0], [0], [1], [0, 0, 1, 1], [], []>, precision = #tpu.contract_precision<fp32>, transpose_lhs_hint = false} : vector<64x64xf32>, vector<64x256xf32>, vector<64x256xf32> -> vector<64x256xf32>
    %get3A_6 = arith.constant 0 : index
    %get3A_7 = arith.constant 0 : index
    %get3A_8 = vector.load %arg2[%get3A_6, %get3A_7] : memref<256x256xf32, #tpu.memory_space<vmem>>, vector<256x256xf32>
    %dot_general3A_9 = arith.constant dense<0.000000e+00> : vector<64x256xf32>
    %dot_general3A_10 = tpu.matmul %dot_general3A_5, %get3A_8, %dot_general3A_9 {dimension_numbers = #tpu.dot_dimension_numbers<[1], [0], [0], [1], [0, 0, 1, 1], [], []>, precision = #tpu.contract_precision<fp32>, transpose_lhs_hint = false} : vector<64x256xf32>, vector<256x256xf32>, vector<64x256xf32> -> vector<64x256xf32>
    %swap3A = arith.constant 0 : index
    %swap3A_11 = arith.constant 0 : index
    %swap3A_12 = vector.load %arg3[%swap3A, %swap3A_11] : memref<64x256xf32, #tpu.memory_space<vmem>>, vector<64x256xf32>
    tpu.vector_store %arg3[%swap3A, %swap3A_11], %dot_general3A_10 {strides = array<i32>} : memref<64x256xf32, #tpu.memory_space<vmem>>, vector<64x256xf32>,
    return
  }
}

module attributes {stable_mosaic.version = 14 : i64} {
  func.func @_mlp_body(%arg0: i32, %arg1: i32, %arg2: memref<1x1000x64xf32, #tpu.memory_space<vmem>>, %arg3: memref<64x256xf32, #tpu.memory_space<vmem>>, %arg4: memref<8x256xf32, #tpu.memory_space<vmem>>, %arg5: memref<256x128xf32, #tpu.memory_space<vmem>>, %arg6: memref<1x1000x128xf32, #tpu.memory_space<vmem>>) attributes {dimension_semantics = [#tpu.dimension_semantics<arbitrary>, #tpu.dimension_semantics<arbitrary>], iteration_bounds = array<i64: 2, 50>, scalar_prefetch = 0 : i64, scratch_operands = 0 : i64, tpu.core_type = #tpu.core_type<tc>, window_params = [{transform_indices = @transform_0, window_bounds = array<i64: 1, 1000, 64>}, {pipeline_mode = #tpu.pipeline_mode<synchronous>, transform_indices = @transform_1, window_bounds = array<i64: 64, 256>}, {pipeline_mode = #tpu.pipeline_mode<synchronous>, transform_indices = @transform_2, window_bounds = array<i64: 8, 256>}, {pipeline_mode = #tpu.pipeline_mode<synchronous>, transform_indices = @transform_3, window_bounds = array<i64: 256, 128>}, {transform_indices = @transform_4, window_bounds = array<i64: 1, 1000, 128>}]} {
    %get3A = arith.constant 0 : index
    %get3A_0 = arith.constant 0 : index
    %get3A_1 = arith.constant 0 : index
    %get3A_2 = vector.load %arg2[%get3A, %get3A_0, %get3A_1] : memref<1x1000x64xf32, #tpu.memory_space<vmem>>, vector<1x1000x64xf32>
    %get3A_3 = vector.shape_cast %get3A_2 : vector<1x1000x64xf32> to vector<1000x64xf32>
    %get3A_4 = arith.constant 0 : index
    %get3A_5 = arith.constant 0 : index
    %get3A_6 = vector.load %arg3[%get3A_4, %get3A_5] : memref<64x256xf32, #tpu.memory_space<vmem>>, vector<64x256xf32>
    %dot_general3A = arith.constant dense<0.000000e+00> : vector<1000x256xf32>
    %dot_general3A_7 = tpu.matmul %get3A_3, %get3A_6, %dot_general3A {dimension_numbers = #tpu.dot_dimension_numbers<[1], [0], [0], [1], [0, 0, 1, 1], [], []>, precision = #tpu.contract_precision<fp32>, transpose_lhs_hint = false} : vector<1000x64xf32>, vector<64x256xf32>, vector<1000x256xf32> -> vector<1000x256xf32>
    %get3A_8 = arith.constant 0 : index
    %get3A_9 = arith.constant 0 : index
    %get3A_10 = vector.load %arg4[%get3A_8, %get3A_9] : memref<8x256xf32, #tpu.memory_space<vmem>>, vector<1x256xf32>
    %get3A_11 = vector.shape_cast %get3A_10 : vector<1x256xf32> to vector<256xf32>
    %broadcast_in_dim3A = vector.shape_cast %get3A_11 : vector<256xf32> to vector<1x256xf32>
    %add3A = vector.broadcast %broadcast_in_dim3A : vector<1x256xf32> to vector<1000x256xf32>
    %add3A_12 = arith.addf %dot_general3A_7, %add3A : vector<1000x256xf32>
    %reduce_sum3A = arith.constant dense<0.000000e+00> : vector<1000xf32>
    %reduce_sum3A_13 = vector.multi_reduction <add>, %add3A_12, %reduce_sum3A [1] : vector<1000x256xf32> to vector<1000xf32>
    %broadcast_in_dim3A_14 = vector.shape_cast %reduce_sum3A_13 : vector<1000xf32> to vector<1000x1xf32>
    %div3A = arith.constant 2.560000e+02 : f32
    %div3A_15 = vector.broadcast %div3A : f32 to vector<1000x1xf32>
    %div3A_16 = arith.divf %broadcast_in_dim3A_14, %div3A_15 : vector<1000x1xf32>
    %sub3A = vector.broadcast %div3A_16 : vector<1000x1xf32> to vector<1000x256xf32>
    %sub3A_17 = arith.subf %add3A_12, %sub3A : vector<1000x256xf32>
    %integer_pow3A = arith.mulf %sub3A_17, %sub3A_17 : vector<1000x256xf32>
    %reduce_sum3A_18 = arith.constant dense<0.000000e+00> : vector<1000xf32>
    %reduce_sum3A_19 = vector.multi_reduction <add>, %integer_pow3A, %reduce_sum3A_18 [1] : vector<1000x256xf32> to vector<1000xf32>
    %broadcast_in_dim3A_20 = vector.shape_cast %reduce_sum3A_19 : vector<1000xf32> to vector<1000x1xf32>
    %div3A_21 = arith.constant 2.560000e+02 : f32
    %div3A_22 = vector.broadcast %div3A_21 : f32 to vector<1000x1xf32>
    %div3A_23 = arith.divf %broadcast_in_dim3A_20, %div3A_22 : vector<1000x1xf32>
    %sub3A_24 = vector.broadcast %div3A_16 : vector<1000x1xf32> to vector<1000x256xf32>
    %sub3A_25 = arith.subf %add3A_12, %sub3A_24 : vector<1000x256xf32>
    %add3A_26 = arith.constant 9.99999974E-6 : f32
    %add3A_27 = vector.broadcast %add3A_26 : f32 to vector<1000x1xf32>
    %add3A_28 = arith.addf %div3A_23, %add3A_27 : vector<1000x1xf32>
    %rsqrt3A = math.rsqrt %add3A_28 : vector<1000x1xf32>
    %mul3A = vector.broadcast %rsqrt3A : vector<1000x1xf32> to vector<1000x256xf32>
    %mul3A_29 = arith.mulf %sub3A_25, %mul3A : vector<1000x256xf32>
    %get3A_30 = arith.constant 1 : index
    %get3A_31 = arith.constant 0 : index
    %get3A_32 = vector.load %arg4[%get3A_30, %get3A_31] : memref<8x256xf32, #tpu.memory_space<vmem>>, vector<1x256xf32>
    %get3A_33 = vector.shape_cast %get3A_32 : vector<1x256xf32> to vector<256xf32>
    %broadcast_in_dim3A_34 = vector.shape_cast %get3A_33 : vector<256xf32> to vector<1x256xf32>
    %mul3A_35 = vector.broadcast %broadcast_in_dim3A_34 : vector<1x256xf32> to vector<1000x256xf32>
    %mul3A_36 = arith.mulf %mul3A_29, %mul3A_35 : vector<1000x256xf32>
    %get3A_37 = arith.constant 2 : index
    %get3A_38 = arith.constant 0 : index
    %get3A_39 = vector.load %arg4[%get3A_37, %get3A_38] : memref<8x256xf32, #tpu.memory_space<vmem>>, vector<1x256xf32>
    %get3A_40 = vector.shape_cast %get3A_39 : vector<1x256xf32> to vector<256xf32>
    %broadcast_in_dim3A_41 = vector.shape_cast %get3A_40 : vector<256xf32> to vector<1x256xf32>
    %add3A_42 = vector.broadcast %broadcast_in_dim3A_41 : vector<1x256xf32> to vector<1000x256xf32>
    %add3A_43 = arith.addf %mul3A_36, %add3A_42 : vector<1000x256xf32>
    %mul3A_44 = arith.constant 5.000000e-01 : f32
    %mul3A_45 = vector.broadcast %mul3A_44 : f32 to vector<1000x256xf32>
    %mul3A_46 = arith.mulf %add3A_43, %mul3A_45 : vector<1000x256xf32>
    %mul3A_47 = arith.constant 0.707106769 : f32
    %mul3A_48 = vector.broadcast %mul3A_47 : f32 to vector<1000x256xf32>
    %mul3A_49 = arith.mulf %add3A_43, %mul3A_48 : vector<1000x256xf32>
    %erf3A = math.erf %mul3A_49 : vector<1000x256xf32>
    %add3A_50 = arith.constant 1.000000e+00 : f32
    %add3A_51 = vector.broadcast %add3A_50 : f32 to vector<1000x256xf32>
    %add3A_52 = arith.addf %add3A_51, %erf3A : vector<1000x256xf32>
    %mul3A_53 = arith.mulf %mul3A_46, %add3A_52 : vector<1000x256xf32>
    %get3A_54 = arith.constant 0 : index
    %get3A_55 = arith.constant 0 : index
    %get3A_56 = vector.load %arg5[%get3A_54, %get3A_55] : memref<256x128xf32, #tpu.memory_space<vmem>>, vector<256x128xf32>
    %dot_general3A_57 = arith.constant dense<0.000000e+00> : vector<1000x128xf32>
    %dot_general3A_58 = tpu.matmul %mul3A_53, %get3A_56, %dot_general3A_57 {dimension_numbers = #tpu.dot_dimension_numbers<[1], [0], [0], [1], [0, 0, 1, 1], [], []>, precision = #tpu.contract_precision<fp32>, transpose_lhs_hint = false} : vector<1000x256xf32>, vector<256x128xf32>, vector<1000x128xf32> -> vector<1000x128xf32>
    %get3A_59 = arith.constant 3 : index
    %get3A_60 = arith.constant 0 : index
    %get3A_61 = vector.load %arg4[%get3A_59, %get3A_60] : memref<8x256xf32, #tpu.memory_space<vmem>>, vector<1x128xf32>
    %get3A_62 = vector.shape_cast %get3A_61 : vector<1x128xf32> to vector<128xf32>
    %broadcast_in_dim3A_63 = vector.shape_cast %get3A_62 : vector<128xf32> to vector<1x128xf32>
    %add3A_64 = vector.broadcast %broadcast_in_dim3A_63 : vector<1x128xf32> to vector<1000x128xf32>
    %add3A_65 = arith.addf %dot_general3A_58, %add3A_64 : vector<1000x128xf32>
    %swap3A = arith.constant 0 : index
    %swap3A_66 = arith.constant 0 : index
    %swap3A_67 = arith.constant 0 : index
    %swap3A_68 = vector.load %arg6[%swap3A, %swap3A_66, %swap3A_67] : memref<1x1000x128xf32, #tpu.memory_space<vmem>>, vector<1x1000x128xf32>
    %swap3A_69 = vector.shape_cast %swap3A_68 : vector<1x1000x128xf32> to vector<1000x128xf32>
    %swap3A_70 = vector.shape_cast %add3A_65 : vector<1000x128xf32> to vector<1x1000x128xf32>
    tpu.vector_store %arg6[%swap3A, %swap3A_66, %swap3A_67], %swap3A_70 {strides = array<i32>} : memref<1x1000x128xf32, #tpu.memory_space<vmem>>, vector<1x1000x128xf32>,
    return
  }
  func.func @transform_0(%arg0: i32, %arg1: i32) -> (i32, i32, i32) {
    %c0_i32 = arith.constant 0 : i32
    %c0_i32_0 = arith.constant 0 : i32
    return %arg0, %arg1, %c0_i32 : i32, i32, i32
  }
  func.func @transform_1(%arg0: i32, %arg1: i32) -> (i32, i32) {
    %c0_i32 = arith.constant 0 : i32
    %c0_i32_0 = arith.constant 0 : i32
    %c0_i32_1 = arith.constant 0 : i32
    return %c0_i32, %c0_i32_0 : i32, i32
  }
  func.func @transform_2(%arg0: i32, %arg1: i32) -> (i32, i32) {
    %c0_i32 = arith.constant 0 : i32
    %c0_i32_0 = arith.constant 0 : i32
    %c0_i32_1 = arith.constant 0 : i32
    return %c0_i32, %c0_i32_0 : i32, i32
  }
  func.func @transform_3(%arg0: i32, %arg1: i32) -> (i32, i32) {
    %c0_i32 = arith.constant 0 : i32
    %c0_i32_0 = arith.constant 0 : i32
    %c0_i32_1 = arith.constant 0 : i32
    return %c0_i32, %c0_i32_0 : i32, i32
  }
  func.func @transform_4(%arg0: i32, %arg1: i32) -> (i32, i32, i32) {
    %c0_i32 = arith.constant 0 : i32
    %c0_i32_0 = arith.constant 0 : i32
    return %arg0, %arg1, %c0_i32 : i32, i32, i32
  }
}

</mosaic_0001>

<sc_bundles>
// kernel: kernel.6.cloned.1.call-start
scs
__scs_entry_jumppad:
0x0: {  	(pc) =	sbr.rel $0x88, $3  }
0x1: {  	(tag) =	ssettag $0x0;
	lr =	simm.s32 $0x1  }
0x2: {  	[smem:$0x3F98] =	sst lr;
	_ =	strace $0xD0000000  }
0x3: {  	_ = 	snop  }
0x4: {  	_ = 	snop  }
0x5: {  	_ = 	snop  }
0x6: {  	_ = 	snop  }
0x7: {  	_ = 	snop  }
__scs_overlays_trampoline_lowered:
0x8: {  	[smem:$0x3FA7] =	sst s0  }
0x9: {  	[smem:$0x3FA8] =	sst s1  }
0xa: {  	[smem:$0x3FA9] =	sst s2  }
0xb: {  	[smem:$0x3FAA] =	sst s3  }
0xc: {  	[smem:$0x3FAB] =	sst s4  }
0xd: {  	[smem:$0x3FAC] =	sst s5  }
0xe: {  	[smem:$0x3FAD] =	sst s6  }
0xf: {  	[smem:$0x3FAE] =	sst s7  }
0x10: {  	[smem:$0x3FAF] =	sst s8  }
0x11: {  	[smem:$0x3FB0] =	sst s9;
	s0 =	simm.s32 @!p0 $0x0  }
0x12: {  	s1 =	sld [smem:$0x3F96];
	s0 =	simm.s32 @p0 $0x1  }
0x13: {  	[smem:$0x3FB1] =	sst s0;
	s0 =	simm.s32 @!p1 $0x0  }
0x14: {  	s2 =	sld [smem:$0x3F95];
	s0 =	simm.s32 @p1 $0x1  }
0x15: {  	[smem:$0x3FB2] =	sst s0;
	s0 =	simm.s32 @!p2 $0x0  }
0x16: {  	s3 =	sld [smem:$0x3FDB];
	s0 =	simm.s32 @p2 $0x1  }
0x17: {  	s4 =	simm.s32 $0x1BF5;
	[smem:$0x3FB4] =	sst s0  }
0x18: {  	s0 =	sld [smem:$0x3F97];
	_ =	swait.ge [sflag:s4], $0x0  }
0x19: {  	s7 =	sld [smem:$0x3F98]  }
0x1a: {  	s8 =	sadd.s32 $0xFFFFE003, lr  }
0x1b: {  	s9 =	sadd.s32 $0xFFFFFEF7, lr;
	s5 =	simm.s32 $0xFFFFFFFF;
	p2 =	slt.u32 s8, $0xFFFFF086  }
0x1c: {  	p1 =	slt.u32 s9, $0xF7A;
	s5 =	simm.s32 @!p2 $0x0  }
0x1d: {  	s5 =	simm.s32 @p1 $0x1;
	p0 =	seq.s32 s7, s2  }
0x1e: {  	s7 =	smul.u32 @!p0 $0xF7A, s2;
	p2 =	seq.s32 @!p0 s5, $0x0  }
0x1f: {  	s9 =	smul.u32 $0xF7A, s1;
	s8 =	simm.s32 @!p0 $0x1BF5;
	p2 =	por !p2, p0  }
0x20: {  	[sflag:s8] =	ssyncset.s32 @!p0 $0xFFFFF086;
	s6 =	sadd.s32 @!p0 s3, s7;
	s7 =	simm.s32 @!p0 $0x108  }
0x21: {  	s3 =	sadd.s32 s3, s9;
	s6 =	sadd.s32 @!p0 $0x88, s6;
	s7 =	simm.s32 @p2 $0x1082  }
0x22: {  	[simem:s7], [sflag:s8] =	dma.local @!p0 [hbm:s6], $0xF7A  }
0x23: {  	s9 =	sor.u32 $0xD0000000, s2;
	s6 =	simm.s32 $0x108;
	_ =	swait.ge @!p0 [sflag:s8], $0x0  }
0x24: {  	s3 =	sadd.s32 $0x88, s3;
	s6 =	simm.s32 @!p1 $0x1082;
	[sflag:s4] =	ssyncset.s32 $0xFFFFF086  }
0x25: {  	[simem:s6], [sflag:s4] =	dma.local [hbm:s3], $0xF7A  }
0x26: {  	[smem:$0x3F98] =	sst s1;
	(tag) =	ssettag s2;
	_ =	strace s9  }
0x27: {  	s1 =	sld [smem:$0x3FA8]  }
0x28: {  	s2 =	sld [smem:$0x3FA9]  }
0x29: {  	s4 =	sld [smem:$0x3FAB]  }
0x2a: {  	p0 =	seq.s32 s5, $0x0;
	s5 =	sld [smem:$0x3FAC]  }
0x2b: {  	s6 =	sld [smem:$0x3FAD]  }
0x2c: {  	s7 =	sld [smem:$0x3FAE]  }
0x2d: {  	s3 =	simm.s32 $0x108;
	s8 =	sld [smem:$0x3FAF]  }
0x2e: {  	s3 =	simm.s32 @!p0 $0x1082;
	s9 =	sld [smem:$0x3FB0]  }
0x2f: {  	lr =	sadd.s32 s0, s3;
	s0 =	sld [smem:$0x3FA7]  }
0x30: {  	s3 =	sld [smem:$0x3FAA]  }
0x31: {  	[smem:$0x3FB3] =	sst s10  }
0x32: {  	s10 =	sld [smem:$0x3FB1];
	_ =	sdelay $0x3  }
0x33: {  	p0 =	seq.s32 s10, $0x1;
	s10 =	sld [smem:$0x3FB3];
	_ =	sdelay $0x3  }
0x34: {  	[smem:$0x3FB3] =	sst s10  }
0x35: {  	s10 =	sld [smem:$0x3FB2];
	_ =	sdelay $0x3  }
0x36: {  	p1 =	seq.s32 s10, $0x1;
	s10 =	sld [smem:$0x3FB3];
	_ =	sdelay $0x3  }
0x37: {  	[smem:$0x3FB3] =	sst s10  }
0x38: {  	s10 =	sld [smem:$0x3FB4]  }
0x39: {  	_ = 	snop;
	(pc) =	sbr.ind lr, $3  }
0x3a: {  	_ = 	snop  }
0x3b: {  	_ = 	snop  }
0x3c: {  	p2 =	seq.s32 s10, $0x1;
	s10 =	sld [smem:$0x3FB3]  }
0x3d: {  	_ =	shalt  }
0x3e: {  	_ =	shalt  }
0x3f: {  	_ =	shalt  }
0x40: {  	_ =	shalt  }
0x41: {  	_ =	shalt  }
0x42: {  	_ =	shalt  }
0x43: {  	_ =	shalt  }
0x44: {  	_ =	shalt  }
0x45: {  	_ =	shalt  }
0x46: {  	_ =	shalt  }
0x47: {  	_ =	shalt  }
0x48: {  	_ =	shalt  }
0x49: {  	_ =	shalt  }
0x4a: {  	_ =	shalt  }
0x4b: {  	_ =	shalt  }
0x4c: {  	_ =	shalt  }
0x4d: {  	_ =	shalt  }
0x4e: {  	_ =	shalt  }
0x4f: {  	_ =	shalt  }
0x50: {  	_ =	shalt  }
0x51: {  	_ =	shalt  }
0x52: {  	_ =	shalt  }
0x53: {  	_ =	shalt  }
0x54: {  	_ =	shalt  }
0x55: {  	_ =	shalt  }
0x56: {  	_ =	shalt  }
0x57: {  	_ =	shalt  }
0x58: {  	_ =	shalt  }
0x59: {  	_ =	shalt  }
0x5a: {  	_ =	shalt  }
0x5b: {  	_ =	shalt  }
0x5c: {  	_ =	shalt  }
0x5d: {  	_ =	shalt  }
0x5e: {  	_ =	shalt  }
0x5f: {  	_ =	shalt  }
0x60: {  	_ =	shalt  }
0x61: {  	_ =	shalt  }
0x62: {  	_ =	shalt  }
0x63: {  	_ =	shalt  }
0x64: {  	_ =	shalt  }
0x65: {  	_ =	shalt  }
0x66: {  	_ =	shalt  }
0x67: {  	_ =	shalt  }
0x68: {  	_ =	shalt  }
0x69: {  	_ =	shalt  }
0x6a: {  	_ =	shalt  }
0x6b: {  	_ =	shalt  }
0x6c: {  	_ =	shalt  }
0x6d: {  	_ =	shalt  }
0x6e: {  	_ =	shalt  }
0x6f: {  	_ =	shalt  }
0x70: {  	_ =	shalt  }
0x71: {  	_ =	shalt  }
0x72: {  	_ =	shalt  }
0x73: {  	_ =	shalt  }
0x74: {  	_ =	shalt  }
0x75: {  	_ =	shalt  }
0x76: {  	_ =	shalt  }
0x77: {  	_ =	shalt  }
0x78: {  	_ =	shalt  }
0x79: {  	_ =	shalt  }
0x7a: {  	_ =	shalt  }
0x7b: {  	_ =	shalt  }
0x7c: {  	_ =	shalt  }
0x7d: {  	_ =	shalt  }
0x7e: {  	_ =	shalt  }
0x7f: {  	_ =	shalt  }
0x80: {  	_ =	shalt  }
0x81: {  	_ =	shalt  }
0x82: {  	_ =	shalt  }
0x83: {  	_ =	shalt  }
0x84: {  	_ =	shalt  }
0x85: {  	_ =	shalt  }
0x86: {  	_ =	shalt  }
0x87: {  	_ =	shalt  }
.Lfunc_end0:
.L_simem_size_0:
called_computation_lowered:
.L_overlay_start_0:
0x88: {  	s2 =	sld [smem:$0x3FD9]  }
0x89: {  	s3 =	sld [smem:$0x3FFE];
	_ =	sdelay $0x1  }
0x8a: {  	s1 =	srdreg.scid  }
0x8b: {  	s0 =	sand.u32 $0x1, s1  }
0x8c: {  	s17 =	sshll.u32 s0, $0xA;
	s2 =	sadd.s32 s3, s2  }
0x8d: {  	s2 =	sadd.s32 s2, s17  }
0x8e: {  	[smem:$0x3FBF] =	sst s2  }
0x8f: {  	_ = 	snop  }
0x90: {  	s2 =	sld [smem:$0x3FD0];
	(tm) =	ssettm $0x1  }
0x91: {  	s18 =	sld [smem:$0x3FFB];
	_ =	sdelay $0x3  }
0x92: {  	_ =	strace s18  }
0x93: {  	s3 =	sld [smem:$0x3FFC];
	_ =	sdelay $0x3  }
0x94: {  	_ =	strace s3  }
0x95: {  	s3 =	sld [smem:$0x3FFD];
	_ =	sdelay $0x3  }
0x96: {  	_ =	strace s3  }
0x97: {  	_ =	strace $0x8FFFFFFF  }
0x98: {  	s19 =	sld [smem:$0x3FDB];
	_ =	sdelay $0x1  }
0x99: {  	s4 =	simm.s32 $_scs_section_size  }
0x9a: {  	s5 =	simm.s32 $_size__tile_overlayer_lowered;
	s6 =	simm.s32 $_tile_overlayer_lowered  }
0x9b: {  	s22 =	simm.s32 $0x1BFF;
	s21 =	sshll.u32 s6, $0x1;
	s3 =	sadd.s32 s4, s19  }
0x9c: {  	s7 =	simm.s32 $0x0;
	s20 =	sshll.u32 s5, $0x1;
	s5 =	sadd.s32 s21, s3  }
0x9d: {  	[timem:s7], [sflag:s22] =	dma.local [hbm:s5], s20  }
0x9e: {  	_ =	swait.ge [sflag:s22], s20  }
0x9f: {  	s4 =	ssub.s32 $0x0, s20;
	[sflag:s22] =	ssyncset.done $0x0  }
0xa0: {  	[sflag:s22] =	ssyncadd.s32 s4;
	_ =	sdelay $0x1  }
0xa1: {  	s23 =	simm.s32 $0x1B8B  }
0xa2: {  	_ =	swait.ge [sflag:s23], $0x1  }
0xa3: {  	[sflag:s23] =	ssyncset.done $0x0  }
0xa4: {  	s25 =	simm.s32 $0x1B8E;
	s24 =	sld [smem:$0x3FFE];
	[sflag:s23] =	ssyncadd.s32 $0xFFFFFFFF  }
0xa5: {  	s26 =	simm.s32 $execute0_lowered;
	[smem:$0x3FD2] =	sst s25  }
0xa6: {  	s5 =	sshll.u32 s26, $0x1;
	_ =	strace $0x80000046;
	[dreg:$0x1] =	wrdreg $0xFFFFFFFF  }
0xa7: {  	s28 =	simm.s32 $_size_execute0_lowered;
	s3 =	sadd.s32 s3, s5;
	[dreg:$0x0] =	wrdreg $0x0  }
0xa8: {  	s5 =	sshll.u32 s28, $0x1;
	[dreg:$0x2] =	wrdreg s3  }
0xa9: {  	[dreg:$0x3] =	wrdreg s5  }
0xaa: {  	[dreg:$0x4] =	wrdreg $0xC0  }
0xab: {  	_ =	task [dreg:s7], $0x5FFFF  }
0xac: {  	[dreg:$0x1] =	wrdreg $0xFFFFFFFF  }
0xad: {  	[dreg:$0x0] =	wrdreg $0x60  }
0xae: {  	[dreg:$0x2] =	wrdreg s24  }
0xaf: {  	[dreg:$0x3] =	wrdreg s2  }
0xb0: {  	[dreg:$0x4] =	wrdreg $0x1F1900  }
0xb1: {  	[dreg:$0x5] =	wrdreg $0x12C800  }
0xb2: {  	[dreg:$0x6] =	wrdreg $0x1F0000  }
0xb3: {  	[dreg:$0x7] =	wrdreg $0x9  }
0xb4: {  	_ =	task.clear_ibuf [dreg:s7], $0x8FFFF;
	_ =	strace $0x90000046  }
0xb5: {  	s29 =	simm.s32 $0x9;
	_ =	strace $0x80000048  }
0xb6: {  	_ =	swait.ge [sflag:s29], $0x1  }
0xb7: {  	[sflag:s29] =	ssyncadd.s32 $0xFFFFFFFF  }
0xb8: {  	_ =	strace $0x90000048  }
0xb9: {  	_ =	sfence  }
0xba: {  	s30 =	sld [smem:$0x0];
	_ =	sdelay $0x2  }
0xbb: {  	s31 =	sshll.u32 s1, $0xD;
	s1 =	sshrl.u32 s1, $0x2  }
0xbc: {  	s3 =	sand.u32 $0x4000, s31;
	s1 =	sadd.s32 s1, s30  }
0xbd: {  	s0 =	sor.u32 s3, s0;
	s1 =	sshll.u32 s1, $0x11  }
0xbe: {  	s0 =	sor.u32 s1, s0  }
0xbf: {  	s0 =	sadd.s32 $0x8F2B, s0  }
0xc0: {  	[sflag:s0] =	ssyncadd.remote.s32 $0x1  }
0xc1: {  	_ =	sfence.sel $0xFFFF  }
0xc2: {  	[dreg:$0x0] =	wrdreg $0xFFFFFFFF;
	(pc) =	sbr.abs _section_cstart, $3  }
0xc3: {  	[dreg:$0x1] =	wrdreg $0xFFFFFFFF  }
0xc4: {  	_ =	task.clear_ibuf [dreg:s7], $0x2FFFF;
	_ =	strace $0x9FFFFFFF  }
0xc5: {  	(tm) =	ssettm $0x7FFFFFFF  }
tec
execute0_lowered:
.L_overlay_start_1:
0x0: {  	(tag) =	ssettag $0x1  }
0x1: {  	s0 =	rddreg [dreg:$0x0]  }
0x2: {  	s13 =	rddreg [dreg:$0x2]  }
0x3: {  	s7 =	rddreg [dreg:$0x3]  }
0x4: {  	s8 =	rddreg [dreg:$0x4]  }
0x5: {  	s12 =	stileid.u32;
	s1 =	srdreg.scid  }
0x6: {  	s15 =	simm.s32 $0x0;
	s28 =	simm.s32 $0x11A80;
	s29 =	simm.s32 $0x11B00  }
0x7: {  	s30 =	simm.s32 $0x11B80;
	s31 =	simm.s32 $0x11C00;
	s2 =	smul.u32 $0xC80, s12  }
0x8: {  	s1 =	sand.u32 $0x1, s1;
	[smem:$0x7FF] =	sst s15;
	s17 =	sadd.s32 $0x3200, s0  }
0x9: {  	s18 =	smul.u32 $0x30E00, s12;
	s20 =	sshll.u32 s12, $0xD;
	s9 =	sadd.s32 $0x2F70, s0  }
0xa: {  	s21 =	sadd.s32 $0xBB80, s13;
	_ =	strace $0x80000047;
	[dreg:$0xa] =	wrdreg s9  }
0xb: {  	s6 =	smul.u32 $0x640, s12;
	s10 =	sadd.s32 $0x3D200, s7;
	[dreg:$0xb] =	wrdreg s21  }
0xc: {  	s25 =	sadd.s32 $0x23200, s0;
	s11 =	sadd.s32 $0x49580, s7;
	[dreg:$0x16] =	wrdreg s10  }
0xd: {  	p0 =	seq.s32 s12, $0xF;
	s14 =	sadd.s32 $0x55900, s7;
	[dreg:$0x17] =	wrdreg s11  }
0xe: {  	s16 =	sadd.s32 $0x61C80, s7;
	s3 =	ssub.s32 $0x2, s1;
	[dreg:$0x18] =	wrdreg s14  }
0xf: {  	s19 =	sshll.u32 s1, $0x12;
	s1 =	smul.u32 $0x30D400, s1;
	[dreg:$0x19] =	wrdreg s16  }
0x10: {  	s9 =	sadd.s32 $0x30E80, s7;
	s21 =	sadd.s32 $0x92A80, s7;
	[dreg:$0x7] =	wrdreg s17  }
0x11: {  	s11 =	simm.s32 $0x400;
	s14 =	simm.s32 $0x2;
	[smem:$0x7FD] =	sst s25  }
0x12: {  	s16 =	simm.s32 $0x11F80;
	s4 =	sshrl.u32 s2, $0x3;
	[dreg:$0x15] =	wrdreg s9  }
0x13: {  	s5 =	sshrl.u32 s3, $0x1;
	s2 =	sadd.s32 s2, s13;
	[dreg:$0x1d] =	wrdreg s21  }
0x14: {  	s23 =	sor.u32 s20, s19;
	s22 =	sshrl.u32 s18, $0x2;
	[dreg:$0x9] =	wrdreg s2  }
0x15: {  	s24 =	sshrl.u32 s6, $0x2;
	s6 =	sadd.s32 $0x18780, s7;
	[dreg:$0xf] =	wrdreg s1  }
0x16: {  	s18 =	sadd.s32 $0x6E000, s7;
	s19 =	sadd.s32 $0x7A380, s7;
	[dreg:$0x13] =	wrdreg s6  }
0x17: {  	s20 =	sadd.s32 $0x86700, s7;
	s21 =	simm.s32 $0x1;
	[dreg:$0x1a] =	wrdreg s18  }
0x18: {  	s9 =	simm.s32 $0x11D80;
	s4 =	sadd.s32 s4, s0;
	[dreg:$0x1b] =	wrdreg s19  }
0x19: {  	s3 =	ssub.s32 s3, s5;
	s0 =	sadd.s32 s22, s7;
	[dreg:$0x1c] =	wrdreg s20  }
0x1a: {  	s26 =	sadd.s32 s24, s8;
	s2 =	sand.u32 $0x7, s12;
	[dreg:$0xc] =	wrdreg s23  }
0x1b: {  	s5 =	sadd.s32 $0xC400, s7;
	s8 =	sadd.s32 $0x24B00, s7;
	[dreg:$0xd] =	wrdreg s0  }
0x1c: {  	s22 =	sadd.s32 $0x9EE00, s7;
	s24 =	sadd.s32 $0xAB180, s7;
	[dreg:$0xe] =	wrdreg s26  }
0x1d: {  	s18 =	simm.s32 $0x3300;
	s20 =	simm.s32 $0x11E00;
	[dreg:$0x12] =	wrdreg s5  }
0x1e: {  	s1 =	simm.s32 $0x11E80;
	s19 =	simm.s32 $0xF680;
	[dreg:$0x14] =	wrdreg s8  }
0x1f: {  	v0 =	vlaneseq.u32;
	s4 =	sadd.s32 $0x1800, s4;
	s3 =	smax.u32 s3, $0x1;
	[dreg:$0x1e] =	wrdreg s22  }
.Ltmp0:
0x20: {  	v1 =	vmul.u32 $0x10, v0;
	v2 =	vshrl.u32 v0, $0x3;
	[dreg:$0x1f] =	wrdreg s24;
	s26 =	sadd.s32 $0xB7500, s7;
	(pc) =	sbr.rel .LBB2_1-.Ltmp0, $4  }
0x21: {  	v5 =	vimm.s32 $0x40000000;
	v3 =	vmul.u32 $0x80, v2;
	s24 =	simm.s32 $0x80;
	s5 =	simm.s32 $0x1800;
	[dreg:$0x8] =	wrdreg s4  }
0x22: {  	v6 =	vimm.s32 $0x1;
	v7 =	vimm.f32 $0.0e+00;
	v2 =	vor.u32 $0x1, v1;
	s0 =	simm.s32 $0x11C80;
	s8 =	simm.s32 $0x11D00;
	[dreg:$0x10] =	wrdreg s3  }
0x23: {  	v3 =	vor.u32 $0x77, v3;
	v4 =	vor.u32 s2, v1;
	v2 =	vadd.s32 s2, v2;
	s2 =	simm.s32 $0x11F00;
	s4 =	sadd.s32 $0x80, s7;
	[smem:$0x7FC] =	sst s26  }
0x24: {  	v8 =	vimm.f32 $1.000000000e+00;
	s26 =	simm.s32 $0x11A00;
	v3 =	vand.u32 v3, v4;
	v4 =	vimm.s32 $0x0;
	s3 =	simm.s32 $0x3;
	[dreg:$0x11] =	wrdreg s4  }
.LBB2_71:
0x25: {  	s15 =	rddreg [dreg:$0x6]  }
0x26: {  	s4 =	rddreg [dreg:$0x10];
	s15 =	sadd.s32 $0x1, s15  }
0x27: {  	p1 =	sne.s32 s15, s4  }
.Ltmp1:
0x28: {  	_ = 	snop;
	(pc) =	sbr.rel @!p1 .LBB2_72-.Ltmp1, $4  }
0x29: {  	[bflag:$0x0] =	sbarrier.arrive $0xFFFF  }
0x2a: {  	s13 =	rddreg [dreg:$0x2]  }
0x2b: {  	s17 =	rddreg [dreg:$0x7]  }
0x2c: {  	s25 =	sld [smem:$0x7FD]  }
.LBB2_1:
0x2d: {  	s4 =	simm.s32 @p0 $0x0;
	s6 =	simm.s32 @p0 $0x12000;
	s7 =	rddreg [dreg:$0xa]  }
0x2e: {  	[tilespmem:s6], [sflag:$0x2] =	stream.linear.gather @p0 [hbm4b:s7+s4], $0x7D0, $0x38;
	[tilespmem:$0x1FDC8] =	vst v63  }
0x2f: {  	s4 =	simm.s32 @p0 $0x2  }
0x30: {  	_ =	swait.ge @p0 [sflag:s4], $0x7D0  }
0x31: {  	[sflag:s4] =	ssyncset.done @p0 $0x0  }
0x32: {  	s7 =	rddreg [dreg:$0xb];
	[sflag:s4] =	ssyncadd.s32 @p0 $0xFFFFF830  }
0x33: {  	[spmem:s7] =	stream.linear.scatter @p0 [tilespmem:s6], [sflag:$0x2], $0x7D0, $0x38;
	[tilespmem:$0x1FDC8] =	vst v63  }
0x34: {  	_ =	swait.ge @p0 [sflag:s4], $0x7D0  }
0x35: {  	s6 =	simm.s32 @!p0 $0x12000;
	[sflag:s4] =	ssyncset.done @p0 $0x0  }
0x36: {  	s7 =	rddreg [dreg:$0x8];
	[sflag:s4] =	ssyncadd.s32 @p0 $0xFFFFF830;
	s4 =	simm.s32 @!p0 $0x0  }
0x37: {  	[tilespmem:s6], [sflag:$0x2] =	stream.linear.gather @!p0 [hbm4b:s7+s4], $0xC80, $0x38;
	[tilespmem:$0x1FDC8] =	vst v63  }
0x38: {  	s4 =	simm.s32 @!p0 $0x2  }
0x39: {  	_ =	swait.ge @!p0 [sflag:s4], $0xC80  }
0x3a: {  	[sflag:s4] =	ssyncset.done @!p0 $0x0  }
0x3b: {  	s7 =	rddreg [dreg:$0x9];
	[sflag:s4] =	ssyncadd.s32 @!p0 $0xFFFFF380  }
0x3c: {  	[spmem:s7] =	stream.linear.scatter @!p0 [tilespmem:s6], [sflag:$0x2], $0xC80, $0x38;
	[tilespmem:$0x1FDC8] =	vst v63  }
0x3d: {  	_ =	swait.ge @!p0 [sflag:s4], $0xC80  }
0x3e: {  	[sflag:s4] =	ssyncset.done @!p0 $0x0  }
0x3f: {  	[sflag:s4] =	ssyncadd.s32 @!p0 $0xFFFFF380  }
0x40: {  	s6 =	simm.s32 $0x0;
	s4 =	simm.s32 $0x40;
	[bflag:$0x0] =	sbarrier.arrive $0xFFFF  }
.LBB2_2:
0x41: {  	p1 =	sne.s32 s4, $0x63C0;
	[tilespmem:s6+$0x1800] =	vst v4;
	s6 =	smov.u32 s4;
	s4 =	sadd.s32 $0x40, s4  }
.Ltmp2:
0x42: {  	(pc) =	sbr.rel @p1 .LBB2_2-.Ltmp2, $2  }
0x43: {  	_ =	sdelay $0x2  }
0x44: {  	s6 =	sshra.s32 s6, $0x2  }
0x45: {  	[tilespmem:s6+$0x1800] =	vst v4;
	s4 =	simm.s32 $0x0;
	s6 =	simm.s32 $0x40;
	s7 =	simm.s32 $0x0  }
.LBB2_4:
0x46: {  	p1 =	sne.s32 s6, $0x30DC0;
	[tilespmem:s7+$0x3300] =	vst v5;
	s7 =	smov.u32 s6;
	s6 =	sadd.s32 $0x40, s6  }
.Ltmp3:
0x47: {  	(pc) =	sbr.rel @p1 .LBB2_4-.Ltmp3, $2  }
0x48: {  	_ =	sdelay $0x2  }
0x49: {  	s7 =	sshra.s32 s7, $0x2  }
0x4a: {  	[tilespmem:s7+$0x3300] =	vst v5  }
.LBB2_6:
0x4b: {  	s6 =	sshll.u32 s4, $0x8;
	s7 =	sshll.u32 s4, $0x4  }
0x4c: {  	s6 =	sand.u32 $0x1800, s6;
	s7 =	sand.u32 $0x70, s7  }
0x4d: {  	s6 =	sor.u32 s7, s6  }
0x4e: {  	s6 =	sor.u32 s23, s6  }
0x4f: {  	s10 =	simm.s32 $0x0;
	s22 =	sadd.s32 s17, s6  }
0x50: {  	[tilespmem:s10], [sflag:$0x2] =	stream.strided.gather [hbm4b:s22+s24], $0x800, s11, s24, $0x38;
	[tilespmem:$0x1FDC8] =	vst v63  }
0x51: {  	_ =	swait.ge [sflag:s14], $0x800  }
0x52: {  	[sflag:s14] =	ssyncset.done $0x0  }
0x53: {  	s7 =	simm.s32 $0x800;
	s6 =	sadd.s32 s6, s25;
	[sflag:s14] =	ssyncadd.s32 $0xFFFFF800  }
0x54: {  	[tilespmem:s7], [sflag:$0x2] =	stream.strided.gather [hbm4b:s6+s24], $0x800, s11, s24, $0x38;
	[tilespmem:$0x1FDC8] =	vst v63  }
0x55: {  	_ =	swait.ge [sflag:s14], $0x800  }
0x56: {  	[sflag:s14] =	ssyncset.done $0x0  }
0x57: {  	s10 =	simm.s32 $0x7D0;
	s22 =	simm.s32 $0x1000;
	[sflag:s14] =	ssyncadd.s32 $0xFFFFF800  }
0x58: {  	[tilespmem:s22], [sflag:$0x2] =	stream.indirect.gather [spmem:s13], $0x1, s7, s10, $0xb8;
	[tilespmem:$0x1FDC8] =	vst v63  }
0x59: {  	_ =	swait.ge [sflag:s14], $0x7D0  }
0x5a: {  	[sflag:s14] =	ssyncset.done $0x0  }
0x5b: {  	s6 =	simm.s32 $0x40;
	s7 =	simm.s32 $0x0;
	[sflag:s14] =	ssyncadd.s32 $0xFFFFF830  }
.LBB2_7:
0x5c: {  	p1 =	sne.s32 s6, $0x1F00;
	v9 =	vld [tilespmem:s7+$0x0]  }
0x5d: {  	v10 =	vld [tilespmem:s7+$0x1000];
	_ =	sdelay $0x3  }
0x5e: {  	v9 =	vshll.u32 v9, $0x6  }
0x5f: {  	v9 =	vadd.s32 v10, v9  }
0x60: {  	v9 =	vshra.s32 v9, $0x9  }
0x61: {  	v9 =	vand.u32 $0xFFFFFFF0, v9  }
0x62: {  	v9 =	vor.u32 v0, v9  }
.Ltmp4:
0x63: {  	(pc) =	sbr.rel @p1 .LBB2_7-.Ltmp4, $2  }
0x64: {  	_ =	sdelay $0x2  }
0x65: {  	s7 =	sshra.s32 s6, $0x2;
	s6 =	sadd.s32 $0x40, s6;
	[tilespmem:v9+s5+$0x0] =	vst.idx.add.s32.msk $0xffff, v6  }
0x66: {  	v9 =	vld [tilespmem:s7+$0x0]  }
0x67: {  	v10 =	vld [tilespmem:s7+$0x1000];
	_ =	sdelay $0x3  }
0x68: {  	v9 =	vshll.u32 v9, $0x6  }
0x69: {  	v9 =	vadd.s32 v10, v9  }
0x6a: {  	v9 =	vshra.s32 v9, $0x9  }
0x6b: {  	s4 =	sadd.s32 $0x1, s4;
	v9 =	vand.u32 $0xFFFFFFF0, v9  }
0x6c: {  	p1 =	sne.s32 s4, $0x19;
	v9 =	vor.u32 v0, v9  }
.Ltmp5:
0x6d: {  	_ = 	snop;
	(pc) =	sbr.rel @p1 .LBB2_6-.Ltmp5, $2  }
0x6e: {  	_ =	sdelay $0x2  }
0x6f: {  	s6 =	simm.s32 $0x0;
	[tilespmem:v9+s5+$0x0] =	vst.idx.add.s32.msk $0xffff, v6  }
0x70: {  	s7 =	sshra.s32 s6, $0x2  }
0x71: {  	v9 =	vld [tilespmem:s7+$0x1800];
	_ =	sdelay $0x4  }
0x72: {  	(xrf0) =	vadd.scan.msk.s32 $0xffff, v9;
	_ =	sdelay $0x5  }
0x73: {  	v10, _, _ =	vpop (xrf0)  }
0x74: {  	(v2sf) =	vpush v10, $0xF  }
0x75: {  	v9 =	vsub.s32 s6, v9  }
0x76: {  	s10 =	sadd.s32 $0x40, s6;
	v9 =	vadd.s32 v10, v9  }
0x77: {  	s4 =	sshra.s32 s10, $0x2;
	s10 =	sadd.s32 $0x40, s10;
	[tilespmem:s7+$0x1800] =	vst v9;
	s7 =	simm.s32 $0x0  }
.LBB2_10:
0x78: {  	p1 =	sne.s32 s10, $0x61C0;
	v9 =	vld [tilespmem:s4+$0x1800];
	_ =	sdelay $0x4  }
0x79: {  	(xrf0) =	vadd.scan.msk.s32 $0xffff, v9;
	_ =	sdelay $0x5  }
.Ltmp6:
0x7a: {  	v10, _, _ =	vpop (xrf0);
	s11 =	spop (v2sf);
	(pc) =	sbr.rel @p1 .LBB2_10-.Ltmp6, $4  }
0x7b: {  	(v2sf) =	vpush v10, $0xF;
	s7 =	sadd.s32 s7, s11  }
0x7c: {  	v9 =	vsub.s32 s7, v9  }
0x7d: {  	v9 =	vadd.s32 v10, v9  }
0x7e: {  	[tilespmem:s4+$0x1800] =	vst v9;
	s4 =	sshra.s32 s10, $0x2;
	s10 =	sadd.s32 $0x40, s10  }
0x7f: {  	v9 =	vld [tilespmem:s4+$0x1800];
	_ =	sdelay $0x4  }
0x80: {  	(xrf0) =	vadd.scan.msk.s32 $0xffff, v9;
	_ =	sdelay $0x5  }
0x81: {  	v10, _, _ =	vpop (xrf0)  }
0x82: {  	(v2sf) =	vpush v10, $0xF;
	_ =	sdelay $0x1  }
0x83: {  	v11 =	vmov s6  }
0x84: {  	v11 =	vshll.u32 v11, $0x4  }
0x85: {  	v11 =	vor.u32 v1, v11;
	s22 =	spop (v2sf)  }
0x86: {  	s6 =	sadd.s32 s7, s22  }
0x87: {  	v9 =	vsub.s32 s6, v9  }
0x88: {  	s10 =	simm.s32 $0x10;
	v9 =	vadd.s32 v10, v9  }
0x89: {  	[tilespmem:s4+$0x1800] =	vst v9;
	v9 =	vmov s10  }
0x8a: {  	v10 =	vld.idx.msk [tilespmem:v11+s5+$0x0], $0xffff;
	v9 =	vshll.u32 v9, $0x4  }
0x8b: {  	v9 =	vor.u32 v1, v9;
	_ =	sdelay $0x2  }
0x8c: {  	s4 =	simm.s32 $0x3100  }
0x8d: {  	s11 =	simm.s32 $0x20;
	[tilespmem:s4+$0x0] =	vst v10  }
0x8e: {  	s6 =	simm.s32 $0x30;
	v10 =	vmov s11;
	v9 =	vld.idx.msk [tilespmem:v9+s5+$0x0], $0xffff;
	s22 =	spop (v2sf)  }
.LBB2_12:
0x8f: {  	p1 =	sne.s32 s6, $0x180;
	v10 =	vshll.u32 v10, $0x4  }
0x90: {  	v11 =	vor.u32 v1, v10  }
.Ltmp7:
0x91: {  	(pc) =	sbr.rel @p1 .LBB2_12-.Ltmp7, $4  }
0x92: {  	_ = 	snop  }
0x93: {  	s4 =	sadd.s32 $0x10, s4  }
0x94: {  	[tilespmem:s4+$0x0] =	vst v9  }
0x95: {  	v10 =	vmov s6;
	s6 =	sadd.s32 $0x10, s6;
	v9 =	vld.idx.msk [tilespmem:v11+s5+$0x0], $0xffff  }
0x96: {  	v10 =	vshll.u32 v10, $0x4  }
0x97: {  	v10 =	vor.u32 v1, v10;
	_ =	sdelay $0x2  }
0x98: {  	s4 =	sadd.s32 $0x10, s4  }
0x99: {  	[tilespmem:s4+$0x0] =	vst v9  }
0x9a: {  	v9 =	vld.idx.msk [tilespmem:v10+s5+$0x0], $0xffff;
	_ =	sdelay $0x3  }
0x9b: {  	s22 =	simm.s32 $0x11980;
	[dreg:$0x6] =	wrdreg s15;
	s4 =	sadd.s32 $0x10, s4  }
0x9c: {  	s6 =	simm.s32 $0x0;
	s11 =	simm.s32 $0x400;
	[tilespmem:s4+$0x0] =	vst v9;
	s4 =	simm.s32 $0x0  }
.LBB2_14:
0x9d: {  	s7 =	sshll.u32 s6, $0x8;
	s10 =	sshll.u32 s6, $0x4  }
0x9e: {  	s7 =	sand.u32 $0x1800, s7;
	s10 =	sand.u32 $0x70, s10  }
0x9f: {  	s7 =	sor.u32 s10, s7  }
0xa0: {  	s7 =	sor.u32 s23, s7  }
0xa1: {  	s15 =	sadd.s32 s17, s7  }
0xa2: {  	[tilespmem:s4], [sflag:$0x2] =	stream.strided.gather [hbm4b:s15+s24], $0x800, s11, s24, $0x38;
	[tilespmem:$0x1FDC8] =	vst v63  }
0xa3: {  	_ =	swait.ge [sflag:s14], $0x800  }
0xa4: {  	[sflag:s14] =	ssyncset.done $0x0  }
0xa5: {  	s10 =	simm.s32 $0x800;
	s7 =	sadd.s32 s7, s25;
	[sflag:s14] =	ssyncadd.s32 $0xFFFFF800  }
0xa6: {  	[tilespmem:s10], [sflag:$0x2] =	stream.strided.gather [hbm4b:s7+s24], $0x800, s11, s24, $0x38;
	[tilespmem:$0x1FDC8] =	vst v63  }
0xa7: {  	_ =	swait.ge [sflag:s14], $0x800  }
0xa8: {  	p1 =	por $0x1, $0x1;
	[sflag:s14] =	ssyncset.done $0x0  }
0xa9: {  	s15 =	simm.s32 $0x1000;
	s7 =	simm.s32 $0x7D0;
	[sflag:s14] =	ssyncadd.s32 $0xFFFFF800  }
0xaa: {  	[tilespmem:s15], [sflag:$0x2] =	stream.indirect.gather [spmem:s13], $0x1, s10, s7, $0xb8;
	[tilespmem:$0x1FDC8] =	vst v63  }
.Ltmp8:
0xab: {  	_ = 	snop;
	(pc) =	sbr.rel @!p1 .LBB2_16-.Ltmp8, $4  }
0xac: {  	_ =	swait.ge [sflag:s14], $0x7D0  }
0xad: {  	[sflag:s14] =	ssyncset.done $0x0  }
0xae: {  	s10 =	simm.s32 $0x0;
	[sflag:s14] =	ssyncadd.s32 $0xFFFFF830  }
0xaf: {  	s7 =	simm.s32 $0x40;
	v9 =	vld [tilespmem:s10+$0x0]  }
.LBB2_15:
0xb0: {  	p1 =	sne.s32 s7, $0x1F00;
	v10 =	vld [tilespmem:s10+$0x1000];
	_ =	sdelay $0x3  }
0xb1: {  	v9 =	vshll.u32 v9, $0x6  }
0xb2: {  	v9 =	vadd.s32 v10, v9  }
0xb3: {  	v10 =	vshra.s32 v9, $0x9  }
0xb4: {  	v10 =	vand.u32 $0xFFFFFFF0, v10  }
0xb5: {  	v10 =	vor.u32 v0, v10;
	_ =	sdelay $0x4  }
0xb6: {  	v11 =	vld.idx.msk [tilespmem:v10+s5+$0x0], $0xffff;
	_ =	sdelay $0x5  }
.Ltmp9:
0xb7: {  	(pc) =	sbr.rel @p1 .LBB2_15-.Ltmp9, $4  }
0xb8: {  	_ = 	snop  }
0xb9: {  	[tilespmem:v11+s18+$0x0] =	vst.idx.msk $0xffff, v9  }
0xba: {  	s10 =	sshra.s32 s7, $0x2;
	[tilespmem:v10+s5+$0x0] =	vst.idx.add.s32.msk $0xffff, v6  }
0xbb: {  	s7 =	sadd.s32 $0x40, s7;
	v9 =	vld [tilespmem:s10+$0x0]  }
.LBB2_16:
0xbc: {  	v10 =	vld [tilespmem:s10+$0x1000];
	_ =	sdelay $0x3  }
0xbd: {  	v9 =	vshll.u32 v9, $0x6  }
0xbe: {  	v9 =	vadd.s32 v10, v9  }
0xbf: {  	v10 =	vshra.s32 v9, $0x9  }
0xc0: {  	v10 =	vand.u32 $0xFFFFFFF0, v10  }
0xc1: {  	v10 =	vor.u32 v0, v10;
	_ =	sdelay $0x4  }
0xc2: {  	v11 =	vld.idx.msk [tilespmem:v10+s5+$0x0], $0xffff;
	_ =	sdelay $0x2  }
0xc3: {  	s6 =	sadd.s32 $0x1, s6  }
0xc4: {  	p1 =	sne.s32 s6, $0x19  }
.Ltmp10:
0xc5: {  	_ = 	snop;
	(pc) =	sbr.rel @p1 .LBB2_14-.Ltmp10, $3  }
0xc6: {  	_ =	sdelay $0x1  }
0xc7: {  	[tilespmem:v11+s18+$0x0] =	vst.idx.msk $0xffff, v9  }
0xc8: {  	[tilespmem:v10+s5+$0x0] =	vst.idx.add.s32.msk $0xffff, v6  }
0xc9: {  	s4 =	rddreg [dreg:$0xd]  }
0xca: {  	[spmem:s4] =	stream.linear.scatter [tilespmem:s18], [sflag:$0x2], $0xC380, $0x38;
	[tilespmem:$0x1FDC8] =	vst v63  }
0xcb: {  	_ =	swait.ge [sflag:s14], $0xC380  }
0xcc: {  	[sflag:s14] =	ssyncset.done $0x0  }
0xcd: {  	s6 =	simm.s32 $0x3100;
	s25 =	rddreg [dreg:$0xe];
	[sflag:s14] =	ssyncadd.s32 $0xFFFF3C80  }
0xce: {  	[spmem:s25] =	stream.linear.scatter [tilespmem:s6], [sflag:$0x2], $0x190, $0x38;
	[tilespmem:$0x1FDC8] =	vst v63  }
.Ltmp11:
0xcf: {  	_ =	swait.ge [sflag:s14], $0x190;
	(pc) =	sbr.rel .LBB2_18-.Ltmp11, $4  }
0xd0: {  	[sflag:s14] =	ssyncset.done $0x0  }
0xd1: {  	[sflag:s14] =	ssyncadd.s32 $0xFFFFFE70  }
0xd2: {  	[bflag:$0x0] =	sbarrier.arrive $0xFFFF  }
0xd3: {  	s17 =	simm.s32 $0x0  }
.LBB2_69:
0xd4: {  	s6 =	sld [smem:$0x7FB]  }
0xd5: {  	s25 =	sld [smem:$0x7FA];
	_ =	sdelay $0x1  }
0xd6: {  	s4 =	rddreg [dreg:$0xf]  }
0xd7: {  	s4 =	sadd.s32 s4, s6;
	p1 =	seq.s32 s25, $0x186  }
0xd8: {  	s11 =	rddreg [dreg:$0x1];
	s6 =	sshrl.u32 @p1 s4, $0x3  }
0xd9: {  	s7 =	simm.s32 @p1 $0x0;
	s10 =	simm.s32 @p1 $0xF680;
	s6 =	sadd.s32 @p1 s11, s6  }
0xda: {  	[hbm4b:s6+s7] =	stream.linear.scatter @p1 [tilespmem:s10], [sflag:$0x2], $0x1400, $0x38;
	[tilespmem:$0x1FDC8] =	vst v63  }
0xdb: {  	s6 =	simm.s32 @p1 $0x2  }
0xdc: {  	s4 =	sshrl.u32 @!p1 s4, $0x3;
	_ =	swait.ge @p1 [sflag:s6], $0x1400  }
0xdd: {  	s4 =	sadd.s32 @!p1 s11, s4;
	[sflag:s6] =	ssyncset.done @p1 $0x0  }
0xde: {  	s7 =	simm.s32 @!p1 $0xF680;
	[sflag:s6] =	ssyncadd.s32 @p1 $0xFFFFEC00;
	s6 =	simm.s32 @!p1 $0x0  }
0xdf: {  	[hbm4b:s4+s6] =	stream.linear.scatter @!p1 [tilespmem:s7], [sflag:$0x3], $0x2000, $0x38;
	[tilespmem:$0x1FDC8] =	vst v63  }
0xe0: {  	s4 =	simm.s32 @!p1 $0x3  }
0xe1: {  	_ =	swait.ge @!p1 [sflag:s4], $0x2000  }
0xe2: {  	[sflag:s4] =	ssyncset.done @!p1 $0x0  }
0xe3: {  	s11 =	simm.s32 $0x400;
	[sflag:s4] =	ssyncadd.s32 @!p1 $0xFFFFE000  }
.LBB2_70:
0xe4: {  	s17 =	sadd.s32 $0x1, s17  }
0xe5: {  	p1 =	sne.s32 s17, $0x19  }
.Ltmp12:
0xe6: {  	_ = 	snop;
	(pc) =	sbr.rel @!p1 .LBB2_71-.Ltmp12, $1  }
0xe7: {  	_ =	sdelay $0x3  }
.LBB2_18:
0xe8: {  	s4 =	sshll.u32 s17, $0x4  }
0xe9: {  	s25 =	sor.u32 s12, s4  }
0xea: {  	p1 =	sgt.u32 s25, $0x186  }
.Ltmp13:
0xeb: {  	_ = 	snop;
	(pc) =	sbr.rel @p1 .LBB2_70-.Ltmp13, $1  }
0xec: {  	_ =	sdelay $0x3  }
0xed: {  	s4 =	simm.s32 $0x40;
	s6 =	simm.s32 $0x0  }
.LBB2_20:
0xee: {  	p1 =	sne.s32 s4, $0x8000;
	[tilespmem:s6+$0xF680] =	vst v7;
	s6 =	smov.u32 s4;
	s4 =	sadd.s32 $0x40, s4  }
.Ltmp14:
0xef: {  	(pc) =	sbr.rel @p1 .LBB2_20-.Ltmp14, $2  }
0xf0: {  	_ =	sdelay $0x2  }
0xf1: {  	s6 =	sshra.s32 s6, $0x2  }
0xf2: {  	s4 =	sand.u32 $0x1F8, s25;
	s10 =	rddreg [dreg:$0x4]  }
0xf3: {  	[tilespmem:s6+$0xF680] =	vst v7;
	s7 =	simm.s32 $0x11700;
	s4 =	sadd.s32 s4, s10  }
0xf4: {  	[tilespmem:s7], [sflag:$0x1] =	stream.linear.gather [spmem:s4], $0x10, $0x38;
	[tilespmem:$0x1FDC8] =	vst v63  }
0xf5: {  	s10 =	simm.s32 $0x11710;
	s6 =	sadd.s32 $0x190, s4  }
0xf6: {  	[tilespmem:s10], [sflag:$0x1] =	stream.linear.gather [spmem:s6], $0x10, $0x38;
	[tilespmem:$0x1FDC8] =	vst v63  }
0xf7: {  	s12 =	simm.s32 $0x11720;
	s11 =	sadd.s32 $0x320, s4  }
0xf8: {  	[tilespmem:s12], [sflag:$0x1] =	stream.linear.gather [spmem:s11], $0x10, $0x38;
	[tilespmem:$0x1FDC8] =	vst v63  }
0xf9: {  	s15 =	simm.s32 $0x11730;
	s13 =	sadd.s32 $0x4B0, s4  }
0xfa: {  	[tilespmem:s15], [sflag:$0x1] =	stream.linear.gather [spmem:s13], $0x10, $0x38;
	[tilespmem:$0x1FDC8] =	vst v63  }
0xfb: {  	s24 =	simm.s32 $0x11740;
	s23 =	sadd.s32 $0x640, s4  }
0xfc: {  	[tilespmem:s24], [sflag:$0x1] =	stream.linear.gather [spmem:s23], $0x10, $0x38;
	[tilespmem:$0x1FDC8] =	vst v63  }
0xfd: {  	s11 =	sadd.s32 $0x7D0, s4;
	s12 =	simm.s32 $0x11750  }
0xfe: {  	[tilespmem:s12], [sflag:$0x1] =	stream.linear.gather [spmem:s11], $0x10, $0x38;
	[tilespmem:$0x1FDC8] =	vst v63  }
0xff: {  	s13 =	sadd.s32 $0x960, s4;
	s15 =	simm.s32 $0x11760  }
0x100: {  	[tilespmem:s15], [sflag:$0x1] =	stream.linear.gather [spmem:s13], $0x10, $0x38;
	[tilespmem:$0x1FDC8] =	vst v63  }
0x101: {  	s23 =	sadd.s32 $0xAF0, s4;
	s24 =	simm.s32 $0x11770  }
0x102: {  	[tilespmem:s24], [sflag:$0x1] =	stream.linear.gather [spmem:s23], $0x10, $0x38;
	[tilespmem:$0x1FDC8] =	vst v63  }
0x103: {  	s11 =	sadd.s32 $0xC80, s4;
	s12 =	simm.s32 $0x11780  }
0x104: {  	[tilespmem:s12], [sflag:$0x1] =	stream.linear.gather [spmem:s11], $0x10, $0x38;
	[tilespmem:$0x1FDC8] =	vst v63  }
0x105: {  	s13 =	sadd.s32 $0xE10, s4;
	s15 =	simm.s32 $0x11790  }
0x106: {  	[tilespmem:s15], [sflag:$0x1] =	stream.linear.gather [spmem:s13], $0x10, $0x38;
	[tilespmem:$0x1FDC8] =	vst v63  }
0x107: {  	s23 =	sadd.s32 $0xFA0, s4;
	s24 =	simm.s32 $0x117A0  }
0x108: {  	[tilespmem:s24], [sflag:$0x1] =	stream.linear.gather [spmem:s23], $0x10, $0x38;
	[tilespmem:$0x1FDC8] =	vst v63  }
0x109: {  	s11 =	sadd.s32 $0x1130, s4;
	s12 =	simm.s32 $0x117B0  }
0x10a: {  	[tilespmem:s12], [sflag:$0x1] =	stream.linear.gather [spmem:s11], $0x10, $0x38;
	[tilespmem:$0x1FDC8] =	vst v63  }
0x10b: {  	s13 =	sadd.s32 $0x12C0, s4;
	s15 =	simm.s32 $0x117C0  }
0x10c: {  	[tilespmem:s15], [sflag:$0x1] =	stream.linear.gather [spmem:s13], $0x10, $0x38;
	[tilespmem:$0x1FDC8] =	vst v63  }
0x10d: {  	s23 =	sadd.s32 $0x1450, s4;
	s24 =	simm.s32 $0x117D0  }
0x10e: {  	[tilespmem:s24], [sflag:$0x1] =	stream.linear.gather [spmem:s23], $0x10, $0x38;
	[tilespmem:$0x1FDC8] =	vst v63  }
0x10f: {  	s11 =	sadd.s32 $0x15E0, s4;
	s12 =	simm.s32 $0x117E0  }
0x110: {  	[tilespmem:s12], [sflag:$0x1] =	stream.linear.gather [spmem:s11], $0x10, $0x38;
	[tilespmem:$0x1FDC8] =	vst v63  }
0x111: {  	s4 =	sadd.s32 $0x1770, s4;
	s13 =	simm.s32 $0x117F0  }
0x112: {  	[tilespmem:s13], [sflag:$0x1] =	stream.linear.gather [spmem:s4], $0x10, $0x38;
	[tilespmem:$0x1FDC8] =	vst v63  }
0x113: {  	_ =	swait.ge [sflag:s21], $0x10  }
0x114: {  	[sflag:s21] =	ssyncset.done $0x0  }
0x115: {  	[sflag:s21] =	ssyncadd.s32 $0xFFFFFFF0  }
0x116: {  	_ =	swait.ge [sflag:s21], $0x10  }
0x117: {  	[sflag:s21] =	ssyncset.done $0x0  }
0x118: {  	[sflag:s21] =	ssyncadd.s32 $0xFFFFFFF0  }
0x119: {  	_ =	swait.ge [sflag:s21], $0x10  }
0x11a: {  	[sflag:s21] =	ssyncset.done $0x0  }
0x11b: {  	[sflag:s21] =	ssyncadd.s32 $0xFFFFFFF0  }
0x11c: {  	_ =	swait.ge [sflag:s21], $0x10  }
0x11d: {  	[sflag:s21] =	ssyncset.done $0x0  }
0x11e: {  	[sflag:s21] =	ssyncadd.s32 $0xFFFFFFF0  }
0x11f: {  	_ =	swait.ge [sflag:s21], $0x10  }
0x120: {  	[sflag:s21] =	ssyncset.done $0x0  }
0x121: {  	[sflag:s21] =	ssyncadd.s32 $0xFFFFFFF0  }
0x122: {  	_ =	swait.ge [sflag:s21], $0x10  }
0x123: {  	[sflag:s21] =	ssyncset.done $0x0  }
0x124: {  	[sflag:s21] =	ssyncadd.s32 $0xFFFFFFF0  }
0x125: {  	_ =	swait.ge [sflag:s21], $0x10  }
0x126: {  	[sflag:s21] =	ssyncset.done $0x0  }
0x127: {  	[sflag:s21] =	ssyncadd.s32 $0xFFFFFFF0  }
0x128: {  	_ =	swait.ge [sflag:s21], $0x10  }
0x129: {  	[sflag:s21] =	ssyncset.done $0x0  }
0x12a: {  	[sflag:s21] =	ssyncadd.s32 $0xFFFFFFF0  }
0x12b: {  	_ =	swait.ge [sflag:s21], $0x10  }
0x12c: {  	[sflag:s21] =	ssyncset.done $0x0  }
0x12d: {  	[sflag:s21] =	ssyncadd.s32 $0xFFFFFFF0  }
0x12e: {  	_ =	swait.ge [sflag:s21], $0x10  }
0x12f: {  	[sflag:s21] =	ssyncset.done $0x0  }
0x130: {  	[sflag:s21] =	ssyncadd.s32 $0xFFFFFFF0  }
0x131: {  	_ =	swait.ge [sflag:s21], $0x10  }
0x132: {  	[sflag:s21] =	ssyncset.done $0x0  }
0x133: {  	[sflag:s21] =	ssyncadd.s32 $0xFFFFFFF0  }
0x134: {  	_ =	swait.ge [sflag:s21], $0x10  }
0x135: {  	[sflag:s21] =	ssyncset.done $0x0  }
0x136: {  	[sflag:s21] =	ssyncadd.s32 $0xFFFFFFF0  }
0x137: {  	_ =	swait.ge [sflag:s21], $0x10  }
0x138: {  	[sflag:s21] =	ssyncset.done $0x0  }
0x139: {  	[sflag:s21] =	ssyncadd.s32 $0xFFFFFFF0  }
0x13a: {  	_ =	swait.ge [sflag:s21], $0x10  }
0x13b: {  	[sflag:s21] =	ssyncset.done $0x0  }
0x13c: {  	[sflag:s21] =	ssyncadd.s32 $0xFFFFFFF0  }
0x13d: {  	_ =	swait.ge [sflag:s21], $0x10  }
0x13e: {  	[sflag:s21] =	ssyncset.done $0x0  }
0x13f: {  	[sflag:s21] =	ssyncadd.s32 $0xFFFFFFF0  }
0x140: {  	_ =	swait.ge [sflag:s21], $0x10  }
0x141: {  	[sflag:s21] =	ssyncset.done $0x0  }
0x142: {  	[sflag:s21] =	ssyncadd.s32 $0xFFFFFFF0  }
0x143: {  	v9 =	vld.idx.msk [tilespmem:v3+s7+$0x0], $0xffff;
	_ =	sdelay $0x4  }
0x144: {  	v10 =	vand.u32 $0xFFFFFFF8, v9  }
0x145: {  	(v2sf) =	vpush v10, $0x0  }
0x146: {  	(v2sf) =	vpush v10, $0x1;
	_ =	sdelay $0x4  }
0x147: {  	(v2sf) =	vpush v10, $0x2;
	_ =	sdelay $0x3  }
0x148: {  	(v2sf) =	vpush v10, $0x3;
	_ =	sdelay $0x4  }
0x149: {  	s23 =	rddreg [dreg:$0x3];
	s6 =	spop (v2sf);
	(v2sf) =	vpush v10, $0x4  }
0x14a: {  	s24 =	simm.s32 $0x11800;
	s15 =	sadd.s32 s6, s23;
	s13 =	spop (v2sf);
	(v2sf) =	vpush v10, $0x5  }
0x14b: {  	v9 =	vld.idx.msk [tilespmem:v2+s7+$0x0], $0xffff;
	[tilespmem:s24], [sflag:$0x1] =	stream.linear.gather [spmem:s15], $0x80, $0x38  }
0x14c: {  	s7 =	sadd.s32 s13, s23  }
0x14d: {  	s10 =	simm.s32 $0x11880;
	s4 =	sadd.s32 $0xC380, s7  }
0x14e: {  	(v2sf) =	vpush v10, $0x6;
	[tilespmem:s10], [sflag:$0x1] =	stream.linear.gather [spmem:s4], $0x80, $0x38;
	[tilespmem:$0x1FDC8] =	vst v63  }
0x14f: {  	s4 =	spop (v2sf)  }
0x150: {  	s11 =	sadd.s32 s4, s23  }
0x151: {  	s12 =	simm.s32 $0x11900;
	s7 =	sadd.s32 $0x18700, s11  }
0x152: {  	[tilespmem:s12], [sflag:$0x1] =	stream.linear.gather [spmem:s7], $0x80, $0x38;
	[tilespmem:$0x1FDC8] =	vst v63  }
0x153: {  	s12 =	spop (v2sf);
	(v2sf) =	vpush v10, $0x7;
	_ =	sdelay $0x1  }
0x154: {  	s15 =	sadd.s32 s12, s23  }
0x155: {  	s7 =	sadd.s32 $0x24A80, s15  }
0x156: {  	[tilespmem:s22], [sflag:$0x1] =	stream.linear.gather [spmem:s7], $0x80, $0x38;
	[tilespmem:$0x1FDC8] =	vst v63  }
0x157: {  	s7 =	spop (v2sf);
	(v2sf) =	vpush v10, $0x8  }
0x158: {  	s15 =	spop (v2sf);
	(v2sf) =	vpush v10, $0x9  }
0x159: {  	s24 =	sadd.s32 s7, s23  }
0x15a: {  	s10 =	sadd.s32 $0x30E00, s24;
	s11 =	sadd.s32 s15, s23  }
0x15b: {  	(v2sf) =	vpush v10, $0xA;
	[tilespmem:s26], [sflag:$0x1] =	stream.linear.gather [spmem:s10], $0x80, $0x38;
	[tilespmem:$0x1FDC8] =	vst v63  }
0x15c: {  	s10 =	sadd.s32 $0x3D180, s11;
	s11 =	spop (v2sf)  }
0x15d: {  	s22 =	sadd.s32 s11, s23  }
0x15e: {  	[tilespmem:s28], [sflag:$0x1] =	stream.linear.gather [spmem:s10], $0x80, $0x38;
	[tilespmem:$0x1FDC8] =	vst v63  }
0x15f: {  	(v2sf) =	vpush v10, $0xB;
	s10 =	sadd.s32 $0x49500, s22  }
0x160: {  	[tilespmem:s29], [sflag:$0x1] =	stream.linear.gather [spmem:s10], $0x80, $0x38;
	[tilespmem:$0x1FDC8] =	vst v63  }
0x161: {  	s10 =	spop (v2sf);
	(v2sf) =	vpush v10, $0xC;
	_ =	sdelay $0x1  }
0x162: {  	s24 =	sadd.s32 s10, s23  }
0x163: {  	s22 =	sadd.s32 $0x55880, s24  }
0x164: {  	[tilespmem:s30], [sflag:$0x1] =	stream.linear.gather [spmem:s22], $0x80, $0x38;
	[tilespmem:$0x1FDC8] =	vst v63  }
0x165: {  	s26 =	spop (v2sf);
	(v2sf) =	vpush v10, $0xD  }
0x166: {  	s22 =	sadd.s32 s26, s23;
	s24 =	spop (v2sf);
	(v2sf) =	vpush v10, $0xE  }
0x167: {  	s22 =	sadd.s32 $0x61C00, s22  }
0x168: {  	[tilespmem:s31], [sflag:$0x1] =	stream.linear.gather [spmem:s22], $0x80, $0x38;
	[tilespmem:$0x1FDC8] =	vst v63  }
0x169: {  	[smem:$0x7F2] =	sst s26;
	s26 =	spop (v2sf);
	(v2sf) =	vpush v10, $0xF;
	s22 =	sadd.s32 s24, s23  }
0x16a: {  	s22 =	sadd.s32 $0x6DF80, s22  }
0x16b: {  	[tilespmem:s0], [sflag:$0x1] =	stream.linear.gather [spmem:s22], $0x80, $0x38;
	[tilespmem:$0x1FDC8] =	vst v63  }
0x16c: {  	[smem:$0x7F3] =	sst s24;
	s22 =	sadd.s32 s26, s23  }
0x16d: {  	[smem:$0x7F4] =	sst s26;
	s24 =	spop (v2sf);
	s22 =	sadd.s32 $0x7A300, s22  }
0x16e: {  	[tilespmem:s8], [sflag:$0x1] =	stream.linear.gather [spmem:s22], $0x80, $0x38;
	[tilespmem:$0x1FDC8] =	vst v63  }
0x16f: {  	[smem:$0x7F5] =	sst s24;
	s26 =	sadd.s32 s24, s23;
	s24 =	spop (v2sf)  }
0x170: {  	s22 =	sadd.s32 $0x86680, s26;
	s26 =	sadd.s32 s24, s23  }
0x171: {  	[tilespmem:s9], [sflag:$0x1] =	stream.linear.gather [spmem:s22], $0x80, $0x38;
	[tilespmem:$0x1FDC8] =	vst v63  }
0x172: {  	s22 =	sadd.s32 $0x92A00, s26  }
0x173: {  	[tilespmem:s20], [sflag:$0x1] =	stream.linear.gather [spmem:s22], $0x80, $0x38;
	[tilespmem:$0x1FDC8] =	vst v63  }
0x174: {  	[smem:$0x7F6] =	sst s24;
	s24 =	spop (v2sf)  }
0x175: {  	[smem:$0x7F7] =	sst s24;
	s26 =	sadd.s32 s24, s23;
	s24 =	spop (v2sf)  }
0x176: {  	s22 =	sadd.s32 $0x9ED80, s26;
	[smem:$0x7F8] =	sst s24;
	s24 =	sadd.s32 s24, s23  }
0x177: {  	[tilespmem:s1], [sflag:$0x1] =	stream.linear.gather [spmem:s22], $0x80, $0x38;
	[tilespmem:$0x1FDC8] =	vst v63  }
0x178: {  	s26 =	spop (v2sf);
	s22 =	sadd.s32 $0xAB100, s24  }
0x179: {  	[tilespmem:s2], [sflag:$0x1] =	stream.linear.gather [spmem:s22], $0x80, $0x38;
	[tilespmem:$0x1FDC8] =	vst v63  }
0x17a: {  	s22 =	sadd.s32 s26, s23  }
0x17b: {  	[smem:$0x7F9] =	sst s26;
	s22 =	sadd.s32 $0xB7480, s22  }
0x17c: {  	[tilespmem:s16], [sflag:$0x1] =	stream.linear.gather [spmem:s22], $0x80, $0x38;
	[tilespmem:$0x1FDC8] =	vst v63  }
0x17d: {  	_ =	swait.ge [sflag:s21], $0x80  }
0x17e: {  	[sflag:s21] =	ssyncset.done $0x0  }
0x17f: {  	[sflag:s21] =	ssyncadd.s32 $0xFFFFFF80  }
0x180: {  	v11 =	vld [tilespmem:$0x11800];
	_ =	sdelay $0x2  }
0x181: {  	s23 =	sshll.u32 s25, $0xD  }
0x182: {  	v10 =	vmov s23  }
0x183: {  	v11 =	vsub.s32 v11, v10  }
0x184: {  	v11 =	vmin.u32 v11, $0x2000;
	_ =	sdelay $0x4  }
0x185: {  	[tilespmem:v11+s19+$0x0] =	vst.idx.add.f32.msk $0xffff, v8  }
0x186: {  	v11 =	vld [tilespmem:$0x11810];
	_ =	sdelay $0x4  }
0x187: {  	v11 =	vsub.s32 v11, v10  }
0x188: {  	v11 =	vmin.u32 v11, $0x2000;
	_ =	sdelay $0x4  }
0x189: {  	[tilespmem:v11+s19+$0x0] =	vst.idx.add.f32.msk $0xffff, v8  }
0x18a: {  	v11 =	vld [tilespmem:$0x11820];
	_ =	sdelay $0x4  }
0x18b: {  	v11 =	vsub.s32 v11, v10  }
0x18c: {  	v11 =	vmin.u32 v11, $0x2000;
	_ =	sdelay $0x4  }
0x18d: {  	[tilespmem:v11+s19+$0x0] =	vst.idx.add.f32.msk $0xffff, v8  }
0x18e: {  	v11 =	vld [tilespmem:$0x11830];
	_ =	sdelay $0x4  }
0x18f: {  	v11 =	vsub.s32 v11, v10  }
0x190: {  	v11 =	vmin.u32 v11, $0x2000;
	_ =	sdelay $0x4  }
0x191: {  	[tilespmem:v11+s19+$0x0] =	vst.idx.add.f32.msk $0xffff, v8  }
0x192: {  	v11 =	vld [tilespmem:$0x11840];
	_ =	sdelay $0x4  }
0x193: {  	v11 =	vsub.s32 v11, v10  }
0x194: {  	v11 =	vmin.u32 v11, $0x2000;
	_ =	sdelay $0x4  }
0x195: {  	[tilespmem:v11+s19+$0x0] =	vst.idx.add.f32.msk $0xffff, v8  }
0x196: {  	v11 =	vld [tilespmem:$0x11850];
	_ =	sdelay $0x4  }
0x197: {  	v11 =	vsub.s32 v11, v10  }
0x198: {  	(v2sf) =	vpush v9, $0x0;
	v11 =	vmin.u32 v11, $0x2000;
	_ =	sdelay $0x4  }
0x199: {  	[tilespmem:v11+s19+$0x0] =	vst.idx.add.f32.msk $0xffff, v8  }
0x19a: {  	v11 =	vld [tilespmem:$0x11860];
	_ =	sdelay $0x4  }
0x19b: {  	v11 =	vsub.s32 v11, v10  }
0x19c: {  	v11 =	vmin.u32 v11, $0x2000;
	_ =	sdelay $0x2  }
0x19d: {  	s24 =	spop (v2sf)  }
0x19e: {  	s22 =	ssub.s32 s24, s6  }
0x19f: {  	s22 =	sadd.s32 $0x7F, s22;
	[tilespmem:v11+s19+$0x0] =	vst.idx.add.f32.msk $0xffff, v8  }
0x1a0: {  	[smem:$0x7FA] =	sst s25;
	s25 =	sand.u32 $0x7F, s22;
	v11 =	vld [tilespmem:$0x11870]  }
0x1a1: {  	s26 =	sshra.s32 s22, $0x1F;
	p2 =	slt.s32 s22, $0x1;
	p1 =	sne.s32 s25, $0x0  }
0x1a2: {  	[smem:$0x7FB] =	sst s23;
	s23 =	sshrl.u32 s26, $0x19;
	p1 =	por !p2, !p1  }
0x1a3: {  	s22 =	sadd.s32 s23, s22;
	s23 =	simm.s32 $0x1;
	p1 =	por !p1, !p1  }
0x1a4: {  	s22 =	sshra.s32 s22, $0x7;
	s23 =	simm.s32 @!p1 $0x0  }
0x1a5: {  	s23 =	ssub.s32 s22, s23;
	v11 =	vsub.s32 v11, v10  }
0x1a6: {  	p2 =	slt.s32 s23, $0x2;
	v11 =	vmin.u32 v11, $0x2000  }
.Ltmp15:
0x1a7: {  	_ = 	snop;
	(pc) =	sbr.rel @p2 .LBB2_24-.Ltmp15, $2  }
0x1a8: {  	_ =	sdelay $0x2  }
0x1a9: {  	[tilespmem:v11+s19+$0x0] =	vst.idx.add.f32.msk $0xffff, v8  }
0x1aa: {  	s23 =	simm.s32 $0xFFFFFFFF  }
0x1ab: {  	s6 =	sshll.u32 s6, $0x2;
	s23 =	simm.s32 @!p1 $0x0  }
0x1ac: {  	s26 =	rddreg [dreg:$0x11];
	s25 =	sshra.s32 s6, $0x2;
	s22 =	sadd.s32 s23, s22  }
0x1ad: {  	s23 =	simm.s32 $0x11800;
	s6 =	sadd.s32 $0xFFFFFFFF, s22;
	s22 =	sadd.s32 s25, s26  }
.LBB2_23:
0x1ae: {  	[tilespmem:s23], [sflag:$0x3] =	stream.linear.gather [spmem:s22], $0x80, $0x38;
	[tilespmem:$0x1FDC8] =	vst v63  }
0x1af: {  	_ =	swait.ge [sflag:s3], $0x80  }
0x1b0: {  	[sflag:s3] =	ssyncset.done $0x0  }
0x1b1: {  	[sflag:s3] =	ssyncadd.s32 $0xFFFFFF80  }
0x1b2: {  	v11 =	vld [tilespmem:$0x11800];
	_ =	sdelay $0x4  }
0x1b3: {  	v11 =	vsub.s32 v11, v10  }
0x1b4: {  	v11 =	vmin.u32 v11, $0x2000;
	_ =	sdelay $0x4  }
0x1b5: {  	[tilespmem:v11+s19+$0x0] =	vst.idx.add.f32.msk $0xffff, v8  }
0x1b6: {  	v11 =	vld [tilespmem:$0x11810];
	_ =	sdelay $0x4  }
0x1b7: {  	v11 =	vsub.s32 v11, v10  }
0x1b8: {  	v11 =	vmin.u32 v11, $0x2000;
	_ =	sdelay $0x4  }
0x1b9: {  	[tilespmem:v11+s19+$0x0] =	vst.idx.add.f32.msk $0xffff, v8  }
0x1ba: {  	v11 =	vld [tilespmem:$0x11820];
	_ =	sdelay $0x4  }
0x1bb: {  	v11 =	vsub.s32 v11, v10  }
0x1bc: {  	v11 =	vmin.u32 v11, $0x2000;
	_ =	sdelay $0x4  }
0x1bd: {  	[tilespmem:v11+s19+$0x0] =	vst.idx.add.f32.msk $0xffff, v8  }
0x1be: {  	v11 =	vld [tilespmem:$0x11830];
	_ =	sdelay $0x4  }
0x1bf: {  	v11 =	vsub.s32 v11, v10  }
0x1c0: {  	v11 =	vmin.u32 v11, $0x2000;
	_ =	sdelay $0x4  }
0x1c1: {  	[tilespmem:v11+s19+$0x0] =	vst.idx.add.f32.msk $0xffff, v8  }
0x1c2: {  	v11 =	vld [tilespmem:$0x11840];
	_ =	sdelay $0x4  }
0x1c3: {  	v11 =	vsub.s32 v11, v10  }
0x1c4: {  	v11 =	vmin.u32 v11, $0x2000;
	_ =	sdelay $0x4  }
0x1c5: {  	[tilespmem:v11+s19+$0x0] =	vst.idx.add.f32.msk $0xffff, v8  }
0x1c6: {  	v11 =	vld [tilespmem:$0x11850];
	_ =	sdelay $0x4  }
0x1c7: {  	v11 =	vsub.s32 v11, v10  }
0x1c8: {  	v11 =	vmin.u32 v11, $0x2000;
	_ =	sdelay $0x4  }
0x1c9: {  	[tilespmem:v11+s19+$0x0] =	vst.idx.add.f32.msk $0xffff, v8  }
0x1ca: {  	v11 =	vld [tilespmem:$0x11860];
	_ =	sdelay $0x4  }
0x1cb: {  	v11 =	vsub.s32 v11, v10  }
0x1cc: {  	v11 =	vmin.u32 v11, $0x2000;
	_ =	sdelay $0x4  }
0x1cd: {  	[tilespmem:v11+s19+$0x0] =	vst.idx.add.f32.msk $0xffff, v8  }
0x1ce: {  	v11 =	vld [tilespmem:$0x11870];
	_ =	sdelay $0x4  }
0x1cf: {  	v11 =	vsub.s32 v11, v10  }
0x1d0: {  	p1 =	sne.s32 s6, $0x1;
	v11 =	vmin.u32 v11, $0x2000  }
.Ltmp16:
0x1d1: {  	_ = 	snop;
	(pc) =	sbr.rel @p1 .LBB2_23-.Ltmp16, $2  }
0x1d2: {  	_ =	sdelay $0x2  }
0x1d3: {  	s22 =	sadd.s32 $0x80, s22;
	s6 =	sadd.s32 $0xFFFFFFFF, s6;
	[tilespmem:v11+s19+$0x0] =	vst.idx.add.f32.msk $0xffff, v8  }
.LBB2_24:
0x1d4: {  	_ =	swait.ge [sflag:s21], $0x80  }
0x1d5: {  	[sflag:s21] =	ssyncset.done $0x0  }
0x1d6: {  	[sflag:s21] =	ssyncadd.s32 $0xFFFFFF80  }
0x1d7: {  	v11 =	vld [tilespmem:$0x11880];
	_ =	sdelay $0x4  }
0x1d8: {  	v11 =	vsub.s32 v11, v10  }
0x1d9: {  	v11 =	vmin.u32 v11, $0x2000;
	_ =	sdelay $0x4  }
0x1da: {  	[tilespmem:v11+s19+$0x0] =	vst.idx.add.f32.msk $0xffff, v8  }
0x1db: {  	v11 =	vld [tilespmem:$0x11890];
	_ =	sdelay $0x4  }
0x1dc: {  	v11 =	vsub.s32 v11, v10  }
0x1dd: {  	v11 =	vmin.u32 v11, $0x2000;
	_ =	sdelay $0x4  }
0x1de: {  	[tilespmem:v11+s19+$0x0] =	vst.idx.add.f32.msk $0xffff, v8  }
0x1df: {  	v11 =	vld [tilespmem:$0x118A0];
	_ =	sdelay $0x4  }
0x1e0: {  	v11 =	vsub.s32 v11, v10  }
0x1e1: {  	v11 =	vmin.u32 v11, $0x2000;
	_ =	sdelay $0x4  }
0x1e2: {  	[tilespmem:v11+s19+$0x0] =	vst.idx.add.f32.msk $0xffff, v8  }
0x1e3: {  	v11 =	vld [tilespmem:$0x118B0];
	_ =	sdelay $0x4  }
0x1e4: {  	v11 =	vsub.s32 v11, v10  }
0x1e5: {  	v11 =	vmin.u32 v11, $0x2000;
	_ =	sdelay $0x4  }
0x1e6: {  	[tilespmem:v11+s19+$0x0] =	vst.idx.add.f32.msk $0xffff, v8  }
0x1e7: {  	v11 =	vld [tilespmem:$0x118C0];
	_ =	sdelay $0x4  }
0x1e8: {  	v11 =	vsub.s32 v11, v10  }
0x1e9: {  	v11 =	vmin.u32 v11, $0x2000;
	_ =	sdelay $0x4  }
0x1ea: {  	[tilespmem:v11+s19+$0x0] =	vst.idx.add.f32.msk $0xffff, v8  }
0x1eb: {  	v11 =	vld [tilespmem:$0x118D0];
	_ =	sdelay $0x4  }
0x1ec: {  	v11 =	vsub.s32 v11, v10  }
0x1ed: {  	(v2sf) =	vpush v9, $0x1;
	v11 =	vmin.u32 v11, $0x2000;
	_ =	sdelay $0x4  }
0x1ee: {  	[tilespmem:v11+s19+$0x0] =	vst.idx.add.f32.msk $0xffff, v8  }
0x1ef: {  	v11 =	vld [tilespmem:$0x118E0];
	_ =	sdelay $0x4  }
0x1f0: {  	v11 =	vsub.s32 v11, v10  }
0x1f1: {  	v11 =	vmin.u32 v11, $0x2000;
	_ =	sdelay $0x2  }
0x1f2: {  	s6 =	spop (v2sf)  }
0x1f3: {  	s6 =	ssub.s32 s6, s13  }
0x1f4: {  	s6 =	sadd.s32 $0x7F, s6;
	[tilespmem:v11+s19+$0x0] =	vst.idx.add.f32.msk $0xffff, v8  }
0x1f5: {  	s22 =	sand.u32 $0x7F, s6;
	v11 =	vld [tilespmem:$0x118F0]  }
0x1f6: {  	s26 =	sshra.s32 s6, $0x1F;
	p2 =	slt.s32 s6, $0x1;
	p1 =	sne.s32 s22, $0x0  }
0x1f7: {  	s22 =	sshrl.u32 s26, $0x19;
	p1 =	por !p2, !p1  }
0x1f8: {  	s6 =	sadd.s32 s22, s6;
	s22 =	simm.s32 $0x1;
	p1 =	por !p1, !p1  }
0x1f9: {  	s6 =	sshra.s32 s6, $0x7;
	s22 =	simm.s32 @!p1 $0x0  }
0x1fa: {  	s22 =	ssub.s32 s6, s22;
	v11 =	vsub.s32 v11, v10  }
0x1fb: {  	p2 =	slt.s32 s22, $0x2;
	v11 =	vmin.u32 v11, $0x2000  }
.Ltmp17:
0x1fc: {  	_ = 	snop;
	(pc) =	sbr.rel @p2 .LBB2_27-.Ltmp17, $2  }
0x1fd: {  	_ =	sdelay $0x2  }
0x1fe: {  	s23 =	simm.s32 $0x11880;
	[tilespmem:v11+s19+$0x0] =	vst.idx.add.f32.msk $0xffff, v8  }
0x1ff: {  	s22 =	simm.s32 $0xFFFFFFFF  }
0x200: {  	s13 =	sshll.u32 s13, $0x2;
	s22 =	simm.s32 @!p1 $0x0  }
0x201: {  	s26 =	rddreg [dreg:$0x12];
	s13 =	sshra.s32 s13, $0x2;
	s6 =	sadd.s32 s22, s6  }
0x202: {  	s13 =	sadd.s32 s13, s26;
	s6 =	sadd.s32 $0xFFFFFFFF, s6  }
.LBB2_26:
0x203: {  	[tilespmem:s23], [sflag:$0x3] =	stream.linear.gather [spmem:s13], $0x80, $0x38;
	[tilespmem:$0x1FDC8] =	vst v63  }
0x204: {  	_ =	swait.ge [sflag:s3], $0x80  }
0x205: {  	[sflag:s3] =	ssyncset.done $0x0  }
0x206: {  	[sflag:s3] =	ssyncadd.s32 $0xFFFFFF80  }
0x207: {  	v11 =	vld [tilespmem:$0x11880];
	_ =	sdelay $0x4  }
0x208: {  	v11 =	vsub.s32 v11, v10  }
0x209: {  	v11 =	vmin.u32 v11, $0x2000;
	_ =	sdelay $0x4  }
0x20a: {  	[tilespmem:v11+s19+$0x0] =	vst.idx.add.f32.msk $0xffff, v8  }
0x20b: {  	v11 =	vld [tilespmem:$0x11890];
	_ =	sdelay $0x4  }
0x20c: {  	v11 =	vsub.s32 v11, v10  }
0x20d: {  	v11 =	vmin.u32 v11, $0x2000;
	_ =	sdelay $0x4  }
0x20e: {  	[tilespmem:v11+s19+$0x0] =	vst.idx.add.f32.msk $0xffff, v8  }
0x20f: {  	v11 =	vld [tilespmem:$0x118A0];
	_ =	sdelay $0x4  }
0x210: {  	v11 =	vsub.s32 v11, v10  }
0x211: {  	v11 =	vmin.u32 v11, $0x2000;
	_ =	sdelay $0x4  }
0x212: {  	[tilespmem:v11+s19+$0x0] =	vst.idx.add.f32.msk $0xffff, v8  }
0x213: {  	v11 =	vld [tilespmem:$0x118B0];
	_ =	sdelay $0x4  }
0x214: {  	v11 =	vsub.s32 v11, v10  }
0x215: {  	v11 =	vmin.u32 v11, $0x2000;
	_ =	sdelay $0x4  }
0x216: {  	[tilespmem:v11+s19+$0x0] =	vst.idx.add.f32.msk $0xffff, v8  }
0x217: {  	v11 =	vld [tilespmem:$0x118C0];
	_ =	sdelay $0x4  }
0x218: {  	v11 =	vsub.s32 v11, v10  }
0x219: {  	v11 =	vmin.u32 v11, $0x2000;
	_ =	sdelay $0x4  }
0x21a: {  	[tilespmem:v11+s19+$0x0] =	vst.idx.add.f32.msk $0xffff, v8  }
0x21b: {  	v11 =	vld [tilespmem:$0x118D0];
	_ =	sdelay $0x4  }
0x21c: {  	v11 =	vsub.s32 v11, v10  }
0x21d: {  	v11 =	vmin.u32 v11, $0x2000;
	_ =	sdelay $0x4  }
0x21e: {  	[tilespmem:v11+s19+$0x0] =	vst.idx.add.f32.msk $0xffff, v8  }
0x21f: {  	v11 =	vld [tilespmem:$0x118E0];
	_ =	sdelay $0x4  }
0x220: {  	v11 =	vsub.s32 v11, v10  }
0x221: {  	v11 =	vmin.u32 v11, $0x2000;
	_ =	sdelay $0x4  }
0x222: {  	[tilespmem:v11+s19+$0x0] =	vst.idx.add.f32.msk $0xffff, v8  }
0x223: {  	v11 =	vld [tilespmem:$0x118F0];
	_ =	sdelay $0x4  }
0x224: {  	v11 =	vsub.s32 v11, v10  }
0x225: {  	p1 =	sne.s32 s6, $0x1;
	v11 =	vmin.u32 v11, $0x2000  }
.Ltmp18:
0x226: {  	_ = 	snop;
	(pc) =	sbr.rel @p1 .LBB2_26-.Ltmp18, $2  }
0x227: {  	_ =	sdelay $0x2  }
0x228: {  	s13 =	sadd.s32 $0x80, s13;
	s6 =	sadd.s32 $0xFFFFFFFF, s6;
	[tilespmem:v11+s19+$0x0] =	vst.idx.add.f32.msk $0xffff, v8  }
.LBB2_27:
0x229: {  	_ =	swait.ge [sflag:s21], $0x80  }
0x22a: {  	[sflag:s21] =	ssyncset.done $0x0  }
0x22b: {  	[sflag:s21] =	ssyncadd.s32 $0xFFFFFF80  }
0x22c: {  	v11 =	vld [tilespmem:$0x11900];
	_ =	sdelay $0x4  }
0x22d: {  	v11 =	vsub.s32 v11, v10  }
0x22e: {  	v11 =	vmin.u32 v11, $0x2000;
	_ =	sdelay $0x4  }
0x22f: {  	[tilespmem:v11+s19+$0x0] =	vst.idx.add.f32.msk $0xffff, v8  }
0x230: {  	v11 =	vld [tilespmem:$0x11910];
	_ =	sdelay $0x4  }
0x231: {  	v11 =	vsub.s32 v11, v10  }
0x232: {  	v11 =	vmin.u32 v11, $0x2000;
	_ =	sdelay $0x4  }
0x233: {  	[tilespmem:v11+s19+$0x0] =	vst.idx.add.f32.msk $0xffff, v8  }
0x234: {  	v11 =	vld [tilespmem:$0x11920];
	_ =	sdelay $0x4  }
0x235: {  	v11 =	vsub.s32 v11, v10  }
0x236: {  	v11 =	vmin.u32 v11, $0x2000;
	_ =	sdelay $0x4  }
0x237: {  	[tilespmem:v11+s19+$0x0] =	vst.idx.add.f32.msk $0xffff, v8  }
0x238: {  	v11 =	vld [tilespmem:$0x11930];
	_ =	sdelay $0x4  }
0x239: {  	v11 =	vsub.s32 v11, v10  }
0x23a: {  	v11 =	vmin.u32 v11, $0x2000;
	_ =	sdelay $0x4  }
0x23b: {  	[tilespmem:v11+s19+$0x0] =	vst.idx.add.f32.msk $0xffff, v8  }
0x23c: {  	v11 =	vld [tilespmem:$0x11940];
	_ =	sdelay $0x4  }
0x23d: {  	v11 =	vsub.s32 v11, v10  }
0x23e: {  	v11 =	vmin.u32 v11, $0x2000;
	_ =	sdelay $0x4  }
0x23f: {  	[tilespmem:v11+s19+$0x0] =	vst.idx.add.f32.msk $0xffff, v8  }
0x240: {  	v11 =	vld [tilespmem:$0x11950];
	_ =	sdelay $0x4  }
0x241: {  	v11 =	vsub.s32 v11, v10  }
0x242: {  	(v2sf) =	vpush v9, $0x2;
	v11 =	vmin.u32 v11, $0x2000;
	_ =	sdelay $0x4  }
0x243: {  	[tilespmem:v11+s19+$0x0] =	vst.idx.add.f32.msk $0xffff, v8  }
0x244: {  	v11 =	vld [tilespmem:$0x11960];
	_ =	sdelay $0x4  }
0x245: {  	v11 =	vsub.s32 v11, v10  }
0x246: {  	v11 =	vmin.u32 v11, $0x2000;
	_ =	sdelay $0x2  }
0x247: {  	s6 =	spop (v2sf)  }
0x248: {  	s6 =	ssub.s32 s6, s4  }
0x249: {  	s6 =	sadd.s32 $0x7F, s6;
	[tilespmem:v11+s19+$0x0] =	vst.idx.add.f32.msk $0xffff, v8  }
0x24a: {  	s13 =	sand.u32 $0x7F, s6;
	v11 =	vld [tilespmem:$0x11970]  }
0x24b: {  	s26 =	sshra.s32 s6, $0x1F;
	p2 =	slt.s32 s6, $0x1;
	p1 =	sne.s32 s13, $0x0  }
0x24c: {  	s13 =	sshrl.u32 s26, $0x19;
	p1 =	por !p2, !p1  }
0x24d: {  	s6 =	sadd.s32 s13, s6;
	s13 =	simm.s32 $0x1;
	p1 =	por !p1, !p1  }
0x24e: {  	s6 =	sshra.s32 s6, $0x7;
	s13 =	simm.s32 @!p1 $0x0  }
0x24f: {  	s13 =	ssub.s32 s6, s13;
	v11 =	vsub.s32 v11, v10  }
0x250: {  	p2 =	slt.s32 s13, $0x2;
	v11 =	vmin.u32 v11, $0x2000  }
.Ltmp19:
0x251: {  	_ = 	snop;
	(pc) =	sbr.rel @p2 .LBB2_30-.Ltmp19, $2  }
0x252: {  	_ =	sdelay $0x2  }
0x253: {  	s22 =	simm.s32 $0x11900;
	s25 =	simm.s32 $0x11980;
	s26 =	simm.s32 $0x11A00;
	[tilespmem:v11+s19+$0x0] =	vst.idx.add.f32.msk $0xffff, v8  }
0x254: {  	s13 =	simm.s32 $0xFFFFFFFF  }
0x255: {  	s4 =	sshll.u32 s4, $0x2;
	s13 =	simm.s32 @!p1 $0x0  }
0x256: {  	s24 =	rddreg [dreg:$0x13];
	s23 =	sshra.s32 s4, $0x2;
	s6 =	sadd.s32 s13, s6  }
0x257: {  	s4 =	sadd.s32 $0xFFFFFFFF, s6;
	s6 =	sadd.s32 s23, s24  }
.LBB2_29:
0x258: {  	[tilespmem:s22], [sflag:$0x3] =	stream.linear.gather [spmem:s6], $0x80, $0x38;
	[tilespmem:$0x1FDC8] =	vst v63  }
0x259: {  	_ =	swait.ge [sflag:s3], $0x80  }
0x25a: {  	[sflag:s3] =	ssyncset.done $0x0  }
0x25b: {  	[sflag:s3] =	ssyncadd.s32 $0xFFFFFF80  }
0x25c: {  	v11 =	vld [tilespmem:$0x11900];
	_ =	sdelay $0x4  }
0x25d: {  	v11 =	vsub.s32 v11, v10  }
0x25e: {  	v11 =	vmin.u32 v11, $0x2000;
	_ =	sdelay $0x4  }
0x25f: {  	[tilespmem:v11+s19+$0x0] =	vst.idx.add.f32.msk $0xffff, v8  }
0x260: {  	v11 =	vld [tilespmem:$0x11910];
	_ =	sdelay $0x4  }
0x261: {  	v11 =	vsub.s32 v11, v10  }
0x262: {  	v11 =	vmin.u32 v11, $0x2000;
	_ =	sdelay $0x4  }
0x263: {  	[tilespmem:v11+s19+$0x0] =	vst.idx.add.f32.msk $0xffff, v8  }
0x264: {  	v11 =	vld [tilespmem:$0x11920];
	_ =	sdelay $0x4  }
0x265: {  	v11 =	vsub.s32 v11, v10  }
0x266: {  	v11 =	vmin.u32 v11, $0x2000;
	_ =	sdelay $0x4  }
0x267: {  	[tilespmem:v11+s19+$0x0] =	vst.idx.add.f32.msk $0xffff, v8  }
0x268: {  	v11 =	vld [tilespmem:$0x11930];
	_ =	sdelay $0x4  }
0x269: {  	v11 =	vsub.s32 v11, v10  }
0x26a: {  	v11 =	vmin.u32 v11, $0x2000;
	_ =	sdelay $0x4  }
0x26b: {  	[tilespmem:v11+s19+$0x0] =	vst.idx.add.f32.msk $0xffff, v8  }
0x26c: {  	v11 =	vld [tilespmem:$0x11940];
	_ =	sdelay $0x4  }
0x26d: {  	v11 =	vsub.s32 v11, v10  }
0x26e: {  	v11 =	vmin.u32 v11, $0x2000;
	_ =	sdelay $0x4  }
0x26f: {  	[tilespmem:v11+s19+$0x0] =	vst.idx.add.f32.msk $0xffff, v8  }
0x270: {  	v11 =	vld [tilespmem:$0x11950];
	_ =	sdelay $0x4  }
0x271: {  	v11 =	vsub.s32 v11, v10  }
0x272: {  	v11 =	vmin.u32 v11, $0x2000;
	_ =	sdelay $0x4  }
0x273: {  	[tilespmem:v11+s19+$0x0] =	vst.idx.add.f32.msk $0xffff, v8  }
0x274: {  	v11 =	vld [tilespmem:$0x11960];
	_ =	sdelay $0x4  }
0x275: {  	v11 =	vsub.s32 v11, v10  }
0x276: {  	v11 =	vmin.u32 v11, $0x2000;
	_ =	sdelay $0x4  }
0x277: {  	[tilespmem:v11+s19+$0x0] =	vst.idx.add.f32.msk $0xffff, v8  }
0x278: {  	v11 =	vld [tilespmem:$0x11970];
	_ =	sdelay $0x4  }
0x279: {  	v11 =	vsub.s32 v11, v10  }
0x27a: {  	p1 =	sne.s32 s4, $0x1;
	v11 =	vmin.u32 v11, $0x2000  }
.Ltmp20:
0x27b: {  	_ = 	snop;
	(pc) =	sbr.rel @p1 .LBB2_29-.Ltmp20, $2  }
0x27c: {  	_ =	sdelay $0x2  }
0x27d: {  	s6 =	sadd.s32 $0x80, s6;
	s4 =	sadd.s32 $0xFFFFFFFF, s4;
	[tilespmem:v11+s19+$0x0] =	vst.idx.add.f32.msk $0xffff, v8  }
.LBB2_30:
0x27e: {  	_ =	swait.ge [sflag:s21], $0x80  }
0x27f: {  	[sflag:s21] =	ssyncset.done $0x0  }
0x280: {  	[sflag:s21] =	ssyncadd.s32 $0xFFFFFF80  }
0x281: {  	v11 =	vld [tilespmem:$0x11980];
	_ =	sdelay $0x4  }
0x282: {  	v11 =	vsub.s32 v11, v10  }
0x283: {  	v11 =	vmin.u32 v11, $0x2000;
	_ =	sdelay $0x4  }
0x284: {  	[tilespmem:v11+s19+$0x0] =	vst.idx.add.f32.msk $0xffff, v8  }
0x285: {  	v11 =	vld [tilespmem:$0x11990];
	_ =	sdelay $0x4  }
0x286: {  	v11 =	vsub.s32 v11, v10  }
0x287: {  	v11 =	vmin.u32 v11, $0x2000;
	_ =	sdelay $0x4  }
0x288: {  	[tilespmem:v11+s19+$0x0] =	vst.idx.add.f32.msk $0xffff, v8  }
0x289: {  	v11 =	vld [tilespmem:$0x119A0];
	_ =	sdelay $0x4  }
0x28a: {  	v11 =	vsub.s32 v11, v10  }
0x28b: {  	v11 =	vmin.u32 v11, $0x2000;
	_ =	sdelay $0x4  }
0x28c: {  	[tilespmem:v11+s19+$0x0] =	vst.idx.add.f32.msk $0xffff, v8  }
0x28d: {  	v11 =	vld [tilespmem:$0x119B0];
	_ =	sdelay $0x4  }
0x28e: {  	v11 =	vsub.s32 v11, v10  }
0x28f: {  	v11 =	vmin.u32 v11, $0x2000;
	_ =	sdelay $0x4  }
0x290: {  	[tilespmem:v11+s19+$0x0] =	vst.idx.add.f32.msk $0xffff, v8  }
0x291: {  	v11 =	vld [tilespmem:$0x119C0];
	_ =	sdelay $0x4  }
0x292: {  	v11 =	vsub.s32 v11, v10  }
0x293: {  	v11 =	vmin.u32 v11, $0x2000;
	_ =	sdelay $0x4  }
0x294: {  	[tilespmem:v11+s19+$0x0] =	vst.idx.add.f32.msk $0xffff, v8  }
0x295: {  	v11 =	vld [tilespmem:$0x119D0];
	_ =	sdelay $0x4  }
0x296: {  	v11 =	vsub.s32 v11, v10  }
0x297: {  	(v2sf) =	vpush v9, $0x3;
	v11 =	vmin.u32 v11, $0x2000;
	_ =	sdelay $0x4  }
0x298: {  	[tilespmem:v11+s19+$0x0] =	vst.idx.add.f32.msk $0xffff, v8  }
0x299: {  	v11 =	vld [tilespmem:$0x119E0];
	_ =	sdelay $0x4  }
0x29a: {  	v11 =	vsub.s32 v11, v10  }
0x29b: {  	v11 =	vmin.u32 v11, $0x2000;
	_ =	sdelay $0x2  }
0x29c: {  	s4 =	spop (v2sf)  }
0x29d: {  	s4 =	ssub.s32 s4, s12  }
0x29e: {  	s4 =	sadd.s32 $0x7F, s4;
	[tilespmem:v11+s19+$0x0] =	vst.idx.add.f32.msk $0xffff, v8  }
0x29f: {  	s6 =	sand.u32 $0x7F, s4;
	v11 =	vld [tilespmem:$0x119F0]  }
0x2a0: {  	s24 =	sshra.s32 s4, $0x1F;
	p2 =	slt.s32 s4, $0x1;
	p1 =	sne.s32 s6, $0x0  }
0x2a1: {  	s6 =	sshrl.u32 s24, $0x19;
	p1 =	por !p2, !p1  }
0x2a2: {  	s4 =	sadd.s32 s6, s4;
	s6 =	simm.s32 $0x1;
	p1 =	por !p1, !p1  }
0x2a3: {  	s4 =	sshra.s32 s4, $0x7;
	s6 =	simm.s32 @!p1 $0x0  }
0x2a4: {  	s6 =	ssub.s32 s4, s6;
	v11 =	vsub.s32 v11, v10  }
0x2a5: {  	p2 =	slt.s32 s6, $0x2;
	v11 =	vmin.u32 v11, $0x2000  }
.Ltmp21:
0x2a6: {  	_ = 	snop;
	(pc) =	sbr.rel @p2 .LBB2_33-.Ltmp21, $2  }
0x2a7: {  	_ =	sdelay $0x2  }
0x2a8: {  	s23 =	rddreg [dreg:$0xc];
	s24 =	simm.s32 $0x80;
	[tilespmem:v11+s19+$0x0] =	vst.idx.add.f32.msk $0xffff, v8  }
0x2a9: {  	s6 =	simm.s32 $0xFFFFFFFF  }
0x2aa: {  	s12 =	sshll.u32 s12, $0x2;
	s6 =	simm.s32 @!p1 $0x0  }
0x2ab: {  	s22 =	rddreg [dreg:$0x14];
	s13 =	sshra.s32 s12, $0x2;
	s4 =	sadd.s32 s6, s4  }
0x2ac: {  	s6 =	sadd.s32 s13, s22;
	s4 =	sadd.s32 $0xFFFFFFFF, s4  }
.LBB2_32:
0x2ad: {  	[tilespmem:s25], [sflag:$0x3] =	stream.linear.gather [spmem:s6], $0x80, $0x38;
	[tilespmem:$0x1FDC8] =	vst v63  }
0x2ae: {  	_ =	swait.ge [sflag:s3], $0x80  }
0x2af: {  	[sflag:s3] =	ssyncset.done $0x0  }
0x2b0: {  	[sflag:s3] =	ssyncadd.s32 $0xFFFFFF80  }
0x2b1: {  	v11 =	vld [tilespmem:$0x11980];
	_ =	sdelay $0x4  }
0x2b2: {  	v11 =	vsub.s32 v11, v10  }
0x2b3: {  	v11 =	vmin.u32 v11, $0x2000;
	_ =	sdelay $0x4  }
0x2b4: {  	[tilespmem:v11+s19+$0x0] =	vst.idx.add.f32.msk $0xffff, v8  }
0x2b5: {  	v11 =	vld [tilespmem:$0x11990];
	_ =	sdelay $0x4  }
0x2b6: {  	v11 =	vsub.s32 v11, v10  }
0x2b7: {  	v11 =	vmin.u32 v11, $0x2000;
	_ =	sdelay $0x4  }
0x2b8: {  	[tilespmem:v11+s19+$0x0] =	vst.idx.add.f32.msk $0xffff, v8  }
0x2b9: {  	v11 =	vld [tilespmem:$0x119A0];
	_ =	sdelay $0x4  }
0x2ba: {  	v11 =	vsub.s32 v11, v10  }
0x2bb: {  	v11 =	vmin.u32 v11, $0x2000;
	_ =	sdelay $0x4  }
0x2bc: {  	[tilespmem:v11+s19+$0x0] =	vst.idx.add.f32.msk $0xffff, v8  }
0x2bd: {  	v11 =	vld [tilespmem:$0x119B0];
	_ =	sdelay $0x4  }
0x2be: {  	v11 =	vsub.s32 v11, v10  }
0x2bf: {  	v11 =	vmin.u32 v11, $0x2000;
	_ =	sdelay $0x4  }
0x2c0: {  	[tilespmem:v11+s19+$0x0] =	vst.idx.add.f32.msk $0xffff, v8  }
0x2c1: {  	v11 =	vld [tilespmem:$0x119C0];
	_ =	sdelay $0x4  }
0x2c2: {  	v11 =	vsub.s32 v11, v10  }
0x2c3: {  	v11 =	vmin.u32 v11, $0x2000;
	_ =	sdelay $0x4  }
0x2c4: {  	[tilespmem:v11+s19+$0x0] =	vst.idx.add.f32.msk $0xffff, v8  }
0x2c5: {  	v11 =	vld [tilespmem:$0x119D0];
	_ =	sdelay $0x4  }
0x2c6: {  	v11 =	vsub.s32 v11, v10  }
0x2c7: {  	v11 =	vmin.u32 v11, $0x2000;
	_ =	sdelay $0x4  }
0x2c8: {  	[tilespmem:v11+s19+$0x0] =	vst.idx.add.f32.msk $0xffff, v8  }
0x2c9: {  	v11 =	vld [tilespmem:$0x119E0];
	_ =	sdelay $0x4  }
0x2ca: {  	v11 =	vsub.s32 v11, v10  }
0x2cb: {  	v11 =	vmin.u32 v11, $0x2000;
	_ =	sdelay $0x4  }
0x2cc: {  	[tilespmem:v11+s19+$0x0] =	vst.idx.add.f32.msk $0xffff, v8  }
0x2cd: {  	v11 =	vld [tilespmem:$0x119F0];
	_ =	sdelay $0x4  }
0x2ce: {  	v11 =	vsub.s32 v11, v10  }
0x2cf: {  	p1 =	sne.s32 s4, $0x1;
	v11 =	vmin.u32 v11, $0x2000  }
.Ltmp22:
0x2d0: {  	_ = 	snop;
	(pc) =	sbr.rel @p1 .LBB2_32-.Ltmp22, $2  }
0x2d1: {  	_ =	sdelay $0x2  }
0x2d2: {  	s6 =	sadd.s32 $0x80, s6;
	s4 =	sadd.s32 $0xFFFFFFFF, s4;
	[tilespmem:v11+s19+$0x0] =	vst.idx.add.f32.msk $0xffff, v8  }
.LBB2_33:
0x2d3: {  	_ =	swait.ge [sflag:s21], $0x80  }
0x2d4: {  	[sflag:s21] =	ssyncset.done $0x0  }
0x2d5: {  	[sflag:s21] =	ssyncadd.s32 $0xFFFFFF80  }
0x2d6: {  	v11 =	vld [tilespmem:$0x11A00];
	_ =	sdelay $0x4  }
0x2d7: {  	v11 =	vsub.s32 v11, v10  }
0x2d8: {  	v11 =	vmin.u32 v11, $0x2000;
	_ =	sdelay $0x4  }
0x2d9: {  	[tilespmem:v11+s19+$0x0] =	vst.idx.add.f32.msk $0xffff, v8  }
0x2da: {  	v11 =	vld [tilespmem:$0x11A10];
	_ =	sdelay $0x4  }
0x2db: {  	v11 =	vsub.s32 v11, v10  }
0x2dc: {  	v11 =	vmin.u32 v11, $0x2000;
	_ =	sdelay $0x4  }
0x2dd: {  	[tilespmem:v11+s19+$0x0] =	vst.idx.add.f32.msk $0xffff, v8  }
0x2de: {  	v11 =	vld [tilespmem:$0x11A20];
	_ =	sdelay $0x4  }
0x2df: {  	v11 =	vsub.s32 v11, v10  }
0x2e0: {  	v11 =	vmin.u32 v11, $0x2000;
	_ =	sdelay $0x4  }
0x2e1: {  	[tilespmem:v11+s19+$0x0] =	vst.idx.add.f32.msk $0xffff, v8  }
0x2e2: {  	v11 =	vld [tilespmem:$0x11A30];
	_ =	sdelay $0x4  }
0x2e3: {  	v11 =	vsub.s32 v11, v10  }
0x2e4: {  	v11 =	vmin.u32 v11, $0x2000;
	_ =	sdelay $0x4  }
0x2e5: {  	[tilespmem:v11+s19+$0x0] =	vst.idx.add.f32.msk $0xffff, v8  }
0x2e6: {  	v11 =	vld [tilespmem:$0x11A40];
	_ =	sdelay $0x4  }
0x2e7: {  	v11 =	vsub.s32 v11, v10  }
0x2e8: {  	v11 =	vmin.u32 v11, $0x2000;
	_ =	sdelay $0x4  }
0x2e9: {  	[tilespmem:v11+s19+$0x0] =	vst.idx.add.f32.msk $0xffff, v8  }
0x2ea: {  	v11 =	vld [tilespmem:$0x11A50];
	_ =	sdelay $0x4  }
0x2eb: {  	v11 =	vsub.s32 v11, v10  }
0x2ec: {  	(v2sf) =	vpush v9, $0x4;
	v11 =	vmin.u32 v11, $0x2000;
	_ =	sdelay $0x4  }
0x2ed: {  	[tilespmem:v11+s19+$0x0] =	vst.idx.add.f32.msk $0xffff, v8  }
0x2ee: {  	v11 =	vld [tilespmem:$0x11A60];
	_ =	sdelay $0x4  }
0x2ef: {  	v11 =	vsub.s32 v11, v10  }
0x2f0: {  	v11 =	vmin.u32 v11, $0x2000;
	_ =	sdelay $0x2  }
0x2f1: {  	s4 =	spop (v2sf)  }
0x2f2: {  	s4 =	ssub.s32 s4, s7  }
0x2f3: {  	s4 =	sadd.s32 $0x7F, s4;
	[tilespmem:v11+s19+$0x0] =	vst.idx.add.f32.msk $0xffff, v8  }
0x2f4: {  	s6 =	sand.u32 $0x7F, s4;
	v11 =	vld [tilespmem:$0x11A70]  }
0x2f5: {  	s25 =	sshra.s32 s4, $0x1F;
	p2 =	slt.s32 s4, $0x1;
	p1 =	sne.s32 s6, $0x0  }
0x2f6: {  	s6 =	sshrl.u32 s25, $0x19;
	p1 =	por !p2, !p1  }
0x2f7: {  	s4 =	sadd.s32 s6, s4;
	s6 =	simm.s32 $0x1;
	p1 =	por !p1, !p1  }
0x2f8: {  	s4 =	sshra.s32 s4, $0x7;
	s6 =	simm.s32 @!p1 $0x0  }
0x2f9: {  	s6 =	ssub.s32 s4, s6;
	v11 =	vsub.s32 v11, v10  }
0x2fa: {  	p2 =	slt.s32 s6, $0x2;
	v11 =	vmin.u32 v11, $0x2000  }
.Ltmp23:
0x2fb: {  	_ = 	snop;
	(pc) =	sbr.rel @p2 .LBB2_36-.Ltmp23, $2  }
0x2fc: {  	_ =	sdelay $0x2  }
0x2fd: {  	[tilespmem:v11+s19+$0x0] =	vst.idx.add.f32.msk $0xffff, v8  }
0x2fe: {  	s6 =	simm.s32 $0xFFFFFFFF  }
0x2ff: {  	s7 =	sshll.u32 s7, $0x2;
	s6 =	simm.s32 @!p1 $0x0  }
0x300: {  	s25 =	rddreg [dreg:$0x15];
	s22 =	sshra.s32 s7, $0x2;
	s4 =	sadd.s32 s6, s4  }
0x301: {  	s6 =	sadd.s32 s22, s25;
	s4 =	sadd.s32 $0xFFFFFFFF, s4  }
.LBB2_35:
0x302: {  	[tilespmem:s26], [sflag:$0x3] =	stream.linear.gather [spmem:s6], $0x80, $0x38;
	[tilespmem:$0x1FDC8] =	vst v63  }
0x303: {  	_ =	swait.ge [sflag:s3], $0x80  }
0x304: {  	[sflag:s3] =	ssyncset.done $0x0  }
0x305: {  	[sflag:s3] =	ssyncadd.s32 $0xFFFFFF80  }
0x306: {  	v11 =	vld [tilespmem:$0x11A00];
	_ =	sdelay $0x4  }
0x307: {  	v11 =	vsub.s32 v11, v10  }
0x308: {  	v11 =	vmin.u32 v11, $0x2000;
	_ =	sdelay $0x4  }
0x309: {  	[tilespmem:v11+s19+$0x0] =	vst.idx.add.f32.msk $0xffff, v8  }
0x30a: {  	v11 =	vld [tilespmem:$0x11A10];
	_ =	sdelay $0x4  }
0x30b: {  	v11 =	vsub.s32 v11, v10  }
0x30c: {  	v11 =	vmin.u32 v11, $0x2000;
	_ =	sdelay $0x4  }
0x30d: {  	[tilespmem:v11+s19+$0x0] =	vst.idx.add.f32.msk $0xffff, v8  }
0x30e: {  	v11 =	vld [tilespmem:$0x11A20];
	_ =	sdelay $0x4  }
0x30f: {  	v11 =	vsub.s32 v11, v10  }
0x310: {  	v11 =	vmin.u32 v11, $0x2000;
	_ =	sdelay $0x4  }
0x311: {  	[tilespmem:v11+s19+$0x0] =	vst.idx.add.f32.msk $0xffff, v8  }
0x312: {  	v11 =	vld [tilespmem:$0x11A30];
	_ =	sdelay $0x4  }
0x313: {  	v11 =	vsub.s32 v11, v10  }
0x314: {  	v11 =	vmin.u32 v11, $0x2000;
	_ =	sdelay $0x4  }
0x315: {  	[tilespmem:v11+s19+$0x0] =	vst.idx.add.f32.msk $0xffff, v8  }
0x316: {  	v11 =	vld [tilespmem:$0x11A40];
	_ =	sdelay $0x4  }
0x317: {  	v11 =	vsub.s32 v11, v10  }
0x318: {  	v11 =	vmin.u32 v11, $0x2000;
	_ =	sdelay $0x4  }
0x319: {  	[tilespmem:v11+s19+$0x0] =	vst.idx.add.f32.msk $0xffff, v8  }
0x31a: {  	v11 =	vld [tilespmem:$0x11A50];
	_ =	sdelay $0x4  }
0x31b: {  	v11 =	vsub.s32 v11, v10  }
0x31c: {  	v11 =	vmin.u32 v11, $0x2000;
	_ =	sdelay $0x4  }
0x31d: {  	[tilespmem:v11+s19+$0x0] =	vst.idx.add.f32.msk $0xffff, v8  }
0x31e: {  	v11 =	vld [tilespmem:$0x11A60];
	_ =	sdelay $0x4  }
0x31f: {  	v11 =	vsub.s32 v11, v10  }
0x320: {  	v11 =	vmin.u32 v11, $0x2000;
	_ =	sdelay $0x4  }
0x321: {  	[tilespmem:v11+s19+$0x0] =	vst.idx.add.f32.msk $0xffff, v8  }
0x322: {  	v11 =	vld [tilespmem:$0x11A70];
	_ =	sdelay $0x4  }
0x323: {  	v11 =	vsub.s32 v11, v10  }
0x324: {  	p1 =	sne.s32 s4, $0x1;
	v11 =	vmin.u32 v11, $0x2000  }
.Ltmp24:
0x325: {  	_ = 	snop;
	(pc) =	sbr.rel @p1 .LBB2_35-.Ltmp24, $2  }
0x326: {  	_ =	sdelay $0x2  }
0x327: {  	s6 =	sadd.s32 $0x80, s6;
	s4 =	sadd.s32 $0xFFFFFFFF, s4;
	[tilespmem:v11+s19+$0x0] =	vst.idx.add.f32.msk $0xffff, v8  }
.LBB2_36:
0x328: {  	_ =	swait.ge [sflag:s21], $0x80  }
0x329: {  	[sflag:s21] =	ssyncset.done $0x0  }
0x32a: {  	[sflag:s21] =	ssyncadd.s32 $0xFFFFFF80  }
0x32b: {  	v11 =	vld [tilespmem:$0x11A80];
	_ =	sdelay $0x4  }
0x32c: {  	v11 =	vsub.s32 v11, v10  }
0x32d: {  	v11 =	vmin.u32 v11, $0x2000;
	_ =	sdelay $0x4  }
0x32e: {  	[tilespmem:v11+s19+$0x0] =	vst.idx.add.f32.msk $0xffff, v8  }
0x32f: {  	v11 =	vld [tilespmem:$0x11A90];
	_ =	sdelay $0x4  }
0x330: {  	v11 =	vsub.s32 v11, v10  }
0x331: {  	v11 =	vmin.u32 v11, $0x2000;
	_ =	sdelay $0x4  }
0x332: {  	[tilespmem:v11+s19+$0x0] =	vst.idx.add.f32.msk $0xffff, v8  }
0x333: {  	v11 =	vld [tilespmem:$0x11AA0];
	_ =	sdelay $0x4  }
0x334: {  	v11 =	vsub.s32 v11, v10  }
0x335: {  	v11 =	vmin.u32 v11, $0x2000;
	_ =	sdelay $0x4  }
0x336: {  	[tilespmem:v11+s19+$0x0] =	vst.idx.add.f32.msk $0xffff, v8  }
0x337: {  	v11 =	vld [tilespmem:$0x11AB0];
	_ =	sdelay $0x4  }
0x338: {  	v11 =	vsub.s32 v11, v10  }
0x339: {  	v11 =	vmin.u32 v11, $0x2000;
	_ =	sdelay $0x4  }
0x33a: {  	[tilespmem:v11+s19+$0x0] =	vst.idx.add.f32.msk $0xffff, v8  }
0x33b: {  	v11 =	vld [tilespmem:$0x11AC0];
	_ =	sdelay $0x4  }
0x33c: {  	v11 =	vsub.s32 v11, v10  }
0x33d: {  	v11 =	vmin.u32 v11, $0x2000;
	_ =	sdelay $0x4  }
0x33e: {  	[tilespmem:v11+s19+$0x0] =	vst.idx.add.f32.msk $0xffff, v8  }
0x33f: {  	v11 =	vld [tilespmem:$0x11AD0];
	_ =	sdelay $0x4  }
0x340: {  	v11 =	vsub.s32 v11, v10  }
0x341: {  	(v2sf) =	vpush v9, $0x5;
	v11 =	vmin.u32 v11, $0x2000;
	_ =	sdelay $0x4  }
0x342: {  	[tilespmem:v11+s19+$0x0] =	vst.idx.add.f32.msk $0xffff, v8  }
0x343: {  	v11 =	vld [tilespmem:$0x11AE0];
	_ =	sdelay $0x4  }
0x344: {  	v11 =	vsub.s32 v11, v10  }
0x345: {  	v11 =	vmin.u32 v11, $0x2000;
	_ =	sdelay $0x2  }
0x346: {  	s4 =	spop (v2sf)  }
0x347: {  	s4 =	ssub.s32 s4, s15  }
0x348: {  	s4 =	sadd.s32 $0x7F, s4;
	[tilespmem:v11+s19+$0x0] =	vst.idx.add.f32.msk $0xffff, v8  }
0x349: {  	s6 =	sand.u32 $0x7F, s4;
	v11 =	vld [tilespmem:$0x11AF0]  }
0x34a: {  	s25 =	sshra.s32 s4, $0x1F;
	p2 =	slt.s32 s4, $0x1;
	p1 =	sne.s32 s6, $0x0  }
0x34b: {  	s6 =	sshrl.u32 s25, $0x19;
	p1 =	por !p2, !p1  }
0x34c: {  	s4 =	sadd.s32 s6, s4;
	s6 =	simm.s32 $0x1;
	p1 =	por !p1, !p1  }
0x34d: {  	s4 =	sshra.s32 s4, $0x7;
	s6 =	simm.s32 @!p1 $0x0  }
0x34e: {  	s6 =	ssub.s32 s4, s6;
	v11 =	vsub.s32 v11, v10  }
0x34f: {  	p2 =	slt.s32 s6, $0x2;
	v11 =	vmin.u32 v11, $0x2000  }
.Ltmp25:
0x350: {  	_ = 	snop;
	(pc) =	sbr.rel @p2 .LBB2_39-.Ltmp25, $2  }
0x351: {  	_ =	sdelay $0x2  }
0x352: {  	s12 =	stileid.u32;
	[tilespmem:v11+s19+$0x0] =	vst.idx.add.f32.msk $0xffff, v8  }
0x353: {  	s6 =	simm.s32 $0xFFFFFFFF  }
0x354: {  	s7 =	sshll.u32 s15, $0x2;
	s6 =	simm.s32 @!p1 $0x0  }
0x355: {  	s25 =	rddreg [dreg:$0x16];
	s22 =	sshra.s32 s7, $0x2;
	s4 =	sadd.s32 s6, s4  }
0x356: {  	s6 =	sadd.s32 s22, s25;
	s4 =	sadd.s32 $0xFFFFFFFF, s4  }
.LBB2_38:
0x357: {  	[tilespmem:s28], [sflag:$0x3] =	stream.linear.gather [spmem:s6], $0x80, $0x38;
	[tilespmem:$0x1FDC8] =	vst v63  }
0x358: {  	_ =	swait.ge [sflag:s3], $0x80  }
0x359: {  	[sflag:s3] =	ssyncset.done $0x0  }
0x35a: {  	[sflag:s3] =	ssyncadd.s32 $0xFFFFFF80  }
0x35b: {  	v11 =	vld [tilespmem:$0x11A80];
	_ =	sdelay $0x4  }
0x35c: {  	v11 =	vsub.s32 v11, v10  }
0x35d: {  	v11 =	vmin.u32 v11, $0x2000;
	_ =	sdelay $0x4  }
0x35e: {  	[tilespmem:v11+s19+$0x0] =	vst.idx.add.f32.msk $0xffff, v8  }
0x35f: {  	v11 =	vld [tilespmem:$0x11A90];
	_ =	sdelay $0x4  }
0x360: {  	v11 =	vsub.s32 v11, v10  }
0x361: {  	v11 =	vmin.u32 v11, $0x2000;
	_ =	sdelay $0x4  }
0x362: {  	[tilespmem:v11+s19+$0x0] =	vst.idx.add.f32.msk $0xffff, v8  }
0x363: {  	v11 =	vld [tilespmem:$0x11AA0];
	_ =	sdelay $0x4  }
0x364: {  	v11 =	vsub.s32 v11, v10  }
0x365: {  	v11 =	vmin.u32 v11, $0x2000;
	_ =	sdelay $0x4  }
0x366: {  	[tilespmem:v11+s19+$0x0] =	vst.idx.add.f32.msk $0xffff, v8  }
0x367: {  	v11 =	vld [tilespmem:$0x11AB0];
	_ =	sdelay $0x4  }
0x368: {  	v11 =	vsub.s32 v11, v10  }
0x369: {  	v11 =	vmin.u32 v11, $0x2000;
	_ =	sdelay $0x4  }
0x36a: {  	[tilespmem:v11+s19+$0x0] =	vst.idx.add.f32.msk $0xffff, v8  }
0x36b: {  	v11 =	vld [tilespmem:$0x11AC0];
	_ =	sdelay $0x4  }
0x36c: {  	v11 =	vsub.s32 v11, v10  }
0x36d: {  	v11 =	vmin.u32 v11, $0x2000;
	_ =	sdelay $0x4  }
0x36e: {  	[tilespmem:v11+s19+$0x0] =	vst.idx.add.f32.msk $0xffff, v8  }
0x36f: {  	v11 =	vld [tilespmem:$0x11AD0];
	_ =	sdelay $0x4  }
0x370: {  	v11 =	vsub.s32 v11, v10  }
0x371: {  	v11 =	vmin.u32 v11, $0x2000;
	_ =	sdelay $0x4  }
0x372: {  	[tilespmem:v11+s19+$0x0] =	vst.idx.add.f32.msk $0xffff, v8  }
0x373: {  	v11 =	vld [tilespmem:$0x11AE0];
	_ =	sdelay $0x4  }
0x374: {  	v11 =	vsub.s32 v11, v10  }
0x375: {  	v11 =	vmin.u32 v11, $0x2000;
	_ =	sdelay $0x4  }
0x376: {  	[tilespmem:v11+s19+$0x0] =	vst.idx.add.f32.msk $0xffff, v8  }
0x377: {  	v11 =	vld [tilespmem:$0x11AF0];
	_ =	sdelay $0x4  }
0x378: {  	v11 =	vsub.s32 v11, v10  }
0x379: {  	p1 =	sne.s32 s4, $0x1;
	v11 =	vmin.u32 v11, $0x2000  }
.Ltmp26:
0x37a: {  	_ = 	snop;
	(pc) =	sbr.rel @p1 .LBB2_38-.Ltmp26, $2  }
0x37b: {  	_ =	sdelay $0x2  }
0x37c: {  	s6 =	sadd.s32 $0x80, s6;
	s4 =	sadd.s32 $0xFFFFFFFF, s4;
	[tilespmem:v11+s19+$0x0] =	vst.idx.add.f32.msk $0xffff, v8  }
.LBB2_39:
0x37d: {  	_ =	swait.ge [sflag:s21], $0x80  }
0x37e: {  	[sflag:s21] =	ssyncset.done $0x0  }
0x37f: {  	[sflag:s21] =	ssyncadd.s32 $0xFFFFFF80  }
0x380: {  	v11 =	vld [tilespmem:$0x11B00];
	_ =	sdelay $0x4  }
0x381: {  	v11 =	vsub.s32 v11, v10  }
0x382: {  	v11 =	vmin.u32 v11, $0x2000;
	_ =	sdelay $0x4  }
0x383: {  	[tilespmem:v11+s19+$0x0] =	vst.idx.add.f32.msk $0xffff, v8  }
0x384: {  	v11 =	vld [tilespmem:$0x11B10];
	_ =	sdelay $0x4  }
0x385: {  	v11 =	vsub.s32 v11, v10  }
0x386: {  	v11 =	vmin.u32 v11, $0x2000;
	_ =	sdelay $0x4  }
0x387: {  	[tilespmem:v11+s19+$0x0] =	vst.idx.add.f32.msk $0xffff, v8  }
0x388: {  	v11 =	vld [tilespmem:$0x11B20];
	_ =	sdelay $0x4  }
0x389: {  	v11 =	vsub.s32 v11, v10  }
0x38a: {  	v11 =	vmin.u32 v11, $0x2000;
	_ =	sdelay $0x4  }
0x38b: {  	[tilespmem:v11+s19+$0x0] =	vst.idx.add.f32.msk $0xffff, v8  }
0x38c: {  	v11 =	vld [tilespmem:$0x11B30];
	_ =	sdelay $0x4  }
0x38d: {  	v11 =	vsub.s32 v11, v10  }
0x38e: {  	v11 =	vmin.u32 v11, $0x2000;
	_ =	sdelay $0x4  }
0x38f: {  	[tilespmem:v11+s19+$0x0] =	vst.idx.add.f32.msk $0xffff, v8  }
0x390: {  	v11 =	vld [tilespmem:$0x11B40];
	_ =	sdelay $0x4  }
0x391: {  	v11 =	vsub.s32 v11, v10  }
0x392: {  	v11 =	vmin.u32 v11, $0x2000;
	_ =	sdelay $0x4  }
0x393: {  	[tilespmem:v11+s19+$0x0] =	vst.idx.add.f32.msk $0xffff, v8  }
0x394: {  	v11 =	vld [tilespmem:$0x11B50];
	_ =	sdelay $0x4  }
0x395: {  	v11 =	vsub.s32 v11, v10  }
0x396: {  	(v2sf) =	vpush v9, $0x6;
	v11 =	vmin.u32 v11, $0x2000;
	_ =	sdelay $0x4  }
0x397: {  	[tilespmem:v11+s19+$0x0] =	vst.idx.add.f32.msk $0xffff, v8  }
0x398: {  	v11 =	vld [tilespmem:$0x11B60];
	_ =	sdelay $0x4  }
0x399: {  	v11 =	vsub.s32 v11, v10  }
0x39a: {  	v11 =	vmin.u32 v11, $0x2000;
	_ =	sdelay $0x2  }
0x39b: {  	s4 =	spop (v2sf)  }
0x39c: {  	s4 =	ssub.s32 s4, s11  }
0x39d: {  	s4 =	sadd.s32 $0x7F, s4;
	[tilespmem:v11+s19+$0x0] =	vst.idx.add.f32.msk $0xffff, v8  }
0x39e: {  	s6 =	sand.u32 $0x7F, s4;
	v11 =	vld [tilespmem:$0x11B70]  }
0x39f: {  	s25 =	sshra.s32 s4, $0x1F;
	p2 =	slt.s32 s4, $0x1;
	p1 =	sne.s32 s6, $0x0  }
0x3a0: {  	s6 =	sshrl.u32 s25, $0x19;
	p1 =	por !p2, !p1  }
0x3a1: {  	s4 =	sadd.s32 s6, s4;
	s6 =	simm.s32 $0x1;
	p1 =	por !p1, !p1  }
0x3a2: {  	s4 =	sshra.s32 s4, $0x7;
	s6 =	simm.s32 @!p1 $0x0  }
0x3a3: {  	s6 =	ssub.s32 s4, s6;
	v11 =	vsub.s32 v11, v10  }
0x3a4: {  	p2 =	slt.s32 s6, $0x2;
	v11 =	vmin.u32 v11, $0x2000  }
.Ltmp27:
0x3a5: {  	_ = 	snop;
	(pc) =	sbr.rel @p2 .LBB2_42-.Ltmp27, $2  }
0x3a6: {  	_ =	sdelay $0x2  }
0x3a7: {  	[tilespmem:v11+s19+$0x0] =	vst.idx.add.f32.msk $0xffff, v8  }
0x3a8: {  	s6 =	simm.s32 $0xFFFFFFFF  }
0x3a9: {  	s7 =	sshll.u32 s11, $0x2;
	s6 =	simm.s32 @!p1 $0x0  }
0x3aa: {  	s25 =	rddreg [dreg:$0x17];
	s22 =	sshra.s32 s7, $0x2;
	s4 =	sadd.s32 s6, s4  }
0x3ab: {  	s6 =	sadd.s32 s22, s25;
	s4 =	sadd.s32 $0xFFFFFFFF, s4  }
.LBB2_41:
0x3ac: {  	[tilespmem:s29], [sflag:$0x3] =	stream.linear.gather [spmem:s6], $0x80, $0x38;
	[tilespmem:$0x1FDC8] =	vst v63  }
0x3ad: {  	_ =	swait.ge [sflag:s3], $0x80  }
0x3ae: {  	[sflag:s3] =	ssyncset.done $0x0  }
0x3af: {  	[sflag:s3] =	ssyncadd.s32 $0xFFFFFF80  }
0x3b0: {  	v11 =	vld [tilespmem:$0x11B00];
	_ =	sdelay $0x4  }
0x3b1: {  	v11 =	vsub.s32 v11, v10  }
0x3b2: {  	v11 =	vmin.u32 v11, $0x2000;
	_ =	sdelay $0x4  }
0x3b3: {  	[tilespmem:v11+s19+$0x0] =	vst.idx.add.f32.msk $0xffff, v8  }
0x3b4: {  	v11 =	vld [tilespmem:$0x11B10];
	_ =	sdelay $0x4  }
0x3b5: {  	v11 =	vsub.s32 v11, v10  }
0x3b6: {  	v11 =	vmin.u32 v11, $0x2000;
	_ =	sdelay $0x4  }
0x3b7: {  	[tilespmem:v11+s19+$0x0] =	vst.idx.add.f32.msk $0xffff, v8  }
0x3b8: {  	v11 =	vld [tilespmem:$0x11B20];
	_ =	sdelay $0x4  }
0x3b9: {  	v11 =	vsub.s32 v11, v10  }
0x3ba: {  	v11 =	vmin.u32 v11, $0x2000;
	_ =	sdelay $0x4  }
0x3bb: {  	[tilespmem:v11+s19+$0x0] =	vst.idx.add.f32.msk $0xffff, v8  }
0x3bc: {  	v11 =	vld [tilespmem:$0x11B30];
	_ =	sdelay $0x4  }
0x3bd: {  	v11 =	vsub.s32 v11, v10  }
0x3be: {  	v11 =	vmin.u32 v11, $0x2000;
	_ =	sdelay $0x4  }
0x3bf: {  	[tilespmem:v11+s19+$0x0] =	vst.idx.add.f32.msk $0xffff, v8  }
0x3c0: {  	v11 =	vld [tilespmem:$0x11B40];
	_ =	sdelay $0x4  }
0x3c1: {  	v11 =	vsub.s32 v11, v10  }
0x3c2: {  	v11 =	vmin.u32 v11, $0x2000;
	_ =	sdelay $0x4  }
0x3c3: {  	[tilespmem:v11+s19+$0x0] =	vst.idx.add.f32.msk $0xffff, v8  }
0x3c4: {  	v11 =	vld [tilespmem:$0x11B50];
	_ =	sdelay $0x4  }
0x3c5: {  	v11 =	vsub.s32 v11, v10  }
0x3c6: {  	v11 =	vmin.u32 v11, $0x2000;
	_ =	sdelay $0x4  }
0x3c7: {  	[tilespmem:v11+s19+$0x0] =	vst.idx.add.f32.msk $0xffff, v8  }
0x3c8: {  	v11 =	vld [tilespmem:$0x11B60];
	_ =	sdelay $0x4  }
0x3c9: {  	v11 =	vsub.s32 v11, v10  }
0x3ca: {  	v11 =	vmin.u32 v11, $0x2000;
	_ =	sdelay $0x4  }
0x3cb: {  	[tilespmem:v11+s19+$0x0] =	vst.idx.add.f32.msk $0xffff, v8  }
0x3cc: {  	v11 =	vld [tilespmem:$0x11B70];
	_ =	sdelay $0x4  }
0x3cd: {  	v11 =	vsub.s32 v11, v10  }
0x3ce: {  	p1 =	sne.s32 s4, $0x1;
	v11 =	vmin.u32 v11, $0x2000  }
.Ltmp28:
0x3cf: {  	_ = 	snop;
	(pc) =	sbr.rel @p1 .LBB2_41-.Ltmp28, $2  }
0x3d0: {  	_ =	sdelay $0x2  }
0x3d1: {  	s6 =	sadd.s32 $0x80, s6;
	s4 =	sadd.s32 $0xFFFFFFFF, s4;
	[tilespmem:v11+s19+$0x0] =	vst.idx.add.f32.msk $0xffff, v8  }
.LBB2_42:
0x3d2: {  	_ =	swait.ge [sflag:s21], $0x80  }
0x3d3: {  	[sflag:s21] =	ssyncset.done $0x0  }
0x3d4: {  	[sflag:s21] =	ssyncadd.s32 $0xFFFFFF80  }
0x3d5: {  	v11 =	vld [tilespmem:$0x11B80];
	_ =	sdelay $0x4  }
0x3d6: {  	v11 =	vsub.s32 v11, v10  }
0x3d7: {  	v11 =	vmin.u32 v11, $0x2000;
	_ =	sdelay $0x4  }
0x3d8: {  	[tilespmem:v11+s19+$0x0] =	vst.idx.add.f32.msk $0xffff, v8  }
0x3d9: {  	v11 =	vld [tilespmem:$0x11B90];
	_ =	sdelay $0x4  }
0x3da: {  	v11 =	vsub.s32 v11, v10  }
0x3db: {  	v11 =	vmin.u32 v11, $0x2000;
	_ =	sdelay $0x4  }
0x3dc: {  	[tilespmem:v11+s19+$0x0] =	vst.idx.add.f32.msk $0xffff, v8  }
0x3dd: {  	v11 =	vld [tilespmem:$0x11BA0];
	_ =	sdelay $0x4  }
0x3de: {  	v11 =	vsub.s32 v11, v10  }
0x3df: {  	v11 =	vmin.u32 v11, $0x2000;
	_ =	sdelay $0x4  }
0x3e0: {  	[tilespmem:v11+s19+$0x0] =	vst.idx.add.f32.msk $0xffff, v8  }
0x3e1: {  	v11 =	vld [tilespmem:$0x11BB0];
	_ =	sdelay $0x4  }
0x3e2: {  	v11 =	vsub.s32 v11, v10  }
0x3e3: {  	v11 =	vmin.u32 v11, $0x2000;
	_ =	sdelay $0x4  }
0x3e4: {  	[tilespmem:v11+s19+$0x0] =	vst.idx.add.f32.msk $0xffff, v8  }
0x3e5: {  	v11 =	vld [tilespmem:$0x11BC0];
	_ =	sdelay $0x4  }
0x3e6: {  	v11 =	vsub.s32 v11, v10  }
0x3e7: {  	v11 =	vmin.u32 v11, $0x2000;
	_ =	sdelay $0x4  }
0x3e8: {  	[tilespmem:v11+s19+$0x0] =	vst.idx.add.f32.msk $0xffff, v8  }
0x3e9: {  	v11 =	vld [tilespmem:$0x11BD0];
	_ =	sdelay $0x4  }
0x3ea: {  	v11 =	vsub.s32 v11, v10  }
0x3eb: {  	(v2sf) =	vpush v9, $0x7;
	v11 =	vmin.u32 v11, $0x2000;
	_ =	sdelay $0x4  }
0x3ec: {  	[tilespmem:v11+s19+$0x0] =	vst.idx.add.f32.msk $0xffff, v8  }
0x3ed: {  	v11 =	vld [tilespmem:$0x11BE0];
	_ =	sdelay $0x4  }
0x3ee: {  	v11 =	vsub.s32 v11, v10  }
0x3ef: {  	v11 =	vmin.u32 v11, $0x2000;
	_ =	sdelay $0x2  }
0x3f0: {  	s4 =	spop (v2sf)  }
0x3f1: {  	s4 =	ssub.s32 s4, s10  }
0x3f2: {  	s4 =	sadd.s32 $0x7F, s4;
	[tilespmem:v11+s19+$0x0] =	vst.idx.add.f32.msk $0xffff, v8  }
0x3f3: {  	s6 =	sand.u32 $0x7F, s4;
	v11 =	vld [tilespmem:$0x11BF0]  }
0x3f4: {  	s25 =	sshra.s32 s4, $0x1F;
	p2 =	slt.s32 s4, $0x1;
	p1 =	sne.s32 s6, $0x0  }
0x3f5: {  	s6 =	sshrl.u32 s25, $0x19;
	p1 =	por !p2, !p1  }
0x3f6: {  	s4 =	sadd.s32 s6, s4;
	s6 =	simm.s32 $0x1;
	p1 =	por !p1, !p1  }
0x3f7: {  	s4 =	sshra.s32 s4, $0x7;
	s6 =	simm.s32 @!p1 $0x0  }
0x3f8: {  	s6 =	ssub.s32 s4, s6;
	v11 =	vsub.s32 v11, v10  }
0x3f9: {  	p2 =	slt.s32 s6, $0x2;
	v11 =	vmin.u32 v11, $0x2000  }
.Ltmp29:
0x3fa: {  	_ = 	snop;
	(pc) =	sbr.rel @p2 .LBB2_45-.Ltmp29, $2  }
0x3fb: {  	_ =	sdelay $0x2  }
0x3fc: {  	[tilespmem:v11+s19+$0x0] =	vst.idx.add.f32.msk $0xffff, v8  }
0x3fd: {  	s6 =	simm.s32 $0xFFFFFFFF  }
0x3fe: {  	s7 =	sshll.u32 s10, $0x2;
	s6 =	simm.s32 @!p1 $0x0  }
0x3ff: {  	s25 =	rddreg [dreg:$0x18];
	s22 =	sshra.s32 s7, $0x2;
	s4 =	sadd.s32 s6, s4  }
0x400: {  	s6 =	sadd.s32 s22, s25;
	s4 =	sadd.s32 $0xFFFFFFFF, s4  }
.LBB2_44:
0x401: {  	[tilespmem:s30], [sflag:$0x3] =	stream.linear.gather [spmem:s6], $0x80, $0x38;
	[tilespmem:$0x1FDC8] =	vst v63  }
0x402: {  	_ =	swait.ge [sflag:s3], $0x80  }
0x403: {  	[sflag:s3] =	ssyncset.done $0x0  }
0x404: {  	[sflag:s3] =	ssyncadd.s32 $0xFFFFFF80  }
0x405: {  	v11 =	vld [tilespmem:$0x11B80];
	_ =	sdelay $0x4  }
0x406: {  	v11 =	vsub.s32 v11, v10  }
0x407: {  	v11 =	vmin.u32 v11, $0x2000;
	_ =	sdelay $0x4  }
0x408: {  	[tilespmem:v11+s19+$0x0] =	vst.idx.add.f32.msk $0xffff, v8  }
0x409: {  	v11 =	vld [tilespmem:$0x11B90];
	_ =	sdelay $0x4  }
0x40a: {  	v11 =	vsub.s32 v11, v10  }
0x40b: {  	v11 =	vmin.u32 v11, $0x2000;
	_ =	sdelay $0x4  }
0x40c: {  	[tilespmem:v11+s19+$0x0] =	vst.idx.add.f32.msk $0xffff, v8  }
0x40d: {  	v11 =	vld [tilespmem:$0x11BA0];
	_ =	sdelay $0x4  }
0x40e: {  	v11 =	vsub.s32 v11, v10  }
0x40f: {  	v11 =	vmin.u32 v11, $0x2000;
	_ =	sdelay $0x4  }
0x410: {  	[tilespmem:v11+s19+$0x0] =	vst.idx.add.f32.msk $0xffff, v8  }
0x411: {  	v11 =	vld [tilespmem:$0x11BB0];
	_ =	sdelay $0x4  }
0x412: {  	v11 =	vsub.s32 v11, v10  }
0x413: {  	v11 =	vmin.u32 v11, $0x2000;
	_ =	sdelay $0x4  }
0x414: {  	[tilespmem:v11+s19+$0x0] =	vst.idx.add.f32.msk $0xffff, v8  }
0x415: {  	v11 =	vld [tilespmem:$0x11BC0];
	_ =	sdelay $0x4  }
0x416: {  	v11 =	vsub.s32 v11, v10  }
0x417: {  	v11 =	vmin.u32 v11, $0x2000;
	_ =	sdelay $0x4  }
0x418: {  	[tilespmem:v11+s19+$0x0] =	vst.idx.add.f32.msk $0xffff, v8  }
0x419: {  	v11 =	vld [tilespmem:$0x11BD0];
	_ =	sdelay $0x4  }
0x41a: {  	v11 =	vsub.s32 v11, v10  }
0x41b: {  	v11 =	vmin.u32 v11, $0x2000;
	_ =	sdelay $0x4  }
0x41c: {  	[tilespmem:v11+s19+$0x0] =	vst.idx.add.f32.msk $0xffff, v8  }
0x41d: {  	v11 =	vld [tilespmem:$0x11BE0];
	_ =	sdelay $0x4  }
0x41e: {  	v11 =	vsub.s32 v11, v10  }
0x41f: {  	v11 =	vmin.u32 v11, $0x2000;
	_ =	sdelay $0x4  }
0x420: {  	[tilespmem:v11+s19+$0x0] =	vst.idx.add.f32.msk $0xffff, v8  }
0x421: {  	v11 =	vld [tilespmem:$0x11BF0];
	_ =	sdelay $0x4  }
0x422: {  	v11 =	vsub.s32 v11, v10  }
0x423: {  	p1 =	sne.s32 s4, $0x1;
	v11 =	vmin.u32 v11, $0x2000  }
.Ltmp30:
0x424: {  	_ = 	snop;
	(pc) =	sbr.rel @p1 .LBB2_44-.Ltmp30, $2  }
0x425: {  	_ =	sdelay $0x2  }
0x426: {  	s6 =	sadd.s32 $0x80, s6;
	s4 =	sadd.s32 $0xFFFFFFFF, s4;
	[tilespmem:v11+s19+$0x0] =	vst.idx.add.f32.msk $0xffff, v8  }
.LBB2_45:
0x427: {  	_ =	swait.ge [sflag:s21], $0x80  }
0x428: {  	[sflag:s21] =	ssyncset.done $0x0  }
0x429: {  	[sflag:s21] =	ssyncadd.s32 $0xFFFFFF80  }
0x42a: {  	v11 =	vld [tilespmem:$0x11C00];
	_ =	sdelay $0x4  }
0x42b: {  	v11 =	vsub.s32 v11, v10  }
0x42c: {  	v11 =	vmin.u32 v11, $0x2000;
	_ =	sdelay $0x4  }
0x42d: {  	[tilespmem:v11+s19+$0x0] =	vst.idx.add.f32.msk $0xffff, v8  }
0x42e: {  	v11 =	vld [tilespmem:$0x11C10];
	_ =	sdelay $0x4  }
0x42f: {  	v11 =	vsub.s32 v11, v10  }
0x430: {  	v11 =	vmin.u32 v11, $0x2000;
	_ =	sdelay $0x4  }
0x431: {  	[tilespmem:v11+s19+$0x0] =	vst.idx.add.f32.msk $0xffff, v8  }
0x432: {  	v11 =	vld [tilespmem:$0x11C20];
	_ =	sdelay $0x4  }
0x433: {  	v11 =	vsub.s32 v11, v10  }
0x434: {  	v11 =	vmin.u32 v11, $0x2000;
	_ =	sdelay $0x4  }
0x435: {  	[tilespmem:v11+s19+$0x0] =	vst.idx.add.f32.msk $0xffff, v8  }
0x436: {  	v11 =	vld [tilespmem:$0x11C30];
	_ =	sdelay $0x4  }
0x437: {  	v11 =	vsub.s32 v11, v10  }
0x438: {  	v11 =	vmin.u32 v11, $0x2000;
	_ =	sdelay $0x4  }
0x439: {  	[tilespmem:v11+s19+$0x0] =	vst.idx.add.f32.msk $0xffff, v8  }
0x43a: {  	v11 =	vld [tilespmem:$0x11C40];
	_ =	sdelay $0x4  }
0x43b: {  	v11 =	vsub.s32 v11, v10  }
0x43c: {  	v11 =	vmin.u32 v11, $0x2000;
	_ =	sdelay $0x4  }
0x43d: {  	[tilespmem:v11+s19+$0x0] =	vst.idx.add.f32.msk $0xffff, v8  }
0x43e: {  	v11 =	vld [tilespmem:$0x11C50];
	_ =	sdelay $0x4  }
0x43f: {  	v11 =	vsub.s32 v11, v10  }
0x440: {  	(v2sf) =	vpush v9, $0x8;
	v11 =	vmin.u32 v11, $0x2000;
	_ =	sdelay $0x4  }
0x441: {  	[tilespmem:v11+s19+$0x0] =	vst.idx.add.f32.msk $0xffff, v8  }
0x442: {  	v11 =	vld [tilespmem:$0x11C60];
	_ =	sdelay $0x4  }
0x443: {  	v11 =	vsub.s32 v11, v10  }
0x444: {  	v11 =	vmin.u32 v11, $0x2000  }
0x445: {  	s7 =	sld [smem:$0x7F2];
	_ =	sdelay $0x1  }
0x446: {  	s4 =	spop (v2sf)  }
0x447: {  	s4 =	ssub.s32 s4, s7  }
0x448: {  	s4 =	sadd.s32 $0x7F, s4;
	[tilespmem:v11+s19+$0x0] =	vst.idx.add.f32.msk $0xffff, v8  }
0x449: {  	s6 =	sand.u32 $0x7F, s4;
	v11 =	vld [tilespmem:$0x11C70]  }
0x44a: {  	s25 =	sshra.s32 s4, $0x1F;
	p2 =	slt.s32 s4, $0x1;
	p1 =	sne.s32 s6, $0x0  }
0x44b: {  	s6 =	sshrl.u32 s25, $0x19;
	p1 =	por !p2, !p1  }
0x44c: {  	s4 =	sadd.s32 s6, s4;
	s6 =	simm.s32 $0x1;
	p1 =	por !p1, !p1  }
0x44d: {  	s4 =	sshra.s32 s4, $0x7;
	s6 =	simm.s32 @!p1 $0x0  }
0x44e: {  	s6 =	ssub.s32 s4, s6;
	v11 =	vsub.s32 v11, v10  }
0x44f: {  	p2 =	slt.s32 s6, $0x2;
	v11 =	vmin.u32 v11, $0x2000  }
.Ltmp31:
0x450: {  	_ = 	snop;
	(pc) =	sbr.rel @p2 .LBB2_48-.Ltmp31, $2  }
0x451: {  	_ =	sdelay $0x2  }
0x452: {  	[tilespmem:v11+s19+$0x0] =	vst.idx.add.f32.msk $0xffff, v8  }
0x453: {  	s6 =	simm.s32 $0xFFFFFFFF  }
0x454: {  	s7 =	sshll.u32 s7, $0x2;
	s6 =	simm.s32 @!p1 $0x0  }
0x455: {  	s25 =	rddreg [dreg:$0x19];
	s22 =	sshra.s32 s7, $0x2;
	s4 =	sadd.s32 s6, s4  }
0x456: {  	s6 =	sadd.s32 s22, s25;
	s4 =	sadd.s32 $0xFFFFFFFF, s4  }
.LBB2_47:
0x457: {  	[tilespmem:s31], [sflag:$0x3] =	stream.linear.gather [spmem:s6], $0x80, $0x38;
	[tilespmem:$0x1FDC8] =	vst v63  }
0x458: {  	_ =	swait.ge [sflag:s3], $0x80  }
0x459: {  	[sflag:s3] =	ssyncset.done $0x0  }
0x45a: {  	[sflag:s3] =	ssyncadd.s32 $0xFFFFFF80  }
0x45b: {  	v11 =	vld [tilespmem:$0x11C00];
	_ =	sdelay $0x4  }
0x45c: {  	v11 =	vsub.s32 v11, v10  }
0x45d: {  	v11 =	vmin.u32 v11, $0x2000;
	_ =	sdelay $0x4  }
0x45e: {  	[tilespmem:v11+s19+$0x0] =	vst.idx.add.f32.msk $0xffff, v8  }
0x45f: {  	v11 =	vld [tilespmem:$0x11C10];
	_ =	sdelay $0x4  }
0x460: {  	v11 =	vsub.s32 v11, v10  }
0x461: {  	v11 =	vmin.u32 v11, $0x2000;
	_ =	sdelay $0x4  }
0x462: {  	[tilespmem:v11+s19+$0x0] =	vst.idx.add.f32.msk $0xffff, v8  }
0x463: {  	v11 =	vld [tilespmem:$0x11C20];
	_ =	sdelay $0x4  }
0x464: {  	v11 =	vsub.s32 v11, v10  }
0x465: {  	v11 =	vmin.u32 v11, $0x2000;
	_ =	sdelay $0x4  }
0x466: {  	[tilespmem:v11+s19+$0x0] =	vst.idx.add.f32.msk $0xffff, v8  }
0x467: {  	v11 =	vld [tilespmem:$0x11C30];
	_ =	sdelay $0x4  }
0x468: {  	v11 =	vsub.s32 v11, v10  }
0x469: {  	v11 =	vmin.u32 v11, $0x2000;
	_ =	sdelay $0x4  }
0x46a: {  	[tilespmem:v11+s19+$0x0] =	vst.idx.add.f32.msk $0xffff, v8  }
0x46b: {  	v11 =	vld [tilespmem:$0x11C40];
	_ =	sdelay $0x4  }
0x46c: {  	v11 =	vsub.s32 v11, v10  }
0x46d: {  	v11 =	vmin.u32 v11, $0x2000;
	_ =	sdelay $0x4  }
0x46e: {  	[tilespmem:v11+s19+$0x0] =	vst.idx.add.f32.msk $0xffff, v8  }
0x46f: {  	v11 =	vld [tilespmem:$0x11C50];
	_ =	sdelay $0x4  }
0x470: {  	v11 =	vsub.s32 v11, v10  }
0x471: {  	v11 =	vmin.u32 v11, $0x2000;
	_ =	sdelay $0x4  }
0x472: {  	[tilespmem:v11+s19+$0x0] =	vst.idx.add.f32.msk $0xffff, v8  }
0x473: {  	v11 =	vld [tilespmem:$0x11C60];
	_ =	sdelay $0x4  }
0x474: {  	v11 =	vsub.s32 v11, v10  }
0x475: {  	v11 =	vmin.u32 v11, $0x2000;
	_ =	sdelay $0x4  }
0x476: {  	[tilespmem:v11+s19+$0x0] =	vst.idx.add.f32.msk $0xffff, v8  }
0x477: {  	v11 =	vld [tilespmem:$0x11C70];
	_ =	sdelay $0x4  }
0x478: {  	v11 =	vsub.s32 v11, v10  }
0x479: {  	p1 =	sne.s32 s4, $0x1;
	v11 =	vmin.u32 v11, $0x2000  }
.Ltmp32:
0x47a: {  	_ = 	snop;
	(pc) =	sbr.rel @p1 .LBB2_47-.Ltmp32, $2  }
0x47b: {  	_ =	sdelay $0x2  }
0x47c: {  	s6 =	sadd.s32 $0x80, s6;
	s4 =	sadd.s32 $0xFFFFFFFF, s4;
	[tilespmem:v11+s19+$0x0] =	vst.idx.add.f32.msk $0xffff, v8  }
.LBB2_48:
0x47d: {  	_ =	swait.ge [sflag:s21], $0x80  }
0x47e: {  	[sflag:s21] =	ssyncset.done $0x0  }
0x47f: {  	[sflag:s21] =	ssyncadd.s32 $0xFFFFFF80  }
0x480: {  	v11 =	vld [tilespmem:$0x11C80];
	_ =	sdelay $0x4  }
0x481: {  	v11 =	vsub.s32 v11, v10  }
0x482: {  	v11 =	vmin.u32 v11, $0x2000;
	_ =	sdelay $0x4  }
0x483: {  	[tilespmem:v11+s19+$0x0] =	vst.idx.add.f32.msk $0xffff, v8  }
0x484: {  	v11 =	vld [tilespmem:$0x11C90];
	_ =	sdelay $0x4  }
0x485: {  	v11 =	vsub.s32 v11, v10  }
0x486: {  	v11 =	vmin.u32 v11, $0x2000;
	_ =	sdelay $0x4  }
0x487: {  	[tilespmem:v11+s19+$0x0] =	vst.idx.add.f32.msk $0xffff, v8  }
0x488: {  	v11 =	vld [tilespmem:$0x11CA0];
	_ =	sdelay $0x4  }
0x489: {  	v11 =	vsub.s32 v11, v10  }
0x48a: {  	v11 =	vmin.u32 v11, $0x2000;
	_ =	sdelay $0x4  }
0x48b: {  	[tilespmem:v11+s19+$0x0] =	vst.idx.add.f32.msk $0xffff, v8  }
0x48c: {  	v11 =	vld [tilespmem:$0x11CB0];
	_ =	sdelay $0x4  }
0x48d: {  	v11 =	vsub.s32 v11, v10  }
0x48e: {  	v11 =	vmin.u32 v11, $0x2000;
	_ =	sdelay $0x4  }
0x48f: {  	[tilespmem:v11+s19+$0x0] =	vst.idx.add.f32.msk $0xffff, v8  }
0x490: {  	v11 =	vld [tilespmem:$0x11CC0];
	_ =	sdelay $0x4  }
0x491: {  	v11 =	vsub.s32 v11, v10  }
0x492: {  	v11 =	vmin.u32 v11, $0x2000;
	_ =	sdelay $0x4  }
0x493: {  	[tilespmem:v11+s19+$0x0] =	vst.idx.add.f32.msk $0xffff, v8  }
0x494: {  	v11 =	vld [tilespmem:$0x11CD0];
	_ =	sdelay $0x4  }
0x495: {  	v11 =	vsub.s32 v11, v10  }
0x496: {  	(v2sf) =	vpush v9, $0x9;
	v11 =	vmin.u32 v11, $0x2000;
	_ =	sdelay $0x4  }
0x497: {  	[tilespmem:v11+s19+$0x0] =	vst.idx.add.f32.msk $0xffff, v8  }
0x498: {  	v11 =	vld [tilespmem:$0x11CE0];
	_ =	sdelay $0x4  }
0x499: {  	v11 =	vsub.s32 v11, v10  }
0x49a: {  	v11 =	vmin.u32 v11, $0x2000  }
0x49b: {  	s7 =	sld [smem:$0x7F3];
	_ =	sdelay $0x1  }
0x49c: {  	s4 =	spop (v2sf)  }
0x49d: {  	s4 =	ssub.s32 s4, s7  }
0x49e: {  	s4 =	sadd.s32 $0x7F, s4;
	[tilespmem:v11+s19+$0x0] =	vst.idx.add.f32.msk $0xffff, v8  }
0x49f: {  	s6 =	sand.u32 $0x7F, s4;
	v11 =	vld [tilespmem:$0x11CF0]  }
0x4a0: {  	s25 =	sshra.s32 s4, $0x1F;
	p2 =	slt.s32 s4, $0x1;
	p1 =	sne.s32 s6, $0x0  }
0x4a1: {  	s6 =	sshrl.u32 s25, $0x19;
	p1 =	por !p2, !p1  }
0x4a2: {  	s4 =	sadd.s32 s6, s4;
	s6 =	simm.s32 $0x1;
	p1 =	por !p1, !p1  }
0x4a3: {  	s4 =	sshra.s32 s4, $0x7;
	s6 =	simm.s32 @!p1 $0x0  }
0x4a4: {  	s6 =	ssub.s32 s4, s6;
	v11 =	vsub.s32 v11, v10  }
0x4a5: {  	p2 =	slt.s32 s6, $0x2;
	v11 =	vmin.u32 v11, $0x2000  }
.Ltmp33:
0x4a6: {  	_ = 	snop;
	(pc) =	sbr.rel @p2 .LBB2_51-.Ltmp33, $2  }
0x4a7: {  	_ =	sdelay $0x2  }
0x4a8: {  	[tilespmem:v11+s19+$0x0] =	vst.idx.add.f32.msk $0xffff, v8  }
0x4a9: {  	s6 =	simm.s32 $0xFFFFFFFF  }
0x4aa: {  	s7 =	sshll.u32 s7, $0x2;
	s6 =	simm.s32 @!p1 $0x0  }
0x4ab: {  	s25 =	rddreg [dreg:$0x1a];
	s22 =	sshra.s32 s7, $0x2;
	s4 =	sadd.s32 s6, s4  }
0x4ac: {  	s6 =	sadd.s32 s22, s25;
	s4 =	sadd.s32 $0xFFFFFFFF, s4  }
.LBB2_50:
0x4ad: {  	[tilespmem:s0], [sflag:$0x3] =	stream.linear.gather [spmem:s6], $0x80, $0x38;
	[tilespmem:$0x1FDC8] =	vst v63  }
0x4ae: {  	_ =	swait.ge [sflag:s3], $0x80  }
0x4af: {  	[sflag:s3] =	ssyncset.done $0x0  }
0x4b0: {  	[sflag:s3] =	ssyncadd.s32 $0xFFFFFF80  }
0x4b1: {  	v11 =	vld [tilespmem:$0x11C80];
	_ =	sdelay $0x4  }
0x4b2: {  	v11 =	vsub.s32 v11, v10  }
0x4b3: {  	v11 =	vmin.u32 v11, $0x2000;
	_ =	sdelay $0x4  }
0x4b4: {  	[tilespmem:v11+s19+$0x0] =	vst.idx.add.f32.msk $0xffff, v8  }
0x4b5: {  	v11 =	vld [tilespmem:$0x11C90];
	_ =	sdelay $0x4  }
0x4b6: {  	v11 =	vsub.s32 v11, v10  }
0x4b7: {  	v11 =	vmin.u32 v11, $0x2000;
	_ =	sdelay $0x4  }
0x4b8: {  	[tilespmem:v11+s19+$0x0] =	vst.idx.add.f32.msk $0xffff, v8  }
0x4b9: {  	v11 =	vld [tilespmem:$0x11CA0];
	_ =	sdelay $0x4  }
0x4ba: {  	v11 =	vsub.s32 v11, v10  }
0x4bb: {  	v11 =	vmin.u32 v11, $0x2000;
	_ =	sdelay $0x4  }
0x4bc: {  	[tilespmem:v11+s19+$0x0] =	vst.idx.add.f32.msk $0xffff, v8  }
0x4bd: {  	v11 =	vld [tilespmem:$0x11CB0];
	_ =	sdelay $0x4  }
0x4be: {  	v11 =	vsub.s32 v11, v10  }
0x4bf: {  	v11 =	vmin.u32 v11, $0x2000;
	_ =	sdelay $0x4  }
0x4c0: {  	[tilespmem:v11+s19+$0x0] =	vst.idx.add.f32.msk $0xffff, v8  }
0x4c1: {  	v11 =	vld [tilespmem:$0x11CC0];
	_ =	sdelay $0x4  }
0x4c2: {  	v11 =	vsub.s32 v11, v10  }
0x4c3: {  	v11 =	vmin.u32 v11, $0x2000;
	_ =	sdelay $0x4  }
0x4c4: {  	[tilespmem:v11+s19+$0x0] =	vst.idx.add.f32.msk $0xffff, v8  }
0x4c5: {  	v11 =	vld [tilespmem:$0x11CD0];
	_ =	sdelay $0x4  }
0x4c6: {  	v11 =	vsub.s32 v11, v10  }
0x4c7: {  	v11 =	vmin.u32 v11, $0x2000;
	_ =	sdelay $0x4  }
0x4c8: {  	[tilespmem:v11+s19+$0x0] =	vst.idx.add.f32.msk $0xffff, v8  }
0x4c9: {  	v11 =	vld [tilespmem:$0x11CE0];
	_ =	sdelay $0x4  }
0x4ca: {  	v11 =	vsub.s32 v11, v10  }
0x4cb: {  	v11 =	vmin.u32 v11, $0x2000;
	_ =	sdelay $0x4  }
0x4cc: {  	[tilespmem:v11+s19+$0x0] =	vst.idx.add.f32.msk $0xffff, v8  }
0x4cd: {  	v11 =	vld [tilespmem:$0x11CF0];
	_ =	sdelay $0x4  }
0x4ce: {  	v11 =	vsub.s32 v11, v10  }
0x4cf: {  	p1 =	sne.s32 s4, $0x1;
	v11 =	vmin.u32 v11, $0x2000  }
.Ltmp34:
0x4d0: {  	_ = 	snop;
	(pc) =	sbr.rel @p1 .LBB2_50-.Ltmp34, $2  }
0x4d1: {  	_ =	sdelay $0x2  }
0x4d2: {  	s6 =	sadd.s32 $0x80, s6;
	s4 =	sadd.s32 $0xFFFFFFFF, s4;
	[tilespmem:v11+s19+$0x0] =	vst.idx.add.f32.msk $0xffff, v8  }
.LBB2_51:
0x4d3: {  	_ =	swait.ge [sflag:s21], $0x80  }
0x4d4: {  	[sflag:s21] =	ssyncset.done $0x0  }
0x4d5: {  	[sflag:s21] =	ssyncadd.s32 $0xFFFFFF80  }
0x4d6: {  	v11 =	vld [tilespmem:$0x11D00];
	_ =	sdelay $0x4  }
0x4d7: {  	v11 =	vsub.s32 v11, v10  }
0x4d8: {  	v11 =	vmin.u32 v11, $0x2000;
	_ =	sdelay $0x4  }
0x4d9: {  	[tilespmem:v11+s19+$0x0] =	vst.idx.add.f32.msk $0xffff, v8  }
0x4da: {  	v11 =	vld [tilespmem:$0x11D10];
	_ =	sdelay $0x4  }
0x4db: {  	v11 =	vsub.s32 v11, v10  }
0x4dc: {  	v11 =	vmin.u32 v11, $0x2000;
	_ =	sdelay $0x4  }
0x4dd: {  	[tilespmem:v11+s19+$0x0] =	vst.idx.add.f32.msk $0xffff, v8  }
0x4de: {  	v11 =	vld [tilespmem:$0x11D20];
	_ =	sdelay $0x4  }
0x4df: {  	v11 =	vsub.s32 v11, v10  }
0x4e0: {  	v11 =	vmin.u32 v11, $0x2000;
	_ =	sdelay $0x4  }
0x4e1: {  	[tilespmem:v11+s19+$0x0] =	vst.idx.add.f32.msk $0xffff, v8  }
0x4e2: {  	v11 =	vld [tilespmem:$0x11D30];
	_ =	sdelay $0x4  }
0x4e3: {  	v11 =	vsub.s32 v11, v10  }
0x4e4: {  	v11 =	vmin.u32 v11, $0x2000;
	_ =	sdelay $0x4  }
0x4e5: {  	[tilespmem:v11+s19+$0x0] =	vst.idx.add.f32.msk $0xffff, v8  }
0x4e6: {  	v11 =	vld [tilespmem:$0x11D40];
	_ =	sdelay $0x4  }
0x4e7: {  	v11 =	vsub.s32 v11, v10  }
0x4e8: {  	v11 =	vmin.u32 v11, $0x2000;
	_ =	sdelay $0x4  }
0x4e9: {  	[tilespmem:v11+s19+$0x0] =	vst.idx.add.f32.msk $0xffff, v8  }
0x4ea: {  	v11 =	vld [tilespmem:$0x11D50];
	_ =	sdelay $0x4  }
0x4eb: {  	v11 =	vsub.s32 v11, v10  }
0x4ec: {  	(v2sf) =	vpush v9, $0xA;
	v11 =	vmin.u32 v11, $0x2000;
	_ =	sdelay $0x4  }
0x4ed: {  	[tilespmem:v11+s19+$0x0] =	vst.idx.add.f32.msk $0xffff, v8  }
0x4ee: {  	v11 =	vld [tilespmem:$0x11D60];
	_ =	sdelay $0x4  }
0x4ef: {  	v11 =	vsub.s32 v11, v10  }
0x4f0: {  	v11 =	vmin.u32 v11, $0x2000  }
0x4f1: {  	s7 =	sld [smem:$0x7F4];
	_ =	sdelay $0x1  }
0x4f2: {  	s4 =	spop (v2sf)  }
0x4f3: {  	s4 =	ssub.s32 s4, s7  }
0x4f4: {  	s4 =	sadd.s32 $0x7F, s4;
	[tilespmem:v11+s19+$0x0] =	vst.idx.add.f32.msk $0xffff, v8  }
0x4f5: {  	s6 =	sand.u32 $0x7F, s4;
	v11 =	vld [tilespmem:$0x11D70]  }
0x4f6: {  	s25 =	sshra.s32 s4, $0x1F;
	p2 =	slt.s32 s4, $0x1;
	p1 =	sne.s32 s6, $0x0  }
0x4f7: {  	s6 =	sshrl.u32 s25, $0x19;
	p1 =	por !p2, !p1  }
0x4f8: {  	s4 =	sadd.s32 s6, s4;
	s6 =	simm.s32 $0x1;
	p1 =	por !p1, !p1  }
0x4f9: {  	s4 =	sshra.s32 s4, $0x7;
	s6 =	simm.s32 @!p1 $0x0  }
0x4fa: {  	s6 =	ssub.s32 s4, s6;
	v11 =	vsub.s32 v11, v10  }
0x4fb: {  	p2 =	slt.s32 s6, $0x2;
	v11 =	vmin.u32 v11, $0x2000  }
.Ltmp35:
0x4fc: {  	_ = 	snop;
	(pc) =	sbr.rel @p2 .LBB2_54-.Ltmp35, $2  }
0x4fd: {  	_ =	sdelay $0x2  }
0x4fe: {  	[tilespmem:v11+s19+$0x0] =	vst.idx.add.f32.msk $0xffff, v8  }
0x4ff: {  	s6 =	simm.s32 $0xFFFFFFFF  }
0x500: {  	s7 =	sshll.u32 s7, $0x2;
	s6 =	simm.s32 @!p1 $0x0  }
0x501: {  	s25 =	rddreg [dreg:$0x1b];
	s22 =	sshra.s32 s7, $0x2;
	s4 =	sadd.s32 s6, s4  }
0x502: {  	s6 =	sadd.s32 s22, s25;
	s4 =	sadd.s32 $0xFFFFFFFF, s4  }
.LBB2_53:
0x503: {  	[tilespmem:s8], [sflag:$0x3] =	stream.linear.gather [spmem:s6], $0x80, $0x38;
	[tilespmem:$0x1FDC8] =	vst v63  }
0x504: {  	_ =	swait.ge [sflag:s3], $0x80  }
0x505: {  	[sflag:s3] =	ssyncset.done $0x0  }
0x506: {  	[sflag:s3] =	ssyncadd.s32 $0xFFFFFF80  }
0x507: {  	v11 =	vld [tilespmem:$0x11D00];
	_ =	sdelay $0x4  }
0x508: {  	v11 =	vsub.s32 v11, v10  }
0x509: {  	v11 =	vmin.u32 v11, $0x2000;
	_ =	sdelay $0x4  }
0x50a: {  	[tilespmem:v11+s19+$0x0] =	vst.idx.add.f32.msk $0xffff, v8  }
0x50b: {  	v11 =	vld [tilespmem:$0x11D10];
	_ =	sdelay $0x4  }
0x50c: {  	v11 =	vsub.s32 v11, v10  }
0x50d: {  	v11 =	vmin.u32 v11, $0x2000;
	_ =	sdelay $0x4  }
0x50e: {  	[tilespmem:v11+s19+$0x0] =	vst.idx.add.f32.msk $0xffff, v8  }
0x50f: {  	v11 =	vld [tilespmem:$0x11D20];
	_ =	sdelay $0x4  }
0x510: {  	v11 =	vsub.s32 v11, v10  }
0x511: {  	v11 =	vmin.u32 v11, $0x2000;
	_ =	sdelay $0x4  }
0x512: {  	[tilespmem:v11+s19+$0x0] =	vst.idx.add.f32.msk $0xffff, v8  }
0x513: {  	v11 =	vld [tilespmem:$0x11D30];
	_ =	sdelay $0x4  }
0x514: {  	v11 =	vsub.s32 v11, v10  }
0x515: {  	v11 =	vmin.u32 v11, $0x2000;
	_ =	sdelay $0x4  }
0x516: {  	[tilespmem:v11+s19+$0x0] =	vst.idx.add.f32.msk $0xffff, v8  }
0x517: {  	v11 =	vld [tilespmem:$0x11D40];
	_ =	sdelay $0x4  }
0x518: {  	v11 =	vsub.s32 v11, v10  }
0x519: {  	v11 =	vmin.u32 v11, $0x2000;
	_ =	sdelay $0x4  }
0x51a: {  	[tilespmem:v11+s19+$0x0] =	vst.idx.add.f32.msk $0xffff, v8  }
0x51b: {  	v11 =	vld [tilespmem:$0x11D50];
	_ =	sdelay $0x4  }
0x51c: {  	v11 =	vsub.s32 v11, v10  }
0x51d: {  	v11 =	vmin.u32 v11, $0x2000;
	_ =	sdelay $0x4  }
0x51e: {  	[tilespmem:v11+s19+$0x0] =	vst.idx.add.f32.msk $0xffff, v8  }
0x51f: {  	v11 =	vld [tilespmem:$0x11D60];
	_ =	sdelay $0x4  }
0x520: {  	v11 =	vsub.s32 v11, v10  }
0x521: {  	v11 =	vmin.u32 v11, $0x2000;
	_ =	sdelay $0x4  }
0x522: {  	[tilespmem:v11+s19+$0x0] =	vst.idx.add.f32.msk $0xffff, v8  }
0x523: {  	v11 =	vld [tilespmem:$0x11D70];
	_ =	sdelay $0x4  }
0x524: {  	v11 =	vsub.s32 v11, v10  }
0x525: {  	p1 =	sne.s32 s4, $0x1;
	v11 =	vmin.u32 v11, $0x2000  }
.Ltmp36:
0x526: {  	_ = 	snop;
	(pc) =	sbr.rel @p1 .LBB2_53-.Ltmp36, $2  }
0x527: {  	_ =	sdelay $0x2  }
0x528: {  	s6 =	sadd.s32 $0x80, s6;
	s4 =	sadd.s32 $0xFFFFFFFF, s4;
	[tilespmem:v11+s19+$0x0] =	vst.idx.add.f32.msk $0xffff, v8  }
.LBB2_54:
0x529: {  	_ =	swait.ge [sflag:s21], $0x80  }
0x52a: {  	[sflag:s21] =	ssyncset.done $0x0  }
0x52b: {  	[sflag:s21] =	ssyncadd.s32 $0xFFFFFF80  }
0x52c: {  	v11 =	vld [tilespmem:$0x11D80];
	_ =	sdelay $0x4  }
0x52d: {  	v11 =	vsub.s32 v11, v10  }
0x52e: {  	v11 =	vmin.u32 v11, $0x2000;
	_ =	sdelay $0x4  }
0x52f: {  	[tilespmem:v11+s19+$0x0] =	vst.idx.add.f32.msk $0xffff, v8  }
0x530: {  	v11 =	vld [tilespmem:$0x11D90];
	_ =	sdelay $0x4  }
0x531: {  	v11 =	vsub.s32 v11, v10  }
0x532: {  	v11 =	vmin.u32 v11, $0x2000;
	_ =	sdelay $0x4  }
0x533: {  	[tilespmem:v11+s19+$0x0] =	vst.idx.add.f32.msk $0xffff, v8  }
0x534: {  	v11 =	vld [tilespmem:$0x11DA0];
	_ =	sdelay $0x4  }
0x535: {  	v11 =	vsub.s32 v11, v10  }
0x536: {  	v11 =	vmin.u32 v11, $0x2000;
	_ =	sdelay $0x4  }
0x537: {  	[tilespmem:v11+s19+$0x0] =	vst.idx.add.f32.msk $0xffff, v8  }
0x538: {  	v11 =	vld [tilespmem:$0x11DB0];
	_ =	sdelay $0x4  }
0x539: {  	v11 =	vsub.s32 v11, v10  }
0x53a: {  	v11 =	vmin.u32 v11, $0x2000;
	_ =	sdelay $0x4  }
0x53b: {  	[tilespmem:v11+s19+$0x0] =	vst.idx.add.f32.msk $0xffff, v8  }
0x53c: {  	v11 =	vld [tilespmem:$0x11DC0];
	_ =	sdelay $0x4  }
0x53d: {  	v11 =	vsub.s32 v11, v10  }
0x53e: {  	v11 =	vmin.u32 v11, $0x2000;
	_ =	sdelay $0x4  }
0x53f: {  	[tilespmem:v11+s19+$0x0] =	vst.idx.add.f32.msk $0xffff, v8  }
0x540: {  	v11 =	vld [tilespmem:$0x11DD0];
	_ =	sdelay $0x4  }
0x541: {  	v11 =	vsub.s32 v11, v10  }
0x542: {  	(v2sf) =	vpush v9, $0xB;
	v11 =	vmin.u32 v11, $0x2000;
	_ =	sdelay $0x4  }
0x543: {  	[tilespmem:v11+s19+$0x0] =	vst.idx.add.f32.msk $0xffff, v8  }
0x544: {  	v11 =	vld [tilespmem:$0x11DE0];
	_ =	sdelay $0x4  }
0x545: {  	v11 =	vsub.s32 v11, v10  }
0x546: {  	v11 =	vmin.u32 v11, $0x2000  }
0x547: {  	s7 =	sld [smem:$0x7F5];
	_ =	sdelay $0x1  }
0x548: {  	s4 =	spop (v2sf)  }
0x549: {  	s4 =	ssub.s32 s4, s7  }
0x54a: {  	s4 =	sadd.s32 $0x7F, s4;
	[tilespmem:v11+s19+$0x0] =	vst.idx.add.f32.msk $0xffff, v8  }
0x54b: {  	s6 =	sand.u32 $0x7F, s4;
	v11 =	vld [tilespmem:$0x11DF0]  }
0x54c: {  	s25 =	sshra.s32 s4, $0x1F;
	p2 =	slt.s32 s4, $0x1;
	p1 =	sne.s32 s6, $0x0  }
0x54d: {  	s6 =	sshrl.u32 s25, $0x19;
	p1 =	por !p2, !p1  }
0x54e: {  	s4 =	sadd.s32 s6, s4;
	s6 =	simm.s32 $0x1;
	p1 =	por !p1, !p1  }
0x54f: {  	s4 =	sshra.s32 s4, $0x7;
	s6 =	simm.s32 @!p1 $0x0  }
0x550: {  	s6 =	ssub.s32 s4, s6;
	v11 =	vsub.s32 v11, v10  }
0x551: {  	p2 =	slt.s32 s6, $0x2;
	v11 =	vmin.u32 v11, $0x2000  }
.Ltmp37:
0x552: {  	_ = 	snop;
	(pc) =	sbr.rel @p2 .LBB2_57-.Ltmp37, $2  }
0x553: {  	_ =	sdelay $0x2  }
0x554: {  	[tilespmem:v11+s19+$0x0] =	vst.idx.add.f32.msk $0xffff, v8  }
0x555: {  	s6 =	simm.s32 $0xFFFFFFFF  }
0x556: {  	s7 =	sshll.u32 s7, $0x2;
	s6 =	simm.s32 @!p1 $0x0  }
0x557: {  	s25 =	rddreg [dreg:$0x1c];
	s22 =	sshra.s32 s7, $0x2;
	s4 =	sadd.s32 s6, s4  }
0x558: {  	s6 =	sadd.s32 s22, s25;
	s4 =	sadd.s32 $0xFFFFFFFF, s4  }
.LBB2_56:
0x559: {  	[tilespmem:s9], [sflag:$0x3] =	stream.linear.gather [spmem:s6], $0x80, $0x38;
	[tilespmem:$0x1FDC8] =	vst v63  }
0x55a: {  	_ =	swait.ge [sflag:s3], $0x80  }
0x55b: {  	[sflag:s3] =	ssyncset.done $0x0  }
0x55c: {  	[sflag:s3] =	ssyncadd.s32 $0xFFFFFF80  }
0x55d: {  	v11 =	vld [tilespmem:$0x11D80];
	_ =	sdelay $0x4  }
0x55e: {  	v11 =	vsub.s32 v11, v10  }
0x55f: {  	v11 =	vmin.u32 v11, $0x2000;
	_ =	sdelay $0x4  }
0x560: {  	[tilespmem:v11+s19+$0x0] =	vst.idx.add.f32.msk $0xffff, v8  }
0x561: {  	v11 =	vld [tilespmem:$0x11D90];
	_ =	sdelay $0x4  }
0x562: {  	v11 =	vsub.s32 v11, v10  }
0x563: {  	v11 =	vmin.u32 v11, $0x2000;
	_ =	sdelay $0x4  }
0x564: {  	[tilespmem:v11+s19+$0x0] =	vst.idx.add.f32.msk $0xffff, v8  }
0x565: {  	v11 =	vld [tilespmem:$0x11DA0];
	_ =	sdelay $0x4  }
0x566: {  	v11 =	vsub.s32 v11, v10  }
0x567: {  	v11 =	vmin.u32 v11, $0x2000;
	_ =	sdelay $0x4  }
0x568: {  	[tilespmem:v11+s19+$0x0] =	vst.idx.add.f32.msk $0xffff, v8  }
0x569: {  	v11 =	vld [tilespmem:$0x11DB0];
	_ =	sdelay $0x4  }
0x56a: {  	v11 =	vsub.s32 v11, v10  }
0x56b: {  	v11 =	vmin.u32 v11, $0x2000;
	_ =	sdelay $0x4  }
0x56c: {  	[tilespmem:v11+s19+$0x0] =	vst.idx.add.f32.msk $0xffff, v8  }
0x56d: {  	v11 =	vld [tilespmem:$0x11DC0];
	_ =	sdelay $0x4  }
0x56e: {  	v11 =	vsub.s32 v11, v10  }
0x56f: {  	v11 =	vmin.u32 v11, $0x2000;
	_ =	sdelay $0x4  }
0x570: {  	[tilespmem:v11+s19+$0x0] =	vst.idx.add.f32.msk $0xffff, v8  }
0x571: {  	v11 =	vld [tilespmem:$0x11DD0];
	_ =	sdelay $0x4  }
0x572: {  	v11 =	vsub.s32 v11, v10  }
0x573: {  	v11 =	vmin.u32 v11, $0x2000;
	_ =	sdelay $0x4  }
0x574: {  	[tilespmem:v11+s19+$0x0] =	vst.idx.add.f32.msk $0xffff, v8  }
0x575: {  	v11 =	vld [tilespmem:$0x11DE0];
	_ =	sdelay $0x4  }
0x576: {  	v11 =	vsub.s32 v11, v10  }
0x577: {  	v11 =	vmin.u32 v11, $0x2000;
	_ =	sdelay $0x4  }
0x578: {  	[tilespmem:v11+s19+$0x0] =	vst.idx.add.f32.msk $0xffff, v8  }
0x579: {  	v11 =	vld [tilespmem:$0x11DF0];
	_ =	sdelay $0x4  }
0x57a: {  	v11 =	vsub.s32 v11, v10  }
0x57b: {  	p1 =	sne.s32 s4, $0x1;
	v11 =	vmin.u32 v11, $0x2000  }
.Ltmp38:
0x57c: {  	_ = 	snop;
	(pc) =	sbr.rel @p1 .LBB2_56-.Ltmp38, $2  }
0x57d: {  	_ =	sdelay $0x2  }
0x57e: {  	s6 =	sadd.s32 $0x80, s6;
	s4 =	sadd.s32 $0xFFFFFFFF, s4;
	[tilespmem:v11+s19+$0x0] =	vst.idx.add.f32.msk $0xffff, v8  }
.LBB2_57:
0x57f: {  	_ =	swait.ge [sflag:s21], $0x80  }
0x580: {  	[sflag:s21] =	ssyncset.done $0x0  }
0x581: {  	[sflag:s21] =	ssyncadd.s32 $0xFFFFFF80  }
0x582: {  	v11 =	vld [tilespmem:$0x11E00];
	_ =	sdelay $0x4  }
0x583: {  	v11 =	vsub.s32 v11, v10  }
0x584: {  	v11 =	vmin.u32 v11, $0x2000;
	_ =	sdelay $0x4  }
0x585: {  	[tilespmem:v11+s19+$0x0] =	vst.idx.add.f32.msk $0xffff, v8  }
0x586: {  	v11 =	vld [tilespmem:$0x11E10];
	_ =	sdelay $0x4  }
0x587: {  	v11 =	vsub.s32 v11, v10  }
0x588: {  	v11 =	vmin.u32 v11, $0x2000;
	_ =	sdelay $0x4  }
0x589: {  	[tilespmem:v11+s19+$0x0] =	vst.idx.add.f32.msk $0xffff, v8  }
0x58a: {  	v11 =	vld [tilespmem:$0x11E20];
	_ =	sdelay $0x4  }
0x58b: {  	v11 =	vsub.s32 v11, v10  }
0x58c: {  	v11 =	vmin.u32 v11, $0x2000;
	_ =	sdelay $0x4  }
0x58d: {  	[tilespmem:v11+s19+$0x0] =	vst.idx.add.f32.msk $0xffff, v8  }
0x58e: {  	v11 =	vld [tilespmem:$0x11E30];
	_ =	sdelay $0x4  }
0x58f: {  	v11 =	vsub.s32 v11, v10  }
0x590: {  	v11 =	vmin.u32 v11, $0x2000;
	_ =	sdelay $0x4  }
0x591: {  	[tilespmem:v11+s19+$0x0] =	vst.idx.add.f32.msk $0xffff, v8  }
0x592: {  	v11 =	vld [tilespmem:$0x11E40];
	_ =	sdelay $0x4  }
0x593: {  	v11 =	vsub.s32 v11, v10  }
0x594: {  	v11 =	vmin.u32 v11, $0x2000;
	_ =	sdelay $0x4  }
0x595: {  	[tilespmem:v11+s19+$0x0] =	vst.idx.add.f32.msk $0xffff, v8  }
0x596: {  	v11 =	vld [tilespmem:$0x11E50];
	_ =	sdelay $0x4  }
0x597: {  	v11 =	vsub.s32 v11, v10  }
0x598: {  	(v2sf) =	vpush v9, $0xC;
	v11 =	vmin.u32 v11, $0x2000;
	_ =	sdelay $0x4  }
0x599: {  	[tilespmem:v11+s19+$0x0] =	vst.idx.add.f32.msk $0xffff, v8  }
0x59a: {  	v11 =	vld [tilespmem:$0x11E60];
	_ =	sdelay $0x4  }
0x59b: {  	v11 =	vsub.s32 v11, v10  }
0x59c: {  	v11 =	vmin.u32 v11, $0x2000  }
0x59d: {  	s7 =	sld [smem:$0x7F6];
	_ =	sdelay $0x1  }
0x59e: {  	s4 =	spop (v2sf)  }
0x59f: {  	s4 =	ssub.s32 s4, s7  }
0x5a0: {  	s4 =	sadd.s32 $0x7F, s4;
	[tilespmem:v11+s19+$0x0] =	vst.idx.add.f32.msk $0xffff, v8  }
0x5a1: {  	s6 =	sand.u32 $0x7F, s4;
	v11 =	vld [tilespmem:$0x11E70]  }
0x5a2: {  	s25 =	sshra.s32 s4, $0x1F;
	p2 =	slt.s32 s4, $0x1;
	p1 =	sne.s32 s6, $0x0  }
0x5a3: {  	s6 =	sshrl.u32 s25, $0x19;
	p1 =	por !p2, !p1  }
0x5a4: {  	s4 =	sadd.s32 s6, s4;
	s6 =	simm.s32 $0x1;
	p1 =	por !p1, !p1  }
0x5a5: {  	s4 =	sshra.s32 s4, $0x7;
	s6 =	simm.s32 @!p1 $0x0  }
0x5a6: {  	s6 =	ssub.s32 s4, s6;
	v11 =	vsub.s32 v11, v10  }
0x5a7: {  	p2 =	slt.s32 s6, $0x2;
	v11 =	vmin.u32 v11, $0x2000  }
.Ltmp39:
0x5a8: {  	_ = 	snop;
	(pc) =	sbr.rel @p2 .LBB2_60-.Ltmp39, $2  }
0x5a9: {  	_ =	sdelay $0x2  }
0x5aa: {  	[tilespmem:v11+s19+$0x0] =	vst.idx.add.f32.msk $0xffff, v8  }
0x5ab: {  	s6 =	simm.s32 $0xFFFFFFFF  }
0x5ac: {  	s7 =	sshll.u32 s7, $0x2;
	s6 =	simm.s32 @!p1 $0x0  }
0x5ad: {  	s25 =	rddreg [dreg:$0x1d];
	s22 =	sshra.s32 s7, $0x2;
	s4 =	sadd.s32 s6, s4  }
0x5ae: {  	s6 =	sadd.s32 s22, s25;
	s4 =	sadd.s32 $0xFFFFFFFF, s4  }
.LBB2_59:
0x5af: {  	[tilespmem:s20], [sflag:$0x3] =	stream.linear.gather [spmem:s6], $0x80, $0x38;
	[tilespmem:$0x1FDC8] =	vst v63  }
0x5b0: {  	_ =	swait.ge [sflag:s3], $0x80  }
0x5b1: {  	[sflag:s3] =	ssyncset.done $0x0  }
0x5b2: {  	[sflag:s3] =	ssyncadd.s32 $0xFFFFFF80  }
0x5b3: {  	v11 =	vld [tilespmem:$0x11E00];
	_ =	sdelay $0x4  }
0x5b4: {  	v11 =	vsub.s32 v11, v10  }
0x5b5: {  	v11 =	vmin.u32 v11, $0x2000;
	_ =	sdelay $0x4  }
0x5b6: {  	[tilespmem:v11+s19+$0x0] =	vst.idx.add.f32.msk $0xffff, v8  }
0x5b7: {  	v11 =	vld [tilespmem:$0x11E10];
	_ =	sdelay $0x4  }
0x5b8: {  	v11 =	vsub.s32 v11, v10  }
0x5b9: {  	v11 =	vmin.u32 v11, $0x2000;
	_ =	sdelay $0x4  }
0x5ba: {  	[tilespmem:v11+s19+$0x0] =	vst.idx.add.f32.msk $0xffff, v8  }
0x5bb: {  	v11 =	vld [tilespmem:$0x11E20];
	_ =	sdelay $0x4  }
0x5bc: {  	v11 =	vsub.s32 v11, v10  }
0x5bd: {  	v11 =	vmin.u32 v11, $0x2000;
	_ =	sdelay $0x4  }
0x5be: {  	[tilespmem:v11+s19+$0x0] =	vst.idx.add.f32.msk $0xffff, v8  }
0x5bf: {  	v11 =	vld [tilespmem:$0x11E30];
	_ =	sdelay $0x4  }
0x5c0: {  	v11 =	vsub.s32 v11, v10  }
0x5c1: {  	v11 =	vmin.u32 v11, $0x2000;
	_ =	sdelay $0x4  }
0x5c2: {  	[tilespmem:v11+s19+$0x0] =	vst.idx.add.f32.msk $0xffff, v8  }
0x5c3: {  	v11 =	vld [tilespmem:$0x11E40];
	_ =	sdelay $0x4  }
0x5c4: {  	v11 =	vsub.s32 v11, v10  }
0x5c5: {  	v11 =	vmin.u32 v11, $0x2000;
	_ =	sdelay $0x4  }
0x5c6: {  	[tilespmem:v11+s19+$0x0] =	vst.idx.add.f32.msk $0xffff, v8  }
0x5c7: {  	v11 =	vld [tilespmem:$0x11E50];
	_ =	sdelay $0x4  }
0x5c8: {  	v11 =	vsub.s32 v11, v10  }
0x5c9: {  	v11 =	vmin.u32 v11, $0x2000;
	_ =	sdelay $0x4  }
0x5ca: {  	[tilespmem:v11+s19+$0x0] =	vst.idx.add.f32.msk $0xffff, v8  }
0x5cb: {  	v11 =	vld [tilespmem:$0x11E60];
	_ =	sdelay $0x4  }
0x5cc: {  	v11 =	vsub.s32 v11, v10  }
0x5cd: {  	v11 =	vmin.u32 v11, $0x2000;
	_ =	sdelay $0x4  }
0x5ce: {  	[tilespmem:v11+s19+$0x0] =	vst.idx.add.f32.msk $0xffff, v8  }
0x5cf: {  	v11 =	vld [tilespmem:$0x11E70];
	_ =	sdelay $0x4  }
0x5d0: {  	v11 =	vsub.s32 v11, v10  }
0x5d1: {  	p1 =	sne.s32 s4, $0x1;
	v11 =	vmin.u32 v11, $0x2000  }
.Ltmp40:
0x5d2: {  	_ = 	snop;
	(pc) =	sbr.rel @p1 .LBB2_59-.Ltmp40, $2  }
0x5d3: {  	_ =	sdelay $0x2  }
0x5d4: {  	s6 =	sadd.s32 $0x80, s6;
	s4 =	sadd.s32 $0xFFFFFFFF, s4;
	[tilespmem:v11+s19+$0x0] =	vst.idx.add.f32.msk $0xffff, v8  }
.LBB2_60:
0x5d5: {  	_ =	swait.ge [sflag:s21], $0x80  }
0x5d6: {  	[sflag:s21] =	ssyncset.done $0x0  }
0x5d7: {  	[sflag:s21] =	ssyncadd.s32 $0xFFFFFF80  }
0x5d8: {  	v11 =	vld [tilespmem:$0x11E80];
	_ =	sdelay $0x4  }
0x5d9: {  	v11 =	vsub.s32 v11, v10  }
0x5da: {  	v11 =	vmin.u32 v11, $0x2000;
	_ =	sdelay $0x4  }
0x5db: {  	[tilespmem:v11+s19+$0x0] =	vst.idx.add.f32.msk $0xffff, v8  }
0x5dc: {  	v11 =	vld [tilespmem:$0x11E90];
	_ =	sdelay $0x4  }
0x5dd: {  	v11 =	vsub.s32 v11, v10  }
0x5de: {  	v11 =	vmin.u32 v11, $0x2000;
	_ =	sdelay $0x4  }
0x5df: {  	[tilespmem:v11+s19+$0x0] =	vst.idx.add.f32.msk $0xffff, v8  }
0x5e0: {  	v11 =	vld [tilespmem:$0x11EA0];
	_ =	sdelay $0x4  }
0x5e1: {  	v11 =	vsub.s32 v11, v10  }
0x5e2: {  	v11 =	vmin.u32 v11, $0x2000;
	_ =	sdelay $0x4  }
0x5e3: {  	[tilespmem:v11+s19+$0x0] =	vst.idx.add.f32.msk $0xffff, v8  }
0x5e4: {  	v11 =	vld [tilespmem:$0x11EB0];
	_ =	sdelay $0x4  }
0x5e5: {  	v11 =	vsub.s32 v11, v10  }
0x5e6: {  	v11 =	vmin.u32 v11, $0x2000;
	_ =	sdelay $0x4  }
0x5e7: {  	[tilespmem:v11+s19+$0x0] =	vst.idx.add.f32.msk $0xffff, v8  }
0x5e8: {  	v11 =	vld [tilespmem:$0x11EC0];
	_ =	sdelay $0x4  }
0x5e9: {  	v11 =	vsub.s32 v11, v10  }
0x5ea: {  	v11 =	vmin.u32 v11, $0x2000;
	_ =	sdelay $0x4  }
0x5eb: {  	[tilespmem:v11+s19+$0x0] =	vst.idx.add.f32.msk $0xffff, v8  }
0x5ec: {  	v11 =	vld [tilespmem:$0x11ED0];
	_ =	sdelay $0x4  }
0x5ed: {  	v11 =	vsub.s32 v11, v10  }
0x5ee: {  	(v2sf) =	vpush v9, $0xD;
	v11 =	vmin.u32 v11, $0x2000;
	_ =	sdelay $0x4  }
0x5ef: {  	[tilespmem:v11+s19+$0x0] =	vst.idx.add.f32.msk $0xffff, v8  }
0x5f0: {  	v11 =	vld [tilespmem:$0x11EE0];
	_ =	sdelay $0x4  }
0x5f1: {  	v11 =	vsub.s32 v11, v10  }
0x5f2: {  	v11 =	vmin.u32 v11, $0x2000  }
0x5f3: {  	s7 =	sld [smem:$0x7F7];
	_ =	sdelay $0x1  }
0x5f4: {  	s4 =	spop (v2sf)  }
0x5f5: {  	s4 =	ssub.s32 s4, s7  }
0x5f6: {  	s4 =	sadd.s32 $0x7F, s4;
	[tilespmem:v11+s19+$0x0] =	vst.idx.add.f32.msk $0xffff, v8  }
0x5f7: {  	s6 =	sand.u32 $0x7F, s4;
	v11 =	vld [tilespmem:$0x11EF0]  }
0x5f8: {  	s25 =	sshra.s32 s4, $0x1F;
	p2 =	slt.s32 s4, $0x1;
	p1 =	sne.s32 s6, $0x0  }
0x5f9: {  	s6 =	sshrl.u32 s25, $0x19;
	p1 =	por !p2, !p1  }
0x5fa: {  	s4 =	sadd.s32 s6, s4;
	s6 =	simm.s32 $0x1;
	p1 =	por !p1, !p1  }
0x5fb: {  	s4 =	sshra.s32 s4, $0x7;
	s6 =	simm.s32 @!p1 $0x0  }
0x5fc: {  	s6 =	ssub.s32 s4, s6;
	v11 =	vsub.s32 v11, v10  }
0x5fd: {  	p2 =	slt.s32 s6, $0x2;
	v11 =	vmin.u32 v11, $0x2000  }
.Ltmp41:
0x5fe: {  	_ = 	snop;
	(pc) =	sbr.rel @p2 .LBB2_63-.Ltmp41, $2  }
0x5ff: {  	_ =	sdelay $0x2  }
0x600: {  	[tilespmem:v11+s19+$0x0] =	vst.idx.add.f32.msk $0xffff, v8  }
0x601: {  	s6 =	simm.s32 $0xFFFFFFFF  }
0x602: {  	s7 =	sshll.u32 s7, $0x2;
	s6 =	simm.s32 @!p1 $0x0  }
0x603: {  	s25 =	rddreg [dreg:$0x1e];
	s22 =	sshra.s32 s7, $0x2;
	s4 =	sadd.s32 s6, s4  }
0x604: {  	s6 =	sadd.s32 s22, s25;
	s4 =	sadd.s32 $0xFFFFFFFF, s4  }
.LBB2_62:
0x605: {  	[tilespmem:s1], [sflag:$0x3] =	stream.linear.gather [spmem:s6], $0x80, $0x38;
	[tilespmem:$0x1FDC8] =	vst v63  }
0x606: {  	_ =	swait.ge [sflag:s3], $0x80  }
0x607: {  	[sflag:s3] =	ssyncset.done $0x0  }
0x608: {  	[sflag:s3] =	ssyncadd.s32 $0xFFFFFF80  }
0x609: {  	v11 =	vld [tilespmem:$0x11E80];
	_ =	sdelay $0x4  }
0x60a: {  	v11 =	vsub.s32 v11, v10  }
0x60b: {  	v11 =	vmin.u32 v11, $0x2000;
	_ =	sdelay $0x4  }
0x60c: {  	[tilespmem:v11+s19+$0x0] =	vst.idx.add.f32.msk $0xffff, v8  }
0x60d: {  	v11 =	vld [tilespmem:$0x11E90];
	_ =	sdelay $0x4  }
0x60e: {  	v11 =	vsub.s32 v11, v10  }
0x60f: {  	v11 =	vmin.u32 v11, $0x2000;
	_ =	sdelay $0x4  }
0x610: {  	[tilespmem:v11+s19+$0x0] =	vst.idx.add.f32.msk $0xffff, v8  }
0x611: {  	v11 =	vld [tilespmem:$0x11EA0];
	_ =	sdelay $0x4  }
0x612: {  	v11 =	vsub.s32 v11, v10  }
0x613: {  	v11 =	vmin.u32 v11, $0x2000;
	_ =	sdelay $0x4  }
0x614: {  	[tilespmem:v11+s19+$0x0] =	vst.idx.add.f32.msk $0xffff, v8  }
0x615: {  	v11 =	vld [tilespmem:$0x11EB0];
	_ =	sdelay $0x4  }
0x616: {  	v11 =	vsub.s32 v11, v10  }
0x617: {  	v11 =	vmin.u32 v11, $0x2000;
	_ =	sdelay $0x4  }
0x618: {  	[tilespmem:v11+s19+$0x0] =	vst.idx.add.f32.msk $0xffff, v8  }
0x619: {  	v11 =	vld [tilespmem:$0x11EC0];
	_ =	sdelay $0x4  }
0x61a: {  	v11 =	vsub.s32 v11, v10  }
0x61b: {  	v11 =	vmin.u32 v11, $0x2000;
	_ =	sdelay $0x4  }
0x61c: {  	[tilespmem:v11+s19+$0x0] =	vst.idx.add.f32.msk $0xffff, v8  }
0x61d: {  	v11 =	vld [tilespmem:$0x11ED0];
	_ =	sdelay $0x4  }
0x61e: {  	v11 =	vsub.s32 v11, v10  }
0x61f: {  	v11 =	vmin.u32 v11, $0x2000;
	_ =	sdelay $0x4  }
0x620: {  	[tilespmem:v11+s19+$0x0] =	vst.idx.add.f32.msk $0xffff, v8  }
0x621: {  	v11 =	vld [tilespmem:$0x11EE0];
	_ =	sdelay $0x4  }
0x622: {  	v11 =	vsub.s32 v11, v10  }
0x623: {  	v11 =	vmin.u32 v11, $0x2000;
	_ =	sdelay $0x4  }
0x624: {  	[tilespmem:v11+s19+$0x0] =	vst.idx.add.f32.msk $0xffff, v8  }
0x625: {  	v11 =	vld [tilespmem:$0x11EF0];
	_ =	sdelay $0x4  }
0x626: {  	v11 =	vsub.s32 v11, v10  }
0x627: {  	p1 =	sne.s32 s4, $0x1;
	v11 =	vmin.u32 v11, $0x2000  }
.Ltmp42:
0x628: {  	_ = 	snop;
	(pc) =	sbr.rel @p1 .LBB2_62-.Ltmp42, $2  }
0x629: {  	_ =	sdelay $0x2  }
0x62a: {  	s6 =	sadd.s32 $0x80, s6;
	s4 =	sadd.s32 $0xFFFFFFFF, s4;
	[tilespmem:v11+s19+$0x0] =	vst.idx.add.f32.msk $0xffff, v8  }
.LBB2_63:
0x62b: {  	_ =	swait.ge [sflag:s21], $0x80  }
0x62c: {  	[sflag:s21] =	ssyncset.done $0x0  }
0x62d: {  	[sflag:s21] =	ssyncadd.s32 $0xFFFFFF80  }
0x62e: {  	v11 =	vld [tilespmem:$0x11F00];
	_ =	sdelay $0x4  }
0x62f: {  	v11 =	vsub.s32 v11, v10  }
0x630: {  	v11 =	vmin.u32 v11, $0x2000;
	_ =	sdelay $0x4  }
0x631: {  	[tilespmem:v11+s19+$0x0] =	vst.idx.add.f32.msk $0xffff, v8  }
0x632: {  	v11 =	vld [tilespmem:$0x11F10];
	_ =	sdelay $0x4  }
0x633: {  	v11 =	vsub.s32 v11, v10  }
0x634: {  	v11 =	vmin.u32 v11, $0x2000;
	_ =	sdelay $0x4  }
0x635: {  	[tilespmem:v11+s19+$0x0] =	vst.idx.add.f32.msk $0xffff, v8  }
0x636: {  	v11 =	vld [tilespmem:$0x11F20];
	_ =	sdelay $0x4  }
0x637: {  	v11 =	vsub.s32 v11, v10  }
0x638: {  	v11 =	vmin.u32 v11, $0x2000;
	_ =	sdelay $0x4  }
0x639: {  	[tilespmem:v11+s19+$0x0] =	vst.idx.add.f32.msk $0xffff, v8  }
0x63a: {  	v11 =	vld [tilespmem:$0x11F30];
	_ =	sdelay $0x4  }
0x63b: {  	v11 =	vsub.s32 v11, v10  }
0x63c: {  	v11 =	vmin.u32 v11, $0x2000;
	_ =	sdelay $0x4  }
0x63d: {  	[tilespmem:v11+s19+$0x0] =	vst.idx.add.f32.msk $0xffff, v8  }
0x63e: {  	v11 =	vld [tilespmem:$0x11F40];
	_ =	sdelay $0x4  }
0x63f: {  	v11 =	vsub.s32 v11, v10  }
0x640: {  	v11 =	vmin.u32 v11, $0x2000;
	_ =	sdelay $0x4  }
0x641: {  	[tilespmem:v11+s19+$0x0] =	vst.idx.add.f32.msk $0xffff, v8  }
0x642: {  	v11 =	vld [tilespmem:$0x11F50];
	_ =	sdelay $0x4  }
0x643: {  	v11 =	vsub.s32 v11, v10  }
0x644: {  	(v2sf) =	vpush v9, $0xE;
	v11 =	vmin.u32 v11, $0x2000;
	_ =	sdelay $0x4  }
0x645: {  	[tilespmem:v11+s19+$0x0] =	vst.idx.add.f32.msk $0xffff, v8  }
0x646: {  	v11 =	vld [tilespmem:$0x11F60];
	_ =	sdelay $0x4  }
0x647: {  	v11 =	vsub.s32 v11, v10  }
0x648: {  	v11 =	vmin.u32 v11, $0x2000  }
0x649: {  	s7 =	sld [smem:$0x7F8];
	_ =	sdelay $0x1  }
0x64a: {  	s4 =	spop (v2sf)  }
0x64b: {  	s4 =	ssub.s32 s4, s7  }
0x64c: {  	s4 =	sadd.s32 $0x7F, s4;
	[tilespmem:v11+s19+$0x0] =	vst.idx.add.f32.msk $0xffff, v8  }
0x64d: {  	s6 =	sand.u32 $0x7F, s4;
	v11 =	vld [tilespmem:$0x11F70]  }
0x64e: {  	s25 =	sshra.s32 s4, $0x1F;
	p2 =	slt.s32 s4, $0x1;
	p1 =	sne.s32 s6, $0x0  }
0x64f: {  	s6 =	sshrl.u32 s25, $0x19;
	p1 =	por !p2, !p1  }
0x650: {  	s4 =	sadd.s32 s6, s4;
	s6 =	simm.s32 $0x1;
	p1 =	por !p1, !p1  }
0x651: {  	s4 =	sshra.s32 s4, $0x7;
	s6 =	simm.s32 @!p1 $0x0  }
0x652: {  	s6 =	ssub.s32 s4, s6;
	v11 =	vsub.s32 v11, v10  }
0x653: {  	p2 =	slt.s32 s6, $0x2;
	v11 =	vmin.u32 v11, $0x2000  }
.Ltmp43:
0x654: {  	_ = 	snop;
	(pc) =	sbr.rel @p2 .LBB2_66-.Ltmp43, $2  }
0x655: {  	_ =	sdelay $0x2  }
0x656: {  	[tilespmem:v11+s19+$0x0] =	vst.idx.add.f32.msk $0xffff, v8  }
0x657: {  	s6 =	simm.s32 $0xFFFFFFFF  }
0x658: {  	s7 =	sshll.u32 s7, $0x2;
	s6 =	simm.s32 @!p1 $0x0  }
0x659: {  	s25 =	rddreg [dreg:$0x1f];
	s22 =	sshra.s32 s7, $0x2;
	s4 =	sadd.s32 s6, s4  }
0x65a: {  	s6 =	sadd.s32 s22, s25;
	s4 =	sadd.s32 $0xFFFFFFFF, s4  }
.LBB2_65:
0x65b: {  	[tilespmem:s2], [sflag:$0x3] =	stream.linear.gather [spmem:s6], $0x80, $0x38;
	[tilespmem:$0x1FDC8] =	vst v63  }
0x65c: {  	_ =	swait.ge [sflag:s3], $0x80  }
0x65d: {  	[sflag:s3] =	ssyncset.done $0x0  }
0x65e: {  	[sflag:s3] =	ssyncadd.s32 $0xFFFFFF80  }
0x65f: {  	v11 =	vld [tilespmem:$0x11F00];
	_ =	sdelay $0x4  }
0x660: {  	v11 =	vsub.s32 v11, v10  }
0x661: {  	v11 =	vmin.u32 v11, $0x2000;
	_ =	sdelay $0x4  }
0x662: {  	[tilespmem:v11+s19+$0x0] =	vst.idx.add.f32.msk $0xffff, v8  }
0x663: {  	v11 =	vld [tilespmem:$0x11F10];
	_ =	sdelay $0x4  }
0x664: {  	v11 =	vsub.s32 v11, v10  }
0x665: {  	v11 =	vmin.u32 v11, $0x2000;
	_ =	sdelay $0x4  }
0x666: {  	[tilespmem:v11+s19+$0x0] =	vst.idx.add.f32.msk $0xffff, v8  }
0x667: {  	v11 =	vld [tilespmem:$0x11F20];
	_ =	sdelay $0x4  }
0x668: {  	v11 =	vsub.s32 v11, v10  }
0x669: {  	v11 =	vmin.u32 v11, $0x2000;
	_ =	sdelay $0x4  }
0x66a: {  	[tilespmem:v11+s19+$0x0] =	vst.idx.add.f32.msk $0xffff, v8  }
0x66b: {  	v11 =	vld [tilespmem:$0x11F30];
	_ =	sdelay $0x4  }
0x66c: {  	v11 =	vsub.s32 v11, v10  }
0x66d: {  	v11 =	vmin.u32 v11, $0x2000;
	_ =	sdelay $0x4  }
0x66e: {  	[tilespmem:v11+s19+$0x0] =	vst.idx.add.f32.msk $0xffff, v8  }
0x66f: {  	v11 =	vld [tilespmem:$0x11F40];
	_ =	sdelay $0x4  }
0x670: {  	v11 =	vsub.s32 v11, v10  }
0x671: {  	v11 =	vmin.u32 v11, $0x2000;
	_ =	sdelay $0x4  }
0x672: {  	[tilespmem:v11+s19+$0x0] =	vst.idx.add.f32.msk $0xffff, v8  }
0x673: {  	v11 =	vld [tilespmem:$0x11F50];
	_ =	sdelay $0x4  }
0x674: {  	v11 =	vsub.s32 v11, v10  }
0x675: {  	v11 =	vmin.u32 v11, $0x2000;
	_ =	sdelay $0x4  }
0x676: {  	[tilespmem:v11+s19+$0x0] =	vst.idx.add.f32.msk $0xffff, v8  }
0x677: {  	v11 =	vld [tilespmem:$0x11F60];
	_ =	sdelay $0x4  }
0x678: {  	v11 =	vsub.s32 v11, v10  }
0x679: {  	v11 =	vmin.u32 v11, $0x2000;
	_ =	sdelay $0x4  }
0x67a: {  	[tilespmem:v11+s19+$0x0] =	vst.idx.add.f32.msk $0xffff, v8  }
0x67b: {  	v11 =	vld [tilespmem:$0x11F70];
	_ =	sdelay $0x4  }
0x67c: {  	v11 =	vsub.s32 v11, v10  }
0x67d: {  	p1 =	sne.s32 s4, $0x1;
	v11 =	vmin.u32 v11, $0x2000  }
.Ltmp44:
0x67e: {  	_ = 	snop;
	(pc) =	sbr.rel @p1 .LBB2_65-.Ltmp44, $2  }
0x67f: {  	_ =	sdelay $0x2  }
0x680: {  	s6 =	sadd.s32 $0x80, s6;
	s4 =	sadd.s32 $0xFFFFFFFF, s4;
	[tilespmem:v11+s19+$0x0] =	vst.idx.add.f32.msk $0xffff, v8  }
.LBB2_66:
0x681: {  	_ =	swait.ge [sflag:s21], $0x80  }
0x682: {  	[sflag:s21] =	ssyncset.done $0x0  }
0x683: {  	[sflag:s21] =	ssyncadd.s32 $0xFFFFFF80  }
0x684: {  	v11 =	vld [tilespmem:$0x11F80];
	_ =	sdelay $0x4  }
0x685: {  	v11 =	vsub.s32 v11, v10  }
0x686: {  	v11 =	vmin.u32 v11, $0x2000;
	_ =	sdelay $0x4  }
0x687: {  	[tilespmem:v11+s19+$0x0] =	vst.idx.add.f32.msk $0xffff, v8  }
0x688: {  	v11 =	vld [tilespmem:$0x11F90];
	_ =	sdelay $0x4  }
0x689: {  	v11 =	vsub.s32 v11, v10  }
0x68a: {  	v11 =	vmin.u32 v11, $0x2000;
	_ =	sdelay $0x4  }
0x68b: {  	[tilespmem:v11+s19+$0x0] =	vst.idx.add.f32.msk $0xffff, v8  }
0x68c: {  	v11 =	vld [tilespmem:$0x11FA0];
	_ =	sdelay $0x4  }
0x68d: {  	v11 =	vsub.s32 v11, v10  }
0x68e: {  	v11 =	vmin.u32 v11, $0x2000;
	_ =	sdelay $0x4  }
0x68f: {  	[tilespmem:v11+s19+$0x0] =	vst.idx.add.f32.msk $0xffff, v8  }
0x690: {  	v11 =	vld [tilespmem:$0x11FB0];
	_ =	sdelay $0x4  }
0x691: {  	v11 =	vsub.s32 v11, v10  }
0x692: {  	v11 =	vmin.u32 v11, $0x2000;
	_ =	sdelay $0x4  }
0x693: {  	[tilespmem:v11+s19+$0x0] =	vst.idx.add.f32.msk $0xffff, v8  }
0x694: {  	v11 =	vld [tilespmem:$0x11FC0];
	_ =	sdelay $0x4  }
0x695: {  	v11 =	vsub.s32 v11, v10  }
0x696: {  	v11 =	vmin.u32 v11, $0x2000;
	_ =	sdelay $0x4  }
0x697: {  	[tilespmem:v11+s19+$0x0] =	vst.idx.add.f32.msk $0xffff, v8  }
0x698: {  	v11 =	vld [tilespmem:$0x11FD0];
	_ =	sdelay $0x4  }
0x699: {  	v11 =	vsub.s32 v11, v10  }
0x69a: {  	(v2sf) =	vpush v9, $0xF;
	v11 =	vmin.u32 v11, $0x2000;
	_ =	sdelay $0x4  }
0x69b: {  	[tilespmem:v11+s19+$0x0] =	vst.idx.add.f32.msk $0xffff, v8  }
0x69c: {  	v9 =	vld [tilespmem:$0x11FE0];
	_ =	sdelay $0x4  }
0x69d: {  	v9 =	vsub.s32 v9, v10  }
0x69e: {  	v9 =	vmin.u32 v9, $0x2000  }
0x69f: {  	s7 =	sld [smem:$0x7F9];
	_ =	sdelay $0x1  }
0x6a0: {  	s4 =	spop (v2sf)  }
0x6a1: {  	s4 =	ssub.s32 s4, s7  }
0x6a2: {  	s4 =	sadd.s32 $0x7F, s4;
	[tilespmem:v9+s19+$0x0] =	vst.idx.add.f32.msk $0xffff, v8  }
0x6a3: {  	s6 =	sand.u32 $0x7F, s4;
	v9 =	vld [tilespmem:$0x11FF0]  }
0x6a4: {  	s25 =	sshra.s32 s4, $0x1F;
	p2 =	slt.s32 s4, $0x1;
	p1 =	sne.s32 s6, $0x0  }
0x6a5: {  	s6 =	sshrl.u32 s25, $0x19;
	p1 =	por !p2, !p1  }
0x6a6: {  	s4 =	sadd.s32 s6, s4;
	s6 =	simm.s32 $0x1;
	p1 =	por !p1, !p1  }
0x6a7: {  	s4 =	sshra.s32 s4, $0x7;
	s6 =	simm.s32 @!p1 $0x0  }
0x6a8: {  	s6 =	ssub.s32 s4, s6;
	v9 =	vsub.s32 v9, v10  }
0x6a9: {  	p2 =	slt.s32 s6, $0x2;
	v9 =	vmin.u32 v9, $0x2000  }
.Ltmp45:
0x6aa: {  	_ = 	snop;
	(pc) =	sbr.rel @p2 .LBB2_69-.Ltmp45, $2  }
0x6ab: {  	_ =	sdelay $0x2  }
0x6ac: {  	s22 =	simm.s32 $0x11980;
	[tilespmem:v9+s19+$0x0] =	vst.idx.add.f32.msk $0xffff, v8  }
0x6ad: {  	s6 =	simm.s32 $0xFFFFFFFF;
	s25 =	sld [smem:$0x7FC]  }
0x6ae: {  	s7 =	sshll.u32 s7, $0x2;
	s6 =	simm.s32 @!p1 $0x0  }
0x6af: {  	s15 =	sshra.s32 s7, $0x2;
	s4 =	sadd.s32 s6, s4  }
0x6b0: {  	s4 =	sadd.s32 $0xFFFFFFFF, s4;
	s6 =	sadd.s32 s15, s25  }
.LBB2_68:
0x6b1: {  	[tilespmem:s16], [sflag:$0x3] =	stream.linear.gather [spmem:s6], $0x80, $0x38;
	[tilespmem:$0x1FDC8] =	vst v63  }
0x6b2: {  	_ =	swait.ge [sflag:s3], $0x80  }
0x6b3: {  	[sflag:s3] =	ssyncset.done $0x0  }
0x6b4: {  	[sflag:s3] =	ssyncadd.s32 $0xFFFFFF80  }
0x6b5: {  	v9 =	vld [tilespmem:$0x11F80];
	_ =	sdelay $0x4  }
0x6b6: {  	v9 =	vsub.s32 v9, v10  }
0x6b7: {  	v9 =	vmin.u32 v9, $0x2000;
	_ =	sdelay $0x4  }
0x6b8: {  	[tilespmem:v9+s19+$0x0] =	vst.idx.add.f32.msk $0xffff, v8  }
0x6b9: {  	v9 =	vld [tilespmem:$0x11F90];
	_ =	sdelay $0x4  }
0x6ba: {  	v9 =	vsub.s32 v9, v10  }
0x6bb: {  	v9 =	vmin.u32 v9, $0x2000;
	_ =	sdelay $0x4  }
0x6bc: {  	[tilespmem:v9+s19+$0x0] =	vst.idx.add.f32.msk $0xffff, v8  }
0x6bd: {  	v9 =	vld [tilespmem:$0x11FA0];
	_ =	sdelay $0x4  }
0x6be: {  	v9 =	vsub.s32 v9, v10  }
0x6bf: {  	v9 =	vmin.u32 v9, $0x2000;
	_ =	sdelay $0x4  }
0x6c0: {  	[tilespmem:v9+s19+$0x0] =	vst.idx.add.f32.msk $0xffff, v8  }
0x6c1: {  	v9 =	vld [tilespmem:$0x11FB0];
	_ =	sdelay $0x4  }
0x6c2: {  	v9 =	vsub.s32 v9, v10  }
0x6c3: {  	v9 =	vmin.u32 v9, $0x2000;
	_ =	sdelay $0x4  }
0x6c4: {  	[tilespmem:v9+s19+$0x0] =	vst.idx.add.f32.msk $0xffff, v8  }
0x6c5: {  	v9 =	vld [tilespmem:$0x11FC0];
	_ =	sdelay $0x4  }
0x6c6: {  	v9 =	vsub.s32 v9, v10  }
0x6c7: {  	v9 =	vmin.u32 v9, $0x2000;
	_ =	sdelay $0x4  }
0x6c8: {  	[tilespmem:v9+s19+$0x0] =	vst.idx.add.f32.msk $0xffff, v8  }
0x6c9: {  	v9 =	vld [tilespmem:$0x11FD0];
	_ =	sdelay $0x4  }
0x6ca: {  	v9 =	vsub.s32 v9, v10  }
0x6cb: {  	v9 =	vmin.u32 v9, $0x2000;
	_ =	sdelay $0x4  }
0x6cc: {  	[tilespmem:v9+s19+$0x0] =	vst.idx.add.f32.msk $0xffff, v8  }
0x6cd: {  	v9 =	vld [tilespmem:$0x11FE0];
	_ =	sdelay $0x4  }
0x6ce: {  	v9 =	vsub.s32 v9, v10  }
0x6cf: {  	v9 =	vmin.u32 v9, $0x2000;
	_ =	sdelay $0x4  }
0x6d0: {  	[tilespmem:v9+s19+$0x0] =	vst.idx.add.f32.msk $0xffff, v8  }
0x6d1: {  	v9 =	vld [tilespmem:$0x11FF0];
	_ =	sdelay $0x4  }
0x6d2: {  	v9 =	vsub.s32 v9, v10  }
0x6d3: {  	p1 =	sne.s32 s4, $0x1;
	v9 =	vmin.u32 v9, $0x2000  }
.Ltmp46:
0x6d4: {  	_ = 	snop;
	(pc) =	sbr.rel @p1 .LBB2_68-.Ltmp46, $2  }
0x6d5: {  	_ =	sdelay $0x2  }
0x6d6: {  	s6 =	sadd.s32 $0x80, s6;
	s4 =	sadd.s32 $0xFFFFFFFF, s4;
	[tilespmem:v9+s19+$0x0] =	vst.idx.add.f32.msk $0xffff, v8  }
.Ltmp47:
0x6d7: {  	_ = 	snop;
	(pc) =	sbr.rel .LBB2_69-.Ltmp47, $1  }
0x6d8: {  	_ =	sdelay $0x3  }
.LBB2_72:
0x6d9: {  	_ =	sfence.sel $0x180000  }
0x6da: {  	[bflag:$0x0] =	sbarrier.arrive $0xFFFF  }
0x6db: {  	_ =	strace $0x90000047  }
0x6dc: {  	[bflag:$0x2] =	sbarrier.arrive $0xFFFF  }
0x6dd: {  	p0 =	sne.s32 s12, $0x0;
	s0 =	rddreg [dreg:$0x5]  }
0x6de: {  	s0 =	sadd.s32 @!p0 $0x100000, s0  }
0x6df: {  	[sflag:s0] =	ssyncadd.tile.s32 @!p0 $0x1;
	_ =	shalt  }
.Lfunc_end2:
_tile_overlayer_lowered:
.L_overlay_start_2:
0x6e0: {  	(tag) =	ssettag $0x2  }
0x6e1: {  	s0 =	rddreg [dreg:$0x0];
	s2 =	stileid.u32  }
0x6e2: {  	s1 =	rddreg [dreg:$0x1];
	p0 =	sne.s32 s2, $0x0  }
0x6e3: {  	s3 =	rddreg [dreg:$0x2];
	[bflag:$0x3] =	sbarrier.arrive $0xFFFF;
	s2 =	simm.s32 @!p0 $0x1C02  }
0x6e4: {  	[timem:s3], [sflag:s2] =	dma.local @!p0 [hbm:s0], s1  }
0x6e5: {  	s0 =	simm.s32 @!p0 $0x2  }
0x6e6: {  	_ =	swait.ge @!p0 [sflag:s0], s1  }
0x6e7: {  	s1 =	ssub.s32 @!p0 $0x0, s1;
	[sflag:s0] =	ssyncset.done @!p0 $0x0  }
0x6e8: {  	[sflag:s0] =	ssyncadd.s32 @!p0 s1  }
0x6e9: {  	[bflag:$0x3] =	sbarrier.arrive $0xFFFF  }
0x6ea: {  	_ =	shalt  }

</sc_bundles>
